<compile_context>
chip_gen: v7x
topology: tpu7x:2x2x1
jax: 0.10.2.dev20260603
libtpu: 0.0.44.dev20260713+nightly
codegen_flags: <defaults>
</compile_context>

<pallas_src>
import functools

import jax
import jax.numpy as jnp
from jax import lax
from jax.experimental import pallas as pl
from jax.experimental.pallas import tpu as pltpu, tpu_sc as plsc

N = 10000
H = 128
E = 320000
LIB = 1001
NC_SC = 2
NS = 16
NW = NC_SC * NS

XROWS = 80
XWORK = 2 * (XROWS // 8)

EROWS = 2560
EPW = EROWS // NW
NBLK = EPW // 8
AGG_ROWS = N + NS

OSLAB = 624
ZLAST = AGG_ROWS - 15 * OSLAB


@functools.cache
def _emb_gather():
    mesh = plsc.VectorSubcoreMesh(core_axis_name="c", subcore_axis_name="s",
                                  num_cores=NC_SC, num_subcores=NS)
    return pl.kernel(
        _emb_gather_body,
        out_type=jax.ShapeDtypeStruct((XROWS * 128, H), jnp.float32),
        mesh=mesh,
        scratch_types=[
            pltpu.VMEM((8, 128), jnp.int32),
            pltpu.VMEM((512, H), jnp.float32),
            pltpu.SemaphoreType.DMA,
        ],
    )


def _emb_gather_body(emb_hbm, x_hbm, out_hbm, idx_v, rows_v, sem):
    c = lax.axis_index("c")
    s = lax.axis_index("s")
    wid = s * NC_SC + c

    @pl.when(wid < XWORK)
    def _():
        chunk = wid // 2
        half = wid % 2
        pltpu.sync_copy(x_hbm.at[pl.ds(chunk * 8, 8)], idx_v)
        gs = []
        for j in range(4):
            gs.append(pltpu.async_copy(
                emb_hbm.at[idx_v.at[4 * half + j]],
                rows_v.at[pl.ds(j * 128, 128)], sem))
        for g in gs:
            g.wait()
        pltpu.sync_copy(
            rows_v, out_hbm.at[pl.ds(chunk * 1024 + half * 512, 512)])


@functools.cache
def _agg_scatter(h_rows):
    mesh = plsc.VectorSubcoreMesh(core_axis_name="c", subcore_axis_name="s",
                                  num_cores=NC_SC, num_subcores=NS)
    return pl.kernel(
        _agg_scatter_body,
        out_type=jax.ShapeDtypeStruct((2 * N, H), jnp.float32),
        mesh=mesh,
        scratch_types=[
            pltpu.VMEM((8, 128), jnp.int32),
            pltpu.VMEM((8, 128), jnp.int32),
            pltpu.VMEM((8, 128), jnp.int32),
            pltpu.VMEM((8, 128), jnp.int32),
            pltpu.VMEM((128, H), jnp.float32),
            pltpu.VMEM((128, H), jnp.float32),
            pltpu.VMEM_SHARED((AGG_ROWS, H), jnp.float32),
            pltpu.SemaphoreType.DMA,
            pltpu.SemaphoreType.DMA,
            pltpu.SemaphoreType.DMA,
        ],
    )


def _agg_scatter_body(h_hbm, src_hbm, dst_hbm, zero_hbm, out_hbm,
                      src_v0, dst_v0, src_v1, dst_v1, buf_a, buf_b, agg_sh,
                      semg, sems, semi):
    c = lax.axis_index("c")
    s = lax.axis_index("s")
    bufs = (buf_a, buf_b)
    idxs = ((src_v0, dst_v0), (src_v1, dst_v1))

    base = c * (EROWS // NC_SC) + s * EPW

    def idx_load(pair, r0):
        pltpu.async_copy(src_hbm.at[pl.ds(r0, 8)], idxs[pair][0], semi)
        pltpu.async_copy(dst_hbm.at[pl.ds(r0, 8)], idxs[pair][1], semi)

    def idx_wait(pair):
        pltpu.make_async_copy(src_hbm.at[pl.ds(base, 8)], idxs[pair][0],
                              semi).wait()
        pltpu.make_async_copy(dst_hbm.at[pl.ds(base, 8)], idxs[pair][1],
                              semi).wait()

    def g0_issue(pair):
        pltpu.async_copy(h_hbm.at[idxs[pair][0].at[0]], bufs[0], semg)

    def g0_wait(pair):
        pltpu.make_async_copy(h_hbm.at[idxs[pair][0].at[0]], bufs[0],
                              semg).wait()

    idx_load(0, base)
    idx_load(1, base + 8)
    idx_wait(0)
    g0_issue(0)

    @pl.when(s < 15)
    def _():
        pltpu.sync_copy(zero_hbm.at[pl.ds(s * OSLAB, OSLAB)],
                        agg_sh.at[pl.ds(s * OSLAB, OSLAB)])

    @pl.when(s == 15)
    def _():
        pltpu.sync_copy(zero_hbm.at[pl.ds(15 * OSLAB, ZLAST)],
                        agg_sh.at[pl.ds(15 * OSLAB, ZLAST)])

    plsc.subcore_barrier()

    def process(pair, prefetch_r0, has_next):
        src_v, dst_v = idxs[pair]
        g = [None] * 8
        sc = [None] * 8
        for j in range(8):
            if j + 1 < 8:
                if j >= 1:
                    sc[j - 1].wait()
                g[j + 1] = pltpu.async_copy(h_hbm.at[src_v.at[j + 1]],
                                            bufs[(j + 1) % 2], semg)
            if j == 0:
                g0_wait(pair)
            else:
                g[j].wait()
            sc[j] = pltpu.async_copy(bufs[j % 2], agg_sh.at[dst_v.at[j]],
                                     sems, add=True)
        sc[6].wait()
        if has_next is not None:
            @pl.when(has_next)
            def _():
                idx_wait(1 - pair)
                g0_issue(1 - pair)
        else:
            idx_wait(1 - pair)
            g0_issue(1 - pair)
        sc[7].wait()
        idx_load(pair, prefetch_r0)

    def body(gr, carry):
        process(0, base + 8 * jnp.minimum(2 * gr + 2, NBLK - 1), None)
        process(1, base + 8 * jnp.minimum(2 * gr + 3, NBLK - 1), gr < 4)
        return carry

    lax.fori_loop(0, NBLK // 2, body, 0)
    idx_wait(0)
    idx_wait(1)
    plsc.subcore_barrier()

    @pl.when(s < 15)
    def _():
        pltpu.sync_copy(agg_sh.at[pl.ds(s * OSLAB, OSLAB)],
                        out_hbm.at[pl.ds(c * N + s * OSLAB, OSLAB)])

    @pl.when(s == 15)
    def _():
        pltpu.sync_copy(agg_sh.at[pl.ds(15 * OSLAB, N - 15 * OSLAB)],
                        out_hbm.at[pl.ds(c * N + 15 * OSLAB, N - 15 * OSLAB)])


@functools.cache
def _gin_dense(h_rows):
    def body(h_ref, part_ref, w1_ref, b1_ref, g1_ref, be1_ref,
             w2_ref, b2_ref, o_ref):
        h = h_ref[pl.ds(0, N), :] if h_rows > N else h_ref[...]
        z = h + part_ref[pl.ds(0, N), :] + part_ref[pl.ds(N, N), :]
        z = (jnp.dot(z, w1_ref[...], preferred_element_type=jnp.float32)
             + b1_ref[...])
        z = jnp.maximum(z, 0.0)
        mu = jnp.mean(z, axis=0, keepdims=True)
        var = jnp.mean((z - mu) ** 2, axis=0, keepdims=True)
        z = (z - mu) / jnp.sqrt(var + 1e-5) * g1_ref[...] + be1_ref[...]
        o_ref[...] = (jnp.dot(z, w2_ref[...],
                              preferred_element_type=jnp.float32)
                      + b2_ref[...])

    return pl.pallas_call(
        body, out_shape=jax.ShapeDtypeStruct((N, H), jnp.float32))


def _softplus(x):
    return jnp.maximum(x, 0.0) + jnp.log1p(jnp.exp(-jnp.abs(x)))


def _heads_body(h_ref, part_ref, gw1_ref, gb1_ref, gg1_ref, gbe1_ref,
                gw2_ref, gb2_ref, w1_ref, b1_ref, g1_ref, be1_ref, w2_ref,
                b2_ref, g2_ref, be2_ref, w3_ref, b3_ref, *o_ref):
    hz = (h_ref[...] + part_ref[pl.ds(0, N), :] + part_ref[pl.ds(N, N), :])
    hz = (jnp.dot(hz, gw1_ref[...], preferred_element_type=jnp.float32)
          + gb1_ref[...])
    hz = jnp.maximum(hz, 0.0)
    gm = jnp.mean(hz, axis=0, keepdims=True)
    gv = jnp.mean((hz - gm) ** 2, axis=0, keepdims=True)
    hz = (hz - gm) / jnp.sqrt(gv + 1e-5) * gg1_ref[...] + gbe1_ref[...]
    h = (jnp.dot(hz, gw2_ref[...], preferred_element_type=jnp.float32)
         + gb2_ref[...])
    z = jnp.dot(h, w1_ref[...], preferred_element_type=jnp.float32) + b1_ref[...]
    m = jnp.mean(z, axis=0, keepdims=True)
    v = jnp.mean((z - m) ** 2, axis=0, keepdims=True)
    z = (z - m) / jnp.sqrt(v + 1e-5) * g1_ref[...] + be1_ref[...]
    z = jnp.maximum(z, 0.0)
    z = jnp.dot(z, w2_ref[...], preferred_element_type=jnp.float32) + b2_ref[...]
    m = jnp.mean(z, axis=0, keepdims=True)
    v = jnp.mean((z - m) ** 2, axis=0, keepdims=True)
    z = (z - m) / jnp.sqrt(v + 1e-5) * g2_ref[...] + be2_ref[...]
    t = jnp.dot(z, w3_ref[...], preferred_element_type=jnp.float32) + b3_ref[...]
    for k, o in enumerate(o_ref):
        sec = t[:, 16 * k:16 * k + 10]
        if k % 3 == 1:
            sec = jnp.tanh(sec) * 180.0
        elif k % 3 == 2:
            sec = _softplus(sec)
        o[...] = sec


_heads = pl.pallas_call(
    _heads_body,
    out_shape=tuple(jax.ShapeDtypeStruct((N, 10), jnp.float32)
                    for _ in range(6)),
)


def _row(v):
    return v.reshape(1, -1)


def _heads_weights(pa, pb):
    cat = lambda k: jnp.concatenate([pa[k], pb[k]], axis=-1)
    z64 = jnp.zeros((64, 64), jnp.float32)
    w2 = jnp.concatenate([
        jnp.concatenate([pa['W2'], z64], axis=1),
        jnp.concatenate([z64, pb['W2']], axis=1)], axis=0)
    pad6 = lambda m: jnp.pad(m, ((0, 0), (0, 6)))
    w3a = jnp.concatenate([pad6(pa['Ww']), pad6(pa['Wm']), pad6(pa['Wk'])],
                          axis=1)
    w3b = jnp.concatenate([pad6(pb['Ww']), pad6(pb['Wm']), pad6(pb['Wk'])],
                          axis=1)
    z48 = jnp.zeros((64, 48), jnp.float32)
    w3 = jnp.concatenate([
        jnp.concatenate([w3a, z48], axis=1),
        jnp.concatenate([z48, w3b], axis=1)], axis=0)
    padb = lambda v: jnp.pad(v, (0, 6))
    b3 = jnp.concatenate([padb(pa['bw']), padb(pa['bm']), padb(pa['bk']),
                          padb(pb['bw']), padb(pb['bm']), padb(pb['bk'])])
    return (cat('W1'), _row(cat('b1')), _row(cat('g1')), _row(cat('be1')),
            w2, _row(cat('b2')), _row(cat('g2')), _row(cat('be2')),
            w3, _row(b3))


def kernel(x, edge_index, params):
    x = x.astype(jnp.int32)
    src = edge_index[0].astype(jnp.int32)
    dst = edge_index[1].astype(jnp.int32)

    xpad = jnp.arange(XROWS * 128 - N, dtype=jnp.int32) % LIB
    x2d = jnp.concatenate([x, xpad]).reshape(XROWS, 128)
    h = _emb_gather()(params['emb'], x2d)

    epad = jnp.arange(EROWS * 128 - E, dtype=jnp.int32)
    src_p = jnp.concatenate([src, (epad * 97) % N]).reshape(EROWS, 128)
    dst_p = jnp.concatenate([dst, N + (epad % NS)]).reshape(EROWS, 128)
    zeros = jnp.zeros((AGG_ROWS, H), jnp.float32)

    for p in params['gin'][:2]:
        part = _agg_scatter(h.shape[0])(h, src_p, dst_p, zeros)
        h = _gin_dense(h.shape[0])(h, part, p['W1'], _row(p['b1']),
                                   _row(p['g1']), _row(p['be1']), p['W2'],
                                   _row(p['b2']))

    part = _agg_scatter(h.shape[0])(h, src_p, dst_p, zeros)
    p3 = params['gin'][2]
    outs = _heads(h, part, p3['W1'], _row(p3['b1']), _row(p3['g1']),
                  _row(p3['be1']), p3['W2'], _row(p3['b2']),
                  *_heads_weights(params['head_vm'], params['head_g']))
    return tuple(o.reshape(N, 2, 5) for o in outs)

# --- scband reference (transcript-rebuilt; emitter-appended) ---
"""Pipeline reference for scband-sweet-net-mixture-model-72894184948141 (READ-ONLY COPY).

The authoritative reference and input builder live on the scoring server;
editing this copy changes nothing except your own understanding.
"""

import jax, jax.numpy as jnp
import numpy as np

N_NODES = 10000
N_EDGES = 320000
LIB_SIZE = 1000
HIDDEN = 128
NC = 5


def _dense(key, shape, fan_in):
    bound = 1.0 / np.sqrt(fan_in)
    return jax.random.uniform(key, shape, minval=-bound, maxval=bound, dtype=jnp.float32)


def setup_inputs(seed: int = 0):
    key = jax.random.key(seed)
    ks = iter(jax.random.split(key, 64))
    x = jax.random.randint(next(ks), (N_NODES,), 0, LIB_SIZE + 1)
    edge_index = jax.random.randint(next(ks), (2, N_EDGES), 0, N_NODES)
    params = {}
    params['emb'] = jax.random.normal(next(ks), (LIB_SIZE + 1, HIDDEN), dtype=jnp.float32)
    gin = []
    for _ in range(3):
        gin.append({
            'W1': _dense(next(ks), (HIDDEN, HIDDEN), HIDDEN),
            'b1': _dense(next(ks), (HIDDEN,), HIDDEN),
            'g1': jnp.ones((HIDDEN,), jnp.float32),
            'be1': jnp.zeros((HIDDEN,), jnp.float32),
            'W2': _dense(next(ks), (HIDDEN, HIDDEN), HIDDEN),
            'b2': _dense(next(ks), (HIDDEN,), HIDDEN),
        })
    params['gin'] = gin

    def make_head():
        return {
            'W1': _dense(next(ks), (HIDDEN, HIDDEN // 2), HIDDEN),
            'b1': _dense(next(ks), (HIDDEN // 2,), HIDDEN),
            'g1': jnp.ones((HIDDEN // 2,), jnp.float32),
            'be1': jnp.zeros((HIDDEN // 2,), jnp.float32),
            'W2': _dense(next(ks), (HIDDEN // 2, HIDDEN // 2), HIDDEN // 2),
            'b2': _dense(next(ks), (HIDDEN // 2,), HIDDEN // 2),
            'g2': jnp.ones((HIDDEN // 2,), jnp.float32),
            'be2': jnp.zeros((HIDDEN // 2,), jnp.float32),
            'Ww': _dense(next(ks), (HIDDEN // 2, 2 * NC), HIDDEN // 2),
            'bw': _dense(next(ks), (2 * NC,), HIDDEN // 2),
            'Wm': _dense(next(ks), (HIDDEN // 2, 2 * NC), HIDDEN // 2),
            'bm': _dense(next(ks), (2 * NC,), HIDDEN // 2),
            'Wk': _dense(next(ks), (HIDDEN // 2, 2 * NC), HIDDEN // 2),
            'bk': _dense(next(ks), (2 * NC,), HIDDEN // 2),
        }
    params['head_vm'] = make_head()
    params['head_g'] = make_head()
    return {'x': x, 'edge_index': edge_index, 'params': params}


def _bn(h, g, b, eps=1e-5):
    mu = jnp.mean(h, axis=0, keepdims=True)
    var = jnp.var(h, axis=0, keepdims=True)
    return (h - mu) / jnp.sqrt(var + eps) * g + b


def _gin(h, edge_index, p):
    src, dst = edge_index[0], edge_index[1]
    agg = jnp.zeros_like(h).at[dst].add(h[src])
    z = h + agg  # GIN with eps=0: (1+eps)*x + sum_j x_j
    z = z @ p['W1'] + p['b1']
    z = jax.nn.relu(z)
    z = _bn(z, p['g1'], p['be1'])
    # dropout is identity in deterministic reference
    z = z @ p['W2'] + p['b2']
    return z


def _mixture(h, p):
    z = h @ p['W1'] + p['b1']
    z = _bn(z, p['g1'], p['be1'])
    z = jax.nn.relu(z)
    z = z @ p['W2'] + p['b2']
    z = _bn(z, p['g2'], p['be2'])
    n = z.shape[0]
    wl = (z @ p['Ww'] + p['bw']).reshape(n, 2, NC)
    mu = jnp.tanh((z @ p['Wm'] + p['bm']).reshape(n, 2, NC)) * 180.0
    ka = jax.nn.softplus((z @ p['Wk'] + p['bk']).reshape(n, 2, NC))
    return wl, mu, ka


def reference(x, edge_index, params):
    h = params['emb'][x]
    for p in params['gin']:
        h = _gin(h, edge_index, p)
    wl_vm, m_vm, k_vm = _mixture(h, params['head_vm'])
    wl_g, m_g, k_g = _mixture(h, params['head_g'])
    return (wl_vm, m_vm, k_vm, wl_g, m_g, k_g)

if __name__ == "__main__":
    import jax
    _d = setup_inputs()
    print(jax.jit(kernel)(*tuple(_d.values())))

</pallas_src>

<mosaic_0001>
#map = affine_map<(d0, d1) -> (0, 0)>
module attributes {stable_mosaic.version = 14 : i64} {
  func.func @_emb_gather_body(%arg0: i32, %arg1: i32, %arg2: memref<1001x128xf32, #tpu.memory_space<hbm>>, %arg3: memref<80x128xi32, #tpu.memory_space<hbm>>, %arg4: memref<10240x128xf32, #tpu.memory_space<hbm>>, %arg5: memref<8x128xi32, #tpu.memory_space<vmem>>, %arg6: memref<512x128xf32, #tpu.memory_space<vmem>>, %arg7: memref<!tpu.dma_semaphore, #tpu.memory_space<semaphore_mem>>) attributes {dimension_semantics = [#tpu.dimension_semantics<core_parallel>, #tpu.dimension_semantics<subcore_parallel>], iteration_bounds = array<i64: 2, 16>, scalar_prefetch = 0 : i64, scratch_operands = 3 : i64, tpu.core_type = #tpu.core_type<sc_vector_subcore>, window_params = [{transform_indices = #map}, {transform_indices = #map}, {transform_indices = #map}]} {
    %mul3A = arith.constant 2 : i32
    %mul3A_0 = arith.muli %arg1, %mul3A : i32
    %add3A = arith.addi %mul3A_0, %arg0 : i32
    %lt3A = arith.constant 20 : i32
    %lt3A_1 = arith.cmpi slt, %add3A, %lt3A : i32
    %convert_element_type3A = arith.extui %lt3A_1 : i1 to i32
    %cond3A = arith.constant 0 : i32
    %cond3A_2 = arith.cmpi ne, %convert_element_type3A, %cond3A : i32
    scf.if %cond3A_2 {
      %jit3A = arith.constant 2 : i32
      %div3A = arith.divsi %add3A, %jit3A : i32
      %sign3A = arith.constant 0 : i32
      %sign3A_3 = arith.cmpi sgt, %add3A, %sign3A : i32
      %sign3A_4 = arith.extui %sign3A_3 : i1 to i32
      %sign3A_5 = arith.constant 0 : i32
      %sign3A_6 = arith.cmpi slt, %add3A, %sign3A_5 : i32
      %sign3A_7 = arith.extui %sign3A_6 : i1 to i32
      %sign3A_8 = arith.subi %sign3A_4, %sign3A_7 : i32
      %sign3A_9 = arith.constant 0 : i32
      %sign3A_10 = arith.cmpi sgt, %jit3A, %sign3A_9 : i32
      %sign3A_11 = arith.extui %sign3A_10 : i1 to i32
      %sign3A_12 = arith.constant 0 : i32
      %sign3A_13 = arith.cmpi slt, %jit3A, %sign3A_12 : i32
      %sign3A_14 = arith.extui %sign3A_13 : i1 to i32
      %sign3A_15 = arith.subi %sign3A_11, %sign3A_14 : i32
      %ne3A = arith.cmpi ne, %sign3A_8, %sign3A_15 : i32
      %rem3A = arith.remsi %add3A, %jit3A : i32
      %ne3A_16 = arith.constant 0 : i32
      %ne3A_17 = arith.cmpi ne, %rem3A, %ne3A_16 : i32
      %and3A = arith.andi %ne3A, %ne3A_17 : i1
      %sub3A = arith.constant 1 : i32
      %sub3A_18 = arith.subi %div3A, %sub3A : i32
      %select_n3A = arith.select %and3A, %sub3A_18, %div3A : i32
      %jit3A_19 = arith.constant 2 : i32
      %eq3A = arith.constant 0 : i32
      %eq3A_20 = arith.cmpi eq, %jit3A_19, %eq3A : i32
      %jit3A_21 = arith.constant 1 : i32
      %select_n3A_22 = arith.select %eq3A_20, %jit3A_21, %jit3A_19 : i32
      %rem3A_23 = arith.remsi %add3A, %select_n3A_22 : i32
      %ne3A_24 = arith.constant 0 : i32
      %ne3A_25 = arith.cmpi ne, %rem3A_23, %ne3A_24 : i32
      %lt3A_26 = arith.constant 0 : i32
      %lt3A_27 = arith.cmpi slt, %rem3A_23, %lt3A_26 : i32
      %lt3A_28 = arith.constant 0 : i32
      %lt3A_29 = arith.cmpi slt, %select_n3A_22, %lt3A_28 : i32
      %ne3A_30 = arith.xori %lt3A_27, %lt3A_29 : i1
      %and3A_31 = arith.andi %ne3A_30, %ne3A_25 : i1
      %add3A_32 = arith.addi %rem3A_23, %select_n3A_22 : i32
      %select_n3A_33 = arith.select %and3A_31, %add3A_32, %rem3A_23 : i32
      %mul3A_34 = arith.constant 8 : i32
      %mul3A_35 = arith.muli %select_n3A, %mul3A_34 : i32
      "tpu.region"() ({
        %run_scoped3A = tpu.sem_alloc : memref<!tpu.dma_semaphore, #tpu.memory_space<semaphore_mem>>
        %dma_start3A_127 = arith.constant 0 : i32
        %dma_start3A_128 = tpu.memref_slice %arg3[%mul3A_35, %dma_start3A_127] : memref<80x128xi32, #tpu.memory_space<hbm>> -> memref<8x128xi32, #tpu.memory_space<hbm>>
        %dma_start3A_129 = arith.constant 0 : i32
        %dma_start3A_130 = tpu.memref_slice %arg3[%mul3A_35, %dma_start3A_129] : memref<80x128xi32, #tpu.memory_space<hbm>> -> memref<8x128xi32, #tpu.memory_space<hbm>>
        tpu.enqueue_dma source(%dma_start3A_130 : memref<8x128xi32, #tpu.memory_space<hbm>>) target(%arg5 : memref<8x128xi32, #tpu.memory_space<vmem>>) target_semaphore(%run_scoped3A : memref<!tpu.dma_semaphore, #tpu.memory_space<semaphore_mem>>)
        %dma_wait3A_131 = arith.constant 0 : i32
        %dma_wait3A_132 = tpu.memref_slice %arg3[%mul3A_35, %dma_wait3A_131] : memref<80x128xi32, #tpu.memory_space<hbm>> -> memref<8x128xi32, #tpu.memory_space<hbm>>
        %dma_wait3A_133 = arith.constant 0 : i32
        %dma_wait3A_134 = tpu.memref_slice %arg3[%mul3A_35, %dma_wait3A_133] : memref<80x128xi32, #tpu.memory_space<hbm>> -> memref<8x128xi32, #tpu.memory_space<hbm>>
        tpu.wait_dma2 semaphore(%run_scoped3A : memref<!tpu.dma_semaphore, #tpu.memory_space<semaphore_mem>>) src(%dma_wait3A_134 : memref<8x128xi32, #tpu.memory_space<hbm>>) dst(%arg5 : memref<8x128xi32, #tpu.memory_space<vmem>>)
        tpu.yield
      }) : () -> ()
      %mul3A_36 = arith.constant 4 : i32
      %mul3A_37 = arith.muli %mul3A_36, %select_n3A_33 : i32
      %add3A_38 = arith.constant 0 : i32
      %add3A_39 = arith.addi %mul3A_37, %add3A_38 : i32
      %dma_start3A = arith.constant 0 : i32
      %dma_start3A_40 = arith.constant 0 : i32
      %dma_start3A_41 = tpu.memref_slice %arg6[%dma_start3A, %dma_start3A_40] : memref<512x128xf32, #tpu.memory_space<vmem>> -> memref<128x128xf32, #tpu.memory_space<vmem>>
      %dma_start3A_42 = arith.constant 0 : i32
      %dma_start3A_43 = tpu.memref_slice %arg5[%add3A_39, %dma_start3A_42] : memref<8x128xi32, #tpu.memory_space<vmem>> -> memref<1x128xi32, #tpu.memory_space<vmem>>
      %dma_start3A_44 = tpu.memref_squeeze %dma_start3A_43 : memref<1x128xi32, #tpu.memory_space<vmem>> -> memref<128xi32, #tpu.memory_space<vmem>>
      %dma_start3A_45 = arith.constant 0 : i32
      %dma_start3A_46 = arith.constant 0 : i32
      %dma_start3A_47 = tpu.memref_slice %arg2[%dma_start3A_45, %dma_start3A_46] : memref<1001x128xf32, #tpu.memory_space<hbm>> -> memref<1001x128xf32, #tpu.memory_space<hbm>>
      tpu.enqueue_indirect_dma source(%dma_start3A_47 : memref<1001x128xf32, #tpu.memory_space<hbm>>) target(%dma_start3A_41 : memref<128x128xf32, #tpu.memory_space<vmem>>) offsets(%dma_start3A_44 : memref<128xi32, #tpu.memory_space<vmem>>) semaphore(%arg7 : memref<!tpu.dma_semaphore, #tpu.memory_space<semaphore_mem>>)
      %mul3A_48 = arith.constant 4 : i32
      %mul3A_49 = arith.muli %mul3A_48, %select_n3A_33 : i32
      %add3A_50 = arith.constant 1 : i32
      %add3A_51 = arith.addi %mul3A_49, %add3A_50 : i32
      %dma_start3A_52 = arith.constant 128 : i32
      %dma_start3A_53 = arith.constant 0 : i32
      %dma_start3A_54 = tpu.memref_slice %arg6[%dma_start3A_52, %dma_start3A_53] : memref<512x128xf32, #tpu.memory_space<vmem>> -> memref<128x128xf32, #tpu.memory_space<vmem>>
      %dma_start3A_55 = arith.constant 0 : i32
      %dma_start3A_56 = tpu.memref_slice %arg5[%add3A_51, %dma_start3A_55] : memref<8x128xi32, #tpu.memory_space<vmem>> -> memref<1x128xi32, #tpu.memory_space<vmem>>
      %dma_start3A_57 = tpu.memref_squeeze %dma_start3A_56 : memref<1x128xi32, #tpu.memory_space<vmem>> -> memref<128xi32, #tpu.memory_space<vmem>>
      %dma_start3A_58 = arith.constant 0 : i32
      %dma_start3A_59 = arith.constant 0 : i32
      %dma_start3A_60 = tpu.memref_slice %arg2[%dma_start3A_58, %dma_start3A_59] : memref<1001x128xf32, #tpu.memory_space<hbm>> -> memref<1001x128xf32, #tpu.memory_space<hbm>>
      tpu.enqueue_indirect_dma source(%dma_start3A_60 : memref<1001x128xf32, #tpu.memory_space<hbm>>) target(%dma_start3A_54 : memref<128x128xf32, #tpu.memory_space<vmem>>) offsets(%dma_start3A_57 : memref<128xi32, #tpu.memory_space<vmem>>) semaphore(%arg7 : memref<!tpu.dma_semaphore, #tpu.memory_space<semaphore_mem>>)
      %mul3A_61 = arith.constant 4 : i32
      %mul3A_62 = arith.muli %mul3A_61, %select_n3A_33 : i32
      %add3A_63 = arith.constant 2 : i32
      %add3A_64 = arith.addi %mul3A_62, %add3A_63 : i32
      %dma_start3A_65 = arith.constant 256 : i32
      %dma_start3A_66 = arith.constant 0 : i32
      %dma_start3A_67 = tpu.memref_slice %arg6[%dma_start3A_65, %dma_start3A_66] : memref<512x128xf32, #tpu.memory_space<vmem>> -> memref<128x128xf32, #tpu.memory_space<vmem>>
      %dma_start3A_68 = arith.constant 0 : i32
      %dma_start3A_69 = tpu.memref_slice %arg5[%add3A_64, %dma_start3A_68] : memref<8x128xi32, #tpu.memory_space<vmem>> -> memref<1x128xi32, #tpu.memory_space<vmem>>
      %dma_start3A_70 = tpu.memref_squeeze %dma_start3A_69 : memref<1x128xi32, #tpu.memory_space<vmem>> -> memref<128xi32, #tpu.memory_space<vmem>>
      %dma_start3A_71 = arith.constant 0 : i32
      %dma_start3A_72 = arith.constant 0 : i32
      %dma_start3A_73 = tpu.memref_slice %arg2[%dma_start3A_71, %dma_start3A_72] : memref<1001x128xf32, #tpu.memory_space<hbm>> -> memref<1001x128xf32, #tpu.memory_space<hbm>>
      tpu.enqueue_indirect_dma source(%dma_start3A_73 : memref<1001x128xf32, #tpu.memory_space<hbm>>) target(%dma_start3A_67 : memref<128x128xf32, #tpu.memory_space<vmem>>) offsets(%dma_start3A_70 : memref<128xi32, #tpu.memory_space<vmem>>) semaphore(%arg7 : memref<!tpu.dma_semaphore, #tpu.memory_space<semaphore_mem>>)
      %mul3A_74 = arith.constant 4 : i32
      %mul3A_75 = arith.muli %mul3A_74, %select_n3A_33 : i32
      %add3A_76 = arith.constant 3 : i32
      %add3A_77 = arith.addi %mul3A_75, %add3A_76 : i32
      %dma_start3A_78 = arith.constant 384 : i32
      %dma_start3A_79 = arith.constant 0 : i32
      %dma_start3A_80 = tpu.memref_slice %arg6[%dma_start3A_78, %dma_start3A_79] : memref<512x128xf32, #tpu.memory_space<vmem>> -> memref<128x128xf32, #tpu.memory_space<vmem>>
      %dma_start3A_81 = arith.constant 0 : i32
      %dma_start3A_82 = tpu.memref_slice %arg5[%add3A_77, %dma_start3A_81] : memref<8x128xi32, #tpu.memory_space<vmem>> -> memref<1x128xi32, #tpu.memory_space<vmem>>
      %dma_start3A_83 = tpu.memref_squeeze %dma_start3A_82 : memref<1x128xi32, #tpu.memory_space<vmem>> -> memref<128xi32, #tpu.memory_space<vmem>>
      %dma_start3A_84 = arith.constant 0 : i32
      %dma_start3A_85 = arith.constant 0 : i32
      %dma_start3A_86 = tpu.memref_slice %arg2[%dma_start3A_84, %dma_start3A_85] : memref<1001x128xf32, #tpu.memory_space<hbm>> -> memref<1001x128xf32, #tpu.memory_space<hbm>>
      tpu.enqueue_indirect_dma source(%dma_start3A_86 : memref<1001x128xf32, #tpu.memory_space<hbm>>) target(%dma_start3A_80 : memref<128x128xf32, #tpu.memory_space<vmem>>) offsets(%dma_start3A_83 : memref<128xi32, #tpu.memory_space<vmem>>) semaphore(%arg7 : memref<!tpu.dma_semaphore, #tpu.memory_space<semaphore_mem>>)
      %dma_wait3A = arith.constant 0 : i32
      %dma_wait3A_87 = arith.constant 0 : i32
      %dma_wait3A_88 = tpu.memref_slice %arg6[%dma_wait3A, %dma_wait3A_87] : memref<512x128xf32, #tpu.memory_space<vmem>> -> memref<128x128xf32, #tpu.memory_space<vmem>>
      %dma_wait3A_89 = arith.constant 0 : i32
      %dma_wait3A_90 = tpu.memref_slice %arg5[%add3A_39, %dma_wait3A_89] : memref<8x128xi32, #tpu.memory_space<vmem>> -> memref<1x128xi32, #tpu.memory_space<vmem>>
      %dma_wait3A_91 = tpu.memref_squeeze %dma_wait3A_90 : memref<1x128xi32, #tpu.memory_space<vmem>> -> memref<128xi32, #tpu.memory_space<vmem>>
      %dma_wait3A_92 = arith.constant 0 : i32
      %dma_wait3A_93 = arith.constant 0 : i32
      %dma_wait3A_94 = tpu.memref_slice %arg2[%dma_wait3A_92, %dma_wait3A_93] : memref<1001x128xf32, #tpu.memory_space<hbm>> -> memref<1001x128xf32, #tpu.memory_space<hbm>>
      tpu.wait_indirect_dma semaphore(%arg7 : memref<!tpu.dma_semaphore, #tpu.memory_space<semaphore_mem>>) src(%dma_wait3A_94 : memref<1001x128xf32, #tpu.memory_space<hbm>>) dst(%dma_wait3A_88 : memref<128x128xf32, #tpu.memory_space<vmem>>)
      %dma_wait3A_95 = arith.constant 128 : i32
      %dma_wait3A_96 = arith.constant 0 : i32
      %dma_wait3A_97 = tpu.memref_slice %arg6[%dma_wait3A_95, %dma_wait3A_96] : memref<512x128xf32, #tpu.memory_space<vmem>> -> memref<128x128xf32, #tpu.memory_space<vmem>>
      %dma_wait3A_98 = arith.constant 0 : i32
      %dma_wait3A_99 = tpu.memref_slice %arg5[%add3A_51, %dma_wait3A_98] : memref<8x128xi32, #tpu.memory_space<vmem>> -> memref<1x128xi32, #tpu.memory_space<vmem>>
      %dma_wait3A_100 = tpu.memref_squeeze %dma_wait3A_99 : memref<1x128xi32, #tpu.memory_space<vmem>> -> memref<128xi32, #tpu.memory_space<vmem>>
      %dma_wait3A_101 = arith.constant 0 : i32
      %dma_wait3A_102 = arith.constant 0 : i32
      %dma_wait3A_103 = tpu.memref_slice %arg2[%dma_wait3A_101, %dma_wait3A_102] : memref<1001x128xf32, #tpu.memory_space<hbm>> -> memref<1001x128xf32, #tpu.memory_space<hbm>>
      tpu.wait_indirect_dma semaphore(%arg7 : memref<!tpu.dma_semaphore, #tpu.memory_space<semaphore_mem>>) src(%dma_wait3A_103 : memref<1001x128xf32, #tpu.memory_space<hbm>>) dst(%dma_wait3A_97 : memref<128x128xf32, #tpu.memory_space<vmem>>)
      %dma_wait3A_104 = arith.constant 256 : i32
      %dma_wait3A_105 = arith.constant 0 : i32
      %dma_wait3A_106 = tpu.memref_slice %arg6[%dma_wait3A_104, %dma_wait3A_105] : memref<512x128xf32, #tpu.memory_space<vmem>> -> memref<128x128xf32, #tpu.memory_space<vmem>>
      %dma_wait3A_107 = arith.constant 0 : i32
      %dma_wait3A_108 = tpu.memref_slice %arg5[%add3A_64, %dma_wait3A_107] : memref<8x128xi32, #tpu.memory_space<vmem>> -> memref<1x128xi32, #tpu.memory_space<vmem>>
      %dma_wait3A_109 = tpu.memref_squeeze %dma_wait3A_108 : memref<1x128xi32, #tpu.memory_space<vmem>> -> memref<128xi32, #tpu.memory_space<vmem>>
      %dma_wait3A_110 = arith.constant 0 : i32
      %dma_wait3A_111 = arith.constant 0 : i32
      %dma_wait3A_112 = tpu.memref_slice %arg2[%dma_wait3A_110, %dma_wait3A_111] : memref<1001x128xf32, #tpu.memory_space<hbm>> -> memref<1001x128xf32, #tpu.memory_space<hbm>>
      tpu.wait_indirect_dma semaphore(%arg7 : memref<!tpu.dma_semaphore, #tpu.memory_space<semaphore_mem>>) src(%dma_wait3A_112 : memref<1001x128xf32, #tpu.memory_space<hbm>>) dst(%dma_wait3A_106 : memref<128x128xf32, #tpu.memory_space<vmem>>)
      %dma_wait3A_113 = arith.constant 384 : i32
      %dma_wait3A_114 = arith.constant 0 : i32
      %dma_wait3A_115 = tpu.memref_slice %arg6[%dma_wait3A_113, %dma_wait3A_114] : memref<512x128xf32, #tpu.memory_space<vmem>> -> memref<128x128xf32, #tpu.memory_space<vmem>>
      %dma_wait3A_116 = arith.constant 0 : i32
      %dma_wait3A_117 = tpu.memref_slice %arg5[%add3A_77, %dma_wait3A_116] : memref<8x128xi32, #tpu.memory_space<vmem>> -> memref<1x128xi32, #tpu.memory_space<vmem>>
      %dma_wait3A_118 = tpu.memref_squeeze %dma_wait3A_117 : memref<1x128xi32, #tpu.memory_space<vmem>> -> memref<128xi32, #tpu.memory_space<vmem>>
      %dma_wait3A_119 = arith.constant 0 : i32
      %dma_wait3A_120 = arith.constant 0 : i32
      %dma_wait3A_121 = tpu.memref_slice %arg2[%dma_wait3A_119, %dma_wait3A_120] : memref<1001x128xf32, #tpu.memory_space<hbm>> -> memref<1001x128xf32, #tpu.memory_space<hbm>>
      tpu.wait_indirect_dma semaphore(%arg7 : memref<!tpu.dma_semaphore, #tpu.memory_space<semaphore_mem>>) src(%dma_wait3A_121 : memref<1001x128xf32, #tpu.memory_space<hbm>>) dst(%dma_wait3A_115 : memref<128x128xf32, #tpu.memory_space<vmem>>)
      %mul3A_122 = arith.constant 1024 : i32
      %mul3A_123 = arith.muli %select_n3A, %mul3A_122 : i32
      %mul3A_124 = arith.constant 512 : i32
      %mul3A_125 = arith.muli %select_n3A_33, %mul3A_124 : i32
      %add3A_126 = arith.addi %mul3A_123, %mul3A_125 : i32
      "tpu.region"() ({
        %run_scoped3A = tpu.sem_alloc : memref<!tpu.dma_semaphore, #tpu.memory_space<semaphore_mem>>
        %dma_start3A_127 = arith.constant 0 : i32
        %dma_start3A_128 = tpu.memref_slice %arg4[%add3A_126, %dma_start3A_127] : memref<10240x128xf32, #tpu.memory_space<hbm>> -> memref<512x128xf32, #tpu.memory_space<hbm>>
        %dma_start3A_129 = arith.constant 0 : i32
        %dma_start3A_130 = tpu.memref_slice %arg4[%add3A_126, %dma_start3A_129] : memref<10240x128xf32, #tpu.memory_space<hbm>> -> memref<512x128xf32, #tpu.memory_space<hbm>>
        tpu.enqueue_dma source(%arg6 : memref<512x128xf32, #tpu.memory_space<vmem>>) target(%dma_start3A_130 : memref<512x128xf32, #tpu.memory_space<hbm>>) target_semaphore(%run_scoped3A : memref<!tpu.dma_semaphore, #tpu.memory_space<semaphore_mem>>)
        %dma_wait3A_131 = arith.constant 0 : i32
        %dma_wait3A_132 = tpu.memref_slice %arg4[%add3A_126, %dma_wait3A_131] : memref<10240x128xf32, #tpu.memory_space<hbm>> -> memref<512x128xf32, #tpu.memory_space<hbm>>
        %dma_wait3A_133 = arith.constant 0 : i32
        %dma_wait3A_134 = tpu.memref_slice %arg4[%add3A_126, %dma_wait3A_133] : memref<10240x128xf32, #tpu.memory_space<hbm>> -> memref<512x128xf32, #tpu.memory_space<hbm>>
        tpu.wait_dma2 semaphore(%run_scoped3A : memref<!tpu.dma_semaphore, #tpu.memory_space<semaphore_mem>>) src(%arg6 : memref<512x128xf32, #tpu.memory_space<vmem>>) dst(%dma_wait3A_134 : memref<512x128xf32, #tpu.memory_space<hbm>>)
        tpu.yield
      }) : () -> ()
    } else {
    }
    return
  }
}

#map = affine_map<(d0, d1) -> (0, 0)>
module attributes {stable_mosaic.version = 14 : i64} {
  func.func @_agg_scatter_body(%arg0: i32, %arg1: i32, %arg2: memref<10240x128xf32, #tpu.memory_space<hbm>>, %arg3: memref<2560x128xi32, #tpu.memory_space<hbm>>, %arg4: memref<2560x128xi32, #tpu.memory_space<hbm>>, %arg5: memref<10016x128xf32, #tpu.memory_space<hbm>>, %arg6: memref<20000x128xf32, #tpu.memory_space<hbm>>, %arg7: memref<8x128xi32, #tpu.memory_space<vmem>>, %arg8: memref<8x128xi32, #tpu.memory_space<vmem>>, %arg9: memref<8x128xi32, #tpu.memory_space<vmem>>, %arg10: memref<8x128xi32, #tpu.memory_space<vmem>>, %arg11: memref<128x128xf32, #tpu.memory_space<vmem>>, %arg12: memref<128x128xf32, #tpu.memory_space<vmem>>, %arg13: memref<10016x128xf32, #tpu.memory_space<vmem_shared>>, %arg14: memref<!tpu.dma_semaphore, #tpu.memory_space<semaphore_mem>>, %arg15: memref<!tpu.dma_semaphore, #tpu.memory_space<semaphore_mem>>, %arg16: memref<!tpu.dma_semaphore, #tpu.memory_space<semaphore_mem>>) attributes {dimension_semantics = [#tpu.dimension_semantics<core_parallel>, #tpu.dimension_semantics<subcore_parallel>], iteration_bounds = array<i64: 2, 16>, scalar_prefetch = 0 : i64, scratch_operands = 10 : i64, tpu.core_type = #tpu.core_type<sc_vector_subcore>, window_params = [{transform_indices = #map}, {transform_indices = #map}, {transform_indices = #map}, {transform_indices = #map}, {transform_indices = #map}]} {
    %mul3A = arith.constant 1280 : i32
    %mul3A_0 = arith.muli %arg0, %mul3A : i32
    %mul3A_1 = arith.constant 80 : i32
    %mul3A_2 = arith.muli %arg1, %mul3A_1 : i32
    %add3A = arith.addi %mul3A_0, %mul3A_2 : i32
    %dma_start3A = arith.constant 0 : i32
    %dma_start3A_3 = tpu.memref_slice %arg3[%add3A, %dma_start3A] : memref<2560x128xi32, #tpu.memory_space<hbm>> -> memref<8x128xi32, #tpu.memory_space<hbm>>
    %dma_start3A_4 = arith.constant 0 : i32
    %dma_start3A_5 = tpu.memref_slice %arg3[%add3A, %dma_start3A_4] : memref<2560x128xi32, #tpu.memory_space<hbm>> -> memref<8x128xi32, #tpu.memory_space<hbm>>
    tpu.enqueue_dma source(%dma_start3A_5 : memref<8x128xi32, #tpu.memory_space<hbm>>) target(%arg7 : memref<8x128xi32, #tpu.memory_space<vmem>>) target_semaphore(%arg16 : memref<!tpu.dma_semaphore, #tpu.memory_space<semaphore_mem>>)
    %dma_start3A_6 = arith.constant 0 : i32
    %dma_start3A_7 = tpu.memref_slice %arg4[%add3A, %dma_start3A_6] : memref<2560x128xi32, #tpu.memory_space<hbm>> -> memref<8x128xi32, #tpu.memory_space<hbm>>
    %dma_start3A_8 = arith.constant 0 : i32
    %dma_start3A_9 = tpu.memref_slice %arg4[%add3A, %dma_start3A_8] : memref<2560x128xi32, #tpu.memory_space<hbm>> -> memref<8x128xi32, #tpu.memory_space<hbm>>
    tpu.enqueue_dma source(%dma_start3A_9 : memref<8x128xi32, #tpu.memory_space<hbm>>) target(%arg8 : memref<8x128xi32, #tpu.memory_space<vmem>>) target_semaphore(%arg16 : memref<!tpu.dma_semaphore, #tpu.memory_space<semaphore_mem>>)
    %add3A_10 = arith.constant 8 : i32
    %add3A_11 = arith.addi %add3A, %add3A_10 : i32
    %dma_start3A_12 = arith.constant 0 : i32
    %dma_start3A_13 = tpu.memref_slice %arg3[%add3A_11, %dma_start3A_12] : memref<2560x128xi32, #tpu.memory_space<hbm>> -> memref<8x128xi32, #tpu.memory_space<hbm>>
    %dma_start3A_14 = arith.constant 0 : i32
    %dma_start3A_15 = tpu.memref_slice %arg3[%add3A_11, %dma_start3A_14] : memref<2560x128xi32, #tpu.memory_space<hbm>> -> memref<8x128xi32, #tpu.memory_space<hbm>>
    tpu.enqueue_dma source(%dma_start3A_15 : memref<8x128xi32, #tpu.memory_space<hbm>>) target(%arg9 : memref<8x128xi32, #tpu.memory_space<vmem>>) target_semaphore(%arg16 : memref<!tpu.dma_semaphore, #tpu.memory_space<semaphore_mem>>)
    %dma_start3A_16 = arith.constant 0 : i32
    %dma_start3A_17 = tpu.memref_slice %arg4[%add3A_11, %dma_start3A_16] : memref<2560x128xi32, #tpu.memory_space<hbm>> -> memref<8x128xi32, #tpu.memory_space<hbm>>
    %dma_start3A_18 = arith.constant 0 : i32
    %dma_start3A_19 = tpu.memref_slice %arg4[%add3A_11, %dma_start3A_18] : memref<2560x128xi32, #tpu.memory_space<hbm>> -> memref<8x128xi32, #tpu.memory_space<hbm>>
    tpu.enqueue_dma source(%dma_start3A_19 : memref<8x128xi32, #tpu.memory_space<hbm>>) target(%arg10 : memref<8x128xi32, #tpu.memory_space<vmem>>) target_semaphore(%arg16 : memref<!tpu.dma_semaphore, #tpu.memory_space<semaphore_mem>>)
    %dma_wait3A = arith.constant 0 : i32
    %dma_wait3A_20 = tpu.memref_slice %arg3[%add3A, %dma_wait3A] : memref<2560x128xi32, #tpu.memory_space<hbm>> -> memref<8x128xi32, #tpu.memory_space<hbm>>
    %dma_wait3A_21 = arith.constant 0 : i32
    %dma_wait3A_22 = tpu.memref_slice %arg3[%add3A, %dma_wait3A_21] : memref<2560x128xi32, #tpu.memory_space<hbm>> -> memref<8x128xi32, #tpu.memory_space<hbm>>
    tpu.wait_dma2 semaphore(%arg16 : memref<!tpu.dma_semaphore, #tpu.memory_space<semaphore_mem>>) src(%dma_wait3A_22 : memref<8x128xi32, #tpu.memory_space<hbm>>) dst(%arg7 : memref<8x128xi32, #tpu.memory_space<vmem>>)
    %dma_wait3A_23 = arith.constant 0 : i32
    %dma_wait3A_24 = tpu.memref_slice %arg4[%add3A, %dma_wait3A_23] : memref<2560x128xi32, #tpu.memory_space<hbm>> -> memref<8x128xi32, #tpu.memory_space<hbm>>
    %dma_wait3A_25 = arith.constant 0 : i32
    %dma_wait3A_26 = tpu.memref_slice %arg4[%add3A, %dma_wait3A_25] : memref<2560x128xi32, #tpu.memory_space<hbm>> -> memref<8x128xi32, #tpu.memory_space<hbm>>
    tpu.wait_dma2 semaphore(%arg16 : memref<!tpu.dma_semaphore, #tpu.memory_space<semaphore_mem>>) src(%dma_wait3A_26 : memref<8x128xi32, #tpu.memory_space<hbm>>) dst(%arg8 : memref<8x128xi32, #tpu.memory_space<vmem>>)
    %dma_start3A_27 = arith.constant 0 : i32
    %dma_start3A_28 = arith.constant 0 : i32
    %dma_start3A_29 = tpu.memref_slice %arg7[%dma_start3A_27, %dma_start3A_28] : memref<8x128xi32, #tpu.memory_space<vmem>> -> memref<1x128xi32, #tpu.memory_space<vmem>>
    %dma_start3A_30 = tpu.memref_squeeze %dma_start3A_29 : memref<1x128xi32, #tpu.memory_space<vmem>> -> memref<128xi32, #tpu.memory_space<vmem>>
    %dma_start3A_31 = arith.constant 0 : i32
    %dma_start3A_32 = arith.constant 0 : i32
    %dma_start3A_33 = tpu.memref_slice %arg2[%dma_start3A_31, %dma_start3A_32] : memref<10240x128xf32, #tpu.memory_space<hbm>> -> memref<10240x128xf32, #tpu.memory_space<hbm>>
    tpu.enqueue_indirect_dma source(%dma_start3A_33 : memref<10240x128xf32, #tpu.memory_space<hbm>>) target(%arg11 : memref<128x128xf32, #tpu.memory_space<vmem>>) offsets(%dma_start3A_30 : memref<128xi32, #tpu.memory_space<vmem>>) semaphore(%arg14 : memref<!tpu.dma_semaphore, #tpu.memory_space<semaphore_mem>>)
    %lt3A = arith.constant 15 : i32
    %lt3A_34 = arith.cmpi slt, %arg1, %lt3A : i32
    %convert_element_type3A = arith.extui %lt3A_34 : i1 to i32
    %cond3A = arith.constant 0 : i32
    %cond3A_35 = arith.cmpi ne, %convert_element_type3A, %cond3A : i32
    scf.if %cond3A_35 {
      %mul3A_72 = arith.constant 624 : i32
      %mul3A_73 = arith.muli %arg1, %mul3A_72 : i32
      %mul3A_74 = arith.constant 624 : i32
      %mul3A_75 = arith.muli %arg1, %mul3A_74 : i32
      "tpu.region"() ({
        %run_scoped3A = tpu.sem_alloc : memref<!tpu.dma_semaphore, #tpu.memory_space<semaphore_mem>>
        %dma_start3A_76 = arith.constant 0 : i32
        %dma_start3A_77 = tpu.memref_slice %arg13[%mul3A_75, %dma_start3A_76] : memref<10016x128xf32, #tpu.memory_space<vmem_shared>> -> memref<624x128xf32, #tpu.memory_space<vmem_shared>>
        %dma_start3A_78 = arith.constant 0 : i32
        %dma_start3A_79 = tpu.memref_slice %arg5[%mul3A_73, %dma_start3A_78] : memref<10016x128xf32, #tpu.memory_space<hbm>> -> memref<624x128xf32, #tpu.memory_space<hbm>>
        tpu.enqueue_dma source(%dma_start3A_79 : memref<624x128xf32, #tpu.memory_space<hbm>>) target(%dma_start3A_77 : memref<624x128xf32, #tpu.memory_space<vmem_shared>>) target_semaphore(%run_scoped3A : memref<!tpu.dma_semaphore, #tpu.memory_space<semaphore_mem>>)
        %dma_wait3A_80 = arith.constant 0 : i32
        %dma_wait3A_81 = tpu.memref_slice %arg13[%mul3A_75, %dma_wait3A_80] : memref<10016x128xf32, #tpu.memory_space<vmem_shared>> -> memref<624x128xf32, #tpu.memory_space<vmem_shared>>
        %dma_wait3A_82 = arith.constant 0 : i32
        %dma_wait3A_83 = tpu.memref_slice %arg5[%mul3A_73, %dma_wait3A_82] : memref<10016x128xf32, #tpu.memory_space<hbm>> -> memref<624x128xf32, #tpu.memory_space<hbm>>
        tpu.wait_dma2 semaphore(%run_scoped3A : memref<!tpu.dma_semaphore, #tpu.memory_space<semaphore_mem>>) src(%dma_wait3A_83 : memref<624x128xf32, #tpu.memory_space<hbm>>) dst(%dma_wait3A_81 : memref<624x128xf32, #tpu.memory_space<vmem_shared>>)
        tpu.yield
      }) : () -> ()
    } else {
    }
    %eq3A = arith.constant 15 : i32
    %eq3A_36 = arith.cmpi eq, %arg1, %eq3A : i32
    %convert_element_type3A_37 = arith.extui %eq3A_36 : i1 to i32
    %cond3A_38 = arith.constant 0 : i32
    %cond3A_39 = arith.cmpi ne, %convert_element_type3A_37, %cond3A_38 : i32
    scf.if %cond3A_39 {
      "tpu.region"() ({
        %run_scoped3A = tpu.sem_alloc : memref<!tpu.dma_semaphore, #tpu.memory_space<semaphore_mem>>
        %dma_start3A_72 = arith.constant 9360 : i32
        %dma_start3A_73 = arith.constant 0 : i32
        %dma_start3A_74 = tpu.memref_slice %arg13[%dma_start3A_72, %dma_start3A_73] : memref<10016x128xf32, #tpu.memory_space<vmem_shared>> -> memref<656x128xf32, #tpu.memory_space<vmem_shared>>
        %dma_start3A_75 = arith.constant 9360 : i32
        %dma_start3A_76 = arith.constant 0 : i32
        %dma_start3A_77 = tpu.memref_slice %arg5[%dma_start3A_75, %dma_start3A_76] : memref<10016x128xf32, #tpu.memory_space<hbm>> -> memref<656x128xf32, #tpu.memory_space<hbm>>
        tpu.enqueue_dma source(%dma_start3A_77 : memref<656x128xf32, #tpu.memory_space<hbm>>) target(%dma_start3A_74 : memref<656x128xf32, #tpu.memory_space<vmem_shared>>) target_semaphore(%run_scoped3A : memref<!tpu.dma_semaphore, #tpu.memory_space<semaphore_mem>>)
        %dma_wait3A_78 = arith.constant 9360 : i32
        %dma_wait3A_79 = arith.constant 0 : i32
        %dma_wait3A_80 = tpu.memref_slice %arg13[%dma_wait3A_78, %dma_wait3A_79] : memref<10016x128xf32, #tpu.memory_space<vmem_shared>> -> memref<656x128xf32, #tpu.memory_space<vmem_shared>>
        %dma_wait3A_81 = arith.constant 9360 : i32
        %dma_wait3A_82 = arith.constant 0 : i32
        %dma_wait3A_83 = tpu.memref_slice %arg5[%dma_wait3A_81, %dma_wait3A_82] : memref<10016x128xf32, #tpu.memory_space<hbm>> -> memref<656x128xf32, #tpu.memory_space<hbm>>
        tpu.wait_dma2 semaphore(%run_scoped3A : memref<!tpu.dma_semaphore, #tpu.memory_space<semaphore_mem>>) src(%dma_wait3A_83 : memref<656x128xf32, #tpu.memory_space<hbm>>) dst(%dma_wait3A_80 : memref<656x128xf32, #tpu.memory_space<vmem_shared>>)
        tpu.yield
      }) : () -> ()
    } else {
    }
    %barrier3A = arith.constant 0 : index
    tpu.barrier barrier_id(%barrier3A)
    %scan3A = arith.constant 0 : i32
    %scan3A_40 = arith.constant 0 : i32
    %scan3A_41 = arith.constant 5 : i32
    %scan3A_42 = arith.addi %scan3A_40, %scan3A_41 : i32
    %scan3A_43 = arith.constant 1 : i32
    scf.for %scan3A_72 = %scan3A_40 to %scan3A_42 step %scan3A_43  : i32 {
      %mul3A_73 = arith.constant 2 : i32
      %mul3A_74 = arith.muli %mul3A_73, %scan3A_72 : i32
      %add3A_75 = arith.constant 2 : i32
      %add3A_76 = arith.addi %mul3A_74, %add3A_75 : i32
      %min3A = arith.constant 9 : i32
      %min3A_77 = arith.minsi %add3A_76, %min3A : i32
      %mul3A_78 = arith.constant 8 : i32
      %mul3A_79 = arith.muli %mul3A_78, %min3A_77 : i32
      %add3A_80 = arith.addi %add3A, %mul3A_79 : i32
      %dma_start3A_81 = arith.constant 1 : i32
      %dma_start3A_82 = arith.constant 0 : i32
      %dma_start3A_83 = tpu.memref_slice %arg7[%dma_start3A_81, %dma_start3A_82] : memref<8x128xi32, #tpu.memory_space<vmem>> -> memref<1x128xi32, #tpu.memory_space<vmem>>
      %dma_start3A_84 = tpu.memref_squeeze %dma_start3A_83 : memref<1x128xi32, #tpu.memory_space<vmem>> -> memref<128xi32, #tpu.memory_space<vmem>>
      %dma_start3A_85 = arith.constant 0 : i32
      %dma_start3A_86 = arith.constant 0 : i32
      %dma_start3A_87 = tpu.memref_slice %arg2[%dma_start3A_85, %dma_start3A_86] : memref<10240x128xf32, #tpu.memory_space<hbm>> -> memref<10240x128xf32, #tpu.memory_space<hbm>>
      tpu.enqueue_indirect_dma source(%dma_start3A_87 : memref<10240x128xf32, #tpu.memory_space<hbm>>) target(%arg12 : memref<128x128xf32, #tpu.memory_space<vmem>>) offsets(%dma_start3A_84 : memref<128xi32, #tpu.memory_space<vmem>>) semaphore(%arg14 : memref<!tpu.dma_semaphore, #tpu.memory_space<semaphore_mem>>)
      %dma_wait3A_88 = arith.constant 0 : i32
      %dma_wait3A_89 = arith.constant 0 : i32
      %dma_wait3A_90 = tpu.memref_slice %arg7[%dma_wait3A_88, %dma_wait3A_89] : memref<8x128xi32, #tpu.memory_space<vmem>> -> memref<1x128xi32, #tpu.memory_space<vmem>>
      %dma_wait3A_91 = tpu.memref_squeeze %dma_wait3A_90 : memref<1x128xi32, #tpu.memory_space<vmem>> -> memref<128xi32, #tpu.memory_space<vmem>>
      %dma_wait3A_92 = arith.constant 0 : i32
      %dma_wait3A_93 = arith.constant 0 : i32
      %dma_wait3A_94 = tpu.memref_slice %arg2[%dma_wait3A_92, %dma_wait3A_93] : memref<10240x128xf32, #tpu.memory_space<hbm>> -> memref<10240x128xf32, #tpu.memory_space<hbm>>
      tpu.wait_indirect_dma semaphore(%arg14 : memref<!tpu.dma_semaphore, #tpu.memory_space<semaphore_mem>>) src(%dma_wait3A_94 : memref<10240x128xf32, #tpu.memory_space<hbm>>) dst(%arg11 : memref<128x128xf32, #tpu.memory_space<vmem>>)
      %dma_start3A_95 = arith.constant 0 : i32
      %dma_start3A_96 = arith.constant 0 : i32
      %dma_start3A_97 = tpu.memref_slice %arg8[%dma_start3A_95, %dma_start3A_96] : memref<8x128xi32, #tpu.memory_space<vmem>> -> memref<1x128xi32, #tpu.memory_space<vmem>>
      %dma_start3A_98 = tpu.memref_squeeze %dma_start3A_97 : memref<1x128xi32, #tpu.memory_space<vmem>> -> memref<128xi32, #tpu.memory_space<vmem>>
      %dma_start3A_99 = arith.constant 0 : i32
      %dma_start3A_100 = arith.constant 0 : i32
      %dma_start3A_101 = tpu.memref_slice %arg13[%dma_start3A_99, %dma_start3A_100] : memref<10016x128xf32, #tpu.memory_space<vmem_shared>> -> memref<10016x128xf32, #tpu.memory_space<vmem_shared>>
      tpu.enqueue_indirect_dma source(%arg11 : memref<128x128xf32, #tpu.memory_space<vmem>>) target(%dma_start3A_101 : memref<10016x128xf32, #tpu.memory_space<vmem_shared>>) offsets(%dma_start3A_98 : memref<128xi32, #tpu.memory_space<vmem>>) semaphore(%arg15 : memref<!tpu.dma_semaphore, #tpu.memory_space<semaphore_mem>>) {add = true}
      %dma_wait3A_102 = arith.constant 0 : i32
      %dma_wait3A_103 = arith.constant 0 : i32
      %dma_wait3A_104 = tpu.memref_slice %arg8[%dma_wait3A_102, %dma_wait3A_103] : memref<8x128xi32, #tpu.memory_space<vmem>> -> memref<1x128xi32, #tpu.memory_space<vmem>>
      %dma_wait3A_105 = tpu.memref_squeeze %dma_wait3A_104 : memref<1x128xi32, #tpu.memory_space<vmem>> -> memref<128xi32, #tpu.memory_space<vmem>>
      %dma_wait3A_106 = arith.constant 0 : i32
      %dma_wait3A_107 = arith.constant 0 : i32
      %dma_wait3A_108 = tpu.memref_slice %arg13[%dma_wait3A_106, %dma_wait3A_107] : memref<10016x128xf32, #tpu.memory_space<vmem_shared>> -> memref<10016x128xf32, #tpu.memory_space<vmem_shared>>
      tpu.wait_indirect_dma semaphore(%arg15 : memref<!tpu.dma_semaphore, #tpu.memory_space<semaphore_mem>>) src(%arg11 : memref<128x128xf32, #tpu.memory_space<vmem>>) dst(%dma_wait3A_108 : memref<10016x128xf32, #tpu.memory_space<vmem_shared>>)
      %dma_start3A_109 = arith.constant 2 : i32
      %dma_start3A_110 = arith.constant 0 : i32
      %dma_start3A_111 = tpu.memref_slice %arg7[%dma_start3A_109, %dma_start3A_110] : memref<8x128xi32, #tpu.memory_space<vmem>> -> memref<1x128xi32, #tpu.memory_space<vmem>>
      %dma_start3A_112 = tpu.memref_squeeze %dma_start3A_111 : memref<1x128xi32, #tpu.memory_space<vmem>> -> memref<128xi32, #tpu.memory_space<vmem>>
      %dma_start3A_113 = arith.constant 0 : i32
      %dma_start3A_114 = arith.constant 0 : i32
      %dma_start3A_115 = tpu.memref_slice %arg2[%dma_start3A_113, %dma_start3A_114] : memref<10240x128xf32, #tpu.memory_space<hbm>> -> memref<10240x128xf32, #tpu.memory_space<hbm>>
      tpu.enqueue_indirect_dma source(%dma_start3A_115 : memref<10240x128xf32, #tpu.memory_space<hbm>>) target(%arg11 : memref<128x128xf32, #tpu.memory_space<vmem>>) offsets(%dma_start3A_112 : memref<128xi32, #tpu.memory_space<vmem>>) semaphore(%arg14 : memref<!tpu.dma_semaphore, #tpu.memory_space<semaphore_mem>>)
      %dma_wait3A_116 = arith.constant 1 : i32
      %dma_wait3A_117 = arith.constant 0 : i32
      %dma_wait3A_118 = tpu.memref_slice %arg7[%dma_wait3A_116, %dma_wait3A_117] : memref<8x128xi32, #tpu.memory_space<vmem>> -> memref<1x128xi32, #tpu.memory_space<vmem>>
      %dma_wait3A_119 = tpu.memref_squeeze %dma_wait3A_118 : memref<1x128xi32, #tpu.memory_space<vmem>> -> memref<128xi32, #tpu.memory_space<vmem>>
      %dma_wait3A_120 = arith.constant 0 : i32
      %dma_wait3A_121 = arith.constant 0 : i32
      %dma_wait3A_122 = tpu.memref_slice %arg2[%dma_wait3A_120, %dma_wait3A_121] : memref<10240x128xf32, #tpu.memory_space<hbm>> -> memref<10240x128xf32, #tpu.memory_space<hbm>>
      tpu.wait_indirect_dma semaphore(%arg14 : memref<!tpu.dma_semaphore, #tpu.memory_space<semaphore_mem>>) src(%dma_wait3A_122 : memref<10240x128xf32, #tpu.memory_space<hbm>>) dst(%arg12 : memref<128x128xf32, #tpu.memory_space<vmem>>)
      %dma_start3A_123 = arith.constant 1 : i32
      %dma_start3A_124 = arith.constant 0 : i32
      %dma_start3A_125 = tpu.memref_slice %arg8[%dma_start3A_123, %dma_start3A_124] : memref<8x128xi32, #tpu.memory_space<vmem>> -> memref<1x128xi32, #tpu.memory_space<vmem>>
      %dma_start3A_126 = tpu.memref_squeeze %dma_start3A_125 : memref<1x128xi32, #tpu.memory_space<vmem>> -> memref<128xi32, #tpu.memory_space<vmem>>
      %dma_start3A_127 = arith.constant 0 : i32
      %dma_start3A_128 = arith.constant 0 : i32
      %dma_start3A_129 = tpu.memref_slice %arg13[%dma_start3A_127, %dma_start3A_128] : memref<10016x128xf32, #tpu.memory_space<vmem_shared>> -> memref<10016x128xf32, #tpu.memory_space<vmem_shared>>
      tpu.enqueue_indirect_dma source(%arg12 : memref<128x128xf32, #tpu.memory_space<vmem>>) target(%dma_start3A_129 : memref<10016x128xf32, #tpu.memory_space<vmem_shared>>) offsets(%dma_start3A_126 : memref<128xi32, #tpu.memory_space<vmem>>) semaphore(%arg15 : memref<!tpu.dma_semaphore, #tpu.memory_space<semaphore_mem>>) {add = true}
      %dma_wait3A_130 = arith.constant 1 : i32
      %dma_wait3A_131 = arith.constant 0 : i32
      %dma_wait3A_132 = tpu.memref_slice %arg8[%dma_wait3A_130, %dma_wait3A_131] : memref<8x128xi32, #tpu.memory_space<vmem>> -> memref<1x128xi32, #tpu.memory_space<vmem>>
      %dma_wait3A_133 = tpu.memref_squeeze %dma_wait3A_132 : memref<1x128xi32, #tpu.memory_space<vmem>> -> memref<128xi32, #tpu.memory_space<vmem>>
      %dma_wait3A_134 = arith.constant 0 : i32
      %dma_wait3A_135 = arith.constant 0 : i32
      %dma_wait3A_136 = tpu.memref_slice %arg13[%dma_wait3A_134, %dma_wait3A_135] : memref<10016x128xf32, #tpu.memory_space<vmem_shared>> -> memref<10016x128xf32, #tpu.memory_space<vmem_shared>>
      tpu.wait_indirect_dma semaphore(%arg15 : memref<!tpu.dma_semaphore, #tpu.memory_space<semaphore_mem>>) src(%arg12 : memref<128x128xf32, #tpu.memory_space<vmem>>) dst(%dma_wait3A_136 : memref<10016x128xf32, #tpu.memory_space<vmem_shared>>)
      %dma_start3A_137 = arith.constant 3 : i32
      %dma_start3A_138 = arith.constant 0 : i32
      %dma_start3A_139 = tpu.memref_slice %arg7[%dma_start3A_137, %dma_start3A_138] : memref<8x128xi32, #tpu.memory_space<vmem>> -> memref<1x128xi32, #tpu.memory_space<vmem>>
      %dma_start3A_140 = tpu.memref_squeeze %dma_start3A_139 : memref<1x128xi32, #tpu.memory_space<vmem>> -> memref<128xi32, #tpu.memory_space<vmem>>
      %dma_start3A_141 = arith.constant 0 : i32
      %dma_start3A_142 = arith.constant 0 : i32
      %dma_start3A_143 = tpu.memref_slice %arg2[%dma_start3A_141, %dma_start3A_142] : memref<10240x128xf32, #tpu.memory_space<hbm>> -> memref<10240x128xf32, #tpu.memory_space<hbm>>
      tpu.enqueue_indirect_dma source(%dma_start3A_143 : memref<10240x128xf32, #tpu.memory_space<hbm>>) target(%arg12 : memref<128x128xf32, #tpu.memory_space<vmem>>) offsets(%dma_start3A_140 : memref<128xi32, #tpu.memory_space<vmem>>) semaphore(%arg14 : memref<!tpu.dma_semaphore, #tpu.memory_space<semaphore_mem>>)
      %dma_wait3A_144 = arith.constant 2 : i32
      %dma_wait3A_145 = arith.constant 0 : i32
      %dma_wait3A_146 = tpu.memref_slice %arg7[%dma_wait3A_144, %dma_wait3A_145] : memref<8x128xi32, #tpu.memory_space<vmem>> -> memref<1x128xi32, #tpu.memory_space<vmem>>
      %dma_wait3A_147 = tpu.memref_squeeze %dma_wait3A_146 : memref<1x128xi32, #tpu.memory_space<vmem>> -> memref<128xi32, #tpu.memory_space<vmem>>
      %dma_wait3A_148 = arith.constant 0 : i32
      %dma_wait3A_149 = arith.constant 0 : i32
      %dma_wait3A_150 = tpu.memref_slice %arg2[%dma_wait3A_148, %dma_wait3A_149] : memref<10240x128xf32, #tpu.memory_space<hbm>> -> memref<10240x128xf32, #tpu.memory_space<hbm>>
      tpu.wait_indirect_dma semaphore(%arg14 : memref<!tpu.dma_semaphore, #tpu.memory_space<semaphore_mem>>) src(%dma_wait3A_150 : memref<10240x128xf32, #tpu.memory_space<hbm>>) dst(%arg11 : memref<128x128xf32, #tpu.memory_space<vmem>>)
      %dma_start3A_151 = arith.constant 2 : i32
      %dma_start3A_152 = arith.constant 0 : i32
      %dma_start3A_153 = tpu.memref_slice %arg8[%dma_start3A_151, %dma_start3A_152] : memref<8x128xi32, #tpu.memory_space<vmem>> -> memref<1x128xi32, #tpu.memory_space<vmem>>
      %dma_start3A_154 = tpu.memref_squeeze %dma_start3A_153 : memref<1x128xi32, #tpu.memory_space<vmem>> -> memref<128xi32, #tpu.memory_space<vmem>>
      %dma_start3A_155 = arith.constant 0 : i32
      %dma_start3A_156 = arith.constant 0 : i32
      %dma_start3A_157 = tpu.memref_slice %arg13[%dma_start3A_155, %dma_start3A_156] : memref<10016x128xf32, #tpu.memory_space<vmem_shared>> -> memref<10016x128xf32, #tpu.memory_space<vmem_shared>>
      tpu.enqueue_indirect_dma source(%arg11 : memref<128x128xf32, #tpu.memory_space<vmem>>) target(%dma_start3A_157 : memref<10016x128xf32, #tpu.memory_space<vmem_shared>>) offsets(%dma_start3A_154 : memref<128xi32, #tpu.memory_space<vmem>>) semaphore(%arg15 : memref<!tpu.dma_semaphore, #tpu.memory_space<semaphore_mem>>) {add = true}
      %dma_wait3A_158 = arith.constant 2 : i32
      %dma_wait3A_159 = arith.constant 0 : i32
      %dma_wait3A_160 = tpu.memref_slice %arg8[%dma_wait3A_158, %dma_wait3A_159] : memref<8x128xi32, #tpu.memory_space<vmem>> -> memref<1x128xi32, #tpu.memory_space<vmem>>
      %dma_wait3A_161 = tpu.memref_squeeze %dma_wait3A_160 : memref<1x128xi32, #tpu.memory_space<vmem>> -> memref<128xi32, #tpu.memory_space<vmem>>
      %dma_wait3A_162 = arith.constant 0 : i32
      %dma_wait3A_163 = arith.constant 0 : i32
      %dma_wait3A_164 = tpu.memref_slice %arg13[%dma_wait3A_162, %dma_wait3A_163] : memref<10016x128xf32, #tpu.memory_space<vmem_shared>> -> memref<10016x128xf32, #tpu.memory_space<vmem_shared>>
      tpu.wait_indirect_dma semaphore(%arg15 : memref<!tpu.dma_semaphore, #tpu.memory_space<semaphore_mem>>) src(%arg11 : memref<128x128xf32, #tpu.memory_space<vmem>>) dst(%dma_wait3A_164 : memref<10016x128xf32, #tpu.memory_space<vmem_shared>>)
      %dma_start3A_165 = arith.constant 4 : i32
      %dma_start3A_166 = arith.constant 0 : i32
      %dma_start3A_167 = tpu.memref_slice %arg7[%dma_start3A_165, %dma_start3A_166] : memref<8x128xi32, #tpu.memory_space<vmem>> -> memref<1x128xi32, #tpu.memory_space<vmem>>
      %dma_start3A_168 = tpu.memref_squeeze %dma_start3A_167 : memref<1x128xi32, #tpu.memory_space<vmem>> -> memref<128xi32, #tpu.memory_space<vmem>>
      %dma_start3A_169 = arith.constant 0 : i32
      %dma_start3A_170 = arith.constant 0 : i32
      %dma_start3A_171 = tpu.memref_slice %arg2[%dma_start3A_169, %dma_start3A_170] : memref<10240x128xf32, #tpu.memory_space<hbm>> -> memref<10240x128xf32, #tpu.memory_space<hbm>>
      tpu.enqueue_indirect_dma source(%dma_start3A_171 : memref<10240x128xf32, #tpu.memory_space<hbm>>) target(%arg11 : memref<128x128xf32, #tpu.memory_space<vmem>>) offsets(%dma_start3A_168 : memref<128xi32, #tpu.memory_space<vmem>>) semaphore(%arg14 : memref<!tpu.dma_semaphore, #tpu.memory_space<semaphore_mem>>)
      %dma_wait3A_172 = arith.constant 3 : i32
      %dma_wait3A_173 = arith.constant 0 : i32
      %dma_wait3A_174 = tpu.memref_slice %arg7[%dma_wait3A_172, %dma_wait3A_173] : memref<8x128xi32, #tpu.memory_space<vmem>> -> memref<1x128xi32, #tpu.memory_space<vmem>>
      %dma_wait3A_175 = tpu.memref_squeeze %dma_wait3A_174 : memref<1x128xi32, #tpu.memory_space<vmem>> -> memref<128xi32, #tpu.memory_space<vmem>>
      %dma_wait3A_176 = arith.constant 0 : i32
      %dma_wait3A_177 = arith.constant 0 : i32
      %dma_wait3A_178 = tpu.memref_slice %arg2[%dma_wait3A_176, %dma_wait3A_177] : memref<10240x128xf32, #tpu.memory_space<hbm>> -> memref<10240x128xf32, #tpu.memory_space<hbm>>
      tpu.wait_indirect_dma semaphore(%arg14 : memref<!tpu.dma_semaphore, #tpu.memory_space<semaphore_mem>>) src(%dma_wait3A_178 : memref<10240x128xf32, #tpu.memory_space<hbm>>) dst(%arg12 : memref<128x128xf32, #tpu.memory_space<vmem>>)
      %dma_start3A_179 = arith.constant 3 : i32
      %dma_start3A_180 = arith.constant 0 : i32
      %dma_start3A_181 = tpu.memref_slice %arg8[%dma_start3A_179, %dma_start3A_180] : memref<8x128xi32, #tpu.memory_space<vmem>> -> memref<1x128xi32, #tpu.memory_space<vmem>>
      %dma_start3A_182 = tpu.memref_squeeze %dma_start3A_181 : memref<1x128xi32, #tpu.memory_space<vmem>> -> memref<128xi32, #tpu.memory_space<vmem>>
      %dma_start3A_183 = arith.constant 0 : i32
      %dma_start3A_184 = arith.constant 0 : i32
      %dma_start3A_185 = tpu.memref_slice %arg13[%dma_start3A_183, %dma_start3A_184] : memref<10016x128xf32, #tpu.memory_space<vmem_shared>> -> memref<10016x128xf32, #tpu.memory_space<vmem_shared>>
      tpu.enqueue_indirect_dma source(%arg12 : memref<128x128xf32, #tpu.memory_space<vmem>>) target(%dma_start3A_185 : memref<10016x128xf32, #tpu.memory_space<vmem_shared>>) offsets(%dma_start3A_182 : memref<128xi32, #tpu.memory_space<vmem>>) semaphore(%arg15 : memref<!tpu.dma_semaphore, #tpu.memory_space<semaphore_mem>>) {add = true}
      %dma_wait3A_186 = arith.constant 3 : i32
      %dma_wait3A_187 = arith.constant 0 : i32
      %dma_wait3A_188 = tpu.memref_slice %arg8[%dma_wait3A_186, %dma_wait3A_187] : memref<8x128xi32, #tpu.memory_space<vmem>> -> memref<1x128xi32, #tpu.memory_space<vmem>>
      %dma_wait3A_189 = tpu.memref_squeeze %dma_wait3A_188 : memref<1x128xi32, #tpu.memory_space<vmem>> -> memref<128xi32, #tpu.memory_space<vmem>>
      %dma_wait3A_190 = arith.constant 0 : i32
      %dma_wait3A_191 = arith.constant 0 : i32
      %dma_wait3A_192 = tpu.memref_slice %arg13[%dma_wait3A_190, %dma_wait3A_191] : memref<10016x128xf32, #tpu.memory_space<vmem_shared>> -> memref<10016x128xf32, #tpu.memory_space<vmem_shared>>
      tpu.wait_indirect_dma semaphore(%arg15 : memref<!tpu.dma_semaphore, #tpu.memory_space<semaphore_mem>>) src(%arg12 : memref<128x128xf32, #tpu.memory_space<vmem>>) dst(%dma_wait3A_192 : memref<10016x128xf32, #tpu.memory_space<vmem_shared>>)
      %dma_start3A_193 = arith.constant 5 : i32
      %dma_start3A_194 = arith.constant 0 : i32
      %dma_start3A_195 = tpu.memref_slice %arg7[%dma_start3A_193, %dma_start3A_194] : memref<8x128xi32, #tpu.memory_space<vmem>> -> memref<1x128xi32, #tpu.memory_space<vmem>>
      %dma_start3A_196 = tpu.memref_squeeze %dma_start3A_195 : memref<1x128xi32, #tpu.memory_space<vmem>> -> memref<128xi32, #tpu.memory_space<vmem>>
      %dma_start3A_197 = arith.constant 0 : i32
      %dma_start3A_198 = arith.constant 0 : i32
      %dma_start3A_199 = tpu.memref_slice %arg2[%dma_start3A_197, %dma_start3A_198] : memref<10240x128xf32, #tpu.memory_space<hbm>> -> memref<10240x128xf32, #tpu.memory_space<hbm>>
      tpu.enqueue_indirect_dma source(%dma_start3A_199 : memref<10240x128xf32, #tpu.memory_space<hbm>>) target(%arg12 : memref<128x128xf32, #tpu.memory_space<vmem>>) offsets(%dma_start3A_196 : memref<128xi32, #tpu.memory_space<vmem>>) semaphore(%arg14 : memref<!tpu.dma_semaphore, #tpu.memory_space<semaphore_mem>>)
      %dma_wait3A_200 = arith.constant 4 : i32
      %dma_wait3A_201 = arith.constant 0 : i32
      %dma_wait3A_202 = tpu.memref_slice %arg7[%dma_wait3A_200, %dma_wait3A_201] : memref<8x128xi32, #tpu.memory_space<vmem>> -> memref<1x128xi32, #tpu.memory_space<vmem>>
      %dma_wait3A_203 = tpu.memref_squeeze %dma_wait3A_202 : memref<1x128xi32, #tpu.memory_space<vmem>> -> memref<128xi32, #tpu.memory_space<vmem>>
      %dma_wait3A_204 = arith.constant 0 : i32
      %dma_wait3A_205 = arith.constant 0 : i32
      %dma_wait3A_206 = tpu.memref_slice %arg2[%dma_wait3A_204, %dma_wait3A_205] : memref<10240x128xf32, #tpu.memory_space<hbm>> -> memref<10240x128xf32, #tpu.memory_space<hbm>>
      tpu.wait_indirect_dma semaphore(%arg14 : memref<!tpu.dma_semaphore, #tpu.memory_space<semaphore_mem>>) src(%dma_wait3A_206 : memref<10240x128xf32, #tpu.memory_space<hbm>>) dst(%arg11 : memref<128x128xf32, #tpu.memory_space<vmem>>)
      %dma_start3A_207 = arith.constant 4 : i32
      %dma_start3A_208 = arith.constant 0 : i32
      %dma_start3A_209 = tpu.memref_slice %arg8[%dma_start3A_207, %dma_start3A_208] : memref<8x128xi32, #tpu.memory_space<vmem>> -> memref<1x128xi32, #tpu.memory_space<vmem>>
      %dma_start3A_210 = tpu.memref_squeeze %dma_start3A_209 : memref<1x128xi32, #tpu.memory_space<vmem>> -> memref<128xi32, #tpu.memory_space<vmem>>
      %dma_start3A_211 = arith.constant 0 : i32
      %dma_start3A_212 = arith.constant 0 : i32
      %dma_start3A_213 = tpu.memref_slice %arg13[%dma_start3A_211, %dma_start3A_212] : memref<10016x128xf32, #tpu.memory_space<vmem_shared>> -> memref<10016x128xf32, #tpu.memory_space<vmem_shared>>
      tpu.enqueue_indirect_dma source(%arg11 : memref<128x128xf32, #tpu.memory_space<vmem>>) target(%dma_start3A_213 : memref<10016x128xf32, #tpu.memory_space<vmem_shared>>) offsets(%dma_start3A_210 : memref<128xi32, #tpu.memory_space<vmem>>) semaphore(%arg15 : memref<!tpu.dma_semaphore, #tpu.memory_space<semaphore_mem>>) {add = true}
      %dma_wait3A_214 = arith.constant 4 : i32
      %dma_wait3A_215 = arith.constant 0 : i32
      %dma_wait3A_216 = tpu.memref_slice %arg8[%dma_wait3A_214, %dma_wait3A_215] : memref<8x128xi32, #tpu.memory_space<vmem>> -> memref<1x128xi32, #tpu.memory_space<vmem>>
      %dma_wait3A_217 = tpu.memref_squeeze %dma_wait3A_216 : memref<1x128xi32, #tpu.memory_space<vmem>> -> memref<128xi32, #tpu.memory_space<vmem>>
      %dma_wait3A_218 = arith.constant 0 : i32
      %dma_wait3A_219 = arith.constant 0 : i32
      %dma_wait3A_220 = tpu.memref_slice %arg13[%dma_wait3A_218, %dma_wait3A_219] : memref<10016x128xf32, #tpu.memory_space<vmem_shared>> -> memref<10016x128xf32, #tpu.memory_space<vmem_shared>>
      tpu.wait_indirect_dma semaphore(%arg15 : memref<!tpu.dma_semaphore, #tpu.memory_space<semaphore_mem>>) src(%arg11 : memref<128x128xf32, #tpu.memory_space<vmem>>) dst(%dma_wait3A_220 : memref<10016x128xf32, #tpu.memory_space<vmem_shared>>)
      %dma_start3A_221 = arith.constant 6 : i32
      %dma_start3A_222 = arith.constant 0 : i32
      %dma_start3A_223 = tpu.memref_slice %arg7[%dma_start3A_221, %dma_start3A_222] : memref<8x128xi32, #tpu.memory_space<vmem>> -> memref<1x128xi32, #tpu.memory_space<vmem>>
      %dma_start3A_224 = tpu.memref_squeeze %dma_start3A_223 : memref<1x128xi32, #tpu.memory_space<vmem>> -> memref<128xi32, #tpu.memory_space<vmem>>
      %dma_start3A_225 = arith.constant 0 : i32
      %dma_start3A_226 = arith.constant 0 : i32
      %dma_start3A_227 = tpu.memref_slice %arg2[%dma_start3A_225, %dma_start3A_226] : memref<10240x128xf32, #tpu.memory_space<hbm>> -> memref<10240x128xf32, #tpu.memory_space<hbm>>
      tpu.enqueue_indirect_dma source(%dma_start3A_227 : memref<10240x128xf32, #tpu.memory_space<hbm>>) target(%arg11 : memref<128x128xf32, #tpu.memory_space<vmem>>) offsets(%dma_start3A_224 : memref<128xi32, #tpu.memory_space<vmem>>) semaphore(%arg14 : memref<!tpu.dma_semaphore, #tpu.memory_space<semaphore_mem>>)
      %dma_wait3A_228 = arith.constant 5 : i32
      %dma_wait3A_229 = arith.constant 0 : i32
      %dma_wait3A_230 = tpu.memref_slice %arg7[%dma_wait3A_228, %dma_wait3A_229] : memref<8x128xi32, #tpu.memory_space<vmem>> -> memref<1x128xi32, #tpu.memory_space<vmem>>
      %dma_wait3A_231 = tpu.memref_squeeze %dma_wait3A_230 : memref<1x128xi32, #tpu.memory_space<vmem>> -> memref<128xi32, #tpu.memory_space<vmem>>
      %dma_wait3A_232 = arith.constant 0 : i32
      %dma_wait3A_233 = arith.constant 0 : i32
      %dma_wait3A_234 = tpu.memref_slice %arg2[%dma_wait3A_232, %dma_wait3A_233] : memref<10240x128xf32, #tpu.memory_space<hbm>> -> memref<10240x128xf32, #tpu.memory_space<hbm>>
      tpu.wait_indirect_dma semaphore(%arg14 : memref<!tpu.dma_semaphore, #tpu.memory_space<semaphore_mem>>) src(%dma_wait3A_234 : memref<10240x128xf32, #tpu.memory_space<hbm>>) dst(%arg12 : memref<128x128xf32, #tpu.memory_space<vmem>>)
      %dma_start3A_235 = arith.constant 5 : i32
      %dma_start3A_236 = arith.constant 0 : i32
      %dma_start3A_237 = tpu.memref_slice %arg8[%dma_start3A_235, %dma_start3A_236] : memref<8x128xi32, #tpu.memory_space<vmem>> -> memref<1x128xi32, #tpu.memory_space<vmem>>
      %dma_start3A_238 = tpu.memref_squeeze %dma_start3A_237 : memref<1x128xi32, #tpu.memory_space<vmem>> -> memref<128xi32, #tpu.memory_space<vmem>>
      %dma_start3A_239 = arith.constant 0 : i32
      %dma_start3A_240 = arith.constant 0 : i32
      %dma_start3A_241 = tpu.memref_slice %arg13[%dma_start3A_239, %dma_start3A_240] : memref<10016x128xf32, #tpu.memory_space<vmem_shared>> -> memref<10016x128xf32, #tpu.memory_space<vmem_shared>>
      tpu.enqueue_indirect_dma source(%arg12 : memref<128x128xf32, #tpu.memory_space<vmem>>) target(%dma_start3A_241 : memref<10016x128xf32, #tpu.memory_space<vmem_shared>>) offsets(%dma_start3A_238 : memref<128xi32, #tpu.memory_space<vmem>>) semaphore(%arg15 : memref<!tpu.dma_semaphore, #tpu.memory_space<semaphore_mem>>) {add = true}
      %dma_wait3A_242 = arith.constant 5 : i32
      %dma_wait3A_243 = arith.constant 0 : i32
      %dma_wait3A_244 = tpu.memref_slice %arg8[%dma_wait3A_242, %dma_wait3A_243] : memref<8x128xi32, #tpu.memory_space<vmem>> -> memref<1x128xi32, #tpu.memory_space<vmem>>
      %dma_wait3A_245 = tpu.memref_squeeze %dma_wait3A_244 : memref<1x128xi32, #tpu.memory_space<vmem>> -> memref<128xi32, #tpu.memory_space<vmem>>
      %dma_wait3A_246 = arith.constant 0 : i32
      %dma_wait3A_247 = arith.constant 0 : i32
      %dma_wait3A_248 = tpu.memref_slice %arg13[%dma_wait3A_246, %dma_wait3A_247] : memref<10016x128xf32, #tpu.memory_space<vmem_shared>> -> memref<10016x128xf32, #tpu.memory_space<vmem_shared>>
      tpu.wait_indirect_dma semaphore(%arg15 : memref<!tpu.dma_semaphore, #tpu.memory_space<semaphore_mem>>) src(%arg12 : memref<128x128xf32, #tpu.memory_space<vmem>>) dst(%dma_wait3A_248 : memref<10016x128xf32, #tpu.memory_space<vmem_shared>>)
      %dma_start3A_249 = arith.constant 7 : i32
      %dma_start3A_250 = arith.constant 0 : i32
      %dma_start3A_251 = tpu.memref_slice %arg7[%dma_start3A_249, %dma_start3A_250] : memref<8x128xi32, #tpu.memory_space<vmem>> -> memref<1x128xi32, #tpu.memory_space<vmem>>
      %dma_start3A_252 = tpu.memref_squeeze %dma_start3A_251 : memref<1x128xi32, #tpu.memory_space<vmem>> -> memref<128xi32, #tpu.memory_space<vmem>>
      %dma_start3A_253 = arith.constant 0 : i32
      %dma_start3A_254 = arith.constant 0 : i32
      %dma_start3A_255 = tpu.memref_slice %arg2[%dma_start3A_253, %dma_start3A_254] : memref<10240x128xf32, #tpu.memory_space<hbm>> -> memref<10240x128xf32, #tpu.memory_space<hbm>>
      tpu.enqueue_indirect_dma source(%dma_start3A_255 : memref<10240x128xf32, #tpu.memory_space<hbm>>) target(%arg12 : memref<128x128xf32, #tpu.memory_space<vmem>>) offsets(%dma_start3A_252 : memref<128xi32, #tpu.memory_space<vmem>>) semaphore(%arg14 : memref<!tpu.dma_semaphore, #tpu.memory_space<semaphore_mem>>)
      %dma_wait3A_256 = arith.constant 6 : i32
      %dma_wait3A_257 = arith.constant 0 : i32
      %dma_wait3A_258 = tpu.memref_slice %arg7[%dma_wait3A_256, %dma_wait3A_257] : memref<8x128xi32, #tpu.memory_space<vmem>> -> memref<1x128xi32, #tpu.memory_space<vmem>>
      %dma_wait3A_259 = tpu.memref_squeeze %dma_wait3A_258 : memref<1x128xi32, #tpu.memory_space<vmem>> -> memref<128xi32, #tpu.memory_space<vmem>>
      %dma_wait3A_260 = arith.constant 0 : i32
      %dma_wait3A_261 = arith.constant 0 : i32
      %dma_wait3A_262 = tpu.memref_slice %arg2[%dma_wait3A_260, %dma_wait3A_261] : memref<10240x128xf32, #tpu.memory_space<hbm>> -> memref<10240x128xf32, #tpu.memory_space<hbm>>
      tpu.wait_indirect_dma semaphore(%arg14 : memref<!tpu.dma_semaphore, #tpu.memory_space<semaphore_mem>>) src(%dma_wait3A_262 : memref<10240x128xf32, #tpu.memory_space<hbm>>) dst(%arg11 : memref<128x128xf32, #tpu.memory_space<vmem>>)
      %dma_start3A_263 = arith.constant 6 : i32
      %dma_start3A_264 = arith.constant 0 : i32
      %dma_start3A_265 = tpu.memref_slice %arg8[%dma_start3A_263, %dma_start3A_264] : memref<8x128xi32, #tpu.memory_space<vmem>> -> memref<1x128xi32, #tpu.memory_space<vmem>>
      %dma_start3A_266 = tpu.memref_squeeze %dma_start3A_265 : memref<1x128xi32, #tpu.memory_space<vmem>> -> memref<128xi32, #tpu.memory_space<vmem>>
      %dma_start3A_267 = arith.constant 0 : i32
      %dma_start3A_268 = arith.constant 0 : i32
      %dma_start3A_269 = tpu.memref_slice %arg13[%dma_start3A_267, %dma_start3A_268] : memref<10016x128xf32, #tpu.memory_space<vmem_shared>> -> memref<10016x128xf32, #tpu.memory_space<vmem_shared>>
      tpu.enqueue_indirect_dma source(%arg11 : memref<128x128xf32, #tpu.memory_space<vmem>>) target(%dma_start3A_269 : memref<10016x128xf32, #tpu.memory_space<vmem_shared>>) offsets(%dma_start3A_266 : memref<128xi32, #tpu.memory_space<vmem>>) semaphore(%arg15 : memref<!tpu.dma_semaphore, #tpu.memory_space<semaphore_mem>>) {add = true}
      %dma_wait3A_270 = arith.constant 7 : i32
      %dma_wait3A_271 = arith.constant 0 : i32
      %dma_wait3A_272 = tpu.memref_slice %arg7[%dma_wait3A_270, %dma_wait3A_271] : memref<8x128xi32, #tpu.memory_space<vmem>> -> memref<1x128xi32, #tpu.memory_space<vmem>>
      %dma_wait3A_273 = tpu.memref_squeeze %dma_wait3A_272 : memref<1x128xi32, #tpu.memory_space<vmem>> -> memref<128xi32, #tpu.memory_space<vmem>>
      %dma_wait3A_274 = arith.constant 0 : i32
      %dma_wait3A_275 = arith.constant 0 : i32
      %dma_wait3A_276 = tpu.memref_slice %arg2[%dma_wait3A_274, %dma_wait3A_275] : memref<10240x128xf32, #tpu.memory_space<hbm>> -> memref<10240x128xf32, #tpu.memory_space<hbm>>
      tpu.wait_indirect_dma semaphore(%arg14 : memref<!tpu.dma_semaphore, #tpu.memory_space<semaphore_mem>>) src(%dma_wait3A_276 : memref<10240x128xf32, #tpu.memory_space<hbm>>) dst(%arg12 : memref<128x128xf32, #tpu.memory_space<vmem>>)
      %dma_start3A_277 = arith.constant 7 : i32
      %dma_start3A_278 = arith.constant 0 : i32
      %dma_start3A_279 = tpu.memref_slice %arg8[%dma_start3A_277, %dma_start3A_278] : memref<8x128xi32, #tpu.memory_space<vmem>> -> memref<1x128xi32, #tpu.memory_space<vmem>>
      %dma_start3A_280 = tpu.memref_squeeze %dma_start3A_279 : memref<1x128xi32, #tpu.memory_space<vmem>> -> memref<128xi32, #tpu.memory_space<vmem>>
      %dma_start3A_281 = arith.constant 0 : i32
      %dma_start3A_282 = arith.constant 0 : i32
      %dma_start3A_283 = tpu.memref_slice %arg13[%dma_start3A_281, %dma_start3A_282] : memref<10016x128xf32, #tpu.memory_space<vmem_shared>> -> memref<10016x128xf32, #tpu.memory_space<vmem_shared>>
      tpu.enqueue_indirect_dma source(%arg12 : memref<128x128xf32, #tpu.memory_space<vmem>>) target(%dma_start3A_283 : memref<10016x128xf32, #tpu.memory_space<vmem_shared>>) offsets(%dma_start3A_280 : memref<128xi32, #tpu.memory_space<vmem>>) semaphore(%arg15 : memref<!tpu.dma_semaphore, #tpu.memory_space<semaphore_mem>>) {add = true}
      %dma_wait3A_284 = arith.constant 6 : i32
      %dma_wait3A_285 = arith.constant 0 : i32
      %dma_wait3A_286 = tpu.memref_slice %arg8[%dma_wait3A_284, %dma_wait3A_285] : memref<8x128xi32, #tpu.memory_space<vmem>> -> memref<1x128xi32, #tpu.memory_space<vmem>>
      %dma_wait3A_287 = tpu.memref_squeeze %dma_wait3A_286 : memref<1x128xi32, #tpu.memory_space<vmem>> -> memref<128xi32, #tpu.memory_space<vmem>>
      %dma_wait3A_288 = arith.constant 0 : i32
      %dma_wait3A_289 = arith.constant 0 : i32
      %dma_wait3A_290 = tpu.memref_slice %arg13[%dma_wait3A_288, %dma_wait3A_289] : memref<10016x128xf32, #tpu.memory_space<vmem_shared>> -> memref<10016x128xf32, #tpu.memory_space<vmem_shared>>
      tpu.wait_indirect_dma semaphore(%arg15 : memref<!tpu.dma_semaphore, #tpu.memory_space<semaphore_mem>>) src(%arg11 : memref<128x128xf32, #tpu.memory_space<vmem>>) dst(%dma_wait3A_290 : memref<10016x128xf32, #tpu.memory_space<vmem_shared>>)
      %dma_wait3A_291 = arith.constant 0 : i32
      %dma_wait3A_292 = tpu.memref_slice %arg3[%add3A, %dma_wait3A_291] : memref<2560x128xi32, #tpu.memory_space<hbm>> -> memref<8x128xi32, #tpu.memory_space<hbm>>
      %dma_wait3A_293 = arith.constant 0 : i32
      %dma_wait3A_294 = tpu.memref_slice %arg3[%add3A, %dma_wait3A_293] : memref<2560x128xi32, #tpu.memory_space<hbm>> -> memref<8x128xi32, #tpu.memory_space<hbm>>
      tpu.wait_dma2 semaphore(%arg16 : memref<!tpu.dma_semaphore, #tpu.memory_space<semaphore_mem>>) src(%dma_wait3A_294 : memref<8x128xi32, #tpu.memory_space<hbm>>) dst(%arg9 : memref<8x128xi32, #tpu.memory_space<vmem>>)
      %dma_wait3A_295 = arith.constant 0 : i32
      %dma_wait3A_296 = tpu.memref_slice %arg4[%add3A, %dma_wait3A_295] : memref<2560x128xi32, #tpu.memory_space<hbm>> -> memref<8x128xi32, #tpu.memory_space<hbm>>
      %dma_wait3A_297 = arith.constant 0 : i32
      %dma_wait3A_298 = tpu.memref_slice %arg4[%add3A, %dma_wait3A_297] : memref<2560x128xi32, #tpu.memory_space<hbm>> -> memref<8x128xi32, #tpu.memory_space<hbm>>
      tpu.wait_dma2 semaphore(%arg16 : memref<!tpu.dma_semaphore, #tpu.memory_space<semaphore_mem>>) src(%dma_wait3A_298 : memref<8x128xi32, #tpu.memory_space<hbm>>) dst(%arg10 : memref<8x128xi32, #tpu.memory_space<vmem>>)
      %dma_start3A_299 = arith.constant 0 : i32
      %dma_start3A_300 = arith.constant 0 : i32
      %dma_start3A_301 = tpu.memref_slice %arg9[%dma_start3A_299, %dma_start3A_300] : memref<8x128xi32, #tpu.memory_space<vmem>> -> memref<1x128xi32, #tpu.memory_space<vmem>>
      %dma_start3A_302 = tpu.memref_squeeze %dma_start3A_301 : memref<1x128xi32, #tpu.memory_space<vmem>> -> memref<128xi32, #tpu.memory_space<vmem>>
      %dma_start3A_303 = arith.constant 0 : i32
      %dma_start3A_304 = arith.constant 0 : i32
      %dma_start3A_305 = tpu.memref_slice %arg2[%dma_start3A_303, %dma_start3A_304] : memref<10240x128xf32, #tpu.memory_space<hbm>> -> memref<10240x128xf32, #tpu.memory_space<hbm>>
      tpu.enqueue_indirect_dma source(%dma_start3A_305 : memref<10240x128xf32, #tpu.memory_space<hbm>>) target(%arg11 : memref<128x128xf32, #tpu.memory_space<vmem>>) offsets(%dma_start3A_302 : memref<128xi32, #tpu.memory_space<vmem>>) semaphore(%arg14 : memref<!tpu.dma_semaphore, #tpu.memory_space<semaphore_mem>>)
      %dma_wait3A_306 = arith.constant 7 : i32
      %dma_wait3A_307 = arith.constant 0 : i32
      %dma_wait3A_308 = tpu.memref_slice %arg8[%dma_wait3A_306, %dma_wait3A_307] : memref<8x128xi32, #tpu.memory_space<vmem>> -> memref<1x128xi32, #tpu.memory_space<vmem>>
      %dma_wait3A_309 = tpu.memref_squeeze %dma_wait3A_308 : memref<1x128xi32, #tpu.memory_space<vmem>> -> memref<128xi32, #tpu.memory_space<vmem>>
      %dma_wait3A_310 = arith.constant 0 : i32
      %dma_wait3A_311 = arith.constant 0 : i32
      %dma_wait3A_312 = tpu.memref_slice %arg13[%dma_wait3A_310, %dma_wait3A_311] : memref<10016x128xf32, #tpu.memory_space<vmem_shared>> -> memref<10016x128xf32, #tpu.memory_space<vmem_shared>>
      tpu.wait_indirect_dma semaphore(%arg15 : memref<!tpu.dma_semaphore, #tpu.memory_space<semaphore_mem>>) src(%arg12 : memref<128x128xf32, #tpu.memory_space<vmem>>) dst(%dma_wait3A_312 : memref<10016x128xf32, #tpu.memory_space<vmem_shared>>)
      %dma_start3A_313 = arith.constant 0 : i32
      %dma_start3A_314 = tpu.memref_slice %arg3[%add3A_80, %dma_start3A_313] : memref<2560x128xi32, #tpu.memory_space<hbm>> -> memref<8x128xi32, #tpu.memory_space<hbm>>
      %dma_start3A_315 = arith.constant 0 : i32
      %dma_start3A_316 = tpu.memref_slice %arg3[%add3A_80, %dma_start3A_315] : memref<2560x128xi32, #tpu.memory_space<hbm>> -> memref<8x128xi32, #tpu.memory_space<hbm>>
      tpu.enqueue_dma source(%dma_start3A_316 : memref<8x128xi32, #tpu.memory_space<hbm>>) target(%arg7 : memref<8x128xi32, #tpu.memory_space<vmem>>) target_semaphore(%arg16 : memref<!tpu.dma_semaphore, #tpu.memory_space<semaphore_mem>>)
      %dma_start3A_317 = arith.constant 0 : i32
      %dma_start3A_318 = tpu.memref_slice %arg4[%add3A_80, %dma_start3A_317] : memref<2560x128xi32, #tpu.memory_space<hbm>> -> memref<8x128xi32, #tpu.memory_space<hbm>>
      %dma_start3A_319 = arith.constant 0 : i32
      %dma_start3A_320 = tpu.memref_slice %arg4[%add3A_80, %dma_start3A_319] : memref<2560x128xi32, #tpu.memory_space<hbm>> -> memref<8x128xi32, #tpu.memory_space<hbm>>
      tpu.enqueue_dma source(%dma_start3A_320 : memref<8x128xi32, #tpu.memory_space<hbm>>) target(%arg8 : memref<8x128xi32, #tpu.memory_space<vmem>>) target_semaphore(%arg16 : memref<!tpu.dma_semaphore, #tpu.memory_space<semaphore_mem>>)
      %mul3A_321 = arith.constant 2 : i32
      %mul3A_322 = arith.muli %mul3A_321, %scan3A_72 : i32
      %add3A_323 = arith.constant 3 : i32
      %add3A_324 = arith.addi %mul3A_322, %add3A_323 : i32
      %min3A_325 = arith.constant 9 : i32
      %min3A_326 = arith.minsi %add3A_324, %min3A_325 : i32
      %mul3A_327 = arith.constant 8 : i32
      %mul3A_328 = arith.muli %mul3A_327, %min3A_326 : i32
      %add3A_329 = arith.addi %add3A, %mul3A_328 : i32
      %lt3A_330 = arith.constant 4 : i32
      %lt3A_331 = arith.cmpi slt, %scan3A_72, %lt3A_330 : i32
      %dma_start3A_332 = arith.constant 1 : i32
      %dma_start3A_333 = arith.constant 0 : i32
      %dma_start3A_334 = tpu.memref_slice %arg9[%dma_start3A_332, %dma_start3A_333] : memref<8x128xi32, #tpu.memory_space<vmem>> -> memref<1x128xi32, #tpu.memory_space<vmem>>
      %dma_start3A_335 = tpu.memref_squeeze %dma_start3A_334 : memref<1x128xi32, #tpu.memory_space<vmem>> -> memref<128xi32, #tpu.memory_space<vmem>>
      %dma_start3A_336 = arith.constant 0 : i32
      %dma_start3A_337 = arith.constant 0 : i32
      %dma_start3A_338 = tpu.memref_slice %arg2[%dma_start3A_336, %dma_start3A_337] : memref<10240x128xf32, #tpu.memory_space<hbm>> -> memref<10240x128xf32, #tpu.memory_space<hbm>>
      tpu.enqueue_indirect_dma source(%dma_start3A_338 : memref<10240x128xf32, #tpu.memory_space<hbm>>) target(%arg12 : memref<128x128xf32, #tpu.memory_space<vmem>>) offsets(%dma_start3A_335 : memref<128xi32, #tpu.memory_space<vmem>>) semaphore(%arg14 : memref<!tpu.dma_semaphore, #tpu.memory_space<semaphore_mem>>)
      %dma_wait3A_339 = arith.constant 0 : i32
      %dma_wait3A_340 = arith.constant 0 : i32
      %dma_wait3A_341 = tpu.memref_slice %arg9[%dma_wait3A_339, %dma_wait3A_340] : memref<8x128xi32, #tpu.memory_space<vmem>> -> memref<1x128xi32, #tpu.memory_space<vmem>>
      %dma_wait3A_342 = tpu.memref_squeeze %dma_wait3A_341 : memref<1x128xi32, #tpu.memory_space<vmem>> -> memref<128xi32, #tpu.memory_space<vmem>>
      %dma_wait3A_343 = arith.constant 0 : i32
      %dma_wait3A_344 = arith.constant 0 : i32
      %dma_wait3A_345 = tpu.memref_slice %arg2[%dma_wait3A_343, %dma_wait3A_344] : memref<10240x128xf32, #tpu.memory_space<hbm>> -> memref<10240x128xf32, #tpu.memory_space<hbm>>
      tpu.wait_indirect_dma semaphore(%arg14 : memref<!tpu.dma_semaphore, #tpu.memory_space<semaphore_mem>>) src(%dma_wait3A_345 : memref<10240x128xf32, #tpu.memory_space<hbm>>) dst(%arg11 : memref<128x128xf32, #tpu.memory_space<vmem>>)
      %dma_start3A_346 = arith.constant 0 : i32
      %dma_start3A_347 = arith.constant 0 : i32
      %dma_start3A_348 = tpu.memref_slice %arg10[%dma_start3A_346, %dma_start3A_347] : memref<8x128xi32, #tpu.memory_space<vmem>> -> memref<1x128xi32, #tpu.memory_space<vmem>>
      %dma_start3A_349 = tpu.memref_squeeze %dma_start3A_348 : memref<1x128xi32, #tpu.memory_space<vmem>> -> memref<128xi32, #tpu.memory_space<vmem>>
      %dma_start3A_350 = arith.constant 0 : i32
      %dma_start3A_351 = arith.constant 0 : i32
      %dma_start3A_352 = tpu.memref_slice %arg13[%dma_start3A_350, %dma_start3A_351] : memref<10016x128xf32, #tpu.memory_space<vmem_shared>> -> memref<10016x128xf32, #tpu.memory_space<vmem_shared>>
      tpu.enqueue_indirect_dma source(%arg11 : memref<128x128xf32, #tpu.memory_space<vmem>>) target(%dma_start3A_352 : memref<10016x128xf32, #tpu.memory_space<vmem_shared>>) offsets(%dma_start3A_349 : memref<128xi32, #tpu.memory_space<vmem>>) semaphore(%arg15 : memref<!tpu.dma_semaphore, #tpu.memory_space<semaphore_mem>>) {add = true}
      %dma_wait3A_353 = arith.constant 0 : i32
      %dma_wait3A_354 = arith.constant 0 : i32
      %dma_wait3A_355 = tpu.memref_slice %arg10[%dma_wait3A_353, %dma_wait3A_354] : memref<8x128xi32, #tpu.memory_space<vmem>> -> memref<1x128xi32, #tpu.memory_space<vmem>>
      %dma_wait3A_356 = tpu.memref_squeeze %dma_wait3A_355 : memref<1x128xi32, #tpu.memory_space<vmem>> -> memref<128xi32, #tpu.memory_space<vmem>>
      %dma_wait3A_357 = arith.constant 0 : i32
      %dma_wait3A_358 = arith.constant 0 : i32
      %dma_wait3A_359 = tpu.memref_slice %arg13[%dma_wait3A_357, %dma_wait3A_358] : memref<10016x128xf32, #tpu.memory_space<vmem_shared>> -> memref<10016x128xf32, #tpu.memory_space<vmem_shared>>
      tpu.wait_indirect_dma semaphore(%arg15 : memref<!tpu.dma_semaphore, #tpu.memory_space<semaphore_mem>>) src(%arg11 : memref<128x128xf32, #tpu.memory_space<vmem>>) dst(%dma_wait3A_359 : memref<10016x128xf32, #tpu.memory_space<vmem_shared>>)
      %dma_start3A_360 = arith.constant 2 : i32
      %dma_start3A_361 = arith.constant 0 : i32
      %dma_start3A_362 = tpu.memref_slice %arg9[%dma_start3A_360, %dma_start3A_361] : memref<8x128xi32, #tpu.memory_space<vmem>> -> memref<1x128xi32, #tpu.memory_space<vmem>>
      %dma_start3A_363 = tpu.memref_squeeze %dma_start3A_362 : memref<1x128xi32, #tpu.memory_space<vmem>> -> memref<128xi32, #tpu.memory_space<vmem>>
      %dma_start3A_364 = arith.constant 0 : i32
      %dma_start3A_365 = arith.constant 0 : i32
      %dma_start3A_366 = tpu.memref_slice %arg2[%dma_start3A_364, %dma_start3A_365] : memref<10240x128xf32, #tpu.memory_space<hbm>> -> memref<10240x128xf32, #tpu.memory_space<hbm>>
      tpu.enqueue_indirect_dma source(%dma_start3A_366 : memref<10240x128xf32, #tpu.memory_space<hbm>>) target(%arg11 : memref<128x128xf32, #tpu.memory_space<vmem>>) offsets(%dma_start3A_363 : memref<128xi32, #tpu.memory_space<vmem>>) semaphore(%arg14 : memref<!tpu.dma_semaphore, #tpu.memory_space<semaphore_mem>>)
      %dma_wait3A_367 = arith.constant 1 : i32
      %dma_wait3A_368 = arith.constant 0 : i32
      %dma_wait3A_369 = tpu.memref_slice %arg9[%dma_wait3A_367, %dma_wait3A_368] : memref<8x128xi32, #tpu.memory_space<vmem>> -> memref<1x128xi32, #tpu.memory_space<vmem>>
      %dma_wait3A_370 = tpu.memref_squeeze %dma_wait3A_369 : memref<1x128xi32, #tpu.memory_space<vmem>> -> memref<128xi32, #tpu.memory_space<vmem>>
      %dma_wait3A_371 = arith.constant 0 : i32
      %dma_wait3A_372 = arith.constant 0 : i32
      %dma_wait3A_373 = tpu.memref_slice %arg2[%dma_wait3A_371, %dma_wait3A_372] : memref<10240x128xf32, #tpu.memory_space<hbm>> -> memref<10240x128xf32, #tpu.memory_space<hbm>>
      tpu.wait_indirect_dma semaphore(%arg14 : memref<!tpu.dma_semaphore, #tpu.memory_space<semaphore_mem>>) src(%dma_wait3A_373 : memref<10240x128xf32, #tpu.memory_space<hbm>>) dst(%arg12 : memref<128x128xf32, #tpu.memory_space<vmem>>)
      %dma_start3A_374 = arith.constant 1 : i32
      %dma_start3A_375 = arith.constant 0 : i32
      %dma_start3A_376 = tpu.memref_slice %arg10[%dma_start3A_374, %dma_start3A_375] : memref<8x128xi32, #tpu.memory_space<vmem>> -> memref<1x128xi32, #tpu.memory_space<vmem>>
      %dma_start3A_377 = tpu.memref_squeeze %dma_start3A_376 : memref<1x128xi32, #tpu.memory_space<vmem>> -> memref<128xi32, #tpu.memory_space<vmem>>
      %dma_start3A_378 = arith.constant 0 : i32
      %dma_start3A_379 = arith.constant 0 : i32
      %dma_start3A_380 = tpu.memref_slice %arg13[%dma_start3A_378, %dma_start3A_379] : memref<10016x128xf32, #tpu.memory_space<vmem_shared>> -> memref<10016x128xf32, #tpu.memory_space<vmem_shared>>
      tpu.enqueue_indirect_dma source(%arg12 : memref<128x128xf32, #tpu.memory_space<vmem>>) target(%dma_start3A_380 : memref<10016x128xf32, #tpu.memory_space<vmem_shared>>) offsets(%dma_start3A_377 : memref<128xi32, #tpu.memory_space<vmem>>) semaphore(%arg15 : memref<!tpu.dma_semaphore, #tpu.memory_space<semaphore_mem>>) {add = true}
      %dma_wait3A_381 = arith.constant 1 : i32
      %dma_wait3A_382 = arith.constant 0 : i32
      %dma_wait3A_383 = tpu.memref_slice %arg10[%dma_wait3A_381, %dma_wait3A_382] : memref<8x128xi32, #tpu.memory_space<vmem>> -> memref<1x128xi32, #tpu.memory_space<vmem>>
      %dma_wait3A_384 = tpu.memref_squeeze %dma_wait3A_383 : memref<1x128xi32, #tpu.memory_space<vmem>> -> memref<128xi32, #tpu.memory_space<vmem>>
      %dma_wait3A_385 = arith.constant 0 : i32
      %dma_wait3A_386 = arith.constant 0 : i32
      %dma_wait3A_387 = tpu.memref_slice %arg13[%dma_wait3A_385, %dma_wait3A_386] : memref<10016x128xf32, #tpu.memory_space<vmem_shared>> -> memref<10016x128xf32, #tpu.memory_space<vmem_shared>>
      tpu.wait_indirect_dma semaphore(%arg15 : memref<!tpu.dma_semaphore, #tpu.memory_space<semaphore_mem>>) src(%arg12 : memref<128x128xf32, #tpu.memory_space<vmem>>) dst(%dma_wait3A_387 : memref<10016x128xf32, #tpu.memory_space<vmem_shared>>)
      %dma_start3A_388 = arith.constant 3 : i32
      %dma_start3A_389 = arith.constant 0 : i32
      %dma_start3A_390 = tpu.memref_slice %arg9[%dma_start3A_388, %dma_start3A_389] : memref<8x128xi32, #tpu.memory_space<vmem>> -> memref<1x128xi32, #tpu.memory_space<vmem>>
      %dma_start3A_391 = tpu.memref_squeeze %dma_start3A_390 : memref<1x128xi32, #tpu.memory_space<vmem>> -> memref<128xi32, #tpu.memory_space<vmem>>
      %dma_start3A_392 = arith.constant 0 : i32
      %dma_start3A_393 = arith.constant 0 : i32
      %dma_start3A_394 = tpu.memref_slice %arg2[%dma_start3A_392, %dma_start3A_393] : memref<10240x128xf32, #tpu.memory_space<hbm>> -> memref<10240x128xf32, #tpu.memory_space<hbm>>
      tpu.enqueue_indirect_dma source(%dma_start3A_394 : memref<10240x128xf32, #tpu.memory_space<hbm>>) target(%arg12 : memref<128x128xf32, #tpu.memory_space<vmem>>) offsets(%dma_start3A_391 : memref<128xi32, #tpu.memory_space<vmem>>) semaphore(%arg14 : memref<!tpu.dma_semaphore, #tpu.memory_space<semaphore_mem>>)
      %dma_wait3A_395 = arith.constant 2 : i32
      %dma_wait3A_396 = arith.constant 0 : i32
      %dma_wait3A_397 = tpu.memref_slice %arg9[%dma_wait3A_395, %dma_wait3A_396] : memref<8x128xi32, #tpu.memory_space<vmem>> -> memref<1x128xi32, #tpu.memory_space<vmem>>
      %dma_wait3A_398 = tpu.memref_squeeze %dma_wait3A_397 : memref<1x128xi32, #tpu.memory_space<vmem>> -> memref<128xi32, #tpu.memory_space<vmem>>
      %dma_wait3A_399 = arith.constant 0 : i32
      %dma_wait3A_400 = arith.constant 0 : i32
      %dma_wait3A_401 = tpu.memref_slice %arg2[%dma_wait3A_399, %dma_wait3A_400] : memref<10240x128xf32, #tpu.memory_space<hbm>> -> memref<10240x128xf32, #tpu.memory_space<hbm>>
      tpu.wait_indirect_dma semaphore(%arg14 : memref<!tpu.dma_semaphore, #tpu.memory_space<semaphore_mem>>) src(%dma_wait3A_401 : memref<10240x128xf32, #tpu.memory_space<hbm>>) dst(%arg11 : memref<128x128xf32, #tpu.memory_space<vmem>>)
      %dma_start3A_402 = arith.constant 2 : i32
      %dma_start3A_403 = arith.constant 0 : i32
      %dma_start3A_404 = tpu.memref_slice %arg10[%dma_start3A_402, %dma_start3A_403] : memref<8x128xi32, #tpu.memory_space<vmem>> -> memref<1x128xi32, #tpu.memory_space<vmem>>
      %dma_start3A_405 = tpu.memref_squeeze %dma_start3A_404 : memref<1x128xi32, #tpu.memory_space<vmem>> -> memref<128xi32, #tpu.memory_space<vmem>>
      %dma_start3A_406 = arith.constant 0 : i32
      %dma_start3A_407 = arith.constant 0 : i32
      %dma_start3A_408 = tpu.memref_slice %arg13[%dma_start3A_406, %dma_start3A_407] : memref<10016x128xf32, #tpu.memory_space<vmem_shared>> -> memref<10016x128xf32, #tpu.memory_space<vmem_shared>>
      tpu.enqueue_indirect_dma source(%arg11 : memref<128x128xf32, #tpu.memory_space<vmem>>) target(%dma_start3A_408 : memref<10016x128xf32, #tpu.memory_space<vmem_shared>>) offsets(%dma_start3A_405 : memref<128xi32, #tpu.memory_space<vmem>>) semaphore(%arg15 : memref<!tpu.dma_semaphore, #tpu.memory_space<semaphore_mem>>) {add = true}
      %dma_wait3A_409 = arith.constant 2 : i32
      %dma_wait3A_410 = arith.constant 0 : i32
      %dma_wait3A_411 = tpu.memref_slice %arg10[%dma_wait3A_409, %dma_wait3A_410] : memref<8x128xi32, #tpu.memory_space<vmem>> -> memref<1x128xi32, #tpu.memory_space<vmem>>
      %dma_wait3A_412 = tpu.memref_squeeze %dma_wait3A_411 : memref<1x128xi32, #tpu.memory_space<vmem>> -> memref<128xi32, #tpu.memory_space<vmem>>
      %dma_wait3A_413 = arith.constant 0 : i32
      %dma_wait3A_414 = arith.constant 0 : i32
      %dma_wait3A_415 = tpu.memref_slice %arg13[%dma_wait3A_413, %dma_wait3A_414] : memref<10016x128xf32, #tpu.memory_space<vmem_shared>> -> memref<10016x128xf32, #tpu.memory_space<vmem_shared>>
      tpu.wait_indirect_dma semaphore(%arg15 : memref<!tpu.dma_semaphore, #tpu.memory_space<semaphore_mem>>) src(%arg11 : memref<128x128xf32, #tpu.memory_space<vmem>>) dst(%dma_wait3A_415 : memref<10016x128xf32, #tpu.memory_space<vmem_shared>>)
      %dma_start3A_416 = arith.constant 4 : i32
      %dma_start3A_417 = arith.constant 0 : i32
      %dma_start3A_418 = tpu.memref_slice %arg9[%dma_start3A_416, %dma_start3A_417] : memref<8x128xi32, #tpu.memory_space<vmem>> -> memref<1x128xi32, #tpu.memory_space<vmem>>
      %dma_start3A_419 = tpu.memref_squeeze %dma_start3A_418 : memref<1x128xi32, #tpu.memory_space<vmem>> -> memref<128xi32, #tpu.memory_space<vmem>>
      %dma_start3A_420 = arith.constant 0 : i32
      %dma_start3A_421 = arith.constant 0 : i32
      %dma_start3A_422 = tpu.memref_slice %arg2[%dma_start3A_420, %dma_start3A_421] : memref<10240x128xf32, #tpu.memory_space<hbm>> -> memref<10240x128xf32, #tpu.memory_space<hbm>>
      tpu.enqueue_indirect_dma source(%dma_start3A_422 : memref<10240x128xf32, #tpu.memory_space<hbm>>) target(%arg11 : memref<128x128xf32, #tpu.memory_space<vmem>>) offsets(%dma_start3A_419 : memref<128xi32, #tpu.memory_space<vmem>>) semaphore(%arg14 : memref<!tpu.dma_semaphore, #tpu.memory_space<semaphore_mem>>)
      %dma_wait3A_423 = arith.constant 3 : i32
      %dma_wait3A_424 = arith.constant 0 : i32
      %dma_wait3A_425 = tpu.memref_slice %arg9[%dma_wait3A_423, %dma_wait3A_424] : memref<8x128xi32, #tpu.memory_space<vmem>> -> memref<1x128xi32, #tpu.memory_space<vmem>>
      %dma_wait3A_426 = tpu.memref_squeeze %dma_wait3A_425 : memref<1x128xi32, #tpu.memory_space<vmem>> -> memref<128xi32, #tpu.memory_space<vmem>>
      %dma_wait3A_427 = arith.constant 0 : i32
      %dma_wait3A_428 = arith.constant 0 : i32
      %dma_wait3A_429 = tpu.memref_slice %arg2[%dma_wait3A_427, %dma_wait3A_428] : memref<10240x128xf32, #tpu.memory_space<hbm>> -> memref<10240x128xf32, #tpu.memory_space<hbm>>
      tpu.wait_indirect_dma semaphore(%arg14 : memref<!tpu.dma_semaphore, #tpu.memory_space<semaphore_mem>>) src(%dma_wait3A_429 : memref<10240x128xf32, #tpu.memory_space<hbm>>) dst(%arg12 : memref<128x128xf32, #tpu.memory_space<vmem>>)
      %dma_start3A_430 = arith.constant 3 : i32
      %dma_start3A_431 = arith.constant 0 : i32
      %dma_start3A_432 = tpu.memref_slice %arg10[%dma_start3A_430, %dma_start3A_431] : memref<8x128xi32, #tpu.memory_space<vmem>> -> memref<1x128xi32, #tpu.memory_space<vmem>>
      %dma_start3A_433 = tpu.memref_squeeze %dma_start3A_432 : memref<1x128xi32, #tpu.memory_space<vmem>> -> memref<128xi32, #tpu.memory_space<vmem>>
      %dma_start3A_434 = arith.constant 0 : i32
      %dma_start3A_435 = arith.constant 0 : i32
      %dma_start3A_436 = tpu.memref_slice %arg13[%dma_start3A_434, %dma_start3A_435] : memref<10016x128xf32, #tpu.memory_space<vmem_shared>> -> memref<10016x128xf32, #tpu.memory_space<vmem_shared>>
      tpu.enqueue_indirect_dma source(%arg12 : memref<128x128xf32, #tpu.memory_space<vmem>>) target(%dma_start3A_436 : memref<10016x128xf32, #tpu.memory_space<vmem_shared>>) offsets(%dma_start3A_433 : memref<128xi32, #tpu.memory_space<vmem>>) semaphore(%arg15 : memref<!tpu.dma_semaphore, #tpu.memory_space<semaphore_mem>>) {add = true}
      %dma_wait3A_437 = arith.constant 3 : i32
      %dma_wait3A_438 = arith.constant 0 : i32
      %dma_wait3A_439 = tpu.memref_slice %arg10[%dma_wait3A_437, %dma_wait3A_438] : memref<8x128xi32, #tpu.memory_space<vmem>> -> memref<1x128xi32, #tpu.memory_space<vmem>>
      %dma_wait3A_440 = tpu.memref_squeeze %dma_wait3A_439 : memref<1x128xi32, #tpu.memory_space<vmem>> -> memref<128xi32, #tpu.memory_space<vmem>>
      %dma_wait3A_441 = arith.constant 0 : i32
      %dma_wait3A_442 = arith.constant 0 : i32
      %dma_wait3A_443 = tpu.memref_slice %arg13[%dma_wait3A_441, %dma_wait3A_442] : memref<10016x128xf32, #tpu.memory_space<vmem_shared>> -> memref<10016x128xf32, #tpu.memory_space<vmem_shared>>
      tpu.wait_indirect_dma semaphore(%arg15 : memref<!tpu.dma_semaphore, #tpu.memory_space<semaphore_mem>>) src(%arg12 : memref<128x128xf32, #tpu.memory_space<vmem>>) dst(%dma_wait3A_443 : memref<10016x128xf32, #tpu.memory_space<vmem_shared>>)
      %dma_start3A_444 = arith.constant 5 : i32
      %dma_start3A_445 = arith.constant 0 : i32
      %dma_start3A_446 = tpu.memref_slice %arg9[%dma_start3A_444, %dma_start3A_445] : memref<8x128xi32, #tpu.memory_space<vmem>> -> memref<1x128xi32, #tpu.memory_space<vmem>>
      %dma_start3A_447 = tpu.memref_squeeze %dma_start3A_446 : memref<1x128xi32, #tpu.memory_space<vmem>> -> memref<128xi32, #tpu.memory_space<vmem>>
      %dma_start3A_448 = arith.constant 0 : i32
      %dma_start3A_449 = arith.constant 0 : i32
      %dma_start3A_450 = tpu.memref_slice %arg2[%dma_start3A_448, %dma_start3A_449] : memref<10240x128xf32, #tpu.memory_space<hbm>> -> memref<10240x128xf32, #tpu.memory_space<hbm>>
      tpu.enqueue_indirect_dma source(%dma_start3A_450 : memref<10240x128xf32, #tpu.memory_space<hbm>>) target(%arg12 : memref<128x128xf32, #tpu.memory_space<vmem>>) offsets(%dma_start3A_447 : memref<128xi32, #tpu.memory_space<vmem>>) semaphore(%arg14 : memref<!tpu.dma_semaphore, #tpu.memory_space<semaphore_mem>>)
      %dma_wait3A_451 = arith.constant 4 : i32
      %dma_wait3A_452 = arith.constant 0 : i32
      %dma_wait3A_453 = tpu.memref_slice %arg9[%dma_wait3A_451, %dma_wait3A_452] : memref<8x128xi32, #tpu.memory_space<vmem>> -> memref<1x128xi32, #tpu.memory_space<vmem>>
      %dma_wait3A_454 = tpu.memref_squeeze %dma_wait3A_453 : memref<1x128xi32, #tpu.memory_space<vmem>> -> memref<128xi32, #tpu.memory_space<vmem>>
      %dma_wait3A_455 = arith.constant 0 : i32
      %dma_wait3A_456 = arith.constant 0 : i32
      %dma_wait3A_457 = tpu.memref_slice %arg2[%dma_wait3A_455, %dma_wait3A_456] : memref<10240x128xf32, #tpu.memory_space<hbm>> -> memref<10240x128xf32, #tpu.memory_space<hbm>>
      tpu.wait_indirect_dma semaphore(%arg14 : memref<!tpu.dma_semaphore, #tpu.memory_space<semaphore_mem>>) src(%dma_wait3A_457 : memref<10240x128xf32, #tpu.memory_space<hbm>>) dst(%arg11 : memref<128x128xf32, #tpu.memory_space<vmem>>)
      %dma_start3A_458 = arith.constant 4 : i32
      %dma_start3A_459 = arith.constant 0 : i32
      %dma_start3A_460 = tpu.memref_slice %arg10[%dma_start3A_458, %dma_start3A_459] : memref<8x128xi32, #tpu.memory_space<vmem>> -> memref<1x128xi32, #tpu.memory_space<vmem>>
      %dma_start3A_461 = tpu.memref_squeeze %dma_start3A_460 : memref<1x128xi32, #tpu.memory_space<vmem>> -> memref<128xi32, #tpu.memory_space<vmem>>
      %dma_start3A_462 = arith.constant 0 : i32
      %dma_start3A_463 = arith.constant 0 : i32
      %dma_start3A_464 = tpu.memref_slice %arg13[%dma_start3A_462, %dma_start3A_463] : memref<10016x128xf32, #tpu.memory_space<vmem_shared>> -> memref<10016x128xf32, #tpu.memory_space<vmem_shared>>
      tpu.enqueue_indirect_dma source(%arg11 : memref<128x128xf32, #tpu.memory_space<vmem>>) target(%dma_start3A_464 : memref<10016x128xf32, #tpu.memory_space<vmem_shared>>) offsets(%dma_start3A_461 : memref<128xi32, #tpu.memory_space<vmem>>) semaphore(%arg15 : memref<!tpu.dma_semaphore, #tpu.memory_space<semaphore_mem>>) {add = true}
      %dma_wait3A_465 = arith.constant 4 : i32
      %dma_wait3A_466 = arith.constant 0 : i32
      %dma_wait3A_467 = tpu.memref_slice %arg10[%dma_wait3A_465, %dma_wait3A_466] : memref<8x128xi32, #tpu.memory_space<vmem>> -> memref<1x128xi32, #tpu.memory_space<vmem>>
      %dma_wait3A_468 = tpu.memref_squeeze %dma_wait3A_467 : memref<1x128xi32, #tpu.memory_space<vmem>> -> memref<128xi32, #tpu.memory_space<vmem>>
      %dma_wait3A_469 = arith.constant 0 : i32
      %dma_wait3A_470 = arith.constant 0 : i32
      %dma_wait3A_471 = tpu.memref_slice %arg13[%dma_wait3A_469, %dma_wait3A_470] : memref<10016x128xf32, #tpu.memory_space<vmem_shared>> -> memref<10016x128xf32, #tpu.memory_space<vmem_shared>>
      tpu.wait_indirect_dma semaphore(%arg15 : memref<!tpu.dma_semaphore, #tpu.memory_space<semaphore_mem>>) src(%arg11 : memref<128x128xf32, #tpu.memory_space<vmem>>) dst(%dma_wait3A_471 : memref<10016x128xf32, #tpu.memory_space<vmem_shared>>)
      %dma_start3A_472 = arith.constant 6 : i32
      %dma_start3A_473 = arith.constant 0 : i32
      %dma_start3A_474 = tpu.memref_slice %arg9[%dma_start3A_472, %dma_start3A_473] : memref<8x128xi32, #tpu.memory_space<vmem>> -> memref<1x128xi32, #tpu.memory_space<vmem>>
      %dma_start3A_475 = tpu.memref_squeeze %dma_start3A_474 : memref<1x128xi32, #tpu.memory_space<vmem>> -> memref<128xi32, #tpu.memory_space<vmem>>
      %dma_start3A_476 = arith.constant 0 : i32
      %dma_start3A_477 = arith.constant 0 : i32
      %dma_start3A_478 = tpu.memref_slice %arg2[%dma_start3A_476, %dma_start3A_477] : memref<10240x128xf32, #tpu.memory_space<hbm>> -> memref<10240x128xf32, #tpu.memory_space<hbm>>
      tpu.enqueue_indirect_dma source(%dma_start3A_478 : memref<10240x128xf32, #tpu.memory_space<hbm>>) target(%arg11 : memref<128x128xf32, #tpu.memory_space<vmem>>) offsets(%dma_start3A_475 : memref<128xi32, #tpu.memory_space<vmem>>) semaphore(%arg14 : memref<!tpu.dma_semaphore, #tpu.memory_space<semaphore_mem>>)
      %dma_wait3A_479 = arith.constant 5 : i32
      %dma_wait3A_480 = arith.constant 0 : i32
      %dma_wait3A_481 = tpu.memref_slice %arg9[%dma_wait3A_479, %dma_wait3A_480] : memref<8x128xi32, #tpu.memory_space<vmem>> -> memref<1x128xi32, #tpu.memory_space<vmem>>
      %dma_wait3A_482 = tpu.memref_squeeze %dma_wait3A_481 : memref<1x128xi32, #tpu.memory_space<vmem>> -> memref<128xi32, #tpu.memory_space<vmem>>
      %dma_wait3A_483 = arith.constant 0 : i32
      %dma_wait3A_484 = arith.constant 0 : i32
      %dma_wait3A_485 = tpu.memref_slice %arg2[%dma_wait3A_483, %dma_wait3A_484] : memref<10240x128xf32, #tpu.memory_space<hbm>> -> memref<10240x128xf32, #tpu.memory_space<hbm>>
      tpu.wait_indirect_dma semaphore(%arg14 : memref<!tpu.dma_semaphore, #tpu.memory_space<semaphore_mem>>) src(%dma_wait3A_485 : memref<10240x128xf32, #tpu.memory_space<hbm>>) dst(%arg12 : memref<128x128xf32, #tpu.memory_space<vmem>>)
      %dma_start3A_486 = arith.constant 5 : i32
      %dma_start3A_487 = arith.constant 0 : i32
      %dma_start3A_488 = tpu.memref_slice %arg10[%dma_start3A_486, %dma_start3A_487] : memref<8x128xi32, #tpu.memory_space<vmem>> -> memref<1x128xi32, #tpu.memory_space<vmem>>
      %dma_start3A_489 = tpu.memref_squeeze %dma_start3A_488 : memref<1x128xi32, #tpu.memory_space<vmem>> -> memref<128xi32, #tpu.memory_space<vmem>>
      %dma_start3A_490 = arith.constant 0 : i32
      %dma_start3A_491 = arith.constant 0 : i32
      %dma_start3A_492 = tpu.memref_slice %arg13[%dma_start3A_490, %dma_start3A_491] : memref<10016x128xf32, #tpu.memory_space<vmem_shared>> -> memref<10016x128xf32, #tpu.memory_space<vmem_shared>>
      tpu.enqueue_indirect_dma source(%arg12 : memref<128x128xf32, #tpu.memory_space<vmem>>) target(%dma_start3A_492 : memref<10016x128xf32, #tpu.memory_space<vmem_shared>>) offsets(%dma_start3A_489 : memref<128xi32, #tpu.memory_space<vmem>>) semaphore(%arg15 : memref<!tpu.dma_semaphore, #tpu.memory_space<semaphore_mem>>) {add = true}
      %dma_wait3A_493 = arith.constant 5 : i32
      %dma_wait3A_494 = arith.constant 0 : i32
      %dma_wait3A_495 = tpu.memref_slice %arg10[%dma_wait3A_493, %dma_wait3A_494] : memref<8x128xi32, #tpu.memory_space<vmem>> -> memref<1x128xi32, #tpu.memory_space<vmem>>
      %dma_wait3A_496 = tpu.memref_squeeze %dma_wait3A_495 : memref<1x128xi32, #tpu.memory_space<vmem>> -> memref<128xi32, #tpu.memory_space<vmem>>
      %dma_wait3A_497 = arith.constant 0 : i32
      %dma_wait3A_498 = arith.constant 0 : i32
      %dma_wait3A_499 = tpu.memref_slice %arg13[%dma_wait3A_497, %dma_wait3A_498] : memref<10016x128xf32, #tpu.memory_space<vmem_shared>> -> memref<10016x128xf32, #tpu.memory_space<vmem_shared>>
      tpu.wait_indirect_dma semaphore(%arg15 : memref<!tpu.dma_semaphore, #tpu.memory_space<semaphore_mem>>) src(%arg12 : memref<128x128xf32, #tpu.memory_space<vmem>>) dst(%dma_wait3A_499 : memref<10016x128xf32, #tpu.memory_space<vmem_shared>>)
      %dma_start3A_500 = arith.constant 7 : i32
      %dma_start3A_501 = arith.constant 0 : i32
      %dma_start3A_502 = tpu.memref_slice %arg9[%dma_start3A_500, %dma_start3A_501] : memref<8x128xi32, #tpu.memory_space<vmem>> -> memref<1x128xi32, #tpu.memory_space<vmem>>
      %dma_start3A_503 = tpu.memref_squeeze %dma_start3A_502 : memref<1x128xi32, #tpu.memory_space<vmem>> -> memref<128xi32, #tpu.memory_space<vmem>>
      %dma_start3A_504 = arith.constant 0 : i32
      %dma_start3A_505 = arith.constant 0 : i32
      %dma_start3A_506 = tpu.memref_slice %arg2[%dma_start3A_504, %dma_start3A_505] : memref<10240x128xf32, #tpu.memory_space<hbm>> -> memref<10240x128xf32, #tpu.memory_space<hbm>>
      tpu.enqueue_indirect_dma source(%dma_start3A_506 : memref<10240x128xf32, #tpu.memory_space<hbm>>) target(%arg12 : memref<128x128xf32, #tpu.memory_space<vmem>>) offsets(%dma_start3A_503 : memref<128xi32, #tpu.memory_space<vmem>>) semaphore(%arg14 : memref<!tpu.dma_semaphore, #tpu.memory_space<semaphore_mem>>)
      %dma_wait3A_507 = arith.constant 6 : i32
      %dma_wait3A_508 = arith.constant 0 : i32
      %dma_wait3A_509 = tpu.memref_slice %arg9[%dma_wait3A_507, %dma_wait3A_508] : memref<8x128xi32, #tpu.memory_space<vmem>> -> memref<1x128xi32, #tpu.memory_space<vmem>>
      %dma_wait3A_510 = tpu.memref_squeeze %dma_wait3A_509 : memref<1x128xi32, #tpu.memory_space<vmem>> -> memref<128xi32, #tpu.memory_space<vmem>>
      %dma_wait3A_511 = arith.constant 0 : i32
      %dma_wait3A_512 = arith.constant 0 : i32
      %dma_wait3A_513 = tpu.memref_slice %arg2[%dma_wait3A_511, %dma_wait3A_512] : memref<10240x128xf32, #tpu.memory_space<hbm>> -> memref<10240x128xf32, #tpu.memory_space<hbm>>
      tpu.wait_indirect_dma semaphore(%arg14 : memref<!tpu.dma_semaphore, #tpu.memory_space<semaphore_mem>>) src(%dma_wait3A_513 : memref<10240x128xf32, #tpu.memory_space<hbm>>) dst(%arg11 : memref<128x128xf32, #tpu.memory_space<vmem>>)
      %dma_start3A_514 = arith.constant 6 : i32
      %dma_start3A_515 = arith.constant 0 : i32
      %dma_start3A_516 = tpu.memref_slice %arg10[%dma_start3A_514, %dma_start3A_515] : memref<8x128xi32, #tpu.memory_space<vmem>> -> memref<1x128xi32, #tpu.memory_space<vmem>>
      %dma_start3A_517 = tpu.memref_squeeze %dma_start3A_516 : memref<1x128xi32, #tpu.memory_space<vmem>> -> memref<128xi32, #tpu.memory_space<vmem>>
      %dma_start3A_518 = arith.constant 0 : i32
      %dma_start3A_519 = arith.constant 0 : i32
      %dma_start3A_520 = tpu.memref_slice %arg13[%dma_start3A_518, %dma_start3A_519] : memref<10016x128xf32, #tpu.memory_space<vmem_shared>> -> memref<10016x128xf32, #tpu.memory_space<vmem_shared>>
      tpu.enqueue_indirect_dma source(%arg11 : memref<128x128xf32, #tpu.memory_space<vmem>>) target(%dma_start3A_520 : memref<10016x128xf32, #tpu.memory_space<vmem_shared>>) offsets(%dma_start3A_517 : memref<128xi32, #tpu.memory_space<vmem>>) semaphore(%arg15 : memref<!tpu.dma_semaphore, #tpu.memory_space<semaphore_mem>>) {add = true}
      %dma_wait3A_521 = arith.constant 7 : i32
      %dma_wait3A_522 = arith.constant 0 : i32
      %dma_wait3A_523 = tpu.memref_slice %arg9[%dma_wait3A_521, %dma_wait3A_522] : memref<8x128xi32, #tpu.memory_space<vmem>> -> memref<1x128xi32, #tpu.memory_space<vmem>>
      %dma_wait3A_524 = tpu.memref_squeeze %dma_wait3A_523 : memref<1x128xi32, #tpu.memory_space<vmem>> -> memref<128xi32, #tpu.memory_space<vmem>>
      %dma_wait3A_525 = arith.constant 0 : i32
      %dma_wait3A_526 = arith.constant 0 : i32
      %dma_wait3A_527 = tpu.memref_slice %arg2[%dma_wait3A_525, %dma_wait3A_526] : memref<10240x128xf32, #tpu.memory_space<hbm>> -> memref<10240x128xf32, #tpu.memory_space<hbm>>
      tpu.wait_indirect_dma semaphore(%arg14 : memref<!tpu.dma_semaphore, #tpu.memory_space<semaphore_mem>>) src(%dma_wait3A_527 : memref<10240x128xf32, #tpu.memory_space<hbm>>) dst(%arg12 : memref<128x128xf32, #tpu.memory_space<vmem>>)
      %dma_start3A_528 = arith.constant 7 : i32
      %dma_start3A_529 = arith.constant 0 : i32
      %dma_start3A_530 = tpu.memref_slice %arg10[%dma_start3A_528, %dma_start3A_529] : memref<8x128xi32, #tpu.memory_space<vmem>> -> memref<1x128xi32, #tpu.memory_space<vmem>>
      %dma_start3A_531 = tpu.memref_squeeze %dma_start3A_530 : memref<1x128xi32, #tpu.memory_space<vmem>> -> memref<128xi32, #tpu.memory_space<vmem>>
      %dma_start3A_532 = arith.constant 0 : i32
      %dma_start3A_533 = arith.constant 0 : i32
      %dma_start3A_534 = tpu.memref_slice %arg13[%dma_start3A_532, %dma_start3A_533] : memref<10016x128xf32, #tpu.memory_space<vmem_shared>> -> memref<10016x128xf32, #tpu.memory_space<vmem_shared>>
      tpu.enqueue_indirect_dma source(%arg12 : memref<128x128xf32, #tpu.memory_space<vmem>>) target(%dma_start3A_534 : memref<10016x128xf32, #tpu.memory_space<vmem_shared>>) offsets(%dma_start3A_531 : memref<128xi32, #tpu.memory_space<vmem>>) semaphore(%arg15 : memref<!tpu.dma_semaphore, #tpu.memory_space<semaphore_mem>>) {add = true}
      %dma_wait3A_535 = arith.constant 6 : i32
      %dma_wait3A_536 = arith.constant 0 : i32
      %dma_wait3A_537 = tpu.memref_slice %arg10[%dma_wait3A_535, %dma_wait3A_536] : memref<8x128xi32, #tpu.memory_space<vmem>> -> memref<1x128xi32, #tpu.memory_space<vmem>>
      %dma_wait3A_538 = tpu.memref_squeeze %dma_wait3A_537 : memref<1x128xi32, #tpu.memory_space<vmem>> -> memref<128xi32, #tpu.memory_space<vmem>>
      %dma_wait3A_539 = arith.constant 0 : i32
      %dma_wait3A_540 = arith.constant 0 : i32
      %dma_wait3A_541 = tpu.memref_slice %arg13[%dma_wait3A_539, %dma_wait3A_540] : memref<10016x128xf32, #tpu.memory_space<vmem_shared>> -> memref<10016x128xf32, #tpu.memory_space<vmem_shared>>
      tpu.wait_indirect_dma semaphore(%arg15 : memref<!tpu.dma_semaphore, #tpu.memory_space<semaphore_mem>>) src(%arg11 : memref<128x128xf32, #tpu.memory_space<vmem>>) dst(%dma_wait3A_541 : memref<10016x128xf32, #tpu.memory_space<vmem_shared>>)
      %convert_element_type3A_542 = arith.extui %lt3A_331 : i1 to i32
      %cond3A_543 = arith.constant 0 : i32
      %cond3A_544 = arith.cmpi ne, %convert_element_type3A_542, %cond3A_543 : i32
      scf.if %cond3A_544 {
        %dma_wait3A_560 = arith.constant 0 : i32
        %dma_wait3A_561 = tpu.memref_slice %arg3[%add3A, %dma_wait3A_560] : memref<2560x128xi32, #tpu.memory_space<hbm>> -> memref<8x128xi32, #tpu.memory_space<hbm>>
        %dma_wait3A_562 = arith.constant 0 : i32
        %dma_wait3A_563 = tpu.memref_slice %arg3[%add3A, %dma_wait3A_562] : memref<2560x128xi32, #tpu.memory_space<hbm>> -> memref<8x128xi32, #tpu.memory_space<hbm>>
        tpu.wait_dma2 semaphore(%arg16 : memref<!tpu.dma_semaphore, #tpu.memory_space<semaphore_mem>>) src(%dma_wait3A_563 : memref<8x128xi32, #tpu.memory_space<hbm>>) dst(%arg7 : memref<8x128xi32, #tpu.memory_space<vmem>>)
        %dma_wait3A_564 = arith.constant 0 : i32
        %dma_wait3A_565 = tpu.memref_slice %arg4[%add3A, %dma_wait3A_564] : memref<2560x128xi32, #tpu.memory_space<hbm>> -> memref<8x128xi32, #tpu.memory_space<hbm>>
        %dma_wait3A_566 = arith.constant 0 : i32
        %dma_wait3A_567 = tpu.memref_slice %arg4[%add3A, %dma_wait3A_566] : memref<2560x128xi32, #tpu.memory_space<hbm>> -> memref<8x128xi32, #tpu.memory_space<hbm>>
        tpu.wait_dma2 semaphore(%arg16 : memref<!tpu.dma_semaphore, #tpu.memory_space<semaphore_mem>>) src(%dma_wait3A_567 : memref<8x128xi32, #tpu.memory_space<hbm>>) dst(%arg8 : memref<8x128xi32, #tpu.memory_space<vmem>>)
        %dma_start3A_568 = arith.constant 0 : i32
        %dma_start3A_569 = arith.constant 0 : i32
        %dma_start3A_570 = tpu.memref_slice %arg7[%dma_start3A_568, %dma_start3A_569] : memref<8x128xi32, #tpu.memory_space<vmem>> -> memref<1x128xi32, #tpu.memory_space<vmem>>
        %dma_start3A_571 = tpu.memref_squeeze %dma_start3A_570 : memref<1x128xi32, #tpu.memory_space<vmem>> -> memref<128xi32, #tpu.memory_space<vmem>>
        %dma_start3A_572 = arith.constant 0 : i32
        %dma_start3A_573 = arith.constant 0 : i32
        %dma_start3A_574 = tpu.memref_slice %arg2[%dma_start3A_572, %dma_start3A_573] : memref<10240x128xf32, #tpu.memory_space<hbm>> -> memref<10240x128xf32, #tpu.memory_space<hbm>>
        tpu.enqueue_indirect_dma source(%dma_start3A_574 : memref<10240x128xf32, #tpu.memory_space<hbm>>) target(%arg11 : memref<128x128xf32, #tpu.memory_space<vmem>>) offsets(%dma_start3A_571 : memref<128xi32, #tpu.memory_space<vmem>>) semaphore(%arg14 : memref<!tpu.dma_semaphore, #tpu.memory_space<semaphore_mem>>)
      } else {
      }
      %dma_wait3A_545 = arith.constant 7 : i32
      %dma_wait3A_546 = arith.constant 0 : i32
      %dma_wait3A_547 = tpu.memref_slice %arg10[%dma_wait3A_545, %dma_wait3A_546] : memref<8x128xi32, #tpu.memory_space<vmem>> -> memref<1x128xi32, #tpu.memory_space<vmem>>
      %dma_wait3A_548 = tpu.memref_squeeze %dma_wait3A_547 : memref<1x128xi32, #tpu.memory_space<vmem>> -> memref<128xi32, #tpu.memory_space<vmem>>
      %dma_wait3A_549 = arith.constant 0 : i32
      %dma_wait3A_550 = arith.constant 0 : i32
      %dma_wait3A_551 = tpu.memref_slice %arg13[%dma_wait3A_549, %dma_wait3A_550] : memref<10016x128xf32, #tpu.memory_space<vmem_shared>> -> memref<10016x128xf32, #tpu.memory_space<vmem_shared>>
      tpu.wait_indirect_dma semaphore(%arg15 : memref<!tpu.dma_semaphore, #tpu.memory_space<semaphore_mem>>) src(%arg12 : memref<128x128xf32, #tpu.memory_space<vmem>>) dst(%dma_wait3A_551 : memref<10016x128xf32, #tpu.memory_space<vmem_shared>>)
      %dma_start3A_552 = arith.constant 0 : i32
      %dma_start3A_553 = tpu.memref_slice %arg3[%add3A_329, %dma_start3A_552] : memref<2560x128xi32, #tpu.memory_space<hbm>> -> memref<8x128xi32, #tpu.memory_space<hbm>>
      %dma_start3A_554 = arith.constant 0 : i32
      %dma_start3A_555 = tpu.memref_slice %arg3[%add3A_329, %dma_start3A_554] : memref<2560x128xi32, #tpu.memory_space<hbm>> -> memref<8x128xi32, #tpu.memory_space<hbm>>
      tpu.enqueue_dma source(%dma_start3A_555 : memref<8x128xi32, #tpu.memory_space<hbm>>) target(%arg9 : memref<8x128xi32, #tpu.memory_space<vmem>>) target_semaphore(%arg16 : memref<!tpu.dma_semaphore, #tpu.memory_space<semaphore_mem>>)
      %dma_start3A_556 = arith.constant 0 : i32
      %dma_start3A_557 = tpu.memref_slice %arg4[%add3A_329, %dma_start3A_556] : memref<2560x128xi32, #tpu.memory_space<hbm>> -> memref<8x128xi32, #tpu.memory_space<hbm>>
      %dma_start3A_558 = arith.constant 0 : i32
      %dma_start3A_559 = tpu.memref_slice %arg4[%add3A_329, %dma_start3A_558] : memref<2560x128xi32, #tpu.memory_space<hbm>> -> memref<8x128xi32, #tpu.memory_space<hbm>>
      tpu.enqueue_dma source(%dma_start3A_559 : memref<8x128xi32, #tpu.memory_space<hbm>>) target(%arg10 : memref<8x128xi32, #tpu.memory_space<vmem>>) target_semaphore(%arg16 : memref<!tpu.dma_semaphore, #tpu.memory_space<semaphore_mem>>)
    }
    %scan3A_44 = arith.constant 5 : i32
    %dma_wait3A_45 = arith.constant 0 : i32
    %dma_wait3A_46 = tpu.memref_slice %arg3[%add3A, %dma_wait3A_45] : memref<2560x128xi32, #tpu.memory_space<hbm>> -> memref<8x128xi32, #tpu.memory_space<hbm>>
    %dma_wait3A_47 = arith.constant 0 : i32
    %dma_wait3A_48 = tpu.memref_slice %arg3[%add3A, %dma_wait3A_47] : memref<2560x128xi32, #tpu.memory_space<hbm>> -> memref<8x128xi32, #tpu.memory_space<hbm>>
    tpu.wait_dma2 semaphore(%arg16 : memref<!tpu.dma_semaphore, #tpu.memory_space<semaphore_mem>>) src(%dma_wait3A_48 : memref<8x128xi32, #tpu.memory_space<hbm>>) dst(%arg7 : memref<8x128xi32, #tpu.memory_space<vmem>>)
    %dma_wait3A_49 = arith.constant 0 : i32
    %dma_wait3A_50 = tpu.memref_slice %arg4[%add3A, %dma_wait3A_49] : memref<2560x128xi32, #tpu.memory_space<hbm>> -> memref<8x128xi32, #tpu.memory_space<hbm>>
    %dma_wait3A_51 = arith.constant 0 : i32
    %dma_wait3A_52 = tpu.memref_slice %arg4[%add3A, %dma_wait3A_51] : memref<2560x128xi32, #tpu.memory_space<hbm>> -> memref<8x128xi32, #tpu.memory_space<hbm>>
    tpu.wait_dma2 semaphore(%arg16 : memref<!tpu.dma_semaphore, #tpu.memory_space<semaphore_mem>>) src(%dma_wait3A_52 : memref<8x128xi32, #tpu.memory_space<hbm>>) dst(%arg8 : memref<8x128xi32, #tpu.memory_space<vmem>>)
    %dma_wait3A_53 = arith.constant 0 : i32
    %dma_wait3A_54 = tpu.memref_slice %arg3[%add3A, %dma_wait3A_53] : memref<2560x128xi32, #tpu.memory_space<hbm>> -> memref<8x128xi32, #tpu.memory_space<hbm>>
    %dma_wait3A_55 = arith.constant 0 : i32
    %dma_wait3A_56 = tpu.memref_slice %arg3[%add3A, %dma_wait3A_55] : memref<2560x128xi32, #tpu.memory_space<hbm>> -> memref<8x128xi32, #tpu.memory_space<hbm>>
    tpu.wait_dma2 semaphore(%arg16 : memref<!tpu.dma_semaphore, #tpu.memory_space<semaphore_mem>>) src(%dma_wait3A_56 : memref<8x128xi32, #tpu.memory_space<hbm>>) dst(%arg9 : memref<8x128xi32, #tpu.memory_space<vmem>>)
    %dma_wait3A_57 = arith.constant 0 : i32
    %dma_wait3A_58 = tpu.memref_slice %arg4[%add3A, %dma_wait3A_57] : memref<2560x128xi32, #tpu.memory_space<hbm>> -> memref<8x128xi32, #tpu.memory_space<hbm>>
    %dma_wait3A_59 = arith.constant 0 : i32
    %dma_wait3A_60 = tpu.memref_slice %arg4[%add3A, %dma_wait3A_59] : memref<2560x128xi32, #tpu.memory_space<hbm>> -> memref<8x128xi32, #tpu.memory_space<hbm>>
    tpu.wait_dma2 semaphore(%arg16 : memref<!tpu.dma_semaphore, #tpu.memory_space<semaphore_mem>>) src(%dma_wait3A_60 : memref<8x128xi32, #tpu.memory_space<hbm>>) dst(%arg10 : memref<8x128xi32, #tpu.memory_space<vmem>>)
    %barrier3A_61 = arith.constant 0 : index
    tpu.barrier barrier_id(%barrier3A_61)
    %lt3A_62 = arith.constant 15 : i32
    %lt3A_63 = arith.cmpi slt, %arg1, %lt3A_62 : i32
    %convert_element_type3A_64 = arith.extui %lt3A_63 : i1 to i32
    %cond3A_65 = arith.constant 0 : i32
    %cond3A_66 = arith.cmpi ne, %convert_element_type3A_64, %cond3A_65 : i32
    scf.if %cond3A_66 {
      %mul3A_72 = arith.constant 624 : i32
      %mul3A_73 = arith.muli %arg1, %mul3A_72 : i32
      %mul3A_74 = arith.constant 10000 : i32
      %mul3A_75 = arith.muli %arg0, %mul3A_74 : i32
      %mul3A_76 = arith.constant 624 : i32
      %mul3A_77 = arith.muli %arg1, %mul3A_76 : i32
      %add3A_78 = arith.addi %mul3A_75, %mul3A_77 : i32
      "tpu.region"() ({
        %run_scoped3A = tpu.sem_alloc : memref<!tpu.dma_semaphore, #tpu.memory_space<semaphore_mem>>
        %dma_start3A_79 = arith.constant 0 : i32
        %dma_start3A_80 = tpu.memref_slice %arg6[%add3A_78, %dma_start3A_79] : memref<20000x128xf32, #tpu.memory_space<hbm>> -> memref<624x128xf32, #tpu.memory_space<hbm>>
        %dma_start3A_81 = arith.constant 0 : i32
        %dma_start3A_82 = tpu.memref_slice %arg13[%mul3A_73, %dma_start3A_81] : memref<10016x128xf32, #tpu.memory_space<vmem_shared>> -> memref<624x128xf32, #tpu.memory_space<vmem_shared>>
        tpu.enqueue_dma source(%dma_start3A_82 : memref<624x128xf32, #tpu.memory_space<vmem_shared>>) target(%dma_start3A_80 : memref<624x128xf32, #tpu.memory_space<hbm>>) target_semaphore(%run_scoped3A : memref<!tpu.dma_semaphore, #tpu.memory_space<semaphore_mem>>)
        %dma_wait3A_83 = arith.constant 0 : i32
        %dma_wait3A_84 = tpu.memref_slice %arg6[%add3A_78, %dma_wait3A_83] : memref<20000x128xf32, #tpu.memory_space<hbm>> -> memref<624x128xf32, #tpu.memory_space<hbm>>
        %dma_wait3A_85 = arith.constant 0 : i32
        %dma_wait3A_86 = tpu.memref_slice %arg13[%mul3A_73, %dma_wait3A_85] : memref<10016x128xf32, #tpu.memory_space<vmem_shared>> -> memref<624x128xf32, #tpu.memory_space<vmem_shared>>
        tpu.wait_dma2 semaphore(%run_scoped3A : memref<!tpu.dma_semaphore, #tpu.memory_space<semaphore_mem>>) src(%dma_wait3A_86 : memref<624x128xf32, #tpu.memory_space<vmem_shared>>) dst(%dma_wait3A_84 : memref<624x128xf32, #tpu.memory_space<hbm>>)
        tpu.yield
      }) : () -> ()
    } else {
    }
    %eq3A_67 = arith.constant 15 : i32
    %eq3A_68 = arith.cmpi eq, %arg1, %eq3A_67 : i32
    %convert_element_type3A_69 = arith.extui %eq3A_68 : i1 to i32
    %cond3A_70 = arith.constant 0 : i32
    %cond3A_71 = arith.cmpi ne, %convert_element_type3A_69, %cond3A_70 : i32
    scf.if %cond3A_71 {
      %mul3A_72 = arith.constant 10000 : i32
      %mul3A_73 = arith.muli %arg0, %mul3A_72 : i32
      %add3A_74 = arith.constant 9360 : i32
      %add3A_75 = arith.addi %mul3A_73, %add3A_74 : i32
      "tpu.region"() ({
        %run_scoped3A = tpu.sem_alloc : memref<!tpu.dma_semaphore, #tpu.memory_space<semaphore_mem>>
        %dma_start3A_76 = arith.constant 0 : i32
        %dma_start3A_77 = tpu.memref_slice %arg6[%add3A_75, %dma_start3A_76] : memref<20000x128xf32, #tpu.memory_space<hbm>> -> memref<640x128xf32, #tpu.memory_space<hbm>>
        %dma_start3A_78 = arith.constant 9360 : i32
        %dma_start3A_79 = arith.constant 0 : i32
        %dma_start3A_80 = tpu.memref_slice %arg13[%dma_start3A_78, %dma_start3A_79] : memref<10016x128xf32, #tpu.memory_space<vmem_shared>> -> memref<640x128xf32, #tpu.memory_space<vmem_shared>>
        tpu.enqueue_dma source(%dma_start3A_80 : memref<640x128xf32, #tpu.memory_space<vmem_shared>>) target(%dma_start3A_77 : memref<640x128xf32, #tpu.memory_space<hbm>>) target_semaphore(%run_scoped3A : memref<!tpu.dma_semaphore, #tpu.memory_space<semaphore_mem>>)
        %dma_wait3A_81 = arith.constant 0 : i32
        %dma_wait3A_82 = tpu.memref_slice %arg6[%add3A_75, %dma_wait3A_81] : memref<20000x128xf32, #tpu.memory_space<hbm>> -> memref<640x128xf32, #tpu.memory_space<hbm>>
        %dma_wait3A_83 = arith.constant 9360 : i32
        %dma_wait3A_84 = arith.constant 0 : i32
        %dma_wait3A_85 = tpu.memref_slice %arg13[%dma_wait3A_83, %dma_wait3A_84] : memref<10016x128xf32, #tpu.memory_space<vmem_shared>> -> memref<640x128xf32, #tpu.memory_space<vmem_shared>>
        tpu.wait_dma2 semaphore(%run_scoped3A : memref<!tpu.dma_semaphore, #tpu.memory_space<semaphore_mem>>) src(%dma_wait3A_85 : memref<640x128xf32, #tpu.memory_space<vmem_shared>>) dst(%dma_wait3A_82 : memref<640x128xf32, #tpu.memory_space<hbm>>)
        tpu.yield
      }) : () -> ()
    } else {
    }
    return
  }
}

#map = affine_map<(d0, d1) -> (0, 0)>
module attributes {stable_mosaic.version = 14 : i64} {
  func.func @_agg_scatter_body(%arg0: i32, %arg1: i32, %arg2: memref<10000x128xf32, #tpu.memory_space<hbm>>, %arg3: memref<2560x128xi32, #tpu.memory_space<hbm>>, %arg4: memref<2560x128xi32, #tpu.memory_space<hbm>>, %arg5: memref<10016x128xf32, #tpu.memory_space<hbm>>, %arg6: memref<20000x128xf32, #tpu.memory_space<hbm>>, %arg7: memref<8x128xi32, #tpu.memory_space<vmem>>, %arg8: memref<8x128xi32, #tpu.memory_space<vmem>>, %arg9: memref<8x128xi32, #tpu.memory_space<vmem>>, %arg10: memref<8x128xi32, #tpu.memory_space<vmem>>, %arg11: memref<128x128xf32, #tpu.memory_space<vmem>>, %arg12: memref<128x128xf32, #tpu.memory_space<vmem>>, %arg13: memref<10016x128xf32, #tpu.memory_space<vmem_shared>>, %arg14: memref<!tpu.dma_semaphore, #tpu.memory_space<semaphore_mem>>, %arg15: memref<!tpu.dma_semaphore, #tpu.memory_space<semaphore_mem>>, %arg16: memref<!tpu.dma_semaphore, #tpu.memory_space<semaphore_mem>>) attributes {dimension_semantics = [#tpu.dimension_semantics<core_parallel>, #tpu.dimension_semantics<subcore_parallel>], iteration_bounds = array<i64: 2, 16>, scalar_prefetch = 0 : i64, scratch_operands = 10 : i64, tpu.core_type = #tpu.core_type<sc_vector_subcore>, window_params = [{transform_indices = #map}, {transform_indices = #map}, {transform_indices = #map}, {transform_indices = #map}, {transform_indices = #map}]} {
    %mul3A = arith.constant 1280 : i32
    %mul3A_0 = arith.muli %arg0, %mul3A : i32
    %mul3A_1 = arith.constant 80 : i32
    %mul3A_2 = arith.muli %arg1, %mul3A_1 : i32
    %add3A = arith.addi %mul3A_0, %mul3A_2 : i32
    %dma_start3A = arith.constant 0 : i32
    %dma_start3A_3 = tpu.memref_slice %arg3[%add3A, %dma_start3A] : memref<2560x128xi32, #tpu.memory_space<hbm>> -> memref<8x128xi32, #tpu.memory_space<hbm>>
    %dma_start3A_4 = arith.constant 0 : i32
    %dma_start3A_5 = tpu.memref_slice %arg3[%add3A, %dma_start3A_4] : memref<2560x128xi32, #tpu.memory_space<hbm>> -> memref<8x128xi32, #tpu.memory_space<hbm>>
    tpu.enqueue_dma source(%dma_start3A_5 : memref<8x128xi32, #tpu.memory_space<hbm>>) target(%arg7 : memref<8x128xi32, #tpu.memory_space<vmem>>) target_semaphore(%arg16 : memref<!tpu.dma_semaphore, #tpu.memory_space<semaphore_mem>>)
    %dma_start3A_6 = arith.constant 0 : i32
    %dma_start3A_7 = tpu.memref_slice %arg4[%add3A, %dma_start3A_6] : memref<2560x128xi32, #tpu.memory_space<hbm>> -> memref<8x128xi32, #tpu.memory_space<hbm>>
    %dma_start3A_8 = arith.constant 0 : i32
    %dma_start3A_9 = tpu.memref_slice %arg4[%add3A, %dma_start3A_8] : memref<2560x128xi32, #tpu.memory_space<hbm>> -> memref<8x128xi32, #tpu.memory_space<hbm>>
    tpu.enqueue_dma source(%dma_start3A_9 : memref<8x128xi32, #tpu.memory_space<hbm>>) target(%arg8 : memref<8x128xi32, #tpu.memory_space<vmem>>) target_semaphore(%arg16 : memref<!tpu.dma_semaphore, #tpu.memory_space<semaphore_mem>>)
    %add3A_10 = arith.constant 8 : i32
    %add3A_11 = arith.addi %add3A, %add3A_10 : i32
    %dma_start3A_12 = arith.constant 0 : i32
    %dma_start3A_13 = tpu.memref_slice %arg3[%add3A_11, %dma_start3A_12] : memref<2560x128xi32, #tpu.memory_space<hbm>> -> memref<8x128xi32, #tpu.memory_space<hbm>>
    %dma_start3A_14 = arith.constant 0 : i32
    %dma_start3A_15 = tpu.memref_slice %arg3[%add3A_11, %dma_start3A_14] : memref<2560x128xi32, #tpu.memory_space<hbm>> -> memref<8x128xi32, #tpu.memory_space<hbm>>
    tpu.enqueue_dma source(%dma_start3A_15 : memref<8x128xi32, #tpu.memory_space<hbm>>) target(%arg9 : memref<8x128xi32, #tpu.memory_space<vmem>>) target_semaphore(%arg16 : memref<!tpu.dma_semaphore, #tpu.memory_space<semaphore_mem>>)
    %dma_start3A_16 = arith.constant 0 : i32
    %dma_start3A_17 = tpu.memref_slice %arg4[%add3A_11, %dma_start3A_16] : memref<2560x128xi32, #tpu.memory_space<hbm>> -> memref<8x128xi32, #tpu.memory_space<hbm>>
    %dma_start3A_18 = arith.constant 0 : i32
    %dma_start3A_19 = tpu.memref_slice %arg4[%add3A_11, %dma_start3A_18] : memref<2560x128xi32, #tpu.memory_space<hbm>> -> memref<8x128xi32, #tpu.memory_space<hbm>>
    tpu.enqueue_dma source(%dma_start3A_19 : memref<8x128xi32, #tpu.memory_space<hbm>>) target(%arg10 : memref<8x128xi32, #tpu.memory_space<vmem>>) target_semaphore(%arg16 : memref<!tpu.dma_semaphore, #tpu.memory_space<semaphore_mem>>)
    %dma_wait3A = arith.constant 0 : i32
    %dma_wait3A_20 = tpu.memref_slice %arg3[%add3A, %dma_wait3A] : memref<2560x128xi32, #tpu.memory_space<hbm>> -> memref<8x128xi32, #tpu.memory_space<hbm>>
    %dma_wait3A_21 = arith.constant 0 : i32
    %dma_wait3A_22 = tpu.memref_slice %arg3[%add3A, %dma_wait3A_21] : memref<2560x128xi32, #tpu.memory_space<hbm>> -> memref<8x128xi32, #tpu.memory_space<hbm>>
    tpu.wait_dma2 semaphore(%arg16 : memref<!tpu.dma_semaphore, #tpu.memory_space<semaphore_mem>>) src(%dma_wait3A_22 : memref<8x128xi32, #tpu.memory_space<hbm>>) dst(%arg7 : memref<8x128xi32, #tpu.memory_space<vmem>>)
    %dma_wait3A_23 = arith.constant 0 : i32
    %dma_wait3A_24 = tpu.memref_slice %arg4[%add3A, %dma_wait3A_23] : memref<2560x128xi32, #tpu.memory_space<hbm>> -> memref<8x128xi32, #tpu.memory_space<hbm>>
    %dma_wait3A_25 = arith.constant 0 : i32
    %dma_wait3A_26 = tpu.memref_slice %arg4[%add3A, %dma_wait3A_25] : memref<2560x128xi32, #tpu.memory_space<hbm>> -> memref<8x128xi32, #tpu.memory_space<hbm>>
    tpu.wait_dma2 semaphore(%arg16 : memref<!tpu.dma_semaphore, #tpu.memory_space<semaphore_mem>>) src(%dma_wait3A_26 : memref<8x128xi32, #tpu.memory_space<hbm>>) dst(%arg8 : memref<8x128xi32, #tpu.memory_space<vmem>>)
    %dma_start3A_27 = arith.constant 0 : i32
    %dma_start3A_28 = arith.constant 0 : i32
    %dma_start3A_29 = tpu.memref_slice %arg7[%dma_start3A_27, %dma_start3A_28] : memref<8x128xi32, #tpu.memory_space<vmem>> -> memref<1x128xi32, #tpu.memory_space<vmem>>
    %dma_start3A_30 = tpu.memref_squeeze %dma_start3A_29 : memref<1x128xi32, #tpu.memory_space<vmem>> -> memref<128xi32, #tpu.memory_space<vmem>>
    %dma_start3A_31 = arith.constant 0 : i32
    %dma_start3A_32 = arith.constant 0 : i32
    %dma_start3A_33 = tpu.memref_slice %arg2[%dma_start3A_31, %dma_start3A_32] : memref<10000x128xf32, #tpu.memory_space<hbm>> -> memref<10000x128xf32, #tpu.memory_space<hbm>>
    tpu.enqueue_indirect_dma source(%dma_start3A_33 : memref<10000x128xf32, #tpu.memory_space<hbm>>) target(%arg11 : memref<128x128xf32, #tpu.memory_space<vmem>>) offsets(%dma_start3A_30 : memref<128xi32, #tpu.memory_space<vmem>>) semaphore(%arg14 : memref<!tpu.dma_semaphore, #tpu.memory_space<semaphore_mem>>)
    %lt3A = arith.constant 15 : i32
    %lt3A_34 = arith.cmpi slt, %arg1, %lt3A : i32
    %convert_element_type3A = arith.extui %lt3A_34 : i1 to i32
    %cond3A = arith.constant 0 : i32
    %cond3A_35 = arith.cmpi ne, %convert_element_type3A, %cond3A : i32
    scf.if %cond3A_35 {
      %mul3A_72 = arith.constant 624 : i32
      %mul3A_73 = arith.muli %arg1, %mul3A_72 : i32
      %mul3A_74 = arith.constant 624 : i32
      %mul3A_75 = arith.muli %arg1, %mul3A_74 : i32
      "tpu.region"() ({
        %run_scoped3A = tpu.sem_alloc : memref<!tpu.dma_semaphore, #tpu.memory_space<semaphore_mem>>
        %dma_start3A_76 = arith.constant 0 : i32
        %dma_start3A_77 = tpu.memref_slice %arg13[%mul3A_75, %dma_start3A_76] : memref<10016x128xf32, #tpu.memory_space<vmem_shared>> -> memref<624x128xf32, #tpu.memory_space<vmem_shared>>
        %dma_start3A_78 = arith.constant 0 : i32
        %dma_start3A_79 = tpu.memref_slice %arg5[%mul3A_73, %dma_start3A_78] : memref<10016x128xf32, #tpu.memory_space<hbm>> -> memref<624x128xf32, #tpu.memory_space<hbm>>
        tpu.enqueue_dma source(%dma_start3A_79 : memref<624x128xf32, #tpu.memory_space<hbm>>) target(%dma_start3A_77 : memref<624x128xf32, #tpu.memory_space<vmem_shared>>) target_semaphore(%run_scoped3A : memref<!tpu.dma_semaphore, #tpu.memory_space<semaphore_mem>>)
        %dma_wait3A_80 = arith.constant 0 : i32
        %dma_wait3A_81 = tpu.memref_slice %arg13[%mul3A_75, %dma_wait3A_80] : memref<10016x128xf32, #tpu.memory_space<vmem_shared>> -> memref<624x128xf32, #tpu.memory_space<vmem_shared>>
        %dma_wait3A_82 = arith.constant 0 : i32
        %dma_wait3A_83 = tpu.memref_slice %arg5[%mul3A_73, %dma_wait3A_82] : memref<10016x128xf32, #tpu.memory_space<hbm>> -> memref<624x128xf32, #tpu.memory_space<hbm>>
        tpu.wait_dma2 semaphore(%run_scoped3A : memref<!tpu.dma_semaphore, #tpu.memory_space<semaphore_mem>>) src(%dma_wait3A_83 : memref<624x128xf32, #tpu.memory_space<hbm>>) dst(%dma_wait3A_81 : memref<624x128xf32, #tpu.memory_space<vmem_shared>>)
        tpu.yield
      }) : () -> ()
    } else {
    }
    %eq3A = arith.constant 15 : i32
    %eq3A_36 = arith.cmpi eq, %arg1, %eq3A : i32
    %convert_element_type3A_37 = arith.extui %eq3A_36 : i1 to i32
    %cond3A_38 = arith.constant 0 : i32
    %cond3A_39 = arith.cmpi ne, %convert_element_type3A_37, %cond3A_38 : i32
    scf.if %cond3A_39 {
      "tpu.region"() ({
        %run_scoped3A = tpu.sem_alloc : memref<!tpu.dma_semaphore, #tpu.memory_space<semaphore_mem>>
        %dma_start3A_72 = arith.constant 9360 : i32
        %dma_start3A_73 = arith.constant 0 : i32
        %dma_start3A_74 = tpu.memref_slice %arg13[%dma_start3A_72, %dma_start3A_73] : memref<10016x128xf32, #tpu.memory_space<vmem_shared>> -> memref<656x128xf32, #tpu.memory_space<vmem_shared>>
        %dma_start3A_75 = arith.constant 9360 : i32
        %dma_start3A_76 = arith.constant 0 : i32
        %dma_start3A_77 = tpu.memref_slice %arg5[%dma_start3A_75, %dma_start3A_76] : memref<10016x128xf32, #tpu.memory_space<hbm>> -> memref<656x128xf32, #tpu.memory_space<hbm>>
        tpu.enqueue_dma source(%dma_start3A_77 : memref<656x128xf32, #tpu.memory_space<hbm>>) target(%dma_start3A_74 : memref<656x128xf32, #tpu.memory_space<vmem_shared>>) target_semaphore(%run_scoped3A : memref<!tpu.dma_semaphore, #tpu.memory_space<semaphore_mem>>)
        %dma_wait3A_78 = arith.constant 9360 : i32
        %dma_wait3A_79 = arith.constant 0 : i32
        %dma_wait3A_80 = tpu.memref_slice %arg13[%dma_wait3A_78, %dma_wait3A_79] : memref<10016x128xf32, #tpu.memory_space<vmem_shared>> -> memref<656x128xf32, #tpu.memory_space<vmem_shared>>
        %dma_wait3A_81 = arith.constant 9360 : i32
        %dma_wait3A_82 = arith.constant 0 : i32
        %dma_wait3A_83 = tpu.memref_slice %arg5[%dma_wait3A_81, %dma_wait3A_82] : memref<10016x128xf32, #tpu.memory_space<hbm>> -> memref<656x128xf32, #tpu.memory_space<hbm>>
        tpu.wait_dma2 semaphore(%run_scoped3A : memref<!tpu.dma_semaphore, #tpu.memory_space<semaphore_mem>>) src(%dma_wait3A_83 : memref<656x128xf32, #tpu.memory_space<hbm>>) dst(%dma_wait3A_80 : memref<656x128xf32, #tpu.memory_space<vmem_shared>>)
        tpu.yield
      }) : () -> ()
    } else {
    }
    %barrier3A = arith.constant 0 : index
    tpu.barrier barrier_id(%barrier3A)
    %scan3A = arith.constant 0 : i32
    %scan3A_40 = arith.constant 0 : i32
    %scan3A_41 = arith.constant 5 : i32
    %scan3A_42 = arith.addi %scan3A_40, %scan3A_41 : i32
    %scan3A_43 = arith.constant 1 : i32
    scf.for %scan3A_72 = %scan3A_40 to %scan3A_42 step %scan3A_43  : i32 {
      %mul3A_73 = arith.constant 2 : i32
      %mul3A_74 = arith.muli %mul3A_73, %scan3A_72 : i32
      %add3A_75 = arith.constant 2 : i32
      %add3A_76 = arith.addi %mul3A_74, %add3A_75 : i32
      %min3A = arith.constant 9 : i32
      %min3A_77 = arith.minsi %add3A_76, %min3A : i32
      %mul3A_78 = arith.constant 8 : i32
      %mul3A_79 = arith.muli %mul3A_78, %min3A_77 : i32
      %add3A_80 = arith.addi %add3A, %mul3A_79 : i32
      %dma_start3A_81 = arith.constant 1 : i32
      %dma_start3A_82 = arith.constant 0 : i32
      %dma_start3A_83 = tpu.memref_slice %arg7[%dma_start3A_81, %dma_start3A_82] : memref<8x128xi32, #tpu.memory_space<vmem>> -> memref<1x128xi32, #tpu.memory_space<vmem>>
      %dma_start3A_84 = tpu.memref_squeeze %dma_start3A_83 : memref<1x128xi32, #tpu.memory_space<vmem>> -> memref<128xi32, #tpu.memory_space<vmem>>
      %dma_start3A_85 = arith.constant 0 : i32
      %dma_start3A_86 = arith.constant 0 : i32
      %dma_start3A_87 = tpu.memref_slice %arg2[%dma_start3A_85, %dma_start3A_86] : memref<10000x128xf32, #tpu.memory_space<hbm>> -> memref<10000x128xf32, #tpu.memory_space<hbm>>
      tpu.enqueue_indirect_dma source(%dma_start3A_87 : memref<10000x128xf32, #tpu.memory_space<hbm>>) target(%arg12 : memref<128x128xf32, #tpu.memory_space<vmem>>) offsets(%dma_start3A_84 : memref<128xi32, #tpu.memory_space<vmem>>) semaphore(%arg14 : memref<!tpu.dma_semaphore, #tpu.memory_space<semaphore_mem>>)
      %dma_wait3A_88 = arith.constant 0 : i32
      %dma_wait3A_89 = arith.constant 0 : i32
      %dma_wait3A_90 = tpu.memref_slice %arg7[%dma_wait3A_88, %dma_wait3A_89] : memref<8x128xi32, #tpu.memory_space<vmem>> -> memref<1x128xi32, #tpu.memory_space<vmem>>
      %dma_wait3A_91 = tpu.memref_squeeze %dma_wait3A_90 : memref<1x128xi32, #tpu.memory_space<vmem>> -> memref<128xi32, #tpu.memory_space<vmem>>
      %dma_wait3A_92 = arith.constant 0 : i32
      %dma_wait3A_93 = arith.constant 0 : i32
      %dma_wait3A_94 = tpu.memref_slice %arg2[%dma_wait3A_92, %dma_wait3A_93] : memref<10000x128xf32, #tpu.memory_space<hbm>> -> memref<10000x128xf32, #tpu.memory_space<hbm>>
      tpu.wait_indirect_dma semaphore(%arg14 : memref<!tpu.dma_semaphore, #tpu.memory_space<semaphore_mem>>) src(%dma_wait3A_94 : memref<10000x128xf32, #tpu.memory_space<hbm>>) dst(%arg11 : memref<128x128xf32, #tpu.memory_space<vmem>>)
      %dma_start3A_95 = arith.constant 0 : i32
      %dma_start3A_96 = arith.constant 0 : i32
      %dma_start3A_97 = tpu.memref_slice %arg8[%dma_start3A_95, %dma_start3A_96] : memref<8x128xi32, #tpu.memory_space<vmem>> -> memref<1x128xi32, #tpu.memory_space<vmem>>
      %dma_start3A_98 = tpu.memref_squeeze %dma_start3A_97 : memref<1x128xi32, #tpu.memory_space<vmem>> -> memref<128xi32, #tpu.memory_space<vmem>>
      %dma_start3A_99 = arith.constant 0 : i32
      %dma_start3A_100 = arith.constant 0 : i32
      %dma_start3A_101 = tpu.memref_slice %arg13[%dma_start3A_99, %dma_start3A_100] : memref<10016x128xf32, #tpu.memory_space<vmem_shared>> -> memref<10016x128xf32, #tpu.memory_space<vmem_shared>>
      tpu.enqueue_indirect_dma source(%arg11 : memref<128x128xf32, #tpu.memory_space<vmem>>) target(%dma_start3A_101 : memref<10016x128xf32, #tpu.memory_space<vmem_shared>>) offsets(%dma_start3A_98 : memref<128xi32, #tpu.memory_space<vmem>>) semaphore(%arg15 : memref<!tpu.dma_semaphore, #tpu.memory_space<semaphore_mem>>) {add = true}
      %dma_wait3A_102 = arith.constant 0 : i32
      %dma_wait3A_103 = arith.constant 0 : i32
      %dma_wait3A_104 = tpu.memref_slice %arg8[%dma_wait3A_102, %dma_wait3A_103] : memref<8x128xi32, #tpu.memory_space<vmem>> -> memref<1x128xi32, #tpu.memory_space<vmem>>
      %dma_wait3A_105 = tpu.memref_squeeze %dma_wait3A_104 : memref<1x128xi32, #tpu.memory_space<vmem>> -> memref<128xi32, #tpu.memory_space<vmem>>
      %dma_wait3A_106 = arith.constant 0 : i32
      %dma_wait3A_107 = arith.constant 0 : i32
      %dma_wait3A_108 = tpu.memref_slice %arg13[%dma_wait3A_106, %dma_wait3A_107] : memref<10016x128xf32, #tpu.memory_space<vmem_shared>> -> memref<10016x128xf32, #tpu.memory_space<vmem_shared>>
      tpu.wait_indirect_dma semaphore(%arg15 : memref<!tpu.dma_semaphore, #tpu.memory_space<semaphore_mem>>) src(%arg11 : memref<128x128xf32, #tpu.memory_space<vmem>>) dst(%dma_wait3A_108 : memref<10016x128xf32, #tpu.memory_space<vmem_shared>>)
      %dma_start3A_109 = arith.constant 2 : i32
      %dma_start3A_110 = arith.constant 0 : i32
      %dma_start3A_111 = tpu.memref_slice %arg7[%dma_start3A_109, %dma_start3A_110] : memref<8x128xi32, #tpu.memory_space<vmem>> -> memref<1x128xi32, #tpu.memory_space<vmem>>
      %dma_start3A_112 = tpu.memref_squeeze %dma_start3A_111 : memref<1x128xi32, #tpu.memory_space<vmem>> -> memref<128xi32, #tpu.memory_space<vmem>>
      %dma_start3A_113 = arith.constant 0 : i32
      %dma_start3A_114 = arith.constant 0 : i32
      %dma_start3A_115 = tpu.memref_slice %arg2[%dma_start3A_113, %dma_start3A_114] : memref<10000x128xf32, #tpu.memory_space<hbm>> -> memref<10000x128xf32, #tpu.memory_space<hbm>>
      tpu.enqueue_indirect_dma source(%dma_start3A_115 : memref<10000x128xf32, #tpu.memory_space<hbm>>) target(%arg11 : memref<128x128xf32, #tpu.memory_space<vmem>>) offsets(%dma_start3A_112 : memref<128xi32, #tpu.memory_space<vmem>>) semaphore(%arg14 : memref<!tpu.dma_semaphore, #tpu.memory_space<semaphore_mem>>)
      %dma_wait3A_116 = arith.constant 1 : i32
      %dma_wait3A_117 = arith.constant 0 : i32
      %dma_wait3A_118 = tpu.memref_slice %arg7[%dma_wait3A_116, %dma_wait3A_117] : memref<8x128xi32, #tpu.memory_space<vmem>> -> memref<1x128xi32, #tpu.memory_space<vmem>>
      %dma_wait3A_119 = tpu.memref_squeeze %dma_wait3A_118 : memref<1x128xi32, #tpu.memory_space<vmem>> -> memref<128xi32, #tpu.memory_space<vmem>>
      %dma_wait3A_120 = arith.constant 0 : i32
      %dma_wait3A_121 = arith.constant 0 : i32
      %dma_wait3A_122 = tpu.memref_slice %arg2[%dma_wait3A_120, %dma_wait3A_121] : memref<10000x128xf32, #tpu.memory_space<hbm>> -> memref<10000x128xf32, #tpu.memory_space<hbm>>
      tpu.wait_indirect_dma semaphore(%arg14 : memref<!tpu.dma_semaphore, #tpu.memory_space<semaphore_mem>>) src(%dma_wait3A_122 : memref<10000x128xf32, #tpu.memory_space<hbm>>) dst(%arg12 : memref<128x128xf32, #tpu.memory_space<vmem>>)
      %dma_start3A_123 = arith.constant 1 : i32
      %dma_start3A_124 = arith.constant 0 : i32
      %dma_start3A_125 = tpu.memref_slice %arg8[%dma_start3A_123, %dma_start3A_124] : memref<8x128xi32, #tpu.memory_space<vmem>> -> memref<1x128xi32, #tpu.memory_space<vmem>>
      %dma_start3A_126 = tpu.memref_squeeze %dma_start3A_125 : memref<1x128xi32, #tpu.memory_space<vmem>> -> memref<128xi32, #tpu.memory_space<vmem>>
      %dma_start3A_127 = arith.constant 0 : i32
      %dma_start3A_128 = arith.constant 0 : i32
      %dma_start3A_129 = tpu.memref_slice %arg13[%dma_start3A_127, %dma_start3A_128] : memref<10016x128xf32, #tpu.memory_space<vmem_shared>> -> memref<10016x128xf32, #tpu.memory_space<vmem_shared>>
      tpu.enqueue_indirect_dma source(%arg12 : memref<128x128xf32, #tpu.memory_space<vmem>>) target(%dma_start3A_129 : memref<10016x128xf32, #tpu.memory_space<vmem_shared>>) offsets(%dma_start3A_126 : memref<128xi32, #tpu.memory_space<vmem>>) semaphore(%arg15 : memref<!tpu.dma_semaphore, #tpu.memory_space<semaphore_mem>>) {add = true}
      %dma_wait3A_130 = arith.constant 1 : i32
      %dma_wait3A_131 = arith.constant 0 : i32
      %dma_wait3A_132 = tpu.memref_slice %arg8[%dma_wait3A_130, %dma_wait3A_131] : memref<8x128xi32, #tpu.memory_space<vmem>> -> memref<1x128xi32, #tpu.memory_space<vmem>>
      %dma_wait3A_133 = tpu.memref_squeeze %dma_wait3A_132 : memref<1x128xi32, #tpu.memory_space<vmem>> -> memref<128xi32, #tpu.memory_space<vmem>>
      %dma_wait3A_134 = arith.constant 0 : i32
      %dma_wait3A_135 = arith.constant 0 : i32
      %dma_wait3A_136 = tpu.memref_slice %arg13[%dma_wait3A_134, %dma_wait3A_135] : memref<10016x128xf32, #tpu.memory_space<vmem_shared>> -> memref<10016x128xf32, #tpu.memory_space<vmem_shared>>
      tpu.wait_indirect_dma semaphore(%arg15 : memref<!tpu.dma_semaphore, #tpu.memory_space<semaphore_mem>>) src(%arg12 : memref<128x128xf32, #tpu.memory_space<vmem>>) dst(%dma_wait3A_136 : memref<10016x128xf32, #tpu.memory_space<vmem_shared>>)
      %dma_start3A_137 = arith.constant 3 : i32
      %dma_start3A_138 = arith.constant 0 : i32
      %dma_start3A_139 = tpu.memref_slice %arg7[%dma_start3A_137, %dma_start3A_138] : memref<8x128xi32, #tpu.memory_space<vmem>> -> memref<1x128xi32, #tpu.memory_space<vmem>>
      %dma_start3A_140 = tpu.memref_squeeze %dma_start3A_139 : memref<1x128xi32, #tpu.memory_space<vmem>> -> memref<128xi32, #tpu.memory_space<vmem>>
      %dma_start3A_141 = arith.constant 0 : i32
      %dma_start3A_142 = arith.constant 0 : i32
      %dma_start3A_143 = tpu.memref_slice %arg2[%dma_start3A_141, %dma_start3A_142] : memref<10000x128xf32, #tpu.memory_space<hbm>> -> memref<10000x128xf32, #tpu.memory_space<hbm>>
      tpu.enqueue_indirect_dma source(%dma_start3A_143 : memref<10000x128xf32, #tpu.memory_space<hbm>>) target(%arg12 : memref<128x128xf32, #tpu.memory_space<vmem>>) offsets(%dma_start3A_140 : memref<128xi32, #tpu.memory_space<vmem>>) semaphore(%arg14 : memref<!tpu.dma_semaphore, #tpu.memory_space<semaphore_mem>>)
      %dma_wait3A_144 = arith.constant 2 : i32
      %dma_wait3A_145 = arith.constant 0 : i32
      %dma_wait3A_146 = tpu.memref_slice %arg7[%dma_wait3A_144, %dma_wait3A_145] : memref<8x128xi32, #tpu.memory_space<vmem>> -> memref<1x128xi32, #tpu.memory_space<vmem>>
      %dma_wait3A_147 = tpu.memref_squeeze %dma_wait3A_146 : memref<1x128xi32, #tpu.memory_space<vmem>> -> memref<128xi32, #tpu.memory_space<vmem>>
      %dma_wait3A_148 = arith.constant 0 : i32
      %dma_wait3A_149 = arith.constant 0 : i32
      %dma_wait3A_150 = tpu.memref_slice %arg2[%dma_wait3A_148, %dma_wait3A_149] : memref<10000x128xf32, #tpu.memory_space<hbm>> -> memref<10000x128xf32, #tpu.memory_space<hbm>>
      tpu.wait_indirect_dma semaphore(%arg14 : memref<!tpu.dma_semaphore, #tpu.memory_space<semaphore_mem>>) src(%dma_wait3A_150 : memref<10000x128xf32, #tpu.memory_space<hbm>>) dst(%arg11 : memref<128x128xf32, #tpu.memory_space<vmem>>)
      %dma_start3A_151 = arith.constant 2 : i32
      %dma_start3A_152 = arith.constant 0 : i32
      %dma_start3A_153 = tpu.memref_slice %arg8[%dma_start3A_151, %dma_start3A_152] : memref<8x128xi32, #tpu.memory_space<vmem>> -> memref<1x128xi32, #tpu.memory_space<vmem>>
      %dma_start3A_154 = tpu.memref_squeeze %dma_start3A_153 : memref<1x128xi32, #tpu.memory_space<vmem>> -> memref<128xi32, #tpu.memory_space<vmem>>
      %dma_start3A_155 = arith.constant 0 : i32
      %dma_start3A_156 = arith.constant 0 : i32
      %dma_start3A_157 = tpu.memref_slice %arg13[%dma_start3A_155, %dma_start3A_156] : memref<10016x128xf32, #tpu.memory_space<vmem_shared>> -> memref<10016x128xf32, #tpu.memory_space<vmem_shared>>
      tpu.enqueue_indirect_dma source(%arg11 : memref<128x128xf32, #tpu.memory_space<vmem>>) target(%dma_start3A_157 : memref<10016x128xf32, #tpu.memory_space<vmem_shared>>) offsets(%dma_start3A_154 : memref<128xi32, #tpu.memory_space<vmem>>) semaphore(%arg15 : memref<!tpu.dma_semaphore, #tpu.memory_space<semaphore_mem>>) {add = true}
      %dma_wait3A_158 = arith.constant 2 : i32
      %dma_wait3A_159 = arith.constant 0 : i32
      %dma_wait3A_160 = tpu.memref_slice %arg8[%dma_wait3A_158, %dma_wait3A_159] : memref<8x128xi32, #tpu.memory_space<vmem>> -> memref<1x128xi32, #tpu.memory_space<vmem>>
      %dma_wait3A_161 = tpu.memref_squeeze %dma_wait3A_160 : memref<1x128xi32, #tpu.memory_space<vmem>> -> memref<128xi32, #tpu.memory_space<vmem>>
      %dma_wait3A_162 = arith.constant 0 : i32
      %dma_wait3A_163 = arith.constant 0 : i32
      %dma_wait3A_164 = tpu.memref_slice %arg13[%dma_wait3A_162, %dma_wait3A_163] : memref<10016x128xf32, #tpu.memory_space<vmem_shared>> -> memref<10016x128xf32, #tpu.memory_space<vmem_shared>>
      tpu.wait_indirect_dma semaphore(%arg15 : memref<!tpu.dma_semaphore, #tpu.memory_space<semaphore_mem>>) src(%arg11 : memref<128x128xf32, #tpu.memory_space<vmem>>) dst(%dma_wait3A_164 : memref<10016x128xf32, #tpu.memory_space<vmem_shared>>)
      %dma_start3A_165 = arith.constant 4 : i32
      %dma_start3A_166 = arith.constant 0 : i32
      %dma_start3A_167 = tpu.memref_slice %arg7[%dma_start3A_165, %dma_start3A_166] : memref<8x128xi32, #tpu.memory_space<vmem>> -> memref<1x128xi32, #tpu.memory_space<vmem>>
      %dma_start3A_168 = tpu.memref_squeeze %dma_start3A_167 : memref<1x128xi32, #tpu.memory_space<vmem>> -> memref<128xi32, #tpu.memory_space<vmem>>
      %dma_start3A_169 = arith.constant 0 : i32
      %dma_start3A_170 = arith.constant 0 : i32
      %dma_start3A_171 = tpu.memref_slice %arg2[%dma_start3A_169, %dma_start3A_170] : memref<10000x128xf32, #tpu.memory_space<hbm>> -> memref<10000x128xf32, #tpu.memory_space<hbm>>
      tpu.enqueue_indirect_dma source(%dma_start3A_171 : memref<10000x128xf32, #tpu.memory_space<hbm>>) target(%arg11 : memref<128x128xf32, #tpu.memory_space<vmem>>) offsets(%dma_start3A_168 : memref<128xi32, #tpu.memory_space<vmem>>) semaphore(%arg14 : memref<!tpu.dma_semaphore, #tpu.memory_space<semaphore_mem>>)
      %dma_wait3A_172 = arith.constant 3 : i32
      %dma_wait3A_173 = arith.constant 0 : i32
      %dma_wait3A_174 = tpu.memref_slice %arg7[%dma_wait3A_172, %dma_wait3A_173] : memref<8x128xi32, #tpu.memory_space<vmem>> -> memref<1x128xi32, #tpu.memory_space<vmem>>
      %dma_wait3A_175 = tpu.memref_squeeze %dma_wait3A_174 : memref<1x128xi32, #tpu.memory_space<vmem>> -> memref<128xi32, #tpu.memory_space<vmem>>
      %dma_wait3A_176 = arith.constant 0 : i32
      %dma_wait3A_177 = arith.constant 0 : i32
      %dma_wait3A_178 = tpu.memref_slice %arg2[%dma_wait3A_176, %dma_wait3A_177] : memref<10000x128xf32, #tpu.memory_space<hbm>> -> memref<10000x128xf32, #tpu.memory_space<hbm>>
      tpu.wait_indirect_dma semaphore(%arg14 : memref<!tpu.dma_semaphore, #tpu.memory_space<semaphore_mem>>) src(%dma_wait3A_178 : memref<10000x128xf32, #tpu.memory_space<hbm>>) dst(%arg12 : memref<128x128xf32, #tpu.memory_space<vmem>>)
      %dma_start3A_179 = arith.constant 3 : i32
      %dma_start3A_180 = arith.constant 0 : i32
      %dma_start3A_181 = tpu.memref_slice %arg8[%dma_start3A_179, %dma_start3A_180] : memref<8x128xi32, #tpu.memory_space<vmem>> -> memref<1x128xi32, #tpu.memory_space<vmem>>
      %dma_start3A_182 = tpu.memref_squeeze %dma_start3A_181 : memref<1x128xi32, #tpu.memory_space<vmem>> -> memref<128xi32, #tpu.memory_space<vmem>>
      %dma_start3A_183 = arith.constant 0 : i32
      %dma_start3A_184 = arith.constant 0 : i32
      %dma_start3A_185 = tpu.memref_slice %arg13[%dma_start3A_183, %dma_start3A_184] : memref<10016x128xf32, #tpu.memory_space<vmem_shared>> -> memref<10016x128xf32, #tpu.memory_space<vmem_shared>>
      tpu.enqueue_indirect_dma source(%arg12 : memref<128x128xf32, #tpu.memory_space<vmem>>) target(%dma_start3A_185 : memref<10016x128xf32, #tpu.memory_space<vmem_shared>>) offsets(%dma_start3A_182 : memref<128xi32, #tpu.memory_space<vmem>>) semaphore(%arg15 : memref<!tpu.dma_semaphore, #tpu.memory_space<semaphore_mem>>) {add = true}
      %dma_wait3A_186 = arith.constant 3 : i32
      %dma_wait3A_187 = arith.constant 0 : i32
      %dma_wait3A_188 = tpu.memref_slice %arg8[%dma_wait3A_186, %dma_wait3A_187] : memref<8x128xi32, #tpu.memory_space<vmem>> -> memref<1x128xi32, #tpu.memory_space<vmem>>
      %dma_wait3A_189 = tpu.memref_squeeze %dma_wait3A_188 : memref<1x128xi32, #tpu.memory_space<vmem>> -> memref<128xi32, #tpu.memory_space<vmem>>
      %dma_wait3A_190 = arith.constant 0 : i32
      %dma_wait3A_191 = arith.constant 0 : i32
      %dma_wait3A_192 = tpu.memref_slice %arg13[%dma_wait3A_190, %dma_wait3A_191] : memref<10016x128xf32, #tpu.memory_space<vmem_shared>> -> memref<10016x128xf32, #tpu.memory_space<vmem_shared>>
      tpu.wait_indirect_dma semaphore(%arg15 : memref<!tpu.dma_semaphore, #tpu.memory_space<semaphore_mem>>) src(%arg12 : memref<128x128xf32, #tpu.memory_space<vmem>>) dst(%dma_wait3A_192 : memref<10016x128xf32, #tpu.memory_space<vmem_shared>>)
      %dma_start3A_193 = arith.constant 5 : i32
      %dma_start3A_194 = arith.constant 0 : i32
      %dma_start3A_195 = tpu.memref_slice %arg7[%dma_start3A_193, %dma_start3A_194] : memref<8x128xi32, #tpu.memory_space<vmem>> -> memref<1x128xi32, #tpu.memory_space<vmem>>
      %dma_start3A_196 = tpu.memref_squeeze %dma_start3A_195 : memref<1x128xi32, #tpu.memory_space<vmem>> -> memref<128xi32, #tpu.memory_space<vmem>>
      %dma_start3A_197 = arith.constant 0 : i32
      %dma_start3A_198 = arith.constant 0 : i32
      %dma_start3A_199 = tpu.memref_slice %arg2[%dma_start3A_197, %dma_start3A_198] : memref<10000x128xf32, #tpu.memory_space<hbm>> -> memref<10000x128xf32, #tpu.memory_space<hbm>>
      tpu.enqueue_indirect_dma source(%dma_start3A_199 : memref<10000x128xf32, #tpu.memory_space<hbm>>) target(%arg12 : memref<128x128xf32, #tpu.memory_space<vmem>>) offsets(%dma_start3A_196 : memref<128xi32, #tpu.memory_space<vmem>>) semaphore(%arg14 : memref<!tpu.dma_semaphore, #tpu.memory_space<semaphore_mem>>)
      %dma_wait3A_200 = arith.constant 4 : i32
      %dma_wait3A_201 = arith.constant 0 : i32
      %dma_wait3A_202 = tpu.memref_slice %arg7[%dma_wait3A_200, %dma_wait3A_201] : memref<8x128xi32, #tpu.memory_space<vmem>> -> memref<1x128xi32, #tpu.memory_space<vmem>>
      %dma_wait3A_203 = tpu.memref_squeeze %dma_wait3A_202 : memref<1x128xi32, #tpu.memory_space<vmem>> -> memref<128xi32, #tpu.memory_space<vmem>>
      %dma_wait3A_204 = arith.constant 0 : i32
      %dma_wait3A_205 = arith.constant 0 : i32
      %dma_wait3A_206 = tpu.memref_slice %arg2[%dma_wait3A_204, %dma_wait3A_205] : memref<10000x128xf32, #tpu.memory_space<hbm>> -> memref<10000x128xf32, #tpu.memory_space<hbm>>
      tpu.wait_indirect_dma semaphore(%arg14 : memref<!tpu.dma_semaphore, #tpu.memory_space<semaphore_mem>>) src(%dma_wait3A_206 : memref<10000x128xf32, #tpu.memory_space<hbm>>) dst(%arg11 : memref<128x128xf32, #tpu.memory_space<vmem>>)
      %dma_start3A_207 = arith.constant 4 : i32
      %dma_start3A_208 = arith.constant 0 : i32
      %dma_start3A_209 = tpu.memref_slice %arg8[%dma_start3A_207, %dma_start3A_208] : memref<8x128xi32, #tpu.memory_space<vmem>> -> memref<1x128xi32, #tpu.memory_space<vmem>>
      %dma_start3A_210 = tpu.memref_squeeze %dma_start3A_209 : memref<1x128xi32, #tpu.memory_space<vmem>> -> memref<128xi32, #tpu.memory_space<vmem>>
      %dma_start3A_211 = arith.constant 0 : i32
      %dma_start3A_212 = arith.constant 0 : i32
      %dma_start3A_213 = tpu.memref_slice %arg13[%dma_start3A_211, %dma_start3A_212] : memref<10016x128xf32, #tpu.memory_space<vmem_shared>> -> memref<10016x128xf32, #tpu.memory_space<vmem_shared>>
      tpu.enqueue_indirect_dma source(%arg11 : memref<128x128xf32, #tpu.memory_space<vmem>>) target(%dma_start3A_213 : memref<10016x128xf32, #tpu.memory_space<vmem_shared>>) offsets(%dma_start3A_210 : memref<128xi32, #tpu.memory_space<vmem>>) semaphore(%arg15 : memref<!tpu.dma_semaphore, #tpu.memory_space<semaphore_mem>>) {add = true}
      %dma_wait3A_214 = arith.constant 4 : i32
      %dma_wait3A_215 = arith.constant 0 : i32
      %dma_wait3A_216 = tpu.memref_slice %arg8[%dma_wait3A_214, %dma_wait3A_215] : memref<8x128xi32, #tpu.memory_space<vmem>> -> memref<1x128xi32, #tpu.memory_space<vmem>>
      %dma_wait3A_217 = tpu.memref_squeeze %dma_wait3A_216 : memref<1x128xi32, #tpu.memory_space<vmem>> -> memref<128xi32, #tpu.memory_space<vmem>>
      %dma_wait3A_218 = arith.constant 0 : i32
      %dma_wait3A_219 = arith.constant 0 : i32
      %dma_wait3A_220 = tpu.memref_slice %arg13[%dma_wait3A_218, %dma_wait3A_219] : memref<10016x128xf32, #tpu.memory_space<vmem_shared>> -> memref<10016x128xf32, #tpu.memory_space<vmem_shared>>
      tpu.wait_indirect_dma semaphore(%arg15 : memref<!tpu.dma_semaphore, #tpu.memory_space<semaphore_mem>>) src(%arg11 : memref<128x128xf32, #tpu.memory_space<vmem>>) dst(%dma_wait3A_220 : memref<10016x128xf32, #tpu.memory_space<vmem_shared>>)
      %dma_start3A_221 = arith.constant 6 : i32
      %dma_start3A_222 = arith.constant 0 : i32
      %dma_start3A_223 = tpu.memref_slice %arg7[%dma_start3A_221, %dma_start3A_222] : memref<8x128xi32, #tpu.memory_space<vmem>> -> memref<1x128xi32, #tpu.memory_space<vmem>>
      %dma_start3A_224 = tpu.memref_squeeze %dma_start3A_223 : memref<1x128xi32, #tpu.memory_space<vmem>> -> memref<128xi32, #tpu.memory_space<vmem>>
      %dma_start3A_225 = arith.constant 0 : i32
      %dma_start3A_226 = arith.constant 0 : i32
      %dma_start3A_227 = tpu.memref_slice %arg2[%dma_start3A_225, %dma_start3A_226] : memref<10000x128xf32, #tpu.memory_space<hbm>> -> memref<10000x128xf32, #tpu.memory_space<hbm>>
      tpu.enqueue_indirect_dma source(%dma_start3A_227 : memref<10000x128xf32, #tpu.memory_space<hbm>>) target(%arg11 : memref<128x128xf32, #tpu.memory_space<vmem>>) offsets(%dma_start3A_224 : memref<128xi32, #tpu.memory_space<vmem>>) semaphore(%arg14 : memref<!tpu.dma_semaphore, #tpu.memory_space<semaphore_mem>>)
      %dma_wait3A_228 = arith.constant 5 : i32
      %dma_wait3A_229 = arith.constant 0 : i32
      %dma_wait3A_230 = tpu.memref_slice %arg7[%dma_wait3A_228, %dma_wait3A_229] : memref<8x128xi32, #tpu.memory_space<vmem>> -> memref<1x128xi32, #tpu.memory_space<vmem>>
      %dma_wait3A_231 = tpu.memref_squeeze %dma_wait3A_230 : memref<1x128xi32, #tpu.memory_space<vmem>> -> memref<128xi32, #tpu.memory_space<vmem>>
      %dma_wait3A_232 = arith.constant 0 : i32
      %dma_wait3A_233 = arith.constant 0 : i32
      %dma_wait3A_234 = tpu.memref_slice %arg2[%dma_wait3A_232, %dma_wait3A_233] : memref<10000x128xf32, #tpu.memory_space<hbm>> -> memref<10000x128xf32, #tpu.memory_space<hbm>>
      tpu.wait_indirect_dma semaphore(%arg14 : memref<!tpu.dma_semaphore, #tpu.memory_space<semaphore_mem>>) src(%dma_wait3A_234 : memref<10000x128xf32, #tpu.memory_space<hbm>>) dst(%arg12 : memref<128x128xf32, #tpu.memory_space<vmem>>)
      %dma_start3A_235 = arith.constant 5 : i32
      %dma_start3A_236 = arith.constant 0 : i32
      %dma_start3A_237 = tpu.memref_slice %arg8[%dma_start3A_235, %dma_start3A_236] : memref<8x128xi32, #tpu.memory_space<vmem>> -> memref<1x128xi32, #tpu.memory_space<vmem>>
      %dma_start3A_238 = tpu.memref_squeeze %dma_start3A_237 : memref<1x128xi32, #tpu.memory_space<vmem>> -> memref<128xi32, #tpu.memory_space<vmem>>
      %dma_start3A_239 = arith.constant 0 : i32
      %dma_start3A_240 = arith.constant 0 : i32
      %dma_start3A_241 = tpu.memref_slice %arg13[%dma_start3A_239, %dma_start3A_240] : memref<10016x128xf32, #tpu.memory_space<vmem_shared>> -> memref<10016x128xf32, #tpu.memory_space<vmem_shared>>
      tpu.enqueue_indirect_dma source(%arg12 : memref<128x128xf32, #tpu.memory_space<vmem>>) target(%dma_start3A_241 : memref<10016x128xf32, #tpu.memory_space<vmem_shared>>) offsets(%dma_start3A_238 : memref<128xi32, #tpu.memory_space<vmem>>) semaphore(%arg15 : memref<!tpu.dma_semaphore, #tpu.memory_space<semaphore_mem>>) {add = true}
      %dma_wait3A_242 = arith.constant 5 : i32
      %dma_wait3A_243 = arith.constant 0 : i32
      %dma_wait3A_244 = tpu.memref_slice %arg8[%dma_wait3A_242, %dma_wait3A_243] : memref<8x128xi32, #tpu.memory_space<vmem>> -> memref<1x128xi32, #tpu.memory_space<vmem>>
      %dma_wait3A_245 = tpu.memref_squeeze %dma_wait3A_244 : memref<1x128xi32, #tpu.memory_space<vmem>> -> memref<128xi32, #tpu.memory_space<vmem>>
      %dma_wait3A_246 = arith.constant 0 : i32
      %dma_wait3A_247 = arith.constant 0 : i32
      %dma_wait3A_248 = tpu.memref_slice %arg13[%dma_wait3A_246, %dma_wait3A_247] : memref<10016x128xf32, #tpu.memory_space<vmem_shared>> -> memref<10016x128xf32, #tpu.memory_space<vmem_shared>>
      tpu.wait_indirect_dma semaphore(%arg15 : memref<!tpu.dma_semaphore, #tpu.memory_space<semaphore_mem>>) src(%arg12 : memref<128x128xf32, #tpu.memory_space<vmem>>) dst(%dma_wait3A_248 : memref<10016x128xf32, #tpu.memory_space<vmem_shared>>)
      %dma_start3A_249 = arith.constant 7 : i32
      %dma_start3A_250 = arith.constant 0 : i32
      %dma_start3A_251 = tpu.memref_slice %arg7[%dma_start3A_249, %dma_start3A_250] : memref<8x128xi32, #tpu.memory_space<vmem>> -> memref<1x128xi32, #tpu.memory_space<vmem>>
      %dma_start3A_252 = tpu.memref_squeeze %dma_start3A_251 : memref<1x128xi32, #tpu.memory_space<vmem>> -> memref<128xi32, #tpu.memory_space<vmem>>
      %dma_start3A_253 = arith.constant 0 : i32
      %dma_start3A_254 = arith.constant 0 : i32
      %dma_start3A_255 = tpu.memref_slice %arg2[%dma_start3A_253, %dma_start3A_254] : memref<10000x128xf32, #tpu.memory_space<hbm>> -> memref<10000x128xf32, #tpu.memory_space<hbm>>
      tpu.enqueue_indirect_dma source(%dma_start3A_255 : memref<10000x128xf32, #tpu.memory_space<hbm>>) target(%arg12 : memref<128x128xf32, #tpu.memory_space<vmem>>) offsets(%dma_start3A_252 : memref<128xi32, #tpu.memory_space<vmem>>) semaphore(%arg14 : memref<!tpu.dma_semaphore, #tpu.memory_space<semaphore_mem>>)
      %dma_wait3A_256 = arith.constant 6 : i32
      %dma_wait3A_257 = arith.constant 0 : i32
      %dma_wait3A_258 = tpu.memref_slice %arg7[%dma_wait3A_256, %dma_wait3A_257] : memref<8x128xi32, #tpu.memory_space<vmem>> -> memref<1x128xi32, #tpu.memory_space<vmem>>
      %dma_wait3A_259 = tpu.memref_squeeze %dma_wait3A_258 : memref<1x128xi32, #tpu.memory_space<vmem>> -> memref<128xi32, #tpu.memory_space<vmem>>
      %dma_wait3A_260 = arith.constant 0 : i32
      %dma_wait3A_261 = arith.constant 0 : i32
      %dma_wait3A_262 = tpu.memref_slice %arg2[%dma_wait3A_260, %dma_wait3A_261] : memref<10000x128xf32, #tpu.memory_space<hbm>> -> memref<10000x128xf32, #tpu.memory_space<hbm>>
      tpu.wait_indirect_dma semaphore(%arg14 : memref<!tpu.dma_semaphore, #tpu.memory_space<semaphore_mem>>) src(%dma_wait3A_262 : memref<10000x128xf32, #tpu.memory_space<hbm>>) dst(%arg11 : memref<128x128xf32, #tpu.memory_space<vmem>>)
      %dma_start3A_263 = arith.constant 6 : i32
      %dma_start3A_264 = arith.constant 0 : i32
      %dma_start3A_265 = tpu.memref_slice %arg8[%dma_start3A_263, %dma_start3A_264] : memref<8x128xi32, #tpu.memory_space<vmem>> -> memref<1x128xi32, #tpu.memory_space<vmem>>
      %dma_start3A_266 = tpu.memref_squeeze %dma_start3A_265 : memref<1x128xi32, #tpu.memory_space<vmem>> -> memref<128xi32, #tpu.memory_space<vmem>>
      %dma_start3A_267 = arith.constant 0 : i32
      %dma_start3A_268 = arith.constant 0 : i32
      %dma_start3A_269 = tpu.memref_slice %arg13[%dma_start3A_267, %dma_start3A_268] : memref<10016x128xf32, #tpu.memory_space<vmem_shared>> -> memref<10016x128xf32, #tpu.memory_space<vmem_shared>>
      tpu.enqueue_indirect_dma source(%arg11 : memref<128x128xf32, #tpu.memory_space<vmem>>) target(%dma_start3A_269 : memref<10016x128xf32, #tpu.memory_space<vmem_shared>>) offsets(%dma_start3A_266 : memref<128xi32, #tpu.memory_space<vmem>>) semaphore(%arg15 : memref<!tpu.dma_semaphore, #tpu.memory_space<semaphore_mem>>) {add = true}
      %dma_wait3A_270 = arith.constant 7 : i32
      %dma_wait3A_271 = arith.constant 0 : i32
      %dma_wait3A_272 = tpu.memref_slice %arg7[%dma_wait3A_270, %dma_wait3A_271] : memref<8x128xi32, #tpu.memory_space<vmem>> -> memref<1x128xi32, #tpu.memory_space<vmem>>
      %dma_wait3A_273 = tpu.memref_squeeze %dma_wait3A_272 : memref<1x128xi32, #tpu.memory_space<vmem>> -> memref<128xi32, #tpu.memory_space<vmem>>
      %dma_wait3A_274 = arith.constant 0 : i32
      %dma_wait3A_275 = arith.constant 0 : i32
      %dma_wait3A_276 = tpu.memref_slice %arg2[%dma_wait3A_274, %dma_wait3A_275] : memref<10000x128xf32, #tpu.memory_space<hbm>> -> memref<10000x128xf32, #tpu.memory_space<hbm>>
      tpu.wait_indirect_dma semaphore(%arg14 : memref<!tpu.dma_semaphore, #tpu.memory_space<semaphore_mem>>) src(%dma_wait3A_276 : memref<10000x128xf32, #tpu.memory_space<hbm>>) dst(%arg12 : memref<128x128xf32, #tpu.memory_space<vmem>>)
      %dma_start3A_277 = arith.constant 7 : i32
      %dma_start3A_278 = arith.constant 0 : i32
      %dma_start3A_279 = tpu.memref_slice %arg8[%dma_start3A_277, %dma_start3A_278] : memref<8x128xi32, #tpu.memory_space<vmem>> -> memref<1x128xi32, #tpu.memory_space<vmem>>
      %dma_start3A_280 = tpu.memref_squeeze %dma_start3A_279 : memref<1x128xi32, #tpu.memory_space<vmem>> -> memref<128xi32, #tpu.memory_space<vmem>>
      %dma_start3A_281 = arith.constant 0 : i32
      %dma_start3A_282 = arith.constant 0 : i32
      %dma_start3A_283 = tpu.memref_slice %arg13[%dma_start3A_281, %dma_start3A_282] : memref<10016x128xf32, #tpu.memory_space<vmem_shared>> -> memref<10016x128xf32, #tpu.memory_space<vmem_shared>>
      tpu.enqueue_indirect_dma source(%arg12 : memref<128x128xf32, #tpu.memory_space<vmem>>) target(%dma_start3A_283 : memref<10016x128xf32, #tpu.memory_space<vmem_shared>>) offsets(%dma_start3A_280 : memref<128xi32, #tpu.memory_space<vmem>>) semaphore(%arg15 : memref<!tpu.dma_semaphore, #tpu.memory_space<semaphore_mem>>) {add = true}
      %dma_wait3A_284 = arith.constant 6 : i32
      %dma_wait3A_285 = arith.constant 0 : i32
      %dma_wait3A_286 = tpu.memref_slice %arg8[%dma_wait3A_284, %dma_wait3A_285] : memref<8x128xi32, #tpu.memory_space<vmem>> -> memref<1x128xi32, #tpu.memory_space<vmem>>
      %dma_wait3A_287 = tpu.memref_squeeze %dma_wait3A_286 : memref<1x128xi32, #tpu.memory_space<vmem>> -> memref<128xi32, #tpu.memory_space<vmem>>
      %dma_wait3A_288 = arith.constant 0 : i32
      %dma_wait3A_289 = arith.constant 0 : i32
      %dma_wait3A_290 = tpu.memref_slice %arg13[%dma_wait3A_288, %dma_wait3A_289] : memref<10016x128xf32, #tpu.memory_space<vmem_shared>> -> memref<10016x128xf32, #tpu.memory_space<vmem_shared>>
      tpu.wait_indirect_dma semaphore(%arg15 : memref<!tpu.dma_semaphore, #tpu.memory_space<semaphore_mem>>) src(%arg11 : memref<128x128xf32, #tpu.memory_space<vmem>>) dst(%dma_wait3A_290 : memref<10016x128xf32, #tpu.memory_space<vmem_shared>>)
      %dma_wait3A_291 = arith.constant 0 : i32
      %dma_wait3A_292 = tpu.memref_slice %arg3[%add3A, %dma_wait3A_291] : memref<2560x128xi32, #tpu.memory_space<hbm>> -> memref<8x128xi32, #tpu.memory_space<hbm>>
      %dma_wait3A_293 = arith.constant 0 : i32
      %dma_wait3A_294 = tpu.memref_slice %arg3[%add3A, %dma_wait3A_293] : memref<2560x128xi32, #tpu.memory_space<hbm>> -> memref<8x128xi32, #tpu.memory_space<hbm>>
      tpu.wait_dma2 semaphore(%arg16 : memref<!tpu.dma_semaphore, #tpu.memory_space<semaphore_mem>>) src(%dma_wait3A_294 : memref<8x128xi32, #tpu.memory_space<hbm>>) dst(%arg9 : memref<8x128xi32, #tpu.memory_space<vmem>>)
      %dma_wait3A_295 = arith.constant 0 : i32
      %dma_wait3A_296 = tpu.memref_slice %arg4[%add3A, %dma_wait3A_295] : memref<2560x128xi32, #tpu.memory_space<hbm>> -> memref<8x128xi32, #tpu.memory_space<hbm>>
      %dma_wait3A_297 = arith.constant 0 : i32
      %dma_wait3A_298 = tpu.memref_slice %arg4[%add3A, %dma_wait3A_297] : memref<2560x128xi32, #tpu.memory_space<hbm>> -> memref<8x128xi32, #tpu.memory_space<hbm>>
      tpu.wait_dma2 semaphore(%arg16 : memref<!tpu.dma_semaphore, #tpu.memory_space<semaphore_mem>>) src(%dma_wait3A_298 : memref<8x128xi32, #tpu.memory_space<hbm>>) dst(%arg10 : memref<8x128xi32, #tpu.memory_space<vmem>>)
      %dma_start3A_299 = arith.constant 0 : i32
      %dma_start3A_300 = arith.constant 0 : i32
      %dma_start3A_301 = tpu.memref_slice %arg9[%dma_start3A_299, %dma_start3A_300] : memref<8x128xi32, #tpu.memory_space<vmem>> -> memref<1x128xi32, #tpu.memory_space<vmem>>
      %dma_start3A_302 = tpu.memref_squeeze %dma_start3A_301 : memref<1x128xi32, #tpu.memory_space<vmem>> -> memref<128xi32, #tpu.memory_space<vmem>>
      %dma_start3A_303 = arith.constant 0 : i32
      %dma_start3A_304 = arith.constant 0 : i32
      %dma_start3A_305 = tpu.memref_slice %arg2[%dma_start3A_303, %dma_start3A_304] : memref<10000x128xf32, #tpu.memory_space<hbm>> -> memref<10000x128xf32, #tpu.memory_space<hbm>>
      tpu.enqueue_indirect_dma source(%dma_start3A_305 : memref<10000x128xf32, #tpu.memory_space<hbm>>) target(%arg11 : memref<128x128xf32, #tpu.memory_space<vmem>>) offsets(%dma_start3A_302 : memref<128xi32, #tpu.memory_space<vmem>>) semaphore(%arg14 : memref<!tpu.dma_semaphore, #tpu.memory_space<semaphore_mem>>)
      %dma_wait3A_306 = arith.constant 7 : i32
      %dma_wait3A_307 = arith.constant 0 : i32
      %dma_wait3A_308 = tpu.memref_slice %arg8[%dma_wait3A_306, %dma_wait3A_307] : memref<8x128xi32, #tpu.memory_space<vmem>> -> memref<1x128xi32, #tpu.memory_space<vmem>>
      %dma_wait3A_309 = tpu.memref_squeeze %dma_wait3A_308 : memref<1x128xi32, #tpu.memory_space<vmem>> -> memref<128xi32, #tpu.memory_space<vmem>>
      %dma_wait3A_310 = arith.constant 0 : i32
      %dma_wait3A_311 = arith.constant 0 : i32
      %dma_wait3A_312 = tpu.memref_slice %arg13[%dma_wait3A_310, %dma_wait3A_311] : memref<10016x128xf32, #tpu.memory_space<vmem_shared>> -> memref<10016x128xf32, #tpu.memory_space<vmem_shared>>
      tpu.wait_indirect_dma semaphore(%arg15 : memref<!tpu.dma_semaphore, #tpu.memory_space<semaphore_mem>>) src(%arg12 : memref<128x128xf32, #tpu.memory_space<vmem>>) dst(%dma_wait3A_312 : memref<10016x128xf32, #tpu.memory_space<vmem_shared>>)
      %dma_start3A_313 = arith.constant 0 : i32
      %dma_start3A_314 = tpu.memref_slice %arg3[%add3A_80, %dma_start3A_313] : memref<2560x128xi32, #tpu.memory_space<hbm>> -> memref<8x128xi32, #tpu.memory_space<hbm>>
      %dma_start3A_315 = arith.constant 0 : i32
      %dma_start3A_316 = tpu.memref_slice %arg3[%add3A_80, %dma_start3A_315] : memref<2560x128xi32, #tpu.memory_space<hbm>> -> memref<8x128xi32, #tpu.memory_space<hbm>>
      tpu.enqueue_dma source(%dma_start3A_316 : memref<8x128xi32, #tpu.memory_space<hbm>>) target(%arg7 : memref<8x128xi32, #tpu.memory_space<vmem>>) target_semaphore(%arg16 : memref<!tpu.dma_semaphore, #tpu.memory_space<semaphore_mem>>)
      %dma_start3A_317 = arith.constant 0 : i32
      %dma_start3A_318 = tpu.memref_slice %arg4[%add3A_80, %dma_start3A_317] : memref<2560x128xi32, #tpu.memory_space<hbm>> -> memref<8x128xi32, #tpu.memory_space<hbm>>
      %dma_start3A_319 = arith.constant 0 : i32
      %dma_start3A_320 = tpu.memref_slice %arg4[%add3A_80, %dma_start3A_319] : memref<2560x128xi32, #tpu.memory_space<hbm>> -> memref<8x128xi32, #tpu.memory_space<hbm>>
      tpu.enqueue_dma source(%dma_start3A_320 : memref<8x128xi32, #tpu.memory_space<hbm>>) target(%arg8 : memref<8x128xi32, #tpu.memory_space<vmem>>) target_semaphore(%arg16 : memref<!tpu.dma_semaphore, #tpu.memory_space<semaphore_mem>>)
      %mul3A_321 = arith.constant 2 : i32
      %mul3A_322 = arith.muli %mul3A_321, %scan3A_72 : i32
      %add3A_323 = arith.constant 3 : i32
      %add3A_324 = arith.addi %mul3A_322, %add3A_323 : i32
      %min3A_325 = arith.constant 9 : i32
      %min3A_326 = arith.minsi %add3A_324, %min3A_325 : i32
      %mul3A_327 = arith.constant 8 : i32
      %mul3A_328 = arith.muli %mul3A_327, %min3A_326 : i32
      %add3A_329 = arith.addi %add3A, %mul3A_328 : i32
      %lt3A_330 = arith.constant 4 : i32
      %lt3A_331 = arith.cmpi slt, %scan3A_72, %lt3A_330 : i32
      %dma_start3A_332 = arith.constant 1 : i32
      %dma_start3A_333 = arith.constant 0 : i32
      %dma_start3A_334 = tpu.memref_slice %arg9[%dma_start3A_332, %dma_start3A_333] : memref<8x128xi32, #tpu.memory_space<vmem>> -> memref<1x128xi32, #tpu.memory_space<vmem>>
      %dma_start3A_335 = tpu.memref_squeeze %dma_start3A_334 : memref<1x128xi32, #tpu.memory_space<vmem>> -> memref<128xi32, #tpu.memory_space<vmem>>
      %dma_start3A_336 = arith.constant 0 : i32
      %dma_start3A_337 = arith.constant 0 : i32
      %dma_start3A_338 = tpu.memref_slice %arg2[%dma_start3A_336, %dma_start3A_337] : memref<10000x128xf32, #tpu.memory_space<hbm>> -> memref<10000x128xf32, #tpu.memory_space<hbm>>
      tpu.enqueue_indirect_dma source(%dma_start3A_338 : memref<10000x128xf32, #tpu.memory_space<hbm>>) target(%arg12 : memref<128x128xf32, #tpu.memory_space<vmem>>) offsets(%dma_start3A_335 : memref<128xi32, #tpu.memory_space<vmem>>) semaphore(%arg14 : memref<!tpu.dma_semaphore, #tpu.memory_space<semaphore_mem>>)
      %dma_wait3A_339 = arith.constant 0 : i32
      %dma_wait3A_340 = arith.constant 0 : i32
      %dma_wait3A_341 = tpu.memref_slice %arg9[%dma_wait3A_339, %dma_wait3A_340] : memref<8x128xi32, #tpu.memory_space<vmem>> -> memref<1x128xi32, #tpu.memory_space<vmem>>
      %dma_wait3A_342 = tpu.memref_squeeze %dma_wait3A_341 : memref<1x128xi32, #tpu.memory_space<vmem>> -> memref<128xi32, #tpu.memory_space<vmem>>
      %dma_wait3A_343 = arith.constant 0 : i32
      %dma_wait3A_344 = arith.constant 0 : i32
      %dma_wait3A_345 = tpu.memref_slice %arg2[%dma_wait3A_343, %dma_wait3A_344] : memref<10000x128xf32, #tpu.memory_space<hbm>> -> memref<10000x128xf32, #tpu.memory_space<hbm>>
      tpu.wait_indirect_dma semaphore(%arg14 : memref<!tpu.dma_semaphore, #tpu.memory_space<semaphore_mem>>) src(%dma_wait3A_345 : memref<10000x128xf32, #tpu.memory_space<hbm>>) dst(%arg11 : memref<128x128xf32, #tpu.memory_space<vmem>>)
      %dma_start3A_346 = arith.constant 0 : i32
      %dma_start3A_347 = arith.constant 0 : i32
      %dma_start3A_348 = tpu.memref_slice %arg10[%dma_start3A_346, %dma_start3A_347] : memref<8x128xi32, #tpu.memory_space<vmem>> -> memref<1x128xi32, #tpu.memory_space<vmem>>
      %dma_start3A_349 = tpu.memref_squeeze %dma_start3A_348 : memref<1x128xi32, #tpu.memory_space<vmem>> -> memref<128xi32, #tpu.memory_space<vmem>>
      %dma_start3A_350 = arith.constant 0 : i32
      %dma_start3A_351 = arith.constant 0 : i32
      %dma_start3A_352 = tpu.memref_slice %arg13[%dma_start3A_350, %dma_start3A_351] : memref<10016x128xf32, #tpu.memory_space<vmem_shared>> -> memref<10016x128xf32, #tpu.memory_space<vmem_shared>>
      tpu.enqueue_indirect_dma source(%arg11 : memref<128x128xf32, #tpu.memory_space<vmem>>) target(%dma_start3A_352 : memref<10016x128xf32, #tpu.memory_space<vmem_shared>>) offsets(%dma_start3A_349 : memref<128xi32, #tpu.memory_space<vmem>>) semaphore(%arg15 : memref<!tpu.dma_semaphore, #tpu.memory_space<semaphore_mem>>) {add = true}
      %dma_wait3A_353 = arith.constant 0 : i32
      %dma_wait3A_354 = arith.constant 0 : i32
      %dma_wait3A_355 = tpu.memref_slice %arg10[%dma_wait3A_353, %dma_wait3A_354] : memref<8x128xi32, #tpu.memory_space<vmem>> -> memref<1x128xi32, #tpu.memory_space<vmem>>
      %dma_wait3A_356 = tpu.memref_squeeze %dma_wait3A_355 : memref<1x128xi32, #tpu.memory_space<vmem>> -> memref<128xi32, #tpu.memory_space<vmem>>
      %dma_wait3A_357 = arith.constant 0 : i32
      %dma_wait3A_358 = arith.constant 0 : i32
      %dma_wait3A_359 = tpu.memref_slice %arg13[%dma_wait3A_357, %dma_wait3A_358] : memref<10016x128xf32, #tpu.memory_space<vmem_shared>> -> memref<10016x128xf32, #tpu.memory_space<vmem_shared>>
      tpu.wait_indirect_dma semaphore(%arg15 : memref<!tpu.dma_semaphore, #tpu.memory_space<semaphore_mem>>) src(%arg11 : memref<128x128xf32, #tpu.memory_space<vmem>>) dst(%dma_wait3A_359 : memref<10016x128xf32, #tpu.memory_space<vmem_shared>>)
      %dma_start3A_360 = arith.constant 2 : i32
      %dma_start3A_361 = arith.constant 0 : i32
      %dma_start3A_362 = tpu.memref_slice %arg9[%dma_start3A_360, %dma_start3A_361] : memref<8x128xi32, #tpu.memory_space<vmem>> -> memref<1x128xi32, #tpu.memory_space<vmem>>
      %dma_start3A_363 = tpu.memref_squeeze %dma_start3A_362 : memref<1x128xi32, #tpu.memory_space<vmem>> -> memref<128xi32, #tpu.memory_space<vmem>>
      %dma_start3A_364 = arith.constant 0 : i32
      %dma_start3A_365 = arith.constant 0 : i32
      %dma_start3A_366 = tpu.memref_slice %arg2[%dma_start3A_364, %dma_start3A_365] : memref<10000x128xf32, #tpu.memory_space<hbm>> -> memref<10000x128xf32, #tpu.memory_space<hbm>>
      tpu.enqueue_indirect_dma source(%dma_start3A_366 : memref<10000x128xf32, #tpu.memory_space<hbm>>) target(%arg11 : memref<128x128xf32, #tpu.memory_space<vmem>>) offsets(%dma_start3A_363 : memref<128xi32, #tpu.memory_space<vmem>>) semaphore(%arg14 : memref<!tpu.dma_semaphore, #tpu.memory_space<semaphore_mem>>)
      %dma_wait3A_367 = arith.constant 1 : i32
      %dma_wait3A_368 = arith.constant 0 : i32
      %dma_wait3A_369 = tpu.memref_slice %arg9[%dma_wait3A_367, %dma_wait3A_368] : memref<8x128xi32, #tpu.memory_space<vmem>> -> memref<1x128xi32, #tpu.memory_space<vmem>>
      %dma_wait3A_370 = tpu.memref_squeeze %dma_wait3A_369 : memref<1x128xi32, #tpu.memory_space<vmem>> -> memref<128xi32, #tpu.memory_space<vmem>>
      %dma_wait3A_371 = arith.constant 0 : i32
      %dma_wait3A_372 = arith.constant 0 : i32
      %dma_wait3A_373 = tpu.memref_slice %arg2[%dma_wait3A_371, %dma_wait3A_372] : memref<10000x128xf32, #tpu.memory_space<hbm>> -> memref<10000x128xf32, #tpu.memory_space<hbm>>
      tpu.wait_indirect_dma semaphore(%arg14 : memref<!tpu.dma_semaphore, #tpu.memory_space<semaphore_mem>>) src(%dma_wait3A_373 : memref<10000x128xf32, #tpu.memory_space<hbm>>) dst(%arg12 : memref<128x128xf32, #tpu.memory_space<vmem>>)
      %dma_start3A_374 = arith.constant 1 : i32
      %dma_start3A_375 = arith.constant 0 : i32
      %dma_start3A_376 = tpu.memref_slice %arg10[%dma_start3A_374, %dma_start3A_375] : memref<8x128xi32, #tpu.memory_space<vmem>> -> memref<1x128xi32, #tpu.memory_space<vmem>>
      %dma_start3A_377 = tpu.memref_squeeze %dma_start3A_376 : memref<1x128xi32, #tpu.memory_space<vmem>> -> memref<128xi32, #tpu.memory_space<vmem>>
      %dma_start3A_378 = arith.constant 0 : i32
      %dma_start3A_379 = arith.constant 0 : i32
      %dma_start3A_380 = tpu.memref_slice %arg13[%dma_start3A_378, %dma_start3A_379] : memref<10016x128xf32, #tpu.memory_space<vmem_shared>> -> memref<10016x128xf32, #tpu.memory_space<vmem_shared>>
      tpu.enqueue_indirect_dma source(%arg12 : memref<128x128xf32, #tpu.memory_space<vmem>>) target(%dma_start3A_380 : memref<10016x128xf32, #tpu.memory_space<vmem_shared>>) offsets(%dma_start3A_377 : memref<128xi32, #tpu.memory_space<vmem>>) semaphore(%arg15 : memref<!tpu.dma_semaphore, #tpu.memory_space<semaphore_mem>>) {add = true}
      %dma_wait3A_381 = arith.constant 1 : i32
      %dma_wait3A_382 = arith.constant 0 : i32
      %dma_wait3A_383 = tpu.memref_slice %arg10[%dma_wait3A_381, %dma_wait3A_382] : memref<8x128xi32, #tpu.memory_space<vmem>> -> memref<1x128xi32, #tpu.memory_space<vmem>>
      %dma_wait3A_384 = tpu.memref_squeeze %dma_wait3A_383 : memref<1x128xi32, #tpu.memory_space<vmem>> -> memref<128xi32, #tpu.memory_space<vmem>>
      %dma_wait3A_385 = arith.constant 0 : i32
      %dma_wait3A_386 = arith.constant 0 : i32
      %dma_wait3A_387 = tpu.memref_slice %arg13[%dma_wait3A_385, %dma_wait3A_386] : memref<10016x128xf32, #tpu.memory_space<vmem_shared>> -> memref<10016x128xf32, #tpu.memory_space<vmem_shared>>
      tpu.wait_indirect_dma semaphore(%arg15 : memref<!tpu.dma_semaphore, #tpu.memory_space<semaphore_mem>>) src(%arg12 : memref<128x128xf32, #tpu.memory_space<vmem>>) dst(%dma_wait3A_387 : memref<10016x128xf32, #tpu.memory_space<vmem_shared>>)
      %dma_start3A_388 = arith.constant 3 : i32
      %dma_start3A_389 = arith.constant 0 : i32
      %dma_start3A_390 = tpu.memref_slice %arg9[%dma_start3A_388, %dma_start3A_389] : memref<8x128xi32, #tpu.memory_space<vmem>> -> memref<1x128xi32, #tpu.memory_space<vmem>>
      %dma_start3A_391 = tpu.memref_squeeze %dma_start3A_390 : memref<1x128xi32, #tpu.memory_space<vmem>> -> memref<128xi32, #tpu.memory_space<vmem>>
      %dma_start3A_392 = arith.constant 0 : i32
      %dma_start3A_393 = arith.constant 0 : i32
      %dma_start3A_394 = tpu.memref_slice %arg2[%dma_start3A_392, %dma_start3A_393] : memref<10000x128xf32, #tpu.memory_space<hbm>> -> memref<10000x128xf32, #tpu.memory_space<hbm>>
      tpu.enqueue_indirect_dma source(%dma_start3A_394 : memref<10000x128xf32, #tpu.memory_space<hbm>>) target(%arg12 : memref<128x128xf32, #tpu.memory_space<vmem>>) offsets(%dma_start3A_391 : memref<128xi32, #tpu.memory_space<vmem>>) semaphore(%arg14 : memref<!tpu.dma_semaphore, #tpu.memory_space<semaphore_mem>>)
      %dma_wait3A_395 = arith.constant 2 : i32
      %dma_wait3A_396 = arith.constant 0 : i32
      %dma_wait3A_397 = tpu.memref_slice %arg9[%dma_wait3A_395, %dma_wait3A_396] : memref<8x128xi32, #tpu.memory_space<vmem>> -> memref<1x128xi32, #tpu.memory_space<vmem>>
      %dma_wait3A_398 = tpu.memref_squeeze %dma_wait3A_397 : memref<1x128xi32, #tpu.memory_space<vmem>> -> memref<128xi32, #tpu.memory_space<vmem>>
      %dma_wait3A_399 = arith.constant 0 : i32
      %dma_wait3A_400 = arith.constant 0 : i32
      %dma_wait3A_401 = tpu.memref_slice %arg2[%dma_wait3A_399, %dma_wait3A_400] : memref<10000x128xf32, #tpu.memory_space<hbm>> -> memref<10000x128xf32, #tpu.memory_space<hbm>>
      tpu.wait_indirect_dma semaphore(%arg14 : memref<!tpu.dma_semaphore, #tpu.memory_space<semaphore_mem>>) src(%dma_wait3A_401 : memref<10000x128xf32, #tpu.memory_space<hbm>>) dst(%arg11 : memref<128x128xf32, #tpu.memory_space<vmem>>)
      %dma_start3A_402 = arith.constant 2 : i32
      %dma_start3A_403 = arith.constant 0 : i32
      %dma_start3A_404 = tpu.memref_slice %arg10[%dma_start3A_402, %dma_start3A_403] : memref<8x128xi32, #tpu.memory_space<vmem>> -> memref<1x128xi32, #tpu.memory_space<vmem>>
      %dma_start3A_405 = tpu.memref_squeeze %dma_start3A_404 : memref<1x128xi32, #tpu.memory_space<vmem>> -> memref<128xi32, #tpu.memory_space<vmem>>
      %dma_start3A_406 = arith.constant 0 : i32
      %dma_start3A_407 = arith.constant 0 : i32
      %dma_start3A_408 = tpu.memref_slice %arg13[%dma_start3A_406, %dma_start3A_407] : memref<10016x128xf32, #tpu.memory_space<vmem_shared>> -> memref<10016x128xf32, #tpu.memory_space<vmem_shared>>
      tpu.enqueue_indirect_dma source(%arg11 : memref<128x128xf32, #tpu.memory_space<vmem>>) target(%dma_start3A_408 : memref<10016x128xf32, #tpu.memory_space<vmem_shared>>) offsets(%dma_start3A_405 : memref<128xi32, #tpu.memory_space<vmem>>) semaphore(%arg15 : memref<!tpu.dma_semaphore, #tpu.memory_space<semaphore_mem>>) {add = true}
      %dma_wait3A_409 = arith.constant 2 : i32
      %dma_wait3A_410 = arith.constant 0 : i32
      %dma_wait3A_411 = tpu.memref_slice %arg10[%dma_wait3A_409, %dma_wait3A_410] : memref<8x128xi32, #tpu.memory_space<vmem>> -> memref<1x128xi32, #tpu.memory_space<vmem>>
      %dma_wait3A_412 = tpu.memref_squeeze %dma_wait3A_411 : memref<1x128xi32, #tpu.memory_space<vmem>> -> memref<128xi32, #tpu.memory_space<vmem>>
      %dma_wait3A_413 = arith.constant 0 : i32
      %dma_wait3A_414 = arith.constant 0 : i32
      %dma_wait3A_415 = tpu.memref_slice %arg13[%dma_wait3A_413, %dma_wait3A_414] : memref<10016x128xf32, #tpu.memory_space<vmem_shared>> -> memref<10016x128xf32, #tpu.memory_space<vmem_shared>>
      tpu.wait_indirect_dma semaphore(%arg15 : memref<!tpu.dma_semaphore, #tpu.memory_space<semaphore_mem>>) src(%arg11 : memref<128x128xf32, #tpu.memory_space<vmem>>) dst(%dma_wait3A_415 : memref<10016x128xf32, #tpu.memory_space<vmem_shared>>)
      %dma_start3A_416 = arith.constant 4 : i32
      %dma_start3A_417 = arith.constant 0 : i32
      %dma_start3A_418 = tpu.memref_slice %arg9[%dma_start3A_416, %dma_start3A_417] : memref<8x128xi32, #tpu.memory_space<vmem>> -> memref<1x128xi32, #tpu.memory_space<vmem>>
      %dma_start3A_419 = tpu.memref_squeeze %dma_start3A_418 : memref<1x128xi32, #tpu.memory_space<vmem>> -> memref<128xi32, #tpu.memory_space<vmem>>
      %dma_start3A_420 = arith.constant 0 : i32
      %dma_start3A_421 = arith.constant 0 : i32
      %dma_start3A_422 = tpu.memref_slice %arg2[%dma_start3A_420, %dma_start3A_421] : memref<10000x128xf32, #tpu.memory_space<hbm>> -> memref<10000x128xf32, #tpu.memory_space<hbm>>
      tpu.enqueue_indirect_dma source(%dma_start3A_422 : memref<10000x128xf32, #tpu.memory_space<hbm>>) target(%arg11 : memref<128x128xf32, #tpu.memory_space<vmem>>) offsets(%dma_start3A_419 : memref<128xi32, #tpu.memory_space<vmem>>) semaphore(%arg14 : memref<!tpu.dma_semaphore, #tpu.memory_space<semaphore_mem>>)
      %dma_wait3A_423 = arith.constant 3 : i32
      %dma_wait3A_424 = arith.constant 0 : i32
      %dma_wait3A_425 = tpu.memref_slice %arg9[%dma_wait3A_423, %dma_wait3A_424] : memref<8x128xi32, #tpu.memory_space<vmem>> -> memref<1x128xi32, #tpu.memory_space<vmem>>
      %dma_wait3A_426 = tpu.memref_squeeze %dma_wait3A_425 : memref<1x128xi32, #tpu.memory_space<vmem>> -> memref<128xi32, #tpu.memory_space<vmem>>
      %dma_wait3A_427 = arith.constant 0 : i32
      %dma_wait3A_428 = arith.constant 0 : i32
      %dma_wait3A_429 = tpu.memref_slice %arg2[%dma_wait3A_427, %dma_wait3A_428] : memref<10000x128xf32, #tpu.memory_space<hbm>> -> memref<10000x128xf32, #tpu.memory_space<hbm>>
      tpu.wait_indirect_dma semaphore(%arg14 : memref<!tpu.dma_semaphore, #tpu.memory_space<semaphore_mem>>) src(%dma_wait3A_429 : memref<10000x128xf32, #tpu.memory_space<hbm>>) dst(%arg12 : memref<128x128xf32, #tpu.memory_space<vmem>>)
      %dma_start3A_430 = arith.constant 3 : i32
      %dma_start3A_431 = arith.constant 0 : i32
      %dma_start3A_432 = tpu.memref_slice %arg10[%dma_start3A_430, %dma_start3A_431] : memref<8x128xi32, #tpu.memory_space<vmem>> -> memref<1x128xi32, #tpu.memory_space<vmem>>
      %dma_start3A_433 = tpu.memref_squeeze %dma_start3A_432 : memref<1x128xi32, #tpu.memory_space<vmem>> -> memref<128xi32, #tpu.memory_space<vmem>>
      %dma_start3A_434 = arith.constant 0 : i32
      %dma_start3A_435 = arith.constant 0 : i32
      %dma_start3A_436 = tpu.memref_slice %arg13[%dma_start3A_434, %dma_start3A_435] : memref<10016x128xf32, #tpu.memory_space<vmem_shared>> -> memref<10016x128xf32, #tpu.memory_space<vmem_shared>>
      tpu.enqueue_indirect_dma source(%arg12 : memref<128x128xf32, #tpu.memory_space<vmem>>) target(%dma_start3A_436 : memref<10016x128xf32, #tpu.memory_space<vmem_shared>>) offsets(%dma_start3A_433 : memref<128xi32, #tpu.memory_space<vmem>>) semaphore(%arg15 : memref<!tpu.dma_semaphore, #tpu.memory_space<semaphore_mem>>) {add = true}
      %dma_wait3A_437 = arith.constant 3 : i32
      %dma_wait3A_438 = arith.constant 0 : i32
      %dma_wait3A_439 = tpu.memref_slice %arg10[%dma_wait3A_437, %dma_wait3A_438] : memref<8x128xi32, #tpu.memory_space<vmem>> -> memref<1x128xi32, #tpu.memory_space<vmem>>
      %dma_wait3A_440 = tpu.memref_squeeze %dma_wait3A_439 : memref<1x128xi32, #tpu.memory_space<vmem>> -> memref<128xi32, #tpu.memory_space<vmem>>
      %dma_wait3A_441 = arith.constant 0 : i32
      %dma_wait3A_442 = arith.constant 0 : i32
      %dma_wait3A_443 = tpu.memref_slice %arg13[%dma_wait3A_441, %dma_wait3A_442] : memref<10016x128xf32, #tpu.memory_space<vmem_shared>> -> memref<10016x128xf32, #tpu.memory_space<vmem_shared>>
      tpu.wait_indirect_dma semaphore(%arg15 : memref<!tpu.dma_semaphore, #tpu.memory_space<semaphore_mem>>) src(%arg12 : memref<128x128xf32, #tpu.memory_space<vmem>>) dst(%dma_wait3A_443 : memref<10016x128xf32, #tpu.memory_space<vmem_shared>>)
      %dma_start3A_444 = arith.constant 5 : i32
      %dma_start3A_445 = arith.constant 0 : i32
      %dma_start3A_446 = tpu.memref_slice %arg9[%dma_start3A_444, %dma_start3A_445] : memref<8x128xi32, #tpu.memory_space<vmem>> -> memref<1x128xi32, #tpu.memory_space<vmem>>
      %dma_start3A_447 = tpu.memref_squeeze %dma_start3A_446 : memref<1x128xi32, #tpu.memory_space<vmem>> -> memref<128xi32, #tpu.memory_space<vmem>>
      %dma_start3A_448 = arith.constant 0 : i32
      %dma_start3A_449 = arith.constant 0 : i32
      %dma_start3A_450 = tpu.memref_slice %arg2[%dma_start3A_448, %dma_start3A_449] : memref<10000x128xf32, #tpu.memory_space<hbm>> -> memref<10000x128xf32, #tpu.memory_space<hbm>>
      tpu.enqueue_indirect_dma source(%dma_start3A_450 : memref<10000x128xf32, #tpu.memory_space<hbm>>) target(%arg12 : memref<128x128xf32, #tpu.memory_space<vmem>>) offsets(%dma_start3A_447 : memref<128xi32, #tpu.memory_space<vmem>>) semaphore(%arg14 : memref<!tpu.dma_semaphore, #tpu.memory_space<semaphore_mem>>)
      %dma_wait3A_451 = arith.constant 4 : i32
      %dma_wait3A_452 = arith.constant 0 : i32
      %dma_wait3A_453 = tpu.memref_slice %arg9[%dma_wait3A_451, %dma_wait3A_452] : memref<8x128xi32, #tpu.memory_space<vmem>> -> memref<1x128xi32, #tpu.memory_space<vmem>>
      %dma_wait3A_454 = tpu.memref_squeeze %dma_wait3A_453 : memref<1x128xi32, #tpu.memory_space<vmem>> -> memref<128xi32, #tpu.memory_space<vmem>>
      %dma_wait3A_455 = arith.constant 0 : i32
      %dma_wait3A_456 = arith.constant 0 : i32
      %dma_wait3A_457 = tpu.memref_slice %arg2[%dma_wait3A_455, %dma_wait3A_456] : memref<10000x128xf32, #tpu.memory_space<hbm>> -> memref<10000x128xf32, #tpu.memory_space<hbm>>
      tpu.wait_indirect_dma semaphore(%arg14 : memref<!tpu.dma_semaphore, #tpu.memory_space<semaphore_mem>>) src(%dma_wait3A_457 : memref<10000x128xf32, #tpu.memory_space<hbm>>) dst(%arg11 : memref<128x128xf32, #tpu.memory_space<vmem>>)
      %dma_start3A_458 = arith.constant 4 : i32
      %dma_start3A_459 = arith.constant 0 : i32
      %dma_start3A_460 = tpu.memref_slice %arg10[%dma_start3A_458, %dma_start3A_459] : memref<8x128xi32, #tpu.memory_space<vmem>> -> memref<1x128xi32, #tpu.memory_space<vmem>>
      %dma_start3A_461 = tpu.memref_squeeze %dma_start3A_460 : memref<1x128xi32, #tpu.memory_space<vmem>> -> memref<128xi32, #tpu.memory_space<vmem>>
      %dma_start3A_462 = arith.constant 0 : i32
      %dma_start3A_463 = arith.constant 0 : i32
      %dma_start3A_464 = tpu.memref_slice %arg13[%dma_start3A_462, %dma_start3A_463] : memref<10016x128xf32, #tpu.memory_space<vmem_shared>> -> memref<10016x128xf32, #tpu.memory_space<vmem_shared>>
      tpu.enqueue_indirect_dma source(%arg11 : memref<128x128xf32, #tpu.memory_space<vmem>>) target(%dma_start3A_464 : memref<10016x128xf32, #tpu.memory_space<vmem_shared>>) offsets(%dma_start3A_461 : memref<128xi32, #tpu.memory_space<vmem>>) semaphore(%arg15 : memref<!tpu.dma_semaphore, #tpu.memory_space<semaphore_mem>>) {add = true}
      %dma_wait3A_465 = arith.constant 4 : i32
      %dma_wait3A_466 = arith.constant 0 : i32
      %dma_wait3A_467 = tpu.memref_slice %arg10[%dma_wait3A_465, %dma_wait3A_466] : memref<8x128xi32, #tpu.memory_space<vmem>> -> memref<1x128xi32, #tpu.memory_space<vmem>>
      %dma_wait3A_468 = tpu.memref_squeeze %dma_wait3A_467 : memref<1x128xi32, #tpu.memory_space<vmem>> -> memref<128xi32, #tpu.memory_space<vmem>>
      %dma_wait3A_469 = arith.constant 0 : i32
      %dma_wait3A_470 = arith.constant 0 : i32
      %dma_wait3A_471 = tpu.memref_slice %arg13[%dma_wait3A_469, %dma_wait3A_470] : memref<10016x128xf32, #tpu.memory_space<vmem_shared>> -> memref<10016x128xf32, #tpu.memory_space<vmem_shared>>
      tpu.wait_indirect_dma semaphore(%arg15 : memref<!tpu.dma_semaphore, #tpu.memory_space<semaphore_mem>>) src(%arg11 : memref<128x128xf32, #tpu.memory_space<vmem>>) dst(%dma_wait3A_471 : memref<10016x128xf32, #tpu.memory_space<vmem_shared>>)
      %dma_start3A_472 = arith.constant 6 : i32
      %dma_start3A_473 = arith.constant 0 : i32
      %dma_start3A_474 = tpu.memref_slice %arg9[%dma_start3A_472, %dma_start3A_473] : memref<8x128xi32, #tpu.memory_space<vmem>> -> memref<1x128xi32, #tpu.memory_space<vmem>>
      %dma_start3A_475 = tpu.memref_squeeze %dma_start3A_474 : memref<1x128xi32, #tpu.memory_space<vmem>> -> memref<128xi32, #tpu.memory_space<vmem>>
      %dma_start3A_476 = arith.constant 0 : i32
      %dma_start3A_477 = arith.constant 0 : i32
      %dma_start3A_478 = tpu.memref_slice %arg2[%dma_start3A_476, %dma_start3A_477] : memref<10000x128xf32, #tpu.memory_space<hbm>> -> memref<10000x128xf32, #tpu.memory_space<hbm>>
      tpu.enqueue_indirect_dma source(%dma_start3A_478 : memref<10000x128xf32, #tpu.memory_space<hbm>>) target(%arg11 : memref<128x128xf32, #tpu.memory_space<vmem>>) offsets(%dma_start3A_475 : memref<128xi32, #tpu.memory_space<vmem>>) semaphore(%arg14 : memref<!tpu.dma_semaphore, #tpu.memory_space<semaphore_mem>>)
      %dma_wait3A_479 = arith.constant 5 : i32
      %dma_wait3A_480 = arith.constant 0 : i32
      %dma_wait3A_481 = tpu.memref_slice %arg9[%dma_wait3A_479, %dma_wait3A_480] : memref<8x128xi32, #tpu.memory_space<vmem>> -> memref<1x128xi32, #tpu.memory_space<vmem>>
      %dma_wait3A_482 = tpu.memref_squeeze %dma_wait3A_481 : memref<1x128xi32, #tpu.memory_space<vmem>> -> memref<128xi32, #tpu.memory_space<vmem>>
      %dma_wait3A_483 = arith.constant 0 : i32
      %dma_wait3A_484 = arith.constant 0 : i32
      %dma_wait3A_485 = tpu.memref_slice %arg2[%dma_wait3A_483, %dma_wait3A_484] : memref<10000x128xf32, #tpu.memory_space<hbm>> -> memref<10000x128xf32, #tpu.memory_space<hbm>>
      tpu.wait_indirect_dma semaphore(%arg14 : memref<!tpu.dma_semaphore, #tpu.memory_space<semaphore_mem>>) src(%dma_wait3A_485 : memref<10000x128xf32, #tpu.memory_space<hbm>>) dst(%arg12 : memref<128x128xf32, #tpu.memory_space<vmem>>)
      %dma_start3A_486 = arith.constant 5 : i32
      %dma_start3A_487 = arith.constant 0 : i32
      %dma_start3A_488 = tpu.memref_slice %arg10[%dma_start3A_486, %dma_start3A_487] : memref<8x128xi32, #tpu.memory_space<vmem>> -> memref<1x128xi32, #tpu.memory_space<vmem>>
      %dma_start3A_489 = tpu.memref_squeeze %dma_start3A_488 : memref<1x128xi32, #tpu.memory_space<vmem>> -> memref<128xi32, #tpu.memory_space<vmem>>
      %dma_start3A_490 = arith.constant 0 : i32
      %dma_start3A_491 = arith.constant 0 : i32
      %dma_start3A_492 = tpu.memref_slice %arg13[%dma_start3A_490, %dma_start3A_491] : memref<10016x128xf32, #tpu.memory_space<vmem_shared>> -> memref<10016x128xf32, #tpu.memory_space<vmem_shared>>
      tpu.enqueue_indirect_dma source(%arg12 : memref<128x128xf32, #tpu.memory_space<vmem>>) target(%dma_start3A_492 : memref<10016x128xf32, #tpu.memory_space<vmem_shared>>) offsets(%dma_start3A_489 : memref<128xi32, #tpu.memory_space<vmem>>) semaphore(%arg15 : memref<!tpu.dma_semaphore, #tpu.memory_space<semaphore_mem>>) {add = true}
      %dma_wait3A_493 = arith.constant 5 : i32
      %dma_wait3A_494 = arith.constant 0 : i32
      %dma_wait3A_495 = tpu.memref_slice %arg10[%dma_wait3A_493, %dma_wait3A_494] : memref<8x128xi32, #tpu.memory_space<vmem>> -> memref<1x128xi32, #tpu.memory_space<vmem>>
      %dma_wait3A_496 = tpu.memref_squeeze %dma_wait3A_495 : memref<1x128xi32, #tpu.memory_space<vmem>> -> memref<128xi32, #tpu.memory_space<vmem>>
      %dma_wait3A_497 = arith.constant 0 : i32
      %dma_wait3A_498 = arith.constant 0 : i32
      %dma_wait3A_499 = tpu.memref_slice %arg13[%dma_wait3A_497, %dma_wait3A_498] : memref<10016x128xf32, #tpu.memory_space<vmem_shared>> -> memref<10016x128xf32, #tpu.memory_space<vmem_shared>>
      tpu.wait_indirect_dma semaphore(%arg15 : memref<!tpu.dma_semaphore, #tpu.memory_space<semaphore_mem>>) src(%arg12 : memref<128x128xf32, #tpu.memory_space<vmem>>) dst(%dma_wait3A_499 : memref<10016x128xf32, #tpu.memory_space<vmem_shared>>)
      %dma_start3A_500 = arith.constant 7 : i32
      %dma_start3A_501 = arith.constant 0 : i32
      %dma_start3A_502 = tpu.memref_slice %arg9[%dma_start3A_500, %dma_start3A_501] : memref<8x128xi32, #tpu.memory_space<vmem>> -> memref<1x128xi32, #tpu.memory_space<vmem>>
      %dma_start3A_503 = tpu.memref_squeeze %dma_start3A_502 : memref<1x128xi32, #tpu.memory_space<vmem>> -> memref<128xi32, #tpu.memory_space<vmem>>
      %dma_start3A_504 = arith.constant 0 : i32
      %dma_start3A_505 = arith.constant 0 : i32
      %dma_start3A_506 = tpu.memref_slice %arg2[%dma_start3A_504, %dma_start3A_505] : memref<10000x128xf32, #tpu.memory_space<hbm>> -> memref<10000x128xf32, #tpu.memory_space<hbm>>
      tpu.enqueue_indirect_dma source(%dma_start3A_506 : memref<10000x128xf32, #tpu.memory_space<hbm>>) target(%arg12 : memref<128x128xf32, #tpu.memory_space<vmem>>) offsets(%dma_start3A_503 : memref<128xi32, #tpu.memory_space<vmem>>) semaphore(%arg14 : memref<!tpu.dma_semaphore, #tpu.memory_space<semaphore_mem>>)
      %dma_wait3A_507 = arith.constant 6 : i32
      %dma_wait3A_508 = arith.constant 0 : i32
      %dma_wait3A_509 = tpu.memref_slice %arg9[%dma_wait3A_507, %dma_wait3A_508] : memref<8x128xi32, #tpu.memory_space<vmem>> -> memref<1x128xi32, #tpu.memory_space<vmem>>
      %dma_wait3A_510 = tpu.memref_squeeze %dma_wait3A_509 : memref<1x128xi32, #tpu.memory_space<vmem>> -> memref<128xi32, #tpu.memory_space<vmem>>
      %dma_wait3A_511 = arith.constant 0 : i32
      %dma_wait3A_512 = arith.constant 0 : i32
      %dma_wait3A_513 = tpu.memref_slice %arg2[%dma_wait3A_511, %dma_wait3A_512] : memref<10000x128xf32, #tpu.memory_space<hbm>> -> memref<10000x128xf32, #tpu.memory_space<hbm>>
      tpu.wait_indirect_dma semaphore(%arg14 : memref<!tpu.dma_semaphore, #tpu.memory_space<semaphore_mem>>) src(%dma_wait3A_513 : memref<10000x128xf32, #tpu.memory_space<hbm>>) dst(%arg11 : memref<128x128xf32, #tpu.memory_space<vmem>>)
      %dma_start3A_514 = arith.constant 6 : i32
      %dma_start3A_515 = arith.constant 0 : i32
      %dma_start3A_516 = tpu.memref_slice %arg10[%dma_start3A_514, %dma_start3A_515] : memref<8x128xi32, #tpu.memory_space<vmem>> -> memref<1x128xi32, #tpu.memory_space<vmem>>
      %dma_start3A_517 = tpu.memref_squeeze %dma_start3A_516 : memref<1x128xi32, #tpu.memory_space<vmem>> -> memref<128xi32, #tpu.memory_space<vmem>>
      %dma_start3A_518 = arith.constant 0 : i32
      %dma_start3A_519 = arith.constant 0 : i32
      %dma_start3A_520 = tpu.memref_slice %arg13[%dma_start3A_518, %dma_start3A_519] : memref<10016x128xf32, #tpu.memory_space<vmem_shared>> -> memref<10016x128xf32, #tpu.memory_space<vmem_shared>>
      tpu.enqueue_indirect_dma source(%arg11 : memref<128x128xf32, #tpu.memory_space<vmem>>) target(%dma_start3A_520 : memref<10016x128xf32, #tpu.memory_space<vmem_shared>>) offsets(%dma_start3A_517 : memref<128xi32, #tpu.memory_space<vmem>>) semaphore(%arg15 : memref<!tpu.dma_semaphore, #tpu.memory_space<semaphore_mem>>) {add = true}
      %dma_wait3A_521 = arith.constant 7 : i32
      %dma_wait3A_522 = arith.constant 0 : i32
      %dma_wait3A_523 = tpu.memref_slice %arg9[%dma_wait3A_521, %dma_wait3A_522] : memref<8x128xi32, #tpu.memory_space<vmem>> -> memref<1x128xi32, #tpu.memory_space<vmem>>
      %dma_wait3A_524 = tpu.memref_squeeze %dma_wait3A_523 : memref<1x128xi32, #tpu.memory_space<vmem>> -> memref<128xi32, #tpu.memory_space<vmem>>
      %dma_wait3A_525 = arith.constant 0 : i32
      %dma_wait3A_526 = arith.constant 0 : i32
      %dma_wait3A_527 = tpu.memref_slice %arg2[%dma_wait3A_525, %dma_wait3A_526] : memref<10000x128xf32, #tpu.memory_space<hbm>> -> memref<10000x128xf32, #tpu.memory_space<hbm>>
      tpu.wait_indirect_dma semaphore(%arg14 : memref<!tpu.dma_semaphore, #tpu.memory_space<semaphore_mem>>) src(%dma_wait3A_527 : memref<10000x128xf32, #tpu.memory_space<hbm>>) dst(%arg12 : memref<128x128xf32, #tpu.memory_space<vmem>>)
      %dma_start3A_528 = arith.constant 7 : i32
      %dma_start3A_529 = arith.constant 0 : i32
      %dma_start3A_530 = tpu.memref_slice %arg10[%dma_start3A_528, %dma_start3A_529] : memref<8x128xi32, #tpu.memory_space<vmem>> -> memref<1x128xi32, #tpu.memory_space<vmem>>
      %dma_start3A_531 = tpu.memref_squeeze %dma_start3A_530 : memref<1x128xi32, #tpu.memory_space<vmem>> -> memref<128xi32, #tpu.memory_space<vmem>>
      %dma_start3A_532 = arith.constant 0 : i32
      %dma_start3A_533 = arith.constant 0 : i32
      %dma_start3A_534 = tpu.memref_slice %arg13[%dma_start3A_532, %dma_start3A_533] : memref<10016x128xf32, #tpu.memory_space<vmem_shared>> -> memref<10016x128xf32, #tpu.memory_space<vmem_shared>>
      tpu.enqueue_indirect_dma source(%arg12 : memref<128x128xf32, #tpu.memory_space<vmem>>) target(%dma_start3A_534 : memref<10016x128xf32, #tpu.memory_space<vmem_shared>>) offsets(%dma_start3A_531 : memref<128xi32, #tpu.memory_space<vmem>>) semaphore(%arg15 : memref<!tpu.dma_semaphore, #tpu.memory_space<semaphore_mem>>) {add = true}
      %dma_wait3A_535 = arith.constant 6 : i32
      %dma_wait3A_536 = arith.constant 0 : i32
      %dma_wait3A_537 = tpu.memref_slice %arg10[%dma_wait3A_535, %dma_wait3A_536] : memref<8x128xi32, #tpu.memory_space<vmem>> -> memref<1x128xi32, #tpu.memory_space<vmem>>
      %dma_wait3A_538 = tpu.memref_squeeze %dma_wait3A_537 : memref<1x128xi32, #tpu.memory_space<vmem>> -> memref<128xi32, #tpu.memory_space<vmem>>
      %dma_wait3A_539 = arith.constant 0 : i32
      %dma_wait3A_540 = arith.constant 0 : i32
      %dma_wait3A_541 = tpu.memref_slice %arg13[%dma_wait3A_539, %dma_wait3A_540] : memref<10016x128xf32, #tpu.memory_space<vmem_shared>> -> memref<10016x128xf32, #tpu.memory_space<vmem_shared>>
      tpu.wait_indirect_dma semaphore(%arg15 : memref<!tpu.dma_semaphore, #tpu.memory_space<semaphore_mem>>) src(%arg11 : memref<128x128xf32, #tpu.memory_space<vmem>>) dst(%dma_wait3A_541 : memref<10016x128xf32, #tpu.memory_space<vmem_shared>>)
      %convert_element_type3A_542 = arith.extui %lt3A_331 : i1 to i32
      %cond3A_543 = arith.constant 0 : i32
      %cond3A_544 = arith.cmpi ne, %convert_element_type3A_542, %cond3A_543 : i32
      scf.if %cond3A_544 {
        %dma_wait3A_560 = arith.constant 0 : i32
        %dma_wait3A_561 = tpu.memref_slice %arg3[%add3A, %dma_wait3A_560] : memref<2560x128xi32, #tpu.memory_space<hbm>> -> memref<8x128xi32, #tpu.memory_space<hbm>>
        %dma_wait3A_562 = arith.constant 0 : i32
        %dma_wait3A_563 = tpu.memref_slice %arg3[%add3A, %dma_wait3A_562] : memref<2560x128xi32, #tpu.memory_space<hbm>> -> memref<8x128xi32, #tpu.memory_space<hbm>>
        tpu.wait_dma2 semaphore(%arg16 : memref<!tpu.dma_semaphore, #tpu.memory_space<semaphore_mem>>) src(%dma_wait3A_563 : memref<8x128xi32, #tpu.memory_space<hbm>>) dst(%arg7 : memref<8x128xi32, #tpu.memory_space<vmem>>)
        %dma_wait3A_564 = arith.constant 0 : i32
        %dma_wait3A_565 = tpu.memref_slice %arg4[%add3A, %dma_wait3A_564] : memref<2560x128xi32, #tpu.memory_space<hbm>> -> memref<8x128xi32, #tpu.memory_space<hbm>>
        %dma_wait3A_566 = arith.constant 0 : i32
        %dma_wait3A_567 = tpu.memref_slice %arg4[%add3A, %dma_wait3A_566] : memref<2560x128xi32, #tpu.memory_space<hbm>> -> memref<8x128xi32, #tpu.memory_space<hbm>>
        tpu.wait_dma2 semaphore(%arg16 : memref<!tpu.dma_semaphore, #tpu.memory_space<semaphore_mem>>) src(%dma_wait3A_567 : memref<8x128xi32, #tpu.memory_space<hbm>>) dst(%arg8 : memref<8x128xi32, #tpu.memory_space<vmem>>)
        %dma_start3A_568 = arith.constant 0 : i32
        %dma_start3A_569 = arith.constant 0 : i32
        %dma_start3A_570 = tpu.memref_slice %arg7[%dma_start3A_568, %dma_start3A_569] : memref<8x128xi32, #tpu.memory_space<vmem>> -> memref<1x128xi32, #tpu.memory_space<vmem>>
        %dma_start3A_571 = tpu.memref_squeeze %dma_start3A_570 : memref<1x128xi32, #tpu.memory_space<vmem>> -> memref<128xi32, #tpu.memory_space<vmem>>
        %dma_start3A_572 = arith.constant 0 : i32
        %dma_start3A_573 = arith.constant 0 : i32
        %dma_start3A_574 = tpu.memref_slice %arg2[%dma_start3A_572, %dma_start3A_573] : memref<10000x128xf32, #tpu.memory_space<hbm>> -> memref<10000x128xf32, #tpu.memory_space<hbm>>
        tpu.enqueue_indirect_dma source(%dma_start3A_574 : memref<10000x128xf32, #tpu.memory_space<hbm>>) target(%arg11 : memref<128x128xf32, #tpu.memory_space<vmem>>) offsets(%dma_start3A_571 : memref<128xi32, #tpu.memory_space<vmem>>) semaphore(%arg14 : memref<!tpu.dma_semaphore, #tpu.memory_space<semaphore_mem>>)
      } else {
      }
      %dma_wait3A_545 = arith.constant 7 : i32
      %dma_wait3A_546 = arith.constant 0 : i32
      %dma_wait3A_547 = tpu.memref_slice %arg10[%dma_wait3A_545, %dma_wait3A_546] : memref<8x128xi32, #tpu.memory_space<vmem>> -> memref<1x128xi32, #tpu.memory_space<vmem>>
      %dma_wait3A_548 = tpu.memref_squeeze %dma_wait3A_547 : memref<1x128xi32, #tpu.memory_space<vmem>> -> memref<128xi32, #tpu.memory_space<vmem>>
      %dma_wait3A_549 = arith.constant 0 : i32
      %dma_wait3A_550 = arith.constant 0 : i32
      %dma_wait3A_551 = tpu.memref_slice %arg13[%dma_wait3A_549, %dma_wait3A_550] : memref<10016x128xf32, #tpu.memory_space<vmem_shared>> -> memref<10016x128xf32, #tpu.memory_space<vmem_shared>>
      tpu.wait_indirect_dma semaphore(%arg15 : memref<!tpu.dma_semaphore, #tpu.memory_space<semaphore_mem>>) src(%arg12 : memref<128x128xf32, #tpu.memory_space<vmem>>) dst(%dma_wait3A_551 : memref<10016x128xf32, #tpu.memory_space<vmem_shared>>)
      %dma_start3A_552 = arith.constant 0 : i32
      %dma_start3A_553 = tpu.memref_slice %arg3[%add3A_329, %dma_start3A_552] : memref<2560x128xi32, #tpu.memory_space<hbm>> -> memref<8x128xi32, #tpu.memory_space<hbm>>
      %dma_start3A_554 = arith.constant 0 : i32
      %dma_start3A_555 = tpu.memref_slice %arg3[%add3A_329, %dma_start3A_554] : memref<2560x128xi32, #tpu.memory_space<hbm>> -> memref<8x128xi32, #tpu.memory_space<hbm>>
      tpu.enqueue_dma source(%dma_start3A_555 : memref<8x128xi32, #tpu.memory_space<hbm>>) target(%arg9 : memref<8x128xi32, #tpu.memory_space<vmem>>) target_semaphore(%arg16 : memref<!tpu.dma_semaphore, #tpu.memory_space<semaphore_mem>>)
      %dma_start3A_556 = arith.constant 0 : i32
      %dma_start3A_557 = tpu.memref_slice %arg4[%add3A_329, %dma_start3A_556] : memref<2560x128xi32, #tpu.memory_space<hbm>> -> memref<8x128xi32, #tpu.memory_space<hbm>>
      %dma_start3A_558 = arith.constant 0 : i32
      %dma_start3A_559 = tpu.memref_slice %arg4[%add3A_329, %dma_start3A_558] : memref<2560x128xi32, #tpu.memory_space<hbm>> -> memref<8x128xi32, #tpu.memory_space<hbm>>
      tpu.enqueue_dma source(%dma_start3A_559 : memref<8x128xi32, #tpu.memory_space<hbm>>) target(%arg10 : memref<8x128xi32, #tpu.memory_space<vmem>>) target_semaphore(%arg16 : memref<!tpu.dma_semaphore, #tpu.memory_space<semaphore_mem>>)
    }
    %scan3A_44 = arith.constant 5 : i32
    %dma_wait3A_45 = arith.constant 0 : i32
    %dma_wait3A_46 = tpu.memref_slice %arg3[%add3A, %dma_wait3A_45] : memref<2560x128xi32, #tpu.memory_space<hbm>> -> memref<8x128xi32, #tpu.memory_space<hbm>>
    %dma_wait3A_47 = arith.constant 0 : i32
    %dma_wait3A_48 = tpu.memref_slice %arg3[%add3A, %dma_wait3A_47] : memref<2560x128xi32, #tpu.memory_space<hbm>> -> memref<8x128xi32, #tpu.memory_space<hbm>>
    tpu.wait_dma2 semaphore(%arg16 : memref<!tpu.dma_semaphore, #tpu.memory_space<semaphore_mem>>) src(%dma_wait3A_48 : memref<8x128xi32, #tpu.memory_space<hbm>>) dst(%arg7 : memref<8x128xi32, #tpu.memory_space<vmem>>)
    %dma_wait3A_49 = arith.constant 0 : i32
    %dma_wait3A_50 = tpu.memref_slice %arg4[%add3A, %dma_wait3A_49] : memref<2560x128xi32, #tpu.memory_space<hbm>> -> memref<8x128xi32, #tpu.memory_space<hbm>>
    %dma_wait3A_51 = arith.constant 0 : i32
    %dma_wait3A_52 = tpu.memref_slice %arg4[%add3A, %dma_wait3A_51] : memref<2560x128xi32, #tpu.memory_space<hbm>> -> memref<8x128xi32, #tpu.memory_space<hbm>>
    tpu.wait_dma2 semaphore(%arg16 : memref<!tpu.dma_semaphore, #tpu.memory_space<semaphore_mem>>) src(%dma_wait3A_52 : memref<8x128xi32, #tpu.memory_space<hbm>>) dst(%arg8 : memref<8x128xi32, #tpu.memory_space<vmem>>)
    %dma_wait3A_53 = arith.constant 0 : i32
    %dma_wait3A_54 = tpu.memref_slice %arg3[%add3A, %dma_wait3A_53] : memref<2560x128xi32, #tpu.memory_space<hbm>> -> memref<8x128xi32, #tpu.memory_space<hbm>>
    %dma_wait3A_55 = arith.constant 0 : i32
    %dma_wait3A_56 = tpu.memref_slice %arg3[%add3A, %dma_wait3A_55] : memref<2560x128xi32, #tpu.memory_space<hbm>> -> memref<8x128xi32, #tpu.memory_space<hbm>>
    tpu.wait_dma2 semaphore(%arg16 : memref<!tpu.dma_semaphore, #tpu.memory_space<semaphore_mem>>) src(%dma_wait3A_56 : memref<8x128xi32, #tpu.memory_space<hbm>>) dst(%arg9 : memref<8x128xi32, #tpu.memory_space<vmem>>)
    %dma_wait3A_57 = arith.constant 0 : i32
    %dma_wait3A_58 = tpu.memref_slice %arg4[%add3A, %dma_wait3A_57] : memref<2560x128xi32, #tpu.memory_space<hbm>> -> memref<8x128xi32, #tpu.memory_space<hbm>>
    %dma_wait3A_59 = arith.constant 0 : i32
    %dma_wait3A_60 = tpu.memref_slice %arg4[%add3A, %dma_wait3A_59] : memref<2560x128xi32, #tpu.memory_space<hbm>> -> memref<8x128xi32, #tpu.memory_space<hbm>>
    tpu.wait_dma2 semaphore(%arg16 : memref<!tpu.dma_semaphore, #tpu.memory_space<semaphore_mem>>) src(%dma_wait3A_60 : memref<8x128xi32, #tpu.memory_space<hbm>>) dst(%arg10 : memref<8x128xi32, #tpu.memory_space<vmem>>)
    %barrier3A_61 = arith.constant 0 : index
    tpu.barrier barrier_id(%barrier3A_61)
    %lt3A_62 = arith.constant 15 : i32
    %lt3A_63 = arith.cmpi slt, %arg1, %lt3A_62 : i32
    %convert_element_type3A_64 = arith.extui %lt3A_63 : i1 to i32
    %cond3A_65 = arith.constant 0 : i32
    %cond3A_66 = arith.cmpi ne, %convert_element_type3A_64, %cond3A_65 : i32
    scf.if %cond3A_66 {
      %mul3A_72 = arith.constant 624 : i32
      %mul3A_73 = arith.muli %arg1, %mul3A_72 : i32
      %mul3A_74 = arith.constant 10000 : i32
      %mul3A_75 = arith.muli %arg0, %mul3A_74 : i32
      %mul3A_76 = arith.constant 624 : i32
      %mul3A_77 = arith.muli %arg1, %mul3A_76 : i32
      %add3A_78 = arith.addi %mul3A_75, %mul3A_77 : i32
      "tpu.region"() ({
        %run_scoped3A = tpu.sem_alloc : memref<!tpu.dma_semaphore, #tpu.memory_space<semaphore_mem>>
        %dma_start3A_79 = arith.constant 0 : i32
        %dma_start3A_80 = tpu.memref_slice %arg6[%add3A_78, %dma_start3A_79] : memref<20000x128xf32, #tpu.memory_space<hbm>> -> memref<624x128xf32, #tpu.memory_space<hbm>>
        %dma_start3A_81 = arith.constant 0 : i32
        %dma_start3A_82 = tpu.memref_slice %arg13[%mul3A_73, %dma_start3A_81] : memref<10016x128xf32, #tpu.memory_space<vmem_shared>> -> memref<624x128xf32, #tpu.memory_space<vmem_shared>>
        tpu.enqueue_dma source(%dma_start3A_82 : memref<624x128xf32, #tpu.memory_space<vmem_shared>>) target(%dma_start3A_80 : memref<624x128xf32, #tpu.memory_space<hbm>>) target_semaphore(%run_scoped3A : memref<!tpu.dma_semaphore, #tpu.memory_space<semaphore_mem>>)
        %dma_wait3A_83 = arith.constant 0 : i32
        %dma_wait3A_84 = tpu.memref_slice %arg6[%add3A_78, %dma_wait3A_83] : memref<20000x128xf32, #tpu.memory_space<hbm>> -> memref<624x128xf32, #tpu.memory_space<hbm>>
        %dma_wait3A_85 = arith.constant 0 : i32
        %dma_wait3A_86 = tpu.memref_slice %arg13[%mul3A_73, %dma_wait3A_85] : memref<10016x128xf32, #tpu.memory_space<vmem_shared>> -> memref<624x128xf32, #tpu.memory_space<vmem_shared>>
        tpu.wait_dma2 semaphore(%run_scoped3A : memref<!tpu.dma_semaphore, #tpu.memory_space<semaphore_mem>>) src(%dma_wait3A_86 : memref<624x128xf32, #tpu.memory_space<vmem_shared>>) dst(%dma_wait3A_84 : memref<624x128xf32, #tpu.memory_space<hbm>>)
        tpu.yield
      }) : () -> ()
    } else {
    }
    %eq3A_67 = arith.constant 15 : i32
    %eq3A_68 = arith.cmpi eq, %arg1, %eq3A_67 : i32
    %convert_element_type3A_69 = arith.extui %eq3A_68 : i1 to i32
    %cond3A_70 = arith.constant 0 : i32
    %cond3A_71 = arith.cmpi ne, %convert_element_type3A_69, %cond3A_70 : i32
    scf.if %cond3A_71 {
      %mul3A_72 = arith.constant 10000 : i32
      %mul3A_73 = arith.muli %arg0, %mul3A_72 : i32
      %add3A_74 = arith.constant 9360 : i32
      %add3A_75 = arith.addi %mul3A_73, %add3A_74 : i32
      "tpu.region"() ({
        %run_scoped3A = tpu.sem_alloc : memref<!tpu.dma_semaphore, #tpu.memory_space<semaphore_mem>>
        %dma_start3A_76 = arith.constant 0 : i32
        %dma_start3A_77 = tpu.memref_slice %arg6[%add3A_75, %dma_start3A_76] : memref<20000x128xf32, #tpu.memory_space<hbm>> -> memref<640x128xf32, #tpu.memory_space<hbm>>
        %dma_start3A_78 = arith.constant 9360 : i32
        %dma_start3A_79 = arith.constant 0 : i32
        %dma_start3A_80 = tpu.memref_slice %arg13[%dma_start3A_78, %dma_start3A_79] : memref<10016x128xf32, #tpu.memory_space<vmem_shared>> -> memref<640x128xf32, #tpu.memory_space<vmem_shared>>
        tpu.enqueue_dma source(%dma_start3A_80 : memref<640x128xf32, #tpu.memory_space<vmem_shared>>) target(%dma_start3A_77 : memref<640x128xf32, #tpu.memory_space<hbm>>) target_semaphore(%run_scoped3A : memref<!tpu.dma_semaphore, #tpu.memory_space<semaphore_mem>>)
        %dma_wait3A_81 = arith.constant 0 : i32
        %dma_wait3A_82 = tpu.memref_slice %arg6[%add3A_75, %dma_wait3A_81] : memref<20000x128xf32, #tpu.memory_space<hbm>> -> memref<640x128xf32, #tpu.memory_space<hbm>>
        %dma_wait3A_83 = arith.constant 9360 : i32
        %dma_wait3A_84 = arith.constant 0 : i32
        %dma_wait3A_85 = tpu.memref_slice %arg13[%dma_wait3A_83, %dma_wait3A_84] : memref<10016x128xf32, #tpu.memory_space<vmem_shared>> -> memref<640x128xf32, #tpu.memory_space<vmem_shared>>
        tpu.wait_dma2 semaphore(%run_scoped3A : memref<!tpu.dma_semaphore, #tpu.memory_space<semaphore_mem>>) src(%dma_wait3A_85 : memref<640x128xf32, #tpu.memory_space<vmem_shared>>) dst(%dma_wait3A_82 : memref<640x128xf32, #tpu.memory_space<hbm>>)
        tpu.yield
      }) : () -> ()
    } else {
    }
    return
  }
}

#map = affine_map<(d0, d1) -> (0, 0)>
module attributes {stable_mosaic.version = 14 : i64} {
  func.func @_agg_scatter_body(%arg0: i32, %arg1: i32, %arg2: memref<10000x128xf32, #tpu.memory_space<hbm>>, %arg3: memref<2560x128xi32, #tpu.memory_space<hbm>>, %arg4: memref<2560x128xi32, #tpu.memory_space<hbm>>, %arg5: memref<10016x128xf32, #tpu.memory_space<hbm>>, %arg6: memref<20000x128xf32, #tpu.memory_space<hbm>>, %arg7: memref<8x128xi32, #tpu.memory_space<vmem>>, %arg8: memref<8x128xi32, #tpu.memory_space<vmem>>, %arg9: memref<8x128xi32, #tpu.memory_space<vmem>>, %arg10: memref<8x128xi32, #tpu.memory_space<vmem>>, %arg11: memref<128x128xf32, #tpu.memory_space<vmem>>, %arg12: memref<128x128xf32, #tpu.memory_space<vmem>>, %arg13: memref<10016x128xf32, #tpu.memory_space<vmem_shared>>, %arg14: memref<!tpu.dma_semaphore, #tpu.memory_space<semaphore_mem>>, %arg15: memref<!tpu.dma_semaphore, #tpu.memory_space<semaphore_mem>>, %arg16: memref<!tpu.dma_semaphore, #tpu.memory_space<semaphore_mem>>) attributes {dimension_semantics = [#tpu.dimension_semantics<core_parallel>, #tpu.dimension_semantics<subcore_parallel>], iteration_bounds = array<i64: 2, 16>, scalar_prefetch = 0 : i64, scratch_operands = 10 : i64, tpu.core_type = #tpu.core_type<sc_vector_subcore>, window_params = [{transform_indices = #map}, {transform_indices = #map}, {transform_indices = #map}, {transform_indices = #map}, {transform_indices = #map}]} {
    %mul3A = arith.constant 1280 : i32
    %mul3A_0 = arith.muli %arg0, %mul3A : i32
    %mul3A_1 = arith.constant 80 : i32
    %mul3A_2 = arith.muli %arg1, %mul3A_1 : i32
    %add3A = arith.addi %mul3A_0, %mul3A_2 : i32
    %dma_start3A = arith.constant 0 : i32
    %dma_start3A_3 = tpu.memref_slice %arg3[%add3A, %dma_start3A] : memref<2560x128xi32, #tpu.memory_space<hbm>> -> memref<8x128xi32, #tpu.memory_space<hbm>>
    %dma_start3A_4 = arith.constant 0 : i32
    %dma_start3A_5 = tpu.memref_slice %arg3[%add3A, %dma_start3A_4] : memref<2560x128xi32, #tpu.memory_space<hbm>> -> memref<8x128xi32, #tpu.memory_space<hbm>>
    tpu.enqueue_dma source(%dma_start3A_5 : memref<8x128xi32, #tpu.memory_space<hbm>>) target(%arg7 : memref<8x128xi32, #tpu.memory_space<vmem>>) target_semaphore(%arg16 : memref<!tpu.dma_semaphore, #tpu.memory_space<semaphore_mem>>)
    %dma_start3A_6 = arith.constant 0 : i32
    %dma_start3A_7 = tpu.memref_slice %arg4[%add3A, %dma_start3A_6] : memref<2560x128xi32, #tpu.memory_space<hbm>> -> memref<8x128xi32, #tpu.memory_space<hbm>>
    %dma_start3A_8 = arith.constant 0 : i32
    %dma_start3A_9 = tpu.memref_slice %arg4[%add3A, %dma_start3A_8] : memref<2560x128xi32, #tpu.memory_space<hbm>> -> memref<8x128xi32, #tpu.memory_space<hbm>>
    tpu.enqueue_dma source(%dma_start3A_9 : memref<8x128xi32, #tpu.memory_space<hbm>>) target(%arg8 : memref<8x128xi32, #tpu.memory_space<vmem>>) target_semaphore(%arg16 : memref<!tpu.dma_semaphore, #tpu.memory_space<semaphore_mem>>)
    %add3A_10 = arith.constant 8 : i32
    %add3A_11 = arith.addi %add3A, %add3A_10 : i32
    %dma_start3A_12 = arith.constant 0 : i32
    %dma_start3A_13 = tpu.memref_slice %arg3[%add3A_11, %dma_start3A_12] : memref<2560x128xi32, #tpu.memory_space<hbm>> -> memref<8x128xi32, #tpu.memory_space<hbm>>
    %dma_start3A_14 = arith.constant 0 : i32
    %dma_start3A_15 = tpu.memref_slice %arg3[%add3A_11, %dma_start3A_14] : memref<2560x128xi32, #tpu.memory_space<hbm>> -> memref<8x128xi32, #tpu.memory_space<hbm>>
    tpu.enqueue_dma source(%dma_start3A_15 : memref<8x128xi32, #tpu.memory_space<hbm>>) target(%arg9 : memref<8x128xi32, #tpu.memory_space<vmem>>) target_semaphore(%arg16 : memref<!tpu.dma_semaphore, #tpu.memory_space<semaphore_mem>>)
    %dma_start3A_16 = arith.constant 0 : i32
    %dma_start3A_17 = tpu.memref_slice %arg4[%add3A_11, %dma_start3A_16] : memref<2560x128xi32, #tpu.memory_space<hbm>> -> memref<8x128xi32, #tpu.memory_space<hbm>>
    %dma_start3A_18 = arith.constant 0 : i32
    %dma_start3A_19 = tpu.memref_slice %arg4[%add3A_11, %dma_start3A_18] : memref<2560x128xi32, #tpu.memory_space<hbm>> -> memref<8x128xi32, #tpu.memory_space<hbm>>
    tpu.enqueue_dma source(%dma_start3A_19 : memref<8x128xi32, #tpu.memory_space<hbm>>) target(%arg10 : memref<8x128xi32, #tpu.memory_space<vmem>>) target_semaphore(%arg16 : memref<!tpu.dma_semaphore, #tpu.memory_space<semaphore_mem>>)
    %dma_wait3A = arith.constant 0 : i32
    %dma_wait3A_20 = tpu.memref_slice %arg3[%add3A, %dma_wait3A] : memref<2560x128xi32, #tpu.memory_space<hbm>> -> memref<8x128xi32, #tpu.memory_space<hbm>>
    %dma_wait3A_21 = arith.constant 0 : i32
    %dma_wait3A_22 = tpu.memref_slice %arg3[%add3A, %dma_wait3A_21] : memref<2560x128xi32, #tpu.memory_space<hbm>> -> memref<8x128xi32, #tpu.memory_space<hbm>>
    tpu.wait_dma2 semaphore(%arg16 : memref<!tpu.dma_semaphore, #tpu.memory_space<semaphore_mem>>) src(%dma_wait3A_22 : memref<8x128xi32, #tpu.memory_space<hbm>>) dst(%arg7 : memref<8x128xi32, #tpu.memory_space<vmem>>)
    %dma_wait3A_23 = arith.constant 0 : i32
    %dma_wait3A_24 = tpu.memref_slice %arg4[%add3A, %dma_wait3A_23] : memref<2560x128xi32, #tpu.memory_space<hbm>> -> memref<8x128xi32, #tpu.memory_space<hbm>>
    %dma_wait3A_25 = arith.constant 0 : i32
    %dma_wait3A_26 = tpu.memref_slice %arg4[%add3A, %dma_wait3A_25] : memref<2560x128xi32, #tpu.memory_space<hbm>> -> memref<8x128xi32, #tpu.memory_space<hbm>>
    tpu.wait_dma2 semaphore(%arg16 : memref<!tpu.dma_semaphore, #tpu.memory_space<semaphore_mem>>) src(%dma_wait3A_26 : memref<8x128xi32, #tpu.memory_space<hbm>>) dst(%arg8 : memref<8x128xi32, #tpu.memory_space<vmem>>)
    %dma_start3A_27 = arith.constant 0 : i32
    %dma_start3A_28 = arith.constant 0 : i32
    %dma_start3A_29 = tpu.memref_slice %arg7[%dma_start3A_27, %dma_start3A_28] : memref<8x128xi32, #tpu.memory_space<vmem>> -> memref<1x128xi32, #tpu.memory_space<vmem>>
    %dma_start3A_30 = tpu.memref_squeeze %dma_start3A_29 : memref<1x128xi32, #tpu.memory_space<vmem>> -> memref<128xi32, #tpu.memory_space<vmem>>
    %dma_start3A_31 = arith.constant 0 : i32
    %dma_start3A_32 = arith.constant 0 : i32
    %dma_start3A_33 = tpu.memref_slice %arg2[%dma_start3A_31, %dma_start3A_32] : memref<10000x128xf32, #tpu.memory_space<hbm>> -> memref<10000x128xf32, #tpu.memory_space<hbm>>
    tpu.enqueue_indirect_dma source(%dma_start3A_33 : memref<10000x128xf32, #tpu.memory_space<hbm>>) target(%arg11 : memref<128x128xf32, #tpu.memory_space<vmem>>) offsets(%dma_start3A_30 : memref<128xi32, #tpu.memory_space<vmem>>) semaphore(%arg14 : memref<!tpu.dma_semaphore, #tpu.memory_space<semaphore_mem>>)
    %lt3A = arith.constant 15 : i32
    %lt3A_34 = arith.cmpi slt, %arg1, %lt3A : i32
    %convert_element_type3A = arith.extui %lt3A_34 : i1 to i32
    %cond3A = arith.constant 0 : i32
    %cond3A_35 = arith.cmpi ne, %convert_element_type3A, %cond3A : i32
    scf.if %cond3A_35 {
      %mul3A_72 = arith.constant 624 : i32
      %mul3A_73 = arith.muli %arg1, %mul3A_72 : i32
      %mul3A_74 = arith.constant 624 : i32
      %mul3A_75 = arith.muli %arg1, %mul3A_74 : i32
      "tpu.region"() ({
        %run_scoped3A = tpu.sem_alloc : memref<!tpu.dma_semaphore, #tpu.memory_space<semaphore_mem>>
        %dma_start3A_76 = arith.constant 0 : i32
        %dma_start3A_77 = tpu.memref_slice %arg13[%mul3A_75, %dma_start3A_76] : memref<10016x128xf32, #tpu.memory_space<vmem_shared>> -> memref<624x128xf32, #tpu.memory_space<vmem_shared>>
        %dma_start3A_78 = arith.constant 0 : i32
        %dma_start3A_79 = tpu.memref_slice %arg5[%mul3A_73, %dma_start3A_78] : memref<10016x128xf32, #tpu.memory_space<hbm>> -> memref<624x128xf32, #tpu.memory_space<hbm>>
        tpu.enqueue_dma source(%dma_start3A_79 : memref<624x128xf32, #tpu.memory_space<hbm>>) target(%dma_start3A_77 : memref<624x128xf32, #tpu.memory_space<vmem_shared>>) target_semaphore(%run_scoped3A : memref<!tpu.dma_semaphore, #tpu.memory_space<semaphore_mem>>)
        %dma_wait3A_80 = arith.constant 0 : i32
        %dma_wait3A_81 = tpu.memref_slice %arg13[%mul3A_75, %dma_wait3A_80] : memref<10016x128xf32, #tpu.memory_space<vmem_shared>> -> memref<624x128xf32, #tpu.memory_space<vmem_shared>>
        %dma_wait3A_82 = arith.constant 0 : i32
        %dma_wait3A_83 = tpu.memref_slice %arg5[%mul3A_73, %dma_wait3A_82] : memref<10016x128xf32, #tpu.memory_space<hbm>> -> memref<624x128xf32, #tpu.memory_space<hbm>>
        tpu.wait_dma2 semaphore(%run_scoped3A : memref<!tpu.dma_semaphore, #tpu.memory_space<semaphore_mem>>) src(%dma_wait3A_83 : memref<624x128xf32, #tpu.memory_space<hbm>>) dst(%dma_wait3A_81 : memref<624x128xf32, #tpu.memory_space<vmem_shared>>)
        tpu.yield
      }) : () -> ()
    } else {
    }
    %eq3A = arith.constant 15 : i32
    %eq3A_36 = arith.cmpi eq, %arg1, %eq3A : i32
    %convert_element_type3A_37 = arith.extui %eq3A_36 : i1 to i32
    %cond3A_38 = arith.constant 0 : i32
    %cond3A_39 = arith.cmpi ne, %convert_element_type3A_37, %cond3A_38 : i32
    scf.if %cond3A_39 {
      "tpu.region"() ({
        %run_scoped3A = tpu.sem_alloc : memref<!tpu.dma_semaphore, #tpu.memory_space<semaphore_mem>>
        %dma_start3A_72 = arith.constant 9360 : i32
        %dma_start3A_73 = arith.constant 0 : i32
        %dma_start3A_74 = tpu.memref_slice %arg13[%dma_start3A_72, %dma_start3A_73] : memref<10016x128xf32, #tpu.memory_space<vmem_shared>> -> memref<656x128xf32, #tpu.memory_space<vmem_shared>>
        %dma_start3A_75 = arith.constant 9360 : i32
        %dma_start3A_76 = arith.constant 0 : i32
        %dma_start3A_77 = tpu.memref_slice %arg5[%dma_start3A_75, %dma_start3A_76] : memref<10016x128xf32, #tpu.memory_space<hbm>> -> memref<656x128xf32, #tpu.memory_space<hbm>>
        tpu.enqueue_dma source(%dma_start3A_77 : memref<656x128xf32, #tpu.memory_space<hbm>>) target(%dma_start3A_74 : memref<656x128xf32, #tpu.memory_space<vmem_shared>>) target_semaphore(%run_scoped3A : memref<!tpu.dma_semaphore, #tpu.memory_space<semaphore_mem>>)
        %dma_wait3A_78 = arith.constant 9360 : i32
        %dma_wait3A_79 = arith.constant 0 : i32
        %dma_wait3A_80 = tpu.memref_slice %arg13[%dma_wait3A_78, %dma_wait3A_79] : memref<10016x128xf32, #tpu.memory_space<vmem_shared>> -> memref<656x128xf32, #tpu.memory_space<vmem_shared>>
        %dma_wait3A_81 = arith.constant 9360 : i32
        %dma_wait3A_82 = arith.constant 0 : i32
        %dma_wait3A_83 = tpu.memref_slice %arg5[%dma_wait3A_81, %dma_wait3A_82] : memref<10016x128xf32, #tpu.memory_space<hbm>> -> memref<656x128xf32, #tpu.memory_space<hbm>>
        tpu.wait_dma2 semaphore(%run_scoped3A : memref<!tpu.dma_semaphore, #tpu.memory_space<semaphore_mem>>) src(%dma_wait3A_83 : memref<656x128xf32, #tpu.memory_space<hbm>>) dst(%dma_wait3A_80 : memref<656x128xf32, #tpu.memory_space<vmem_shared>>)
        tpu.yield
      }) : () -> ()
    } else {
    }
    %barrier3A = arith.constant 0 : index
    tpu.barrier barrier_id(%barrier3A)
    %scan3A = arith.constant 0 : i32
    %scan3A_40 = arith.constant 0 : i32
    %scan3A_41 = arith.constant 5 : i32
    %scan3A_42 = arith.addi %scan3A_40, %scan3A_41 : i32
    %scan3A_43 = arith.constant 1 : i32
    scf.for %scan3A_72 = %scan3A_40 to %scan3A_42 step %scan3A_43  : i32 {
      %mul3A_73 = arith.constant 2 : i32
      %mul3A_74 = arith.muli %mul3A_73, %scan3A_72 : i32
      %add3A_75 = arith.constant 2 : i32
      %add3A_76 = arith.addi %mul3A_74, %add3A_75 : i32
      %min3A = arith.constant 9 : i32
      %min3A_77 = arith.minsi %add3A_76, %min3A : i32
      %mul3A_78 = arith.constant 8 : i32
      %mul3A_79 = arith.muli %mul3A_78, %min3A_77 : i32
      %add3A_80 = arith.addi %add3A, %mul3A_79 : i32
      %dma_start3A_81 = arith.constant 1 : i32
      %dma_start3A_82 = arith.constant 0 : i32
      %dma_start3A_83 = tpu.memref_slice %arg7[%dma_start3A_81, %dma_start3A_82] : memref<8x128xi32, #tpu.memory_space<vmem>> -> memref<1x128xi32, #tpu.memory_space<vmem>>
      %dma_start3A_84 = tpu.memref_squeeze %dma_start3A_83 : memref<1x128xi32, #tpu.memory_space<vmem>> -> memref<128xi32, #tpu.memory_space<vmem>>
      %dma_start3A_85 = arith.constant 0 : i32
      %dma_start3A_86 = arith.constant 0 : i32
      %dma_start3A_87 = tpu.memref_slice %arg2[%dma_start3A_85, %dma_start3A_86] : memref<10000x128xf32, #tpu.memory_space<hbm>> -> memref<10000x128xf32, #tpu.memory_space<hbm>>
      tpu.enqueue_indirect_dma source(%dma_start3A_87 : memref<10000x128xf32, #tpu.memory_space<hbm>>) target(%arg12 : memref<128x128xf32, #tpu.memory_space<vmem>>) offsets(%dma_start3A_84 : memref<128xi32, #tpu.memory_space<vmem>>) semaphore(%arg14 : memref<!tpu.dma_semaphore, #tpu.memory_space<semaphore_mem>>)
      %dma_wait3A_88 = arith.constant 0 : i32
      %dma_wait3A_89 = arith.constant 0 : i32
      %dma_wait3A_90 = tpu.memref_slice %arg7[%dma_wait3A_88, %dma_wait3A_89] : memref<8x128xi32, #tpu.memory_space<vmem>> -> memref<1x128xi32, #tpu.memory_space<vmem>>
      %dma_wait3A_91 = tpu.memref_squeeze %dma_wait3A_90 : memref<1x128xi32, #tpu.memory_space<vmem>> -> memref<128xi32, #tpu.memory_space<vmem>>
      %dma_wait3A_92 = arith.constant 0 : i32
      %dma_wait3A_93 = arith.constant 0 : i32
      %dma_wait3A_94 = tpu.memref_slice %arg2[%dma_wait3A_92, %dma_wait3A_93] : memref<10000x128xf32, #tpu.memory_space<hbm>> -> memref<10000x128xf32, #tpu.memory_space<hbm>>
      tpu.wait_indirect_dma semaphore(%arg14 : memref<!tpu.dma_semaphore, #tpu.memory_space<semaphore_mem>>) src(%dma_wait3A_94 : memref<10000x128xf32, #tpu.memory_space<hbm>>) dst(%arg11 : memref<128x128xf32, #tpu.memory_space<vmem>>)
      %dma_start3A_95 = arith.constant 0 : i32
      %dma_start3A_96 = arith.constant 0 : i32
      %dma_start3A_97 = tpu.memref_slice %arg8[%dma_start3A_95, %dma_start3A_96] : memref<8x128xi32, #tpu.memory_space<vmem>> -> memref<1x128xi32, #tpu.memory_space<vmem>>
      %dma_start3A_98 = tpu.memref_squeeze %dma_start3A_97 : memref<1x128xi32, #tpu.memory_space<vmem>> -> memref<128xi32, #tpu.memory_space<vmem>>
      %dma_start3A_99 = arith.constant 0 : i32
      %dma_start3A_100 = arith.constant 0 : i32
      %dma_start3A_101 = tpu.memref_slice %arg13[%dma_start3A_99, %dma_start3A_100] : memref<10016x128xf32, #tpu.memory_space<vmem_shared>> -> memref<10016x128xf32, #tpu.memory_space<vmem_shared>>
      tpu.enqueue_indirect_dma source(%arg11 : memref<128x128xf32, #tpu.memory_space<vmem>>) target(%dma_start3A_101 : memref<10016x128xf32, #tpu.memory_space<vmem_shared>>) offsets(%dma_start3A_98 : memref<128xi32, #tpu.memory_space<vmem>>) semaphore(%arg15 : memref<!tpu.dma_semaphore, #tpu.memory_space<semaphore_mem>>) {add = true}
      %dma_wait3A_102 = arith.constant 0 : i32
      %dma_wait3A_103 = arith.constant 0 : i32
      %dma_wait3A_104 = tpu.memref_slice %arg8[%dma_wait3A_102, %dma_wait3A_103] : memref<8x128xi32, #tpu.memory_space<vmem>> -> memref<1x128xi32, #tpu.memory_space<vmem>>
      %dma_wait3A_105 = tpu.memref_squeeze %dma_wait3A_104 : memref<1x128xi32, #tpu.memory_space<vmem>> -> memref<128xi32, #tpu.memory_space<vmem>>
      %dma_wait3A_106 = arith.constant 0 : i32
      %dma_wait3A_107 = arith.constant 0 : i32
      %dma_wait3A_108 = tpu.memref_slice %arg13[%dma_wait3A_106, %dma_wait3A_107] : memref<10016x128xf32, #tpu.memory_space<vmem_shared>> -> memref<10016x128xf32, #tpu.memory_space<vmem_shared>>
      tpu.wait_indirect_dma semaphore(%arg15 : memref<!tpu.dma_semaphore, #tpu.memory_space<semaphore_mem>>) src(%arg11 : memref<128x128xf32, #tpu.memory_space<vmem>>) dst(%dma_wait3A_108 : memref<10016x128xf32, #tpu.memory_space<vmem_shared>>)
      %dma_start3A_109 = arith.constant 2 : i32
      %dma_start3A_110 = arith.constant 0 : i32
      %dma_start3A_111 = tpu.memref_slice %arg7[%dma_start3A_109, %dma_start3A_110] : memref<8x128xi32, #tpu.memory_space<vmem>> -> memref<1x128xi32, #tpu.memory_space<vmem>>
      %dma_start3A_112 = tpu.memref_squeeze %dma_start3A_111 : memref<1x128xi32, #tpu.memory_space<vmem>> -> memref<128xi32, #tpu.memory_space<vmem>>
      %dma_start3A_113 = arith.constant 0 : i32
      %dma_start3A_114 = arith.constant 0 : i32
      %dma_start3A_115 = tpu.memref_slice %arg2[%dma_start3A_113, %dma_start3A_114] : memref<10000x128xf32, #tpu.memory_space<hbm>> -> memref<10000x128xf32, #tpu.memory_space<hbm>>
      tpu.enqueue_indirect_dma source(%dma_start3A_115 : memref<10000x128xf32, #tpu.memory_space<hbm>>) target(%arg11 : memref<128x128xf32, #tpu.memory_space<vmem>>) offsets(%dma_start3A_112 : memref<128xi32, #tpu.memory_space<vmem>>) semaphore(%arg14 : memref<!tpu.dma_semaphore, #tpu.memory_space<semaphore_mem>>)
      %dma_wait3A_116 = arith.constant 1 : i32
      %dma_wait3A_117 = arith.constant 0 : i32
      %dma_wait3A_118 = tpu.memref_slice %arg7[%dma_wait3A_116, %dma_wait3A_117] : memref<8x128xi32, #tpu.memory_space<vmem>> -> memref<1x128xi32, #tpu.memory_space<vmem>>
      %dma_wait3A_119 = tpu.memref_squeeze %dma_wait3A_118 : memref<1x128xi32, #tpu.memory_space<vmem>> -> memref<128xi32, #tpu.memory_space<vmem>>
      %dma_wait3A_120 = arith.constant 0 : i32
      %dma_wait3A_121 = arith.constant 0 : i32
      %dma_wait3A_122 = tpu.memref_slice %arg2[%dma_wait3A_120, %dma_wait3A_121] : memref<10000x128xf32, #tpu.memory_space<hbm>> -> memref<10000x128xf32, #tpu.memory_space<hbm>>
      tpu.wait_indirect_dma semaphore(%arg14 : memref<!tpu.dma_semaphore, #tpu.memory_space<semaphore_mem>>) src(%dma_wait3A_122 : memref<10000x128xf32, #tpu.memory_space<hbm>>) dst(%arg12 : memref<128x128xf32, #tpu.memory_space<vmem>>)
      %dma_start3A_123 = arith.constant 1 : i32
      %dma_start3A_124 = arith.constant 0 : i32
      %dma_start3A_125 = tpu.memref_slice %arg8[%dma_start3A_123, %dma_start3A_124] : memref<8x128xi32, #tpu.memory_space<vmem>> -> memref<1x128xi32, #tpu.memory_space<vmem>>
      %dma_start3A_126 = tpu.memref_squeeze %dma_start3A_125 : memref<1x128xi32, #tpu.memory_space<vmem>> -> memref<128xi32, #tpu.memory_space<vmem>>
      %dma_start3A_127 = arith.constant 0 : i32
      %dma_start3A_128 = arith.constant 0 : i32
      %dma_start3A_129 = tpu.memref_slice %arg13[%dma_start3A_127, %dma_start3A_128] : memref<10016x128xf32, #tpu.memory_space<vmem_shared>> -> memref<10016x128xf32, #tpu.memory_space<vmem_shared>>
      tpu.enqueue_indirect_dma source(%arg12 : memref<128x128xf32, #tpu.memory_space<vmem>>) target(%dma_start3A_129 : memref<10016x128xf32, #tpu.memory_space<vmem_shared>>) offsets(%dma_start3A_126 : memref<128xi32, #tpu.memory_space<vmem>>) semaphore(%arg15 : memref<!tpu.dma_semaphore, #tpu.memory_space<semaphore_mem>>) {add = true}
      %dma_wait3A_130 = arith.constant 1 : i32
      %dma_wait3A_131 = arith.constant 0 : i32
      %dma_wait3A_132 = tpu.memref_slice %arg8[%dma_wait3A_130, %dma_wait3A_131] : memref<8x128xi32, #tpu.memory_space<vmem>> -> memref<1x128xi32, #tpu.memory_space<vmem>>
      %dma_wait3A_133 = tpu.memref_squeeze %dma_wait3A_132 : memref<1x128xi32, #tpu.memory_space<vmem>> -> memref<128xi32, #tpu.memory_space<vmem>>
      %dma_wait3A_134 = arith.constant 0 : i32
      %dma_wait3A_135 = arith.constant 0 : i32
      %dma_wait3A_136 = tpu.memref_slice %arg13[%dma_wait3A_134, %dma_wait3A_135] : memref<10016x128xf32, #tpu.memory_space<vmem_shared>> -> memref<10016x128xf32, #tpu.memory_space<vmem_shared>>
      tpu.wait_indirect_dma semaphore(%arg15 : memref<!tpu.dma_semaphore, #tpu.memory_space<semaphore_mem>>) src(%arg12 : memref<128x128xf32, #tpu.memory_space<vmem>>) dst(%dma_wait3A_136 : memref<10016x128xf32, #tpu.memory_space<vmem_shared>>)
      %dma_start3A_137 = arith.constant 3 : i32
      %dma_start3A_138 = arith.constant 0 : i32
      %dma_start3A_139 = tpu.memref_slice %arg7[%dma_start3A_137, %dma_start3A_138] : memref<8x128xi32, #tpu.memory_space<vmem>> -> memref<1x128xi32, #tpu.memory_space<vmem>>
      %dma_start3A_140 = tpu.memref_squeeze %dma_start3A_139 : memref<1x128xi32, #tpu.memory_space<vmem>> -> memref<128xi32, #tpu.memory_space<vmem>>
      %dma_start3A_141 = arith.constant 0 : i32
      %dma_start3A_142 = arith.constant 0 : i32
      %dma_start3A_143 = tpu.memref_slice %arg2[%dma_start3A_141, %dma_start3A_142] : memref<10000x128xf32, #tpu.memory_space<hbm>> -> memref<10000x128xf32, #tpu.memory_space<hbm>>
      tpu.enqueue_indirect_dma source(%dma_start3A_143 : memref<10000x128xf32, #tpu.memory_space<hbm>>) target(%arg12 : memref<128x128xf32, #tpu.memory_space<vmem>>) offsets(%dma_start3A_140 : memref<128xi32, #tpu.memory_space<vmem>>) semaphore(%arg14 : memref<!tpu.dma_semaphore, #tpu.memory_space<semaphore_mem>>)
      %dma_wait3A_144 = arith.constant 2 : i32
      %dma_wait3A_145 = arith.constant 0 : i32
      %dma_wait3A_146 = tpu.memref_slice %arg7[%dma_wait3A_144, %dma_wait3A_145] : memref<8x128xi32, #tpu.memory_space<vmem>> -> memref<1x128xi32, #tpu.memory_space<vmem>>
      %dma_wait3A_147 = tpu.memref_squeeze %dma_wait3A_146 : memref<1x128xi32, #tpu.memory_space<vmem>> -> memref<128xi32, #tpu.memory_space<vmem>>
      %dma_wait3A_148 = arith.constant 0 : i32
      %dma_wait3A_149 = arith.constant 0 : i32
      %dma_wait3A_150 = tpu.memref_slice %arg2[%dma_wait3A_148, %dma_wait3A_149] : memref<10000x128xf32, #tpu.memory_space<hbm>> -> memref<10000x128xf32, #tpu.memory_space<hbm>>
      tpu.wait_indirect_dma semaphore(%arg14 : memref<!tpu.dma_semaphore, #tpu.memory_space<semaphore_mem>>) src(%dma_wait3A_150 : memref<10000x128xf32, #tpu.memory_space<hbm>>) dst(%arg11 : memref<128x128xf32, #tpu.memory_space<vmem>>)
      %dma_start3A_151 = arith.constant 2 : i32
      %dma_start3A_152 = arith.constant 0 : i32
      %dma_start3A_153 = tpu.memref_slice %arg8[%dma_start3A_151, %dma_start3A_152] : memref<8x128xi32, #tpu.memory_space<vmem>> -> memref<1x128xi32, #tpu.memory_space<vmem>>
      %dma_start3A_154 = tpu.memref_squeeze %dma_start3A_153 : memref<1x128xi32, #tpu.memory_space<vmem>> -> memref<128xi32, #tpu.memory_space<vmem>>
      %dma_start3A_155 = arith.constant 0 : i32
      %dma_start3A_156 = arith.constant 0 : i32
      %dma_start3A_157 = tpu.memref_slice %arg13[%dma_start3A_155, %dma_start3A_156] : memref<10016x128xf32, #tpu.memory_space<vmem_shared>> -> memref<10016x128xf32, #tpu.memory_space<vmem_shared>>
      tpu.enqueue_indirect_dma source(%arg11 : memref<128x128xf32, #tpu.memory_space<vmem>>) target(%dma_start3A_157 : memref<10016x128xf32, #tpu.memory_space<vmem_shared>>) offsets(%dma_start3A_154 : memref<128xi32, #tpu.memory_space<vmem>>) semaphore(%arg15 : memref<!tpu.dma_semaphore, #tpu.memory_space<semaphore_mem>>) {add = true}
      %dma_wait3A_158 = arith.constant 2 : i32
      %dma_wait3A_159 = arith.constant 0 : i32
      %dma_wait3A_160 = tpu.memref_slice %arg8[%dma_wait3A_158, %dma_wait3A_159] : memref<8x128xi32, #tpu.memory_space<vmem>> -> memref<1x128xi32, #tpu.memory_space<vmem>>
      %dma_wait3A_161 = tpu.memref_squeeze %dma_wait3A_160 : memref<1x128xi32, #tpu.memory_space<vmem>> -> memref<128xi32, #tpu.memory_space<vmem>>
      %dma_wait3A_162 = arith.constant 0 : i32
      %dma_wait3A_163 = arith.constant 0 : i32
      %dma_wait3A_164 = tpu.memref_slice %arg13[%dma_wait3A_162, %dma_wait3A_163] : memref<10016x128xf32, #tpu.memory_space<vmem_shared>> -> memref<10016x128xf32, #tpu.memory_space<vmem_shared>>
      tpu.wait_indirect_dma semaphore(%arg15 : memref<!tpu.dma_semaphore, #tpu.memory_space<semaphore_mem>>) src(%arg11 : memref<128x128xf32, #tpu.memory_space<vmem>>) dst(%dma_wait3A_164 : memref<10016x128xf32, #tpu.memory_space<vmem_shared>>)
      %dma_start3A_165 = arith.constant 4 : i32
      %dma_start3A_166 = arith.constant 0 : i32
      %dma_start3A_167 = tpu.memref_slice %arg7[%dma_start3A_165, %dma_start3A_166] : memref<8x128xi32, #tpu.memory_space<vmem>> -> memref<1x128xi32, #tpu.memory_space<vmem>>
      %dma_start3A_168 = tpu.memref_squeeze %dma_start3A_167 : memref<1x128xi32, #tpu.memory_space<vmem>> -> memref<128xi32, #tpu.memory_space<vmem>>
      %dma_start3A_169 = arith.constant 0 : i32
      %dma_start3A_170 = arith.constant 0 : i32
      %dma_start3A_171 = tpu.memref_slice %arg2[%dma_start3A_169, %dma_start3A_170] : memref<10000x128xf32, #tpu.memory_space<hbm>> -> memref<10000x128xf32, #tpu.memory_space<hbm>>
      tpu.enqueue_indirect_dma source(%dma_start3A_171 : memref<10000x128xf32, #tpu.memory_space<hbm>>) target(%arg11 : memref<128x128xf32, #tpu.memory_space<vmem>>) offsets(%dma_start3A_168 : memref<128xi32, #tpu.memory_space<vmem>>) semaphore(%arg14 : memref<!tpu.dma_semaphore, #tpu.memory_space<semaphore_mem>>)
      %dma_wait3A_172 = arith.constant 3 : i32
      %dma_wait3A_173 = arith.constant 0 : i32
      %dma_wait3A_174 = tpu.memref_slice %arg7[%dma_wait3A_172, %dma_wait3A_173] : memref<8x128xi32, #tpu.memory_space<vmem>> -> memref<1x128xi32, #tpu.memory_space<vmem>>
      %dma_wait3A_175 = tpu.memref_squeeze %dma_wait3A_174 : memref<1x128xi32, #tpu.memory_space<vmem>> -> memref<128xi32, #tpu.memory_space<vmem>>
      %dma_wait3A_176 = arith.constant 0 : i32
      %dma_wait3A_177 = arith.constant 0 : i32
      %dma_wait3A_178 = tpu.memref_slice %arg2[%dma_wait3A_176, %dma_wait3A_177] : memref<10000x128xf32, #tpu.memory_space<hbm>> -> memref<10000x128xf32, #tpu.memory_space<hbm>>
      tpu.wait_indirect_dma semaphore(%arg14 : memref<!tpu.dma_semaphore, #tpu.memory_space<semaphore_mem>>) src(%dma_wait3A_178 : memref<10000x128xf32, #tpu.memory_space<hbm>>) dst(%arg12 : memref<128x128xf32, #tpu.memory_space<vmem>>)
      %dma_start3A_179 = arith.constant 3 : i32
      %dma_start3A_180 = arith.constant 0 : i32
      %dma_start3A_181 = tpu.memref_slice %arg8[%dma_start3A_179, %dma_start3A_180] : memref<8x128xi32, #tpu.memory_space<vmem>> -> memref<1x128xi32, #tpu.memory_space<vmem>>
      %dma_start3A_182 = tpu.memref_squeeze %dma_start3A_181 : memref<1x128xi32, #tpu.memory_space<vmem>> -> memref<128xi32, #tpu.memory_space<vmem>>
      %dma_start3A_183 = arith.constant 0 : i32
      %dma_start3A_184 = arith.constant 0 : i32
      %dma_start3A_185 = tpu.memref_slice %arg13[%dma_start3A_183, %dma_start3A_184] : memref<10016x128xf32, #tpu.memory_space<vmem_shared>> -> memref<10016x128xf32, #tpu.memory_space<vmem_shared>>
      tpu.enqueue_indirect_dma source(%arg12 : memref<128x128xf32, #tpu.memory_space<vmem>>) target(%dma_start3A_185 : memref<10016x128xf32, #tpu.memory_space<vmem_shared>>) offsets(%dma_start3A_182 : memref<128xi32, #tpu.memory_space<vmem>>) semaphore(%arg15 : memref<!tpu.dma_semaphore, #tpu.memory_space<semaphore_mem>>) {add = true}
      %dma_wait3A_186 = arith.constant 3 : i32
      %dma_wait3A_187 = arith.constant 0 : i32
      %dma_wait3A_188 = tpu.memref_slice %arg8[%dma_wait3A_186, %dma_wait3A_187] : memref<8x128xi32, #tpu.memory_space<vmem>> -> memref<1x128xi32, #tpu.memory_space<vmem>>
      %dma_wait3A_189 = tpu.memref_squeeze %dma_wait3A_188 : memref<1x128xi32, #tpu.memory_space<vmem>> -> memref<128xi32, #tpu.memory_space<vmem>>
      %dma_wait3A_190 = arith.constant 0 : i32
      %dma_wait3A_191 = arith.constant 0 : i32
      %dma_wait3A_192 = tpu.memref_slice %arg13[%dma_wait3A_190, %dma_wait3A_191] : memref<10016x128xf32, #tpu.memory_space<vmem_shared>> -> memref<10016x128xf32, #tpu.memory_space<vmem_shared>>
      tpu.wait_indirect_dma semaphore(%arg15 : memref<!tpu.dma_semaphore, #tpu.memory_space<semaphore_mem>>) src(%arg12 : memref<128x128xf32, #tpu.memory_space<vmem>>) dst(%dma_wait3A_192 : memref<10016x128xf32, #tpu.memory_space<vmem_shared>>)
      %dma_start3A_193 = arith.constant 5 : i32
      %dma_start3A_194 = arith.constant 0 : i32
      %dma_start3A_195 = tpu.memref_slice %arg7[%dma_start3A_193, %dma_start3A_194] : memref<8x128xi32, #tpu.memory_space<vmem>> -> memref<1x128xi32, #tpu.memory_space<vmem>>
      %dma_start3A_196 = tpu.memref_squeeze %dma_start3A_195 : memref<1x128xi32, #tpu.memory_space<vmem>> -> memref<128xi32, #tpu.memory_space<vmem>>
      %dma_start3A_197 = arith.constant 0 : i32
      %dma_start3A_198 = arith.constant 0 : i32
      %dma_start3A_199 = tpu.memref_slice %arg2[%dma_start3A_197, %dma_start3A_198] : memref<10000x128xf32, #tpu.memory_space<hbm>> -> memref<10000x128xf32, #tpu.memory_space<hbm>>
      tpu.enqueue_indirect_dma source(%dma_start3A_199 : memref<10000x128xf32, #tpu.memory_space<hbm>>) target(%arg12 : memref<128x128xf32, #tpu.memory_space<vmem>>) offsets(%dma_start3A_196 : memref<128xi32, #tpu.memory_space<vmem>>) semaphore(%arg14 : memref<!tpu.dma_semaphore, #tpu.memory_space<semaphore_mem>>)
      %dma_wait3A_200 = arith.constant 4 : i32
      %dma_wait3A_201 = arith.constant 0 : i32
      %dma_wait3A_202 = tpu.memref_slice %arg7[%dma_wait3A_200, %dma_wait3A_201] : memref<8x128xi32, #tpu.memory_space<vmem>> -> memref<1x128xi32, #tpu.memory_space<vmem>>
      %dma_wait3A_203 = tpu.memref_squeeze %dma_wait3A_202 : memref<1x128xi32, #tpu.memory_space<vmem>> -> memref<128xi32, #tpu.memory_space<vmem>>
      %dma_wait3A_204 = arith.constant 0 : i32
      %dma_wait3A_205 = arith.constant 0 : i32
      %dma_wait3A_206 = tpu.memref_slice %arg2[%dma_wait3A_204, %dma_wait3A_205] : memref<10000x128xf32, #tpu.memory_space<hbm>> -> memref<10000x128xf32, #tpu.memory_space<hbm>>
      tpu.wait_indirect_dma semaphore(%arg14 : memref<!tpu.dma_semaphore, #tpu.memory_space<semaphore_mem>>) src(%dma_wait3A_206 : memref<10000x128xf32, #tpu.memory_space<hbm>>) dst(%arg11 : memref<128x128xf32, #tpu.memory_space<vmem>>)
      %dma_start3A_207 = arith.constant 4 : i32
      %dma_start3A_208 = arith.constant 0 : i32
      %dma_start3A_209 = tpu.memref_slice %arg8[%dma_start3A_207, %dma_start3A_208] : memref<8x128xi32, #tpu.memory_space<vmem>> -> memref<1x128xi32, #tpu.memory_space<vmem>>
      %dma_start3A_210 = tpu.memref_squeeze %dma_start3A_209 : memref<1x128xi32, #tpu.memory_space<vmem>> -> memref<128xi32, #tpu.memory_space<vmem>>
      %dma_start3A_211 = arith.constant 0 : i32
      %dma_start3A_212 = arith.constant 0 : i32
      %dma_start3A_213 = tpu.memref_slice %arg13[%dma_start3A_211, %dma_start3A_212] : memref<10016x128xf32, #tpu.memory_space<vmem_shared>> -> memref<10016x128xf32, #tpu.memory_space<vmem_shared>>
      tpu.enqueue_indirect_dma source(%arg11 : memref<128x128xf32, #tpu.memory_space<vmem>>) target(%dma_start3A_213 : memref<10016x128xf32, #tpu.memory_space<vmem_shared>>) offsets(%dma_start3A_210 : memref<128xi32, #tpu.memory_space<vmem>>) semaphore(%arg15 : memref<!tpu.dma_semaphore, #tpu.memory_space<semaphore_mem>>) {add = true}
      %dma_wait3A_214 = arith.constant 4 : i32
      %dma_wait3A_215 = arith.constant 0 : i32
      %dma_wait3A_216 = tpu.memref_slice %arg8[%dma_wait3A_214, %dma_wait3A_215] : memref<8x128xi32, #tpu.memory_space<vmem>> -> memref<1x128xi32, #tpu.memory_space<vmem>>
      %dma_wait3A_217 = tpu.memref_squeeze %dma_wait3A_216 : memref<1x128xi32, #tpu.memory_space<vmem>> -> memref<128xi32, #tpu.memory_space<vmem>>
      %dma_wait3A_218 = arith.constant 0 : i32
      %dma_wait3A_219 = arith.constant 0 : i32
      %dma_wait3A_220 = tpu.memref_slice %arg13[%dma_wait3A_218, %dma_wait3A_219] : memref<10016x128xf32, #tpu.memory_space<vmem_shared>> -> memref<10016x128xf32, #tpu.memory_space<vmem_shared>>
      tpu.wait_indirect_dma semaphore(%arg15 : memref<!tpu.dma_semaphore, #tpu.memory_space<semaphore_mem>>) src(%arg11 : memref<128x128xf32, #tpu.memory_space<vmem>>) dst(%dma_wait3A_220 : memref<10016x128xf32, #tpu.memory_space<vmem_shared>>)
      %dma_start3A_221 = arith.constant 6 : i32
      %dma_start3A_222 = arith.constant 0 : i32
      %dma_start3A_223 = tpu.memref_slice %arg7[%dma_start3A_221, %dma_start3A_222] : memref<8x128xi32, #tpu.memory_space<vmem>> -> memref<1x128xi32, #tpu.memory_space<vmem>>
      %dma_start3A_224 = tpu.memref_squeeze %dma_start3A_223 : memref<1x128xi32, #tpu.memory_space<vmem>> -> memref<128xi32, #tpu.memory_space<vmem>>
      %dma_start3A_225 = arith.constant 0 : i32
      %dma_start3A_226 = arith.constant 0 : i32
      %dma_start3A_227 = tpu.memref_slice %arg2[%dma_start3A_225, %dma_start3A_226] : memref<10000x128xf32, #tpu.memory_space<hbm>> -> memref<10000x128xf32, #tpu.memory_space<hbm>>
      tpu.enqueue_indirect_dma source(%dma_start3A_227 : memref<10000x128xf32, #tpu.memory_space<hbm>>) target(%arg11 : memref<128x128xf32, #tpu.memory_space<vmem>>) offsets(%dma_start3A_224 : memref<128xi32, #tpu.memory_space<vmem>>) semaphore(%arg14 : memref<!tpu.dma_semaphore, #tpu.memory_space<semaphore_mem>>)
      %dma_wait3A_228 = arith.constant 5 : i32
      %dma_wait3A_229 = arith.constant 0 : i32
      %dma_wait3A_230 = tpu.memref_slice %arg7[%dma_wait3A_228, %dma_wait3A_229] : memref<8x128xi32, #tpu.memory_space<vmem>> -> memref<1x128xi32, #tpu.memory_space<vmem>>
      %dma_wait3A_231 = tpu.memref_squeeze %dma_wait3A_230 : memref<1x128xi32, #tpu.memory_space<vmem>> -> memref<128xi32, #tpu.memory_space<vmem>>
      %dma_wait3A_232 = arith.constant 0 : i32
      %dma_wait3A_233 = arith.constant 0 : i32
      %dma_wait3A_234 = tpu.memref_slice %arg2[%dma_wait3A_232, %dma_wait3A_233] : memref<10000x128xf32, #tpu.memory_space<hbm>> -> memref<10000x128xf32, #tpu.memory_space<hbm>>
      tpu.wait_indirect_dma semaphore(%arg14 : memref<!tpu.dma_semaphore, #tpu.memory_space<semaphore_mem>>) src(%dma_wait3A_234 : memref<10000x128xf32, #tpu.memory_space<hbm>>) dst(%arg12 : memref<128x128xf32, #tpu.memory_space<vmem>>)
      %dma_start3A_235 = arith.constant 5 : i32
      %dma_start3A_236 = arith.constant 0 : i32
      %dma_start3A_237 = tpu.memref_slice %arg8[%dma_start3A_235, %dma_start3A_236] : memref<8x128xi32, #tpu.memory_space<vmem>> -> memref<1x128xi32, #tpu.memory_space<vmem>>
      %dma_start3A_238 = tpu.memref_squeeze %dma_start3A_237 : memref<1x128xi32, #tpu.memory_space<vmem>> -> memref<128xi32, #tpu.memory_space<vmem>>
      %dma_start3A_239 = arith.constant 0 : i32
      %dma_start3A_240 = arith.constant 0 : i32
      %dma_start3A_241 = tpu.memref_slice %arg13[%dma_start3A_239, %dma_start3A_240] : memref<10016x128xf32, #tpu.memory_space<vmem_shared>> -> memref<10016x128xf32, #tpu.memory_space<vmem_shared>>
      tpu.enqueue_indirect_dma source(%arg12 : memref<128x128xf32, #tpu.memory_space<vmem>>) target(%dma_start3A_241 : memref<10016x128xf32, #tpu.memory_space<vmem_shared>>) offsets(%dma_start3A_238 : memref<128xi32, #tpu.memory_space<vmem>>) semaphore(%arg15 : memref<!tpu.dma_semaphore, #tpu.memory_space<semaphore_mem>>) {add = true}
      %dma_wait3A_242 = arith.constant 5 : i32
      %dma_wait3A_243 = arith.constant 0 : i32
      %dma_wait3A_244 = tpu.memref_slice %arg8[%dma_wait3A_242, %dma_wait3A_243] : memref<8x128xi32, #tpu.memory_space<vmem>> -> memref<1x128xi32, #tpu.memory_space<vmem>>
      %dma_wait3A_245 = tpu.memref_squeeze %dma_wait3A_244 : memref<1x128xi32, #tpu.memory_space<vmem>> -> memref<128xi32, #tpu.memory_space<vmem>>
      %dma_wait3A_246 = arith.constant 0 : i32
      %dma_wait3A_247 = arith.constant 0 : i32
      %dma_wait3A_248 = tpu.memref_slice %arg13[%dma_wait3A_246, %dma_wait3A_247] : memref<10016x128xf32, #tpu.memory_space<vmem_shared>> -> memref<10016x128xf32, #tpu.memory_space<vmem_shared>>
      tpu.wait_indirect_dma semaphore(%arg15 : memref<!tpu.dma_semaphore, #tpu.memory_space<semaphore_mem>>) src(%arg12 : memref<128x128xf32, #tpu.memory_space<vmem>>) dst(%dma_wait3A_248 : memref<10016x128xf32, #tpu.memory_space<vmem_shared>>)
      %dma_start3A_249 = arith.constant 7 : i32
      %dma_start3A_250 = arith.constant 0 : i32
      %dma_start3A_251 = tpu.memref_slice %arg7[%dma_start3A_249, %dma_start3A_250] : memref<8x128xi32, #tpu.memory_space<vmem>> -> memref<1x128xi32, #tpu.memory_space<vmem>>
      %dma_start3A_252 = tpu.memref_squeeze %dma_start3A_251 : memref<1x128xi32, #tpu.memory_space<vmem>> -> memref<128xi32, #tpu.memory_space<vmem>>
      %dma_start3A_253 = arith.constant 0 : i32
      %dma_start3A_254 = arith.constant 0 : i32
      %dma_start3A_255 = tpu.memref_slice %arg2[%dma_start3A_253, %dma_start3A_254] : memref<10000x128xf32, #tpu.memory_space<hbm>> -> memref<10000x128xf32, #tpu.memory_space<hbm>>
      tpu.enqueue_indirect_dma source(%dma_start3A_255 : memref<10000x128xf32, #tpu.memory_space<hbm>>) target(%arg12 : memref<128x128xf32, #tpu.memory_space<vmem>>) offsets(%dma_start3A_252 : memref<128xi32, #tpu.memory_space<vmem>>) semaphore(%arg14 : memref<!tpu.dma_semaphore, #tpu.memory_space<semaphore_mem>>)
      %dma_wait3A_256 = arith.constant 6 : i32
      %dma_wait3A_257 = arith.constant 0 : i32
      %dma_wait3A_258 = tpu.memref_slice %arg7[%dma_wait3A_256, %dma_wait3A_257] : memref<8x128xi32, #tpu.memory_space<vmem>> -> memref<1x128xi32, #tpu.memory_space<vmem>>
      %dma_wait3A_259 = tpu.memref_squeeze %dma_wait3A_258 : memref<1x128xi32, #tpu.memory_space<vmem>> -> memref<128xi32, #tpu.memory_space<vmem>>
      %dma_wait3A_260 = arith.constant 0 : i32
      %dma_wait3A_261 = arith.constant 0 : i32
      %dma_wait3A_262 = tpu.memref_slice %arg2[%dma_wait3A_260, %dma_wait3A_261] : memref<10000x128xf32, #tpu.memory_space<hbm>> -> memref<10000x128xf32, #tpu.memory_space<hbm>>
      tpu.wait_indirect_dma semaphore(%arg14 : memref<!tpu.dma_semaphore, #tpu.memory_space<semaphore_mem>>) src(%dma_wait3A_262 : memref<10000x128xf32, #tpu.memory_space<hbm>>) dst(%arg11 : memref<128x128xf32, #tpu.memory_space<vmem>>)
      %dma_start3A_263 = arith.constant 6 : i32
      %dma_start3A_264 = arith.constant 0 : i32
      %dma_start3A_265 = tpu.memref_slice %arg8[%dma_start3A_263, %dma_start3A_264] : memref<8x128xi32, #tpu.memory_space<vmem>> -> memref<1x128xi32, #tpu.memory_space<vmem>>
      %dma_start3A_266 = tpu.memref_squeeze %dma_start3A_265 : memref<1x128xi32, #tpu.memory_space<vmem>> -> memref<128xi32, #tpu.memory_space<vmem>>
      %dma_start3A_267 = arith.constant 0 : i32
      %dma_start3A_268 = arith.constant 0 : i32
      %dma_start3A_269 = tpu.memref_slice %arg13[%dma_start3A_267, %dma_start3A_268] : memref<10016x128xf32, #tpu.memory_space<vmem_shared>> -> memref<10016x128xf32, #tpu.memory_space<vmem_shared>>
      tpu.enqueue_indirect_dma source(%arg11 : memref<128x128xf32, #tpu.memory_space<vmem>>) target(%dma_start3A_269 : memref<10016x128xf32, #tpu.memory_space<vmem_shared>>) offsets(%dma_start3A_266 : memref<128xi32, #tpu.memory_space<vmem>>) semaphore(%arg15 : memref<!tpu.dma_semaphore, #tpu.memory_space<semaphore_mem>>) {add = true}
      %dma_wait3A_270 = arith.constant 7 : i32
      %dma_wait3A_271 = arith.constant 0 : i32
      %dma_wait3A_272 = tpu.memref_slice %arg7[%dma_wait3A_270, %dma_wait3A_271] : memref<8x128xi32, #tpu.memory_space<vmem>> -> memref<1x128xi32, #tpu.memory_space<vmem>>
      %dma_wait3A_273 = tpu.memref_squeeze %dma_wait3A_272 : memref<1x128xi32, #tpu.memory_space<vmem>> -> memref<128xi32, #tpu.memory_space<vmem>>
      %dma_wait3A_274 = arith.constant 0 : i32
      %dma_wait3A_275 = arith.constant 0 : i32
      %dma_wait3A_276 = tpu.memref_slice %arg2[%dma_wait3A_274, %dma_wait3A_275] : memref<10000x128xf32, #tpu.memory_space<hbm>> -> memref<10000x128xf32, #tpu.memory_space<hbm>>
      tpu.wait_indirect_dma semaphore(%arg14 : memref<!tpu.dma_semaphore, #tpu.memory_space<semaphore_mem>>) src(%dma_wait3A_276 : memref<10000x128xf32, #tpu.memory_space<hbm>>) dst(%arg12 : memref<128x128xf32, #tpu.memory_space<vmem>>)
      %dma_start3A_277 = arith.constant 7 : i32
      %dma_start3A_278 = arith.constant 0 : i32
      %dma_start3A_279 = tpu.memref_slice %arg8[%dma_start3A_277, %dma_start3A_278] : memref<8x128xi32, #tpu.memory_space<vmem>> -> memref<1x128xi32, #tpu.memory_space<vmem>>
      %dma_start3A_280 = tpu.memref_squeeze %dma_start3A_279 : memref<1x128xi32, #tpu.memory_space<vmem>> -> memref<128xi32, #tpu.memory_space<vmem>>
      %dma_start3A_281 = arith.constant 0 : i32
      %dma_start3A_282 = arith.constant 0 : i32
      %dma_start3A_283 = tpu.memref_slice %arg13[%dma_start3A_281, %dma_start3A_282] : memref<10016x128xf32, #tpu.memory_space<vmem_shared>> -> memref<10016x128xf32, #tpu.memory_space<vmem_shared>>
      tpu.enqueue_indirect_dma source(%arg12 : memref<128x128xf32, #tpu.memory_space<vmem>>) target(%dma_start3A_283 : memref<10016x128xf32, #tpu.memory_space<vmem_shared>>) offsets(%dma_start3A_280 : memref<128xi32, #tpu.memory_space<vmem>>) semaphore(%arg15 : memref<!tpu.dma_semaphore, #tpu.memory_space<semaphore_mem>>) {add = true}
      %dma_wait3A_284 = arith.constant 6 : i32
      %dma_wait3A_285 = arith.constant 0 : i32
      %dma_wait3A_286 = tpu.memref_slice %arg8[%dma_wait3A_284, %dma_wait3A_285] : memref<8x128xi32, #tpu.memory_space<vmem>> -> memref<1x128xi32, #tpu.memory_space<vmem>>
      %dma_wait3A_287 = tpu.memref_squeeze %dma_wait3A_286 : memref<1x128xi32, #tpu.memory_space<vmem>> -> memref<128xi32, #tpu.memory_space<vmem>>
      %dma_wait3A_288 = arith.constant 0 : i32
      %dma_wait3A_289 = arith.constant 0 : i32
      %dma_wait3A_290 = tpu.memref_slice %arg13[%dma_wait3A_288, %dma_wait3A_289] : memref<10016x128xf32, #tpu.memory_space<vmem_shared>> -> memref<10016x128xf32, #tpu.memory_space<vmem_shared>>
      tpu.wait_indirect_dma semaphore(%arg15 : memref<!tpu.dma_semaphore, #tpu.memory_space<semaphore_mem>>) src(%arg11 : memref<128x128xf32, #tpu.memory_space<vmem>>) dst(%dma_wait3A_290 : memref<10016x128xf32, #tpu.memory_space<vmem_shared>>)
      %dma_wait3A_291 = arith.constant 0 : i32
      %dma_wait3A_292 = tpu.memref_slice %arg3[%add3A, %dma_wait3A_291] : memref<2560x128xi32, #tpu.memory_space<hbm>> -> memref<8x128xi32, #tpu.memory_space<hbm>>
      %dma_wait3A_293 = arith.constant 0 : i32
      %dma_wait3A_294 = tpu.memref_slice %arg3[%add3A, %dma_wait3A_293] : memref<2560x128xi32, #tpu.memory_space<hbm>> -> memref<8x128xi32, #tpu.memory_space<hbm>>
      tpu.wait_dma2 semaphore(%arg16 : memref<!tpu.dma_semaphore, #tpu.memory_space<semaphore_mem>>) src(%dma_wait3A_294 : memref<8x128xi32, #tpu.memory_space<hbm>>) dst(%arg9 : memref<8x128xi32, #tpu.memory_space<vmem>>)
      %dma_wait3A_295 = arith.constant 0 : i32
      %dma_wait3A_296 = tpu.memref_slice %arg4[%add3A, %dma_wait3A_295] : memref<2560x128xi32, #tpu.memory_space<hbm>> -> memref<8x128xi32, #tpu.memory_space<hbm>>
      %dma_wait3A_297 = arith.constant 0 : i32
      %dma_wait3A_298 = tpu.memref_slice %arg4[%add3A, %dma_wait3A_297] : memref<2560x128xi32, #tpu.memory_space<hbm>> -> memref<8x128xi32, #tpu.memory_space<hbm>>
      tpu.wait_dma2 semaphore(%arg16 : memref<!tpu.dma_semaphore, #tpu.memory_space<semaphore_mem>>) src(%dma_wait3A_298 : memref<8x128xi32, #tpu.memory_space<hbm>>) dst(%arg10 : memref<8x128xi32, #tpu.memory_space<vmem>>)
      %dma_start3A_299 = arith.constant 0 : i32
      %dma_start3A_300 = arith.constant 0 : i32
      %dma_start3A_301 = tpu.memref_slice %arg9[%dma_start3A_299, %dma_start3A_300] : memref<8x128xi32, #tpu.memory_space<vmem>> -> memref<1x128xi32, #tpu.memory_space<vmem>>
      %dma_start3A_302 = tpu.memref_squeeze %dma_start3A_301 : memref<1x128xi32, #tpu.memory_space<vmem>> -> memref<128xi32, #tpu.memory_space<vmem>>
      %dma_start3A_303 = arith.constant 0 : i32
      %dma_start3A_304 = arith.constant 0 : i32
      %dma_start3A_305 = tpu.memref_slice %arg2[%dma_start3A_303, %dma_start3A_304] : memref<10000x128xf32, #tpu.memory_space<hbm>> -> memref<10000x128xf32, #tpu.memory_space<hbm>>
      tpu.enqueue_indirect_dma source(%dma_start3A_305 : memref<10000x128xf32, #tpu.memory_space<hbm>>) target(%arg11 : memref<128x128xf32, #tpu.memory_space<vmem>>) offsets(%dma_start3A_302 : memref<128xi32, #tpu.memory_space<vmem>>) semaphore(%arg14 : memref<!tpu.dma_semaphore, #tpu.memory_space<semaphore_mem>>)
      %dma_wait3A_306 = arith.constant 7 : i32
      %dma_wait3A_307 = arith.constant 0 : i32
      %dma_wait3A_308 = tpu.memref_slice %arg8[%dma_wait3A_306, %dma_wait3A_307] : memref<8x128xi32, #tpu.memory_space<vmem>> -> memref<1x128xi32, #tpu.memory_space<vmem>>
      %dma_wait3A_309 = tpu.memref_squeeze %dma_wait3A_308 : memref<1x128xi32, #tpu.memory_space<vmem>> -> memref<128xi32, #tpu.memory_space<vmem>>
      %dma_wait3A_310 = arith.constant 0 : i32
      %dma_wait3A_311 = arith.constant 0 : i32
      %dma_wait3A_312 = tpu.memref_slice %arg13[%dma_wait3A_310, %dma_wait3A_311] : memref<10016x128xf32, #tpu.memory_space<vmem_shared>> -> memref<10016x128xf32, #tpu.memory_space<vmem_shared>>
      tpu.wait_indirect_dma semaphore(%arg15 : memref<!tpu.dma_semaphore, #tpu.memory_space<semaphore_mem>>) src(%arg12 : memref<128x128xf32, #tpu.memory_space<vmem>>) dst(%dma_wait3A_312 : memref<10016x128xf32, #tpu.memory_space<vmem_shared>>)
      %dma_start3A_313 = arith.constant 0 : i32
      %dma_start3A_314 = tpu.memref_slice %arg3[%add3A_80, %dma_start3A_313] : memref<2560x128xi32, #tpu.memory_space<hbm>> -> memref<8x128xi32, #tpu.memory_space<hbm>>
      %dma_start3A_315 = arith.constant 0 : i32
      %dma_start3A_316 = tpu.memref_slice %arg3[%add3A_80, %dma_start3A_315] : memref<2560x128xi32, #tpu.memory_space<hbm>> -> memref<8x128xi32, #tpu.memory_space<hbm>>
      tpu.enqueue_dma source(%dma_start3A_316 : memref<8x128xi32, #tpu.memory_space<hbm>>) target(%arg7 : memref<8x128xi32, #tpu.memory_space<vmem>>) target_semaphore(%arg16 : memref<!tpu.dma_semaphore, #tpu.memory_space<semaphore_mem>>)
      %dma_start3A_317 = arith.constant 0 : i32
      %dma_start3A_318 = tpu.memref_slice %arg4[%add3A_80, %dma_start3A_317] : memref<2560x128xi32, #tpu.memory_space<hbm>> -> memref<8x128xi32, #tpu.memory_space<hbm>>
      %dma_start3A_319 = arith.constant 0 : i32
      %dma_start3A_320 = tpu.memref_slice %arg4[%add3A_80, %dma_start3A_319] : memref<2560x128xi32, #tpu.memory_space<hbm>> -> memref<8x128xi32, #tpu.memory_space<hbm>>
      tpu.enqueue_dma source(%dma_start3A_320 : memref<8x128xi32, #tpu.memory_space<hbm>>) target(%arg8 : memref<8x128xi32, #tpu.memory_space<vmem>>) target_semaphore(%arg16 : memref<!tpu.dma_semaphore, #tpu.memory_space<semaphore_mem>>)
      %mul3A_321 = arith.constant 2 : i32
      %mul3A_322 = arith.muli %mul3A_321, %scan3A_72 : i32
      %add3A_323 = arith.constant 3 : i32
      %add3A_324 = arith.addi %mul3A_322, %add3A_323 : i32
      %min3A_325 = arith.constant 9 : i32
      %min3A_326 = arith.minsi %add3A_324, %min3A_325 : i32
      %mul3A_327 = arith.constant 8 : i32
      %mul3A_328 = arith.muli %mul3A_327, %min3A_326 : i32
      %add3A_329 = arith.addi %add3A, %mul3A_328 : i32
      %lt3A_330 = arith.constant 4 : i32
      %lt3A_331 = arith.cmpi slt, %scan3A_72, %lt3A_330 : i32
      %dma_start3A_332 = arith.constant 1 : i32
      %dma_start3A_333 = arith.constant 0 : i32
      %dma_start3A_334 = tpu.memref_slice %arg9[%dma_start3A_332, %dma_start3A_333] : memref<8x128xi32, #tpu.memory_space<vmem>> -> memref<1x128xi32, #tpu.memory_space<vmem>>
      %dma_start3A_335 = tpu.memref_squeeze %dma_start3A_334 : memref<1x128xi32, #tpu.memory_space<vmem>> -> memref<128xi32, #tpu.memory_space<vmem>>
      %dma_start3A_336 = arith.constant 0 : i32
      %dma_start3A_337 = arith.constant 0 : i32
      %dma_start3A_338 = tpu.memref_slice %arg2[%dma_start3A_336, %dma_start3A_337] : memref<10000x128xf32, #tpu.memory_space<hbm>> -> memref<10000x128xf32, #tpu.memory_space<hbm>>
      tpu.enqueue_indirect_dma source(%dma_start3A_338 : memref<10000x128xf32, #tpu.memory_space<hbm>>) target(%arg12 : memref<128x128xf32, #tpu.memory_space<vmem>>) offsets(%dma_start3A_335 : memref<128xi32, #tpu.memory_space<vmem>>) semaphore(%arg14 : memref<!tpu.dma_semaphore, #tpu.memory_space<semaphore_mem>>)
      %dma_wait3A_339 = arith.constant 0 : i32
      %dma_wait3A_340 = arith.constant 0 : i32
      %dma_wait3A_341 = tpu.memref_slice %arg9[%dma_wait3A_339, %dma_wait3A_340] : memref<8x128xi32, #tpu.memory_space<vmem>> -> memref<1x128xi32, #tpu.memory_space<vmem>>
      %dma_wait3A_342 = tpu.memref_squeeze %dma_wait3A_341 : memref<1x128xi32, #tpu.memory_space<vmem>> -> memref<128xi32, #tpu.memory_space<vmem>>
      %dma_wait3A_343 = arith.constant 0 : i32
      %dma_wait3A_344 = arith.constant 0 : i32
      %dma_wait3A_345 = tpu.memref_slice %arg2[%dma_wait3A_343, %dma_wait3A_344] : memref<10000x128xf32, #tpu.memory_space<hbm>> -> memref<10000x128xf32, #tpu.memory_space<hbm>>
      tpu.wait_indirect_dma semaphore(%arg14 : memref<!tpu.dma_semaphore, #tpu.memory_space<semaphore_mem>>) src(%dma_wait3A_345 : memref<10000x128xf32, #tpu.memory_space<hbm>>) dst(%arg11 : memref<128x128xf32, #tpu.memory_space<vmem>>)
      %dma_start3A_346 = arith.constant 0 : i32
      %dma_start3A_347 = arith.constant 0 : i32
      %dma_start3A_348 = tpu.memref_slice %arg10[%dma_start3A_346, %dma_start3A_347] : memref<8x128xi32, #tpu.memory_space<vmem>> -> memref<1x128xi32, #tpu.memory_space<vmem>>
      %dma_start3A_349 = tpu.memref_squeeze %dma_start3A_348 : memref<1x128xi32, #tpu.memory_space<vmem>> -> memref<128xi32, #tpu.memory_space<vmem>>
      %dma_start3A_350 = arith.constant 0 : i32
      %dma_start3A_351 = arith.constant 0 : i32
      %dma_start3A_352 = tpu.memref_slice %arg13[%dma_start3A_350, %dma_start3A_351] : memref<10016x128xf32, #tpu.memory_space<vmem_shared>> -> memref<10016x128xf32, #tpu.memory_space<vmem_shared>>
      tpu.enqueue_indirect_dma source(%arg11 : memref<128x128xf32, #tpu.memory_space<vmem>>) target(%dma_start3A_352 : memref<10016x128xf32, #tpu.memory_space<vmem_shared>>) offsets(%dma_start3A_349 : memref<128xi32, #tpu.memory_space<vmem>>) semaphore(%arg15 : memref<!tpu.dma_semaphore, #tpu.memory_space<semaphore_mem>>) {add = true}
      %dma_wait3A_353 = arith.constant 0 : i32
      %dma_wait3A_354 = arith.constant 0 : i32
      %dma_wait3A_355 = tpu.memref_slice %arg10[%dma_wait3A_353, %dma_wait3A_354] : memref<8x128xi32, #tpu.memory_space<vmem>> -> memref<1x128xi32, #tpu.memory_space<vmem>>
      %dma_wait3A_356 = tpu.memref_squeeze %dma_wait3A_355 : memref<1x128xi32, #tpu.memory_space<vmem>> -> memref<128xi32, #tpu.memory_space<vmem>>
      %dma_wait3A_357 = arith.constant 0 : i32
      %dma_wait3A_358 = arith.constant 0 : i32
      %dma_wait3A_359 = tpu.memref_slice %arg13[%dma_wait3A_357, %dma_wait3A_358] : memref<10016x128xf32, #tpu.memory_space<vmem_shared>> -> memref<10016x128xf32, #tpu.memory_space<vmem_shared>>
      tpu.wait_indirect_dma semaphore(%arg15 : memref<!tpu.dma_semaphore, #tpu.memory_space<semaphore_mem>>) src(%arg11 : memref<128x128xf32, #tpu.memory_space<vmem>>) dst(%dma_wait3A_359 : memref<10016x128xf32, #tpu.memory_space<vmem_shared>>)
      %dma_start3A_360 = arith.constant 2 : i32
      %dma_start3A_361 = arith.constant 0 : i32
      %dma_start3A_362 = tpu.memref_slice %arg9[%dma_start3A_360, %dma_start3A_361] : memref<8x128xi32, #tpu.memory_space<vmem>> -> memref<1x128xi32, #tpu.memory_space<vmem>>
      %dma_start3A_363 = tpu.memref_squeeze %dma_start3A_362 : memref<1x128xi32, #tpu.memory_space<vmem>> -> memref<128xi32, #tpu.memory_space<vmem>>
      %dma_start3A_364 = arith.constant 0 : i32
      %dma_start3A_365 = arith.constant 0 : i32
      %dma_start3A_366 = tpu.memref_slice %arg2[%dma_start3A_364, %dma_start3A_365] : memref<10000x128xf32, #tpu.memory_space<hbm>> -> memref<10000x128xf32, #tpu.memory_space<hbm>>
      tpu.enqueue_indirect_dma source(%dma_start3A_366 : memref<10000x128xf32, #tpu.memory_space<hbm>>) target(%arg11 : memref<128x128xf32, #tpu.memory_space<vmem>>) offsets(%dma_start3A_363 : memref<128xi32, #tpu.memory_space<vmem>>) semaphore(%arg14 : memref<!tpu.dma_semaphore, #tpu.memory_space<semaphore_mem>>)
      %dma_wait3A_367 = arith.constant 1 : i32
      %dma_wait3A_368 = arith.constant 0 : i32
      %dma_wait3A_369 = tpu.memref_slice %arg9[%dma_wait3A_367, %dma_wait3A_368] : memref<8x128xi32, #tpu.memory_space<vmem>> -> memref<1x128xi32, #tpu.memory_space<vmem>>
      %dma_wait3A_370 = tpu.memref_squeeze %dma_wait3A_369 : memref<1x128xi32, #tpu.memory_space<vmem>> -> memref<128xi32, #tpu.memory_space<vmem>>
      %dma_wait3A_371 = arith.constant 0 : i32
      %dma_wait3A_372 = arith.constant 0 : i32
      %dma_wait3A_373 = tpu.memref_slice %arg2[%dma_wait3A_371, %dma_wait3A_372] : memref<10000x128xf32, #tpu.memory_space<hbm>> -> memref<10000x128xf32, #tpu.memory_space<hbm>>
      tpu.wait_indirect_dma semaphore(%arg14 : memref<!tpu.dma_semaphore, #tpu.memory_space<semaphore_mem>>) src(%dma_wait3A_373 : memref<10000x128xf32, #tpu.memory_space<hbm>>) dst(%arg12 : memref<128x128xf32, #tpu.memory_space<vmem>>)
      %dma_start3A_374 = arith.constant 1 : i32
      %dma_start3A_375 = arith.constant 0 : i32
      %dma_start3A_376 = tpu.memref_slice %arg10[%dma_start3A_374, %dma_start3A_375] : memref<8x128xi32, #tpu.memory_space<vmem>> -> memref<1x128xi32, #tpu.memory_space<vmem>>
      %dma_start3A_377 = tpu.memref_squeeze %dma_start3A_376 : memref<1x128xi32, #tpu.memory_space<vmem>> -> memref<128xi32, #tpu.memory_space<vmem>>
      %dma_start3A_378 = arith.constant 0 : i32
      %dma_start3A_379 = arith.constant 0 : i32
      %dma_start3A_380 = tpu.memref_slice %arg13[%dma_start3A_378, %dma_start3A_379] : memref<10016x128xf32, #tpu.memory_space<vmem_shared>> -> memref<10016x128xf32, #tpu.memory_space<vmem_shared>>
      tpu.enqueue_indirect_dma source(%arg12 : memref<128x128xf32, #tpu.memory_space<vmem>>) target(%dma_start3A_380 : memref<10016x128xf32, #tpu.memory_space<vmem_shared>>) offsets(%dma_start3A_377 : memref<128xi32, #tpu.memory_space<vmem>>) semaphore(%arg15 : memref<!tpu.dma_semaphore, #tpu.memory_space<semaphore_mem>>) {add = true}
      %dma_wait3A_381 = arith.constant 1 : i32
      %dma_wait3A_382 = arith.constant 0 : i32
      %dma_wait3A_383 = tpu.memref_slice %arg10[%dma_wait3A_381, %dma_wait3A_382] : memref<8x128xi32, #tpu.memory_space<vmem>> -> memref<1x128xi32, #tpu.memory_space<vmem>>
      %dma_wait3A_384 = tpu.memref_squeeze %dma_wait3A_383 : memref<1x128xi32, #tpu.memory_space<vmem>> -> memref<128xi32, #tpu.memory_space<vmem>>
      %dma_wait3A_385 = arith.constant 0 : i32
      %dma_wait3A_386 = arith.constant 0 : i32
      %dma_wait3A_387 = tpu.memref_slice %arg13[%dma_wait3A_385, %dma_wait3A_386] : memref<10016x128xf32, #tpu.memory_space<vmem_shared>> -> memref<10016x128xf32, #tpu.memory_space<vmem_shared>>
      tpu.wait_indirect_dma semaphore(%arg15 : memref<!tpu.dma_semaphore, #tpu.memory_space<semaphore_mem>>) src(%arg12 : memref<128x128xf32, #tpu.memory_space<vmem>>) dst(%dma_wait3A_387 : memref<10016x128xf32, #tpu.memory_space<vmem_shared>>)
      %dma_start3A_388 = arith.constant 3 : i32
      %dma_start3A_389 = arith.constant 0 : i32
      %dma_start3A_390 = tpu.memref_slice %arg9[%dma_start3A_388, %dma_start3A_389] : memref<8x128xi32, #tpu.memory_space<vmem>> -> memref<1x128xi32, #tpu.memory_space<vmem>>
      %dma_start3A_391 = tpu.memref_squeeze %dma_start3A_390 : memref<1x128xi32, #tpu.memory_space<vmem>> -> memref<128xi32, #tpu.memory_space<vmem>>
      %dma_start3A_392 = arith.constant 0 : i32
      %dma_start3A_393 = arith.constant 0 : i32
      %dma_start3A_394 = tpu.memref_slice %arg2[%dma_start3A_392, %dma_start3A_393] : memref<10000x128xf32, #tpu.memory_space<hbm>> -> memref<10000x128xf32, #tpu.memory_space<hbm>>
      tpu.enqueue_indirect_dma source(%dma_start3A_394 : memref<10000x128xf32, #tpu.memory_space<hbm>>) target(%arg12 : memref<128x128xf32, #tpu.memory_space<vmem>>) offsets(%dma_start3A_391 : memref<128xi32, #tpu.memory_space<vmem>>) semaphore(%arg14 : memref<!tpu.dma_semaphore, #tpu.memory_space<semaphore_mem>>)
      %dma_wait3A_395 = arith.constant 2 : i32
      %dma_wait3A_396 = arith.constant 0 : i32
      %dma_wait3A_397 = tpu.memref_slice %arg9[%dma_wait3A_395, %dma_wait3A_396] : memref<8x128xi32, #tpu.memory_space<vmem>> -> memref<1x128xi32, #tpu.memory_space<vmem>>
      %dma_wait3A_398 = tpu.memref_squeeze %dma_wait3A_397 : memref<1x128xi32, #tpu.memory_space<vmem>> -> memref<128xi32, #tpu.memory_space<vmem>>
      %dma_wait3A_399 = arith.constant 0 : i32
      %dma_wait3A_400 = arith.constant 0 : i32
      %dma_wait3A_401 = tpu.memref_slice %arg2[%dma_wait3A_399, %dma_wait3A_400] : memref<10000x128xf32, #tpu.memory_space<hbm>> -> memref<10000x128xf32, #tpu.memory_space<hbm>>
      tpu.wait_indirect_dma semaphore(%arg14 : memref<!tpu.dma_semaphore, #tpu.memory_space<semaphore_mem>>) src(%dma_wait3A_401 : memref<10000x128xf32, #tpu.memory_space<hbm>>) dst(%arg11 : memref<128x128xf32, #tpu.memory_space<vmem>>)
      %dma_start3A_402 = arith.constant 2 : i32
      %dma_start3A_403 = arith.constant 0 : i32
      %dma_start3A_404 = tpu.memref_slice %arg10[%dma_start3A_402, %dma_start3A_403] : memref<8x128xi32, #tpu.memory_space<vmem>> -> memref<1x128xi32, #tpu.memory_space<vmem>>
      %dma_start3A_405 = tpu.memref_squeeze %dma_start3A_404 : memref<1x128xi32, #tpu.memory_space<vmem>> -> memref<128xi32, #tpu.memory_space<vmem>>
      %dma_start3A_406 = arith.constant 0 : i32
      %dma_start3A_407 = arith.constant 0 : i32
      %dma_start3A_408 = tpu.memref_slice %arg13[%dma_start3A_406, %dma_start3A_407] : memref<10016x128xf32, #tpu.memory_space<vmem_shared>> -> memref<10016x128xf32, #tpu.memory_space<vmem_shared>>
      tpu.enqueue_indirect_dma source(%arg11 : memref<128x128xf32, #tpu.memory_space<vmem>>) target(%dma_start3A_408 : memref<10016x128xf32, #tpu.memory_space<vmem_shared>>) offsets(%dma_start3A_405 : memref<128xi32, #tpu.memory_space<vmem>>) semaphore(%arg15 : memref<!tpu.dma_semaphore, #tpu.memory_space<semaphore_mem>>) {add = true}
      %dma_wait3A_409 = arith.constant 2 : i32
      %dma_wait3A_410 = arith.constant 0 : i32
      %dma_wait3A_411 = tpu.memref_slice %arg10[%dma_wait3A_409, %dma_wait3A_410] : memref<8x128xi32, #tpu.memory_space<vmem>> -> memref<1x128xi32, #tpu.memory_space<vmem>>
      %dma_wait3A_412 = tpu.memref_squeeze %dma_wait3A_411 : memref<1x128xi32, #tpu.memory_space<vmem>> -> memref<128xi32, #tpu.memory_space<vmem>>
      %dma_wait3A_413 = arith.constant 0 : i32
      %dma_wait3A_414 = arith.constant 0 : i32
      %dma_wait3A_415 = tpu.memref_slice %arg13[%dma_wait3A_413, %dma_wait3A_414] : memref<10016x128xf32, #tpu.memory_space<vmem_shared>> -> memref<10016x128xf32, #tpu.memory_space<vmem_shared>>
      tpu.wait_indirect_dma semaphore(%arg15 : memref<!tpu.dma_semaphore, #tpu.memory_space<semaphore_mem>>) src(%arg11 : memref<128x128xf32, #tpu.memory_space<vmem>>) dst(%dma_wait3A_415 : memref<10016x128xf32, #tpu.memory_space<vmem_shared>>)
      %dma_start3A_416 = arith.constant 4 : i32
      %dma_start3A_417 = arith.constant 0 : i32
      %dma_start3A_418 = tpu.memref_slice %arg9[%dma_start3A_416, %dma_start3A_417] : memref<8x128xi32, #tpu.memory_space<vmem>> -> memref<1x128xi32, #tpu.memory_space<vmem>>
      %dma_start3A_419 = tpu.memref_squeeze %dma_start3A_418 : memref<1x128xi32, #tpu.memory_space<vmem>> -> memref<128xi32, #tpu.memory_space<vmem>>
      %dma_start3A_420 = arith.constant 0 : i32
      %dma_start3A_421 = arith.constant 0 : i32
      %dma_start3A_422 = tpu.memref_slice %arg2[%dma_start3A_420, %dma_start3A_421] : memref<10000x128xf32, #tpu.memory_space<hbm>> -> memref<10000x128xf32, #tpu.memory_space<hbm>>
      tpu.enqueue_indirect_dma source(%dma_start3A_422 : memref<10000x128xf32, #tpu.memory_space<hbm>>) target(%arg11 : memref<128x128xf32, #tpu.memory_space<vmem>>) offsets(%dma_start3A_419 : memref<128xi32, #tpu.memory_space<vmem>>) semaphore(%arg14 : memref<!tpu.dma_semaphore, #tpu.memory_space<semaphore_mem>>)
      %dma_wait3A_423 = arith.constant 3 : i32
      %dma_wait3A_424 = arith.constant 0 : i32
      %dma_wait3A_425 = tpu.memref_slice %arg9[%dma_wait3A_423, %dma_wait3A_424] : memref<8x128xi32, #tpu.memory_space<vmem>> -> memref<1x128xi32, #tpu.memory_space<vmem>>
      %dma_wait3A_426 = tpu.memref_squeeze %dma_wait3A_425 : memref<1x128xi32, #tpu.memory_space<vmem>> -> memref<128xi32, #tpu.memory_space<vmem>>
      %dma_wait3A_427 = arith.constant 0 : i32
      %dma_wait3A_428 = arith.constant 0 : i32
      %dma_wait3A_429 = tpu.memref_slice %arg2[%dma_wait3A_427, %dma_wait3A_428] : memref<10000x128xf32, #tpu.memory_space<hbm>> -> memref<10000x128xf32, #tpu.memory_space<hbm>>
      tpu.wait_indirect_dma semaphore(%arg14 : memref<!tpu.dma_semaphore, #tpu.memory_space<semaphore_mem>>) src(%dma_wait3A_429 : memref<10000x128xf32, #tpu.memory_space<hbm>>) dst(%arg12 : memref<128x128xf32, #tpu.memory_space<vmem>>)
      %dma_start3A_430 = arith.constant 3 : i32
      %dma_start3A_431 = arith.constant 0 : i32
      %dma_start3A_432 = tpu.memref_slice %arg10[%dma_start3A_430, %dma_start3A_431] : memref<8x128xi32, #tpu.memory_space<vmem>> -> memref<1x128xi32, #tpu.memory_space<vmem>>
      %dma_start3A_433 = tpu.memref_squeeze %dma_start3A_432 : memref<1x128xi32, #tpu.memory_space<vmem>> -> memref<128xi32, #tpu.memory_space<vmem>>
      %dma_start3A_434 = arith.constant 0 : i32
      %dma_start3A_435 = arith.constant 0 : i32
      %dma_start3A_436 = tpu.memref_slice %arg13[%dma_start3A_434, %dma_start3A_435] : memref<10016x128xf32, #tpu.memory_space<vmem_shared>> -> memref<10016x128xf32, #tpu.memory_space<vmem_shared>>
      tpu.enqueue_indirect_dma source(%arg12 : memref<128x128xf32, #tpu.memory_space<vmem>>) target(%dma_start3A_436 : memref<10016x128xf32, #tpu.memory_space<vmem_shared>>) offsets(%dma_start3A_433 : memref<128xi32, #tpu.memory_space<vmem>>) semaphore(%arg15 : memref<!tpu.dma_semaphore, #tpu.memory_space<semaphore_mem>>) {add = true}
      %dma_wait3A_437 = arith.constant 3 : i32
      %dma_wait3A_438 = arith.constant 0 : i32
      %dma_wait3A_439 = tpu.memref_slice %arg10[%dma_wait3A_437, %dma_wait3A_438] : memref<8x128xi32, #tpu.memory_space<vmem>> -> memref<1x128xi32, #tpu.memory_space<vmem>>
      %dma_wait3A_440 = tpu.memref_squeeze %dma_wait3A_439 : memref<1x128xi32, #tpu.memory_space<vmem>> -> memref<128xi32, #tpu.memory_space<vmem>>
      %dma_wait3A_441 = arith.constant 0 : i32
      %dma_wait3A_442 = arith.constant 0 : i32
      %dma_wait3A_443 = tpu.memref_slice %arg13[%dma_wait3A_441, %dma_wait3A_442] : memref<10016x128xf32, #tpu.memory_space<vmem_shared>> -> memref<10016x128xf32, #tpu.memory_space<vmem_shared>>
      tpu.wait_indirect_dma semaphore(%arg15 : memref<!tpu.dma_semaphore, #tpu.memory_space<semaphore_mem>>) src(%arg12 : memref<128x128xf32, #tpu.memory_space<vmem>>) dst(%dma_wait3A_443 : memref<10016x128xf32, #tpu.memory_space<vmem_shared>>)
      %dma_start3A_444 = arith.constant 5 : i32
      %dma_start3A_445 = arith.constant 0 : i32
      %dma_start3A_446 = tpu.memref_slice %arg9[%dma_start3A_444, %dma_start3A_445] : memref<8x128xi32, #tpu.memory_space<vmem>> -> memref<1x128xi32, #tpu.memory_space<vmem>>
      %dma_start3A_447 = tpu.memref_squeeze %dma_start3A_446 : memref<1x128xi32, #tpu.memory_space<vmem>> -> memref<128xi32, #tpu.memory_space<vmem>>
      %dma_start3A_448 = arith.constant 0 : i32
      %dma_start3A_449 = arith.constant 0 : i32
      %dma_start3A_450 = tpu.memref_slice %arg2[%dma_start3A_448, %dma_start3A_449] : memref<10000x128xf32, #tpu.memory_space<hbm>> -> memref<10000x128xf32, #tpu.memory_space<hbm>>
      tpu.enqueue_indirect_dma source(%dma_start3A_450 : memref<10000x128xf32, #tpu.memory_space<hbm>>) target(%arg12 : memref<128x128xf32, #tpu.memory_space<vmem>>) offsets(%dma_start3A_447 : memref<128xi32, #tpu.memory_space<vmem>>) semaphore(%arg14 : memref<!tpu.dma_semaphore, #tpu.memory_space<semaphore_mem>>)
      %dma_wait3A_451 = arith.constant 4 : i32
      %dma_wait3A_452 = arith.constant 0 : i32
      %dma_wait3A_453 = tpu.memref_slice %arg9[%dma_wait3A_451, %dma_wait3A_452] : memref<8x128xi32, #tpu.memory_space<vmem>> -> memref<1x128xi32, #tpu.memory_space<vmem>>
      %dma_wait3A_454 = tpu.memref_squeeze %dma_wait3A_453 : memref<1x128xi32, #tpu.memory_space<vmem>> -> memref<128xi32, #tpu.memory_space<vmem>>
      %dma_wait3A_455 = arith.constant 0 : i32
      %dma_wait3A_456 = arith.constant 0 : i32
      %dma_wait3A_457 = tpu.memref_slice %arg2[%dma_wait3A_455, %dma_wait3A_456] : memref<10000x128xf32, #tpu.memory_space<hbm>> -> memref<10000x128xf32, #tpu.memory_space<hbm>>
      tpu.wait_indirect_dma semaphore(%arg14 : memref<!tpu.dma_semaphore, #tpu.memory_space<semaphore_mem>>) src(%dma_wait3A_457 : memref<10000x128xf32, #tpu.memory_space<hbm>>) dst(%arg11 : memref<128x128xf32, #tpu.memory_space<vmem>>)
      %dma_start3A_458 = arith.constant 4 : i32
      %dma_start3A_459 = arith.constant 0 : i32
      %dma_start3A_460 = tpu.memref_slice %arg10[%dma_start3A_458, %dma_start3A_459] : memref<8x128xi32, #tpu.memory_space<vmem>> -> memref<1x128xi32, #tpu.memory_space<vmem>>
      %dma_start3A_461 = tpu.memref_squeeze %dma_start3A_460 : memref<1x128xi32, #tpu.memory_space<vmem>> -> memref<128xi32, #tpu.memory_space<vmem>>
      %dma_start3A_462 = arith.constant 0 : i32
      %dma_start3A_463 = arith.constant 0 : i32
      %dma_start3A_464 = tpu.memref_slice %arg13[%dma_start3A_462, %dma_start3A_463] : memref<10016x128xf32, #tpu.memory_space<vmem_shared>> -> memref<10016x128xf32, #tpu.memory_space<vmem_shared>>
      tpu.enqueue_indirect_dma source(%arg11 : memref<128x128xf32, #tpu.memory_space<vmem>>) target(%dma_start3A_464 : memref<10016x128xf32, #tpu.memory_space<vmem_shared>>) offsets(%dma_start3A_461 : memref<128xi32, #tpu.memory_space<vmem>>) semaphore(%arg15 : memref<!tpu.dma_semaphore, #tpu.memory_space<semaphore_mem>>) {add = true}
      %dma_wait3A_465 = arith.constant 4 : i32
      %dma_wait3A_466 = arith.constant 0 : i32
      %dma_wait3A_467 = tpu.memref_slice %arg10[%dma_wait3A_465, %dma_wait3A_466] : memref<8x128xi32, #tpu.memory_space<vmem>> -> memref<1x128xi32, #tpu.memory_space<vmem>>
      %dma_wait3A_468 = tpu.memref_squeeze %dma_wait3A_467 : memref<1x128xi32, #tpu.memory_space<vmem>> -> memref<128xi32, #tpu.memory_space<vmem>>
      %dma_wait3A_469 = arith.constant 0 : i32
      %dma_wait3A_470 = arith.constant 0 : i32
      %dma_wait3A_471 = tpu.memref_slice %arg13[%dma_wait3A_469, %dma_wait3A_470] : memref<10016x128xf32, #tpu.memory_space<vmem_shared>> -> memref<10016x128xf32, #tpu.memory_space<vmem_shared>>
      tpu.wait_indirect_dma semaphore(%arg15 : memref<!tpu.dma_semaphore, #tpu.memory_space<semaphore_mem>>) src(%arg11 : memref<128x128xf32, #tpu.memory_space<vmem>>) dst(%dma_wait3A_471 : memref<10016x128xf32, #tpu.memory_space<vmem_shared>>)
      %dma_start3A_472 = arith.constant 6 : i32
      %dma_start3A_473 = arith.constant 0 : i32
      %dma_start3A_474 = tpu.memref_slice %arg9[%dma_start3A_472, %dma_start3A_473] : memref<8x128xi32, #tpu.memory_space<vmem>> -> memref<1x128xi32, #tpu.memory_space<vmem>>
      %dma_start3A_475 = tpu.memref_squeeze %dma_start3A_474 : memref<1x128xi32, #tpu.memory_space<vmem>> -> memref<128xi32, #tpu.memory_space<vmem>>
      %dma_start3A_476 = arith.constant 0 : i32
      %dma_start3A_477 = arith.constant 0 : i32
      %dma_start3A_478 = tpu.memref_slice %arg2[%dma_start3A_476, %dma_start3A_477] : memref<10000x128xf32, #tpu.memory_space<hbm>> -> memref<10000x128xf32, #tpu.memory_space<hbm>>
      tpu.enqueue_indirect_dma source(%dma_start3A_478 : memref<10000x128xf32, #tpu.memory_space<hbm>>) target(%arg11 : memref<128x128xf32, #tpu.memory_space<vmem>>) offsets(%dma_start3A_475 : memref<128xi32, #tpu.memory_space<vmem>>) semaphore(%arg14 : memref<!tpu.dma_semaphore, #tpu.memory_space<semaphore_mem>>)
      %dma_wait3A_479 = arith.constant 5 : i32
      %dma_wait3A_480 = arith.constant 0 : i32
      %dma_wait3A_481 = tpu.memref_slice %arg9[%dma_wait3A_479, %dma_wait3A_480] : memref<8x128xi32, #tpu.memory_space<vmem>> -> memref<1x128xi32, #tpu.memory_space<vmem>>
      %dma_wait3A_482 = tpu.memref_squeeze %dma_wait3A_481 : memref<1x128xi32, #tpu.memory_space<vmem>> -> memref<128xi32, #tpu.memory_space<vmem>>
      %dma_wait3A_483 = arith.constant 0 : i32
      %dma_wait3A_484 = arith.constant 0 : i32
      %dma_wait3A_485 = tpu.memref_slice %arg2[%dma_wait3A_483, %dma_wait3A_484] : memref<10000x128xf32, #tpu.memory_space<hbm>> -> memref<10000x128xf32, #tpu.memory_space<hbm>>
      tpu.wait_indirect_dma semaphore(%arg14 : memref<!tpu.dma_semaphore, #tpu.memory_space<semaphore_mem>>) src(%dma_wait3A_485 : memref<10000x128xf32, #tpu.memory_space<hbm>>) dst(%arg12 : memref<128x128xf32, #tpu.memory_space<vmem>>)
      %dma_start3A_486 = arith.constant 5 : i32
      %dma_start3A_487 = arith.constant 0 : i32
      %dma_start3A_488 = tpu.memref_slice %arg10[%dma_start3A_486, %dma_start3A_487] : memref<8x128xi32, #tpu.memory_space<vmem>> -> memref<1x128xi32, #tpu.memory_space<vmem>>
      %dma_start3A_489 = tpu.memref_squeeze %dma_start3A_488 : memref<1x128xi32, #tpu.memory_space<vmem>> -> memref<128xi32, #tpu.memory_space<vmem>>
      %dma_start3A_490 = arith.constant 0 : i32
      %dma_start3A_491 = arith.constant 0 : i32
      %dma_start3A_492 = tpu.memref_slice %arg13[%dma_start3A_490, %dma_start3A_491] : memref<10016x128xf32, #tpu.memory_space<vmem_shared>> -> memref<10016x128xf32, #tpu.memory_space<vmem_shared>>
      tpu.enqueue_indirect_dma source(%arg12 : memref<128x128xf32, #tpu.memory_space<vmem>>) target(%dma_start3A_492 : memref<10016x128xf32, #tpu.memory_space<vmem_shared>>) offsets(%dma_start3A_489 : memref<128xi32, #tpu.memory_space<vmem>>) semaphore(%arg15 : memref<!tpu.dma_semaphore, #tpu.memory_space<semaphore_mem>>) {add = true}
      %dma_wait3A_493 = arith.constant 5 : i32
      %dma_wait3A_494 = arith.constant 0 : i32
      %dma_wait3A_495 = tpu.memref_slice %arg10[%dma_wait3A_493, %dma_wait3A_494] : memref<8x128xi32, #tpu.memory_space<vmem>> -> memref<1x128xi32, #tpu.memory_space<vmem>>
      %dma_wait3A_496 = tpu.memref_squeeze %dma_wait3A_495 : memref<1x128xi32, #tpu.memory_space<vmem>> -> memref<128xi32, #tpu.memory_space<vmem>>
      %dma_wait3A_497 = arith.constant 0 : i32
      %dma_wait3A_498 = arith.constant 0 : i32
      %dma_wait3A_499 = tpu.memref_slice %arg13[%dma_wait3A_497, %dma_wait3A_498] : memref<10016x128xf32, #tpu.memory_space<vmem_shared>> -> memref<10016x128xf32, #tpu.memory_space<vmem_shared>>
      tpu.wait_indirect_dma semaphore(%arg15 : memref<!tpu.dma_semaphore, #tpu.memory_space<semaphore_mem>>) src(%arg12 : memref<128x128xf32, #tpu.memory_space<vmem>>) dst(%dma_wait3A_499 : memref<10016x128xf32, #tpu.memory_space<vmem_shared>>)
      %dma_start3A_500 = arith.constant 7 : i32
      %dma_start3A_501 = arith.constant 0 : i32
      %dma_start3A_502 = tpu.memref_slice %arg9[%dma_start3A_500, %dma_start3A_501] : memref<8x128xi32, #tpu.memory_space<vmem>> -> memref<1x128xi32, #tpu.memory_space<vmem>>
      %dma_start3A_503 = tpu.memref_squeeze %dma_start3A_502 : memref<1x128xi32, #tpu.memory_space<vmem>> -> memref<128xi32, #tpu.memory_space<vmem>>
      %dma_start3A_504 = arith.constant 0 : i32
      %dma_start3A_505 = arith.constant 0 : i32
      %dma_start3A_506 = tpu.memref_slice %arg2[%dma_start3A_504, %dma_start3A_505] : memref<10000x128xf32, #tpu.memory_space<hbm>> -> memref<10000x128xf32, #tpu.memory_space<hbm>>
      tpu.enqueue_indirect_dma source(%dma_start3A_506 : memref<10000x128xf32, #tpu.memory_space<hbm>>) target(%arg12 : memref<128x128xf32, #tpu.memory_space<vmem>>) offsets(%dma_start3A_503 : memref<128xi32, #tpu.memory_space<vmem>>) semaphore(%arg14 : memref<!tpu.dma_semaphore, #tpu.memory_space<semaphore_mem>>)
      %dma_wait3A_507 = arith.constant 6 : i32
      %dma_wait3A_508 = arith.constant 0 : i32
      %dma_wait3A_509 = tpu.memref_slice %arg9[%dma_wait3A_507, %dma_wait3A_508] : memref<8x128xi32, #tpu.memory_space<vmem>> -> memref<1x128xi32, #tpu.memory_space<vmem>>
      %dma_wait3A_510 = tpu.memref_squeeze %dma_wait3A_509 : memref<1x128xi32, #tpu.memory_space<vmem>> -> memref<128xi32, #tpu.memory_space<vmem>>
      %dma_wait3A_511 = arith.constant 0 : i32
      %dma_wait3A_512 = arith.constant 0 : i32
      %dma_wait3A_513 = tpu.memref_slice %arg2[%dma_wait3A_511, %dma_wait3A_512] : memref<10000x128xf32, #tpu.memory_space<hbm>> -> memref<10000x128xf32, #tpu.memory_space<hbm>>
      tpu.wait_indirect_dma semaphore(%arg14 : memref<!tpu.dma_semaphore, #tpu.memory_space<semaphore_mem>>) src(%dma_wait3A_513 : memref<10000x128xf32, #tpu.memory_space<hbm>>) dst(%arg11 : memref<128x128xf32, #tpu.memory_space<vmem>>)
      %dma_start3A_514 = arith.constant 6 : i32
      %dma_start3A_515 = arith.constant 0 : i32
      %dma_start3A_516 = tpu.memref_slice %arg10[%dma_start3A_514, %dma_start3A_515] : memref<8x128xi32, #tpu.memory_space<vmem>> -> memref<1x128xi32, #tpu.memory_space<vmem>>
      %dma_start3A_517 = tpu.memref_squeeze %dma_start3A_516 : memref<1x128xi32, #tpu.memory_space<vmem>> -> memref<128xi32, #tpu.memory_space<vmem>>
      %dma_start3A_518 = arith.constant 0 : i32
      %dma_start3A_519 = arith.constant 0 : i32
      %dma_start3A_520 = tpu.memref_slice %arg13[%dma_start3A_518, %dma_start3A_519] : memref<10016x128xf32, #tpu.memory_space<vmem_shared>> -> memref<10016x128xf32, #tpu.memory_space<vmem_shared>>
      tpu.enqueue_indirect_dma source(%arg11 : memref<128x128xf32, #tpu.memory_space<vmem>>) target(%dma_start3A_520 : memref<10016x128xf32, #tpu.memory_space<vmem_shared>>) offsets(%dma_start3A_517 : memref<128xi32, #tpu.memory_space<vmem>>) semaphore(%arg15 : memref<!tpu.dma_semaphore, #tpu.memory_space<semaphore_mem>>) {add = true}
      %dma_wait3A_521 = arith.constant 7 : i32
      %dma_wait3A_522 = arith.constant 0 : i32
      %dma_wait3A_523 = tpu.memref_slice %arg9[%dma_wait3A_521, %dma_wait3A_522] : memref<8x128xi32, #tpu.memory_space<vmem>> -> memref<1x128xi32, #tpu.memory_space<vmem>>
      %dma_wait3A_524 = tpu.memref_squeeze %dma_wait3A_523 : memref<1x128xi32, #tpu.memory_space<vmem>> -> memref<128xi32, #tpu.memory_space<vmem>>
      %dma_wait3A_525 = arith.constant 0 : i32
      %dma_wait3A_526 = arith.constant 0 : i32
      %dma_wait3A_527 = tpu.memref_slice %arg2[%dma_wait3A_525, %dma_wait3A_526] : memref<10000x128xf32, #tpu.memory_space<hbm>> -> memref<10000x128xf32, #tpu.memory_space<hbm>>
      tpu.wait_indirect_dma semaphore(%arg14 : memref<!tpu.dma_semaphore, #tpu.memory_space<semaphore_mem>>) src(%dma_wait3A_527 : memref<10000x128xf32, #tpu.memory_space<hbm>>) dst(%arg12 : memref<128x128xf32, #tpu.memory_space<vmem>>)
      %dma_start3A_528 = arith.constant 7 : i32
      %dma_start3A_529 = arith.constant 0 : i32
      %dma_start3A_530 = tpu.memref_slice %arg10[%dma_start3A_528, %dma_start3A_529] : memref<8x128xi32, #tpu.memory_space<vmem>> -> memref<1x128xi32, #tpu.memory_space<vmem>>
      %dma_start3A_531 = tpu.memref_squeeze %dma_start3A_530 : memref<1x128xi32, #tpu.memory_space<vmem>> -> memref<128xi32, #tpu.memory_space<vmem>>
      %dma_start3A_532 = arith.constant 0 : i32
      %dma_start3A_533 = arith.constant 0 : i32
      %dma_start3A_534 = tpu.memref_slice %arg13[%dma_start3A_532, %dma_start3A_533] : memref<10016x128xf32, #tpu.memory_space<vmem_shared>> -> memref<10016x128xf32, #tpu.memory_space<vmem_shared>>
      tpu.enqueue_indirect_dma source(%arg12 : memref<128x128xf32, #tpu.memory_space<vmem>>) target(%dma_start3A_534 : memref<10016x128xf32, #tpu.memory_space<vmem_shared>>) offsets(%dma_start3A_531 : memref<128xi32, #tpu.memory_space<vmem>>) semaphore(%arg15 : memref<!tpu.dma_semaphore, #tpu.memory_space<semaphore_mem>>) {add = true}
      %dma_wait3A_535 = arith.constant 6 : i32
      %dma_wait3A_536 = arith.constant 0 : i32
      %dma_wait3A_537 = tpu.memref_slice %arg10[%dma_wait3A_535, %dma_wait3A_536] : memref<8x128xi32, #tpu.memory_space<vmem>> -> memref<1x128xi32, #tpu.memory_space<vmem>>
      %dma_wait3A_538 = tpu.memref_squeeze %dma_wait3A_537 : memref<1x128xi32, #tpu.memory_space<vmem>> -> memref<128xi32, #tpu.memory_space<vmem>>
      %dma_wait3A_539 = arith.constant 0 : i32
      %dma_wait3A_540 = arith.constant 0 : i32
      %dma_wait3A_541 = tpu.memref_slice %arg13[%dma_wait3A_539, %dma_wait3A_540] : memref<10016x128xf32, #tpu.memory_space<vmem_shared>> -> memref<10016x128xf32, #tpu.memory_space<vmem_shared>>
      tpu.wait_indirect_dma semaphore(%arg15 : memref<!tpu.dma_semaphore, #tpu.memory_space<semaphore_mem>>) src(%arg11 : memref<128x128xf32, #tpu.memory_space<vmem>>) dst(%dma_wait3A_541 : memref<10016x128xf32, #tpu.memory_space<vmem_shared>>)
      %convert_element_type3A_542 = arith.extui %lt3A_331 : i1 to i32
      %cond3A_543 = arith.constant 0 : i32
      %cond3A_544 = arith.cmpi ne, %convert_element_type3A_542, %cond3A_543 : i32
      scf.if %cond3A_544 {
        %dma_wait3A_560 = arith.constant 0 : i32
        %dma_wait3A_561 = tpu.memref_slice %arg3[%add3A, %dma_wait3A_560] : memref<2560x128xi32, #tpu.memory_space<hbm>> -> memref<8x128xi32, #tpu.memory_space<hbm>>
        %dma_wait3A_562 = arith.constant 0 : i32
        %dma_wait3A_563 = tpu.memref_slice %arg3[%add3A, %dma_wait3A_562] : memref<2560x128xi32, #tpu.memory_space<hbm>> -> memref<8x128xi32, #tpu.memory_space<hbm>>
        tpu.wait_dma2 semaphore(%arg16 : memref<!tpu.dma_semaphore, #tpu.memory_space<semaphore_mem>>) src(%dma_wait3A_563 : memref<8x128xi32, #tpu.memory_space<hbm>>) dst(%arg7 : memref<8x128xi32, #tpu.memory_space<vmem>>)
        %dma_wait3A_564 = arith.constant 0 : i32
        %dma_wait3A_565 = tpu.memref_slice %arg4[%add3A, %dma_wait3A_564] : memref<2560x128xi32, #tpu.memory_space<hbm>> -> memref<8x128xi32, #tpu.memory_space<hbm>>
        %dma_wait3A_566 = arith.constant 0 : i32
        %dma_wait3A_567 = tpu.memref_slice %arg4[%add3A, %dma_wait3A_566] : memref<2560x128xi32, #tpu.memory_space<hbm>> -> memref<8x128xi32, #tpu.memory_space<hbm>>
        tpu.wait_dma2 semaphore(%arg16 : memref<!tpu.dma_semaphore, #tpu.memory_space<semaphore_mem>>) src(%dma_wait3A_567 : memref<8x128xi32, #tpu.memory_space<hbm>>) dst(%arg8 : memref<8x128xi32, #tpu.memory_space<vmem>>)
        %dma_start3A_568 = arith.constant 0 : i32
        %dma_start3A_569 = arith.constant 0 : i32
        %dma_start3A_570 = tpu.memref_slice %arg7[%dma_start3A_568, %dma_start3A_569] : memref<8x128xi32, #tpu.memory_space<vmem>> -> memref<1x128xi32, #tpu.memory_space<vmem>>
        %dma_start3A_571 = tpu.memref_squeeze %dma_start3A_570 : memref<1x128xi32, #tpu.memory_space<vmem>> -> memref<128xi32, #tpu.memory_space<vmem>>
        %dma_start3A_572 = arith.constant 0 : i32
        %dma_start3A_573 = arith.constant 0 : i32
        %dma_start3A_574 = tpu.memref_slice %arg2[%dma_start3A_572, %dma_start3A_573] : memref<10000x128xf32, #tpu.memory_space<hbm>> -> memref<10000x128xf32, #tpu.memory_space<hbm>>
        tpu.enqueue_indirect_dma source(%dma_start3A_574 : memref<10000x128xf32, #tpu.memory_space<hbm>>) target(%arg11 : memref<128x128xf32, #tpu.memory_space<vmem>>) offsets(%dma_start3A_571 : memref<128xi32, #tpu.memory_space<vmem>>) semaphore(%arg14 : memref<!tpu.dma_semaphore, #tpu.memory_space<semaphore_mem>>)
      } else {
      }
      %dma_wait3A_545 = arith.constant 7 : i32
      %dma_wait3A_546 = arith.constant 0 : i32
      %dma_wait3A_547 = tpu.memref_slice %arg10[%dma_wait3A_545, %dma_wait3A_546] : memref<8x128xi32, #tpu.memory_space<vmem>> -> memref<1x128xi32, #tpu.memory_space<vmem>>
      %dma_wait3A_548 = tpu.memref_squeeze %dma_wait3A_547 : memref<1x128xi32, #tpu.memory_space<vmem>> -> memref<128xi32, #tpu.memory_space<vmem>>
      %dma_wait3A_549 = arith.constant 0 : i32
      %dma_wait3A_550 = arith.constant 0 : i32
      %dma_wait3A_551 = tpu.memref_slice %arg13[%dma_wait3A_549, %dma_wait3A_550] : memref<10016x128xf32, #tpu.memory_space<vmem_shared>> -> memref<10016x128xf32, #tpu.memory_space<vmem_shared>>
      tpu.wait_indirect_dma semaphore(%arg15 : memref<!tpu.dma_semaphore, #tpu.memory_space<semaphore_mem>>) src(%arg12 : memref<128x128xf32, #tpu.memory_space<vmem>>) dst(%dma_wait3A_551 : memref<10016x128xf32, #tpu.memory_space<vmem_shared>>)
      %dma_start3A_552 = arith.constant 0 : i32
      %dma_start3A_553 = tpu.memref_slice %arg3[%add3A_329, %dma_start3A_552] : memref<2560x128xi32, #tpu.memory_space<hbm>> -> memref<8x128xi32, #tpu.memory_space<hbm>>
      %dma_start3A_554 = arith.constant 0 : i32
      %dma_start3A_555 = tpu.memref_slice %arg3[%add3A_329, %dma_start3A_554] : memref<2560x128xi32, #tpu.memory_space<hbm>> -> memref<8x128xi32, #tpu.memory_space<hbm>>
      tpu.enqueue_dma source(%dma_start3A_555 : memref<8x128xi32, #tpu.memory_space<hbm>>) target(%arg9 : memref<8x128xi32, #tpu.memory_space<vmem>>) target_semaphore(%arg16 : memref<!tpu.dma_semaphore, #tpu.memory_space<semaphore_mem>>)
      %dma_start3A_556 = arith.constant 0 : i32
      %dma_start3A_557 = tpu.memref_slice %arg4[%add3A_329, %dma_start3A_556] : memref<2560x128xi32, #tpu.memory_space<hbm>> -> memref<8x128xi32, #tpu.memory_space<hbm>>
      %dma_start3A_558 = arith.constant 0 : i32
      %dma_start3A_559 = tpu.memref_slice %arg4[%add3A_329, %dma_start3A_558] : memref<2560x128xi32, #tpu.memory_space<hbm>> -> memref<8x128xi32, #tpu.memory_space<hbm>>
      tpu.enqueue_dma source(%dma_start3A_559 : memref<8x128xi32, #tpu.memory_space<hbm>>) target(%arg10 : memref<8x128xi32, #tpu.memory_space<vmem>>) target_semaphore(%arg16 : memref<!tpu.dma_semaphore, #tpu.memory_space<semaphore_mem>>)
    }
    %scan3A_44 = arith.constant 5 : i32
    %dma_wait3A_45 = arith.constant 0 : i32
    %dma_wait3A_46 = tpu.memref_slice %arg3[%add3A, %dma_wait3A_45] : memref<2560x128xi32, #tpu.memory_space<hbm>> -> memref<8x128xi32, #tpu.memory_space<hbm>>
    %dma_wait3A_47 = arith.constant 0 : i32
    %dma_wait3A_48 = tpu.memref_slice %arg3[%add3A, %dma_wait3A_47] : memref<2560x128xi32, #tpu.memory_space<hbm>> -> memref<8x128xi32, #tpu.memory_space<hbm>>
    tpu.wait_dma2 semaphore(%arg16 : memref<!tpu.dma_semaphore, #tpu.memory_space<semaphore_mem>>) src(%dma_wait3A_48 : memref<8x128xi32, #tpu.memory_space<hbm>>) dst(%arg7 : memref<8x128xi32, #tpu.memory_space<vmem>>)
    %dma_wait3A_49 = arith.constant 0 : i32
    %dma_wait3A_50 = tpu.memref_slice %arg4[%add3A, %dma_wait3A_49] : memref<2560x128xi32, #tpu.memory_space<hbm>> -> memref<8x128xi32, #tpu.memory_space<hbm>>
    %dma_wait3A_51 = arith.constant 0 : i32
    %dma_wait3A_52 = tpu.memref_slice %arg4[%add3A, %dma_wait3A_51] : memref<2560x128xi32, #tpu.memory_space<hbm>> -> memref<8x128xi32, #tpu.memory_space<hbm>>
    tpu.wait_dma2 semaphore(%arg16 : memref<!tpu.dma_semaphore, #tpu.memory_space<semaphore_mem>>) src(%dma_wait3A_52 : memref<8x128xi32, #tpu.memory_space<hbm>>) dst(%arg8 : memref<8x128xi32, #tpu.memory_space<vmem>>)
    %dma_wait3A_53 = arith.constant 0 : i32
    %dma_wait3A_54 = tpu.memref_slice %arg3[%add3A, %dma_wait3A_53] : memref<2560x128xi32, #tpu.memory_space<hbm>> -> memref<8x128xi32, #tpu.memory_space<hbm>>
    %dma_wait3A_55 = arith.constant 0 : i32
    %dma_wait3A_56 = tpu.memref_slice %arg3[%add3A, %dma_wait3A_55] : memref<2560x128xi32, #tpu.memory_space<hbm>> -> memref<8x128xi32, #tpu.memory_space<hbm>>
    tpu.wait_dma2 semaphore(%arg16 : memref<!tpu.dma_semaphore, #tpu.memory_space<semaphore_mem>>) src(%dma_wait3A_56 : memref<8x128xi32, #tpu.memory_space<hbm>>) dst(%arg9 : memref<8x128xi32, #tpu.memory_space<vmem>>)
    %dma_wait3A_57 = arith.constant 0 : i32
    %dma_wait3A_58 = tpu.memref_slice %arg4[%add3A, %dma_wait3A_57] : memref<2560x128xi32, #tpu.memory_space<hbm>> -> memref<8x128xi32, #tpu.memory_space<hbm>>
    %dma_wait3A_59 = arith.constant 0 : i32
    %dma_wait3A_60 = tpu.memref_slice %arg4[%add3A, %dma_wait3A_59] : memref<2560x128xi32, #tpu.memory_space<hbm>> -> memref<8x128xi32, #tpu.memory_space<hbm>>
    tpu.wait_dma2 semaphore(%arg16 : memref<!tpu.dma_semaphore, #tpu.memory_space<semaphore_mem>>) src(%dma_wait3A_60 : memref<8x128xi32, #tpu.memory_space<hbm>>) dst(%arg10 : memref<8x128xi32, #tpu.memory_space<vmem>>)
    %barrier3A_61 = arith.constant 0 : index
    tpu.barrier barrier_id(%barrier3A_61)
    %lt3A_62 = arith.constant 15 : i32
    %lt3A_63 = arith.cmpi slt, %arg1, %lt3A_62 : i32
    %convert_element_type3A_64 = arith.extui %lt3A_63 : i1 to i32
    %cond3A_65 = arith.constant 0 : i32
    %cond3A_66 = arith.cmpi ne, %convert_element_type3A_64, %cond3A_65 : i32
    scf.if %cond3A_66 {
      %mul3A_72 = arith.constant 624 : i32
      %mul3A_73 = arith.muli %arg1, %mul3A_72 : i32
      %mul3A_74 = arith.constant 10000 : i32
      %mul3A_75 = arith.muli %arg0, %mul3A_74 : i32
      %mul3A_76 = arith.constant 624 : i32
      %mul3A_77 = arith.muli %arg1, %mul3A_76 : i32
      %add3A_78 = arith.addi %mul3A_75, %mul3A_77 : i32
      "tpu.region"() ({
        %run_scoped3A = tpu.sem_alloc : memref<!tpu.dma_semaphore, #tpu.memory_space<semaphore_mem>>
        %dma_start3A_79 = arith.constant 0 : i32
        %dma_start3A_80 = tpu.memref_slice %arg6[%add3A_78, %dma_start3A_79] : memref<20000x128xf32, #tpu.memory_space<hbm>> -> memref<624x128xf32, #tpu.memory_space<hbm>>
        %dma_start3A_81 = arith.constant 0 : i32
        %dma_start3A_82 = tpu.memref_slice %arg13[%mul3A_73, %dma_start3A_81] : memref<10016x128xf32, #tpu.memory_space<vmem_shared>> -> memref<624x128xf32, #tpu.memory_space<vmem_shared>>
        tpu.enqueue_dma source(%dma_start3A_82 : memref<624x128xf32, #tpu.memory_space<vmem_shared>>) target(%dma_start3A_80 : memref<624x128xf32, #tpu.memory_space<hbm>>) target_semaphore(%run_scoped3A : memref<!tpu.dma_semaphore, #tpu.memory_space<semaphore_mem>>)
        %dma_wait3A_83 = arith.constant 0 : i32
        %dma_wait3A_84 = tpu.memref_slice %arg6[%add3A_78, %dma_wait3A_83] : memref<20000x128xf32, #tpu.memory_space<hbm>> -> memref<624x128xf32, #tpu.memory_space<hbm>>
        %dma_wait3A_85 = arith.constant 0 : i32
        %dma_wait3A_86 = tpu.memref_slice %arg13[%mul3A_73, %dma_wait3A_85] : memref<10016x128xf32, #tpu.memory_space<vmem_shared>> -> memref<624x128xf32, #tpu.memory_space<vmem_shared>>
        tpu.wait_dma2 semaphore(%run_scoped3A : memref<!tpu.dma_semaphore, #tpu.memory_space<semaphore_mem>>) src(%dma_wait3A_86 : memref<624x128xf32, #tpu.memory_space<vmem_shared>>) dst(%dma_wait3A_84 : memref<624x128xf32, #tpu.memory_space<hbm>>)
        tpu.yield
      }) : () -> ()
    } else {
    }
    %eq3A_67 = arith.constant 15 : i32
    %eq3A_68 = arith.cmpi eq, %arg1, %eq3A_67 : i32
    %convert_element_type3A_69 = arith.extui %eq3A_68 : i1 to i32
    %cond3A_70 = arith.constant 0 : i32
    %cond3A_71 = arith.cmpi ne, %convert_element_type3A_69, %cond3A_70 : i32
    scf.if %cond3A_71 {
      %mul3A_72 = arith.constant 10000 : i32
      %mul3A_73 = arith.muli %arg0, %mul3A_72 : i32
      %add3A_74 = arith.constant 9360 : i32
      %add3A_75 = arith.addi %mul3A_73, %add3A_74 : i32
      "tpu.region"() ({
        %run_scoped3A = tpu.sem_alloc : memref<!tpu.dma_semaphore, #tpu.memory_space<semaphore_mem>>
        %dma_start3A_76 = arith.constant 0 : i32
        %dma_start3A_77 = tpu.memref_slice %arg6[%add3A_75, %dma_start3A_76] : memref<20000x128xf32, #tpu.memory_space<hbm>> -> memref<640x128xf32, #tpu.memory_space<hbm>>
        %dma_start3A_78 = arith.constant 9360 : i32
        %dma_start3A_79 = arith.constant 0 : i32
        %dma_start3A_80 = tpu.memref_slice %arg13[%dma_start3A_78, %dma_start3A_79] : memref<10016x128xf32, #tpu.memory_space<vmem_shared>> -> memref<640x128xf32, #tpu.memory_space<vmem_shared>>
        tpu.enqueue_dma source(%dma_start3A_80 : memref<640x128xf32, #tpu.memory_space<vmem_shared>>) target(%dma_start3A_77 : memref<640x128xf32, #tpu.memory_space<hbm>>) target_semaphore(%run_scoped3A : memref<!tpu.dma_semaphore, #tpu.memory_space<semaphore_mem>>)
        %dma_wait3A_81 = arith.constant 0 : i32
        %dma_wait3A_82 = tpu.memref_slice %arg6[%add3A_75, %dma_wait3A_81] : memref<20000x128xf32, #tpu.memory_space<hbm>> -> memref<640x128xf32, #tpu.memory_space<hbm>>
        %dma_wait3A_83 = arith.constant 9360 : i32
        %dma_wait3A_84 = arith.constant 0 : i32
        %dma_wait3A_85 = tpu.memref_slice %arg13[%dma_wait3A_83, %dma_wait3A_84] : memref<10016x128xf32, #tpu.memory_space<vmem_shared>> -> memref<640x128xf32, #tpu.memory_space<vmem_shared>>
        tpu.wait_dma2 semaphore(%run_scoped3A : memref<!tpu.dma_semaphore, #tpu.memory_space<semaphore_mem>>) src(%dma_wait3A_85 : memref<640x128xf32, #tpu.memory_space<vmem_shared>>) dst(%dma_wait3A_82 : memref<640x128xf32, #tpu.memory_space<hbm>>)
        tpu.yield
      }) : () -> ()
    } else {
    }
    return
  }
}

module attributes {stable_mosaic.version = 14 : i64} {
  func.func @body(%arg0: memref<10240x128xf32, #tpu.memory_space<vmem>>, %arg1: memref<20000x128xf32, #tpu.memory_space<vmem>>, %arg2: memref<128x128xf32, #tpu.memory_space<vmem>>, %arg3: memref<1x128xf32, #tpu.memory_space<vmem>>, %arg4: memref<1x128xf32, #tpu.memory_space<vmem>>, %arg5: memref<1x128xf32, #tpu.memory_space<vmem>>, %arg6: memref<128x128xf32, #tpu.memory_space<vmem>>, %arg7: memref<1x128xf32, #tpu.memory_space<vmem>>, %arg8: memref<10000x128xf32, #tpu.memory_space<vmem>>) attributes {dimension_semantics = [], scalar_prefetch = 0 : i64, scratch_operands = 0 : i64, tpu.core_type = #tpu.core_type<tc>} {
    %get3A = arith.constant 0 : index
    %get3A_0 = arith.constant 0 : index
    %get3A_1 = vector.load %arg0[%get3A, %get3A_0] : memref<10240x128xf32, #tpu.memory_space<vmem>>, vector<10000x128xf32>
    %get3A_2 = arith.constant 0 : index
    %get3A_3 = arith.constant 0 : index
    %get3A_4 = vector.load %arg1[%get3A_2, %get3A_3] : memref<20000x128xf32, #tpu.memory_space<vmem>>, vector<10000x128xf32>
    %add3A = arith.addf %get3A_1, %get3A_4 : vector<10000x128xf32>
    %get3A_5 = arith.constant 10000 : index
    %get3A_6 = arith.constant 0 : index
    %get3A_7 = vector.load %arg1[%get3A_5, %get3A_6] : memref<20000x128xf32, #tpu.memory_space<vmem>>, vector<10000x128xf32>
    %add3A_8 = arith.addf %add3A, %get3A_7 : vector<10000x128xf32>
    %get3A_9 = arith.constant 0 : index
    %get3A_10 = arith.constant 0 : index
    %get3A_11 = vector.load %arg2[%get3A_9, %get3A_10] : memref<128x128xf32, #tpu.memory_space<vmem>>, vector<128x128xf32>
    %dot_general3A = arith.constant dense<0.000000e+00> : vector<10000x128xf32>
    %dot_general3A_12 = tpu.matmul %add3A_8, %get3A_11, %dot_general3A {dimension_numbers = #tpu.dot_dimension_numbers<[1], [0], [0], [1], [0, 0, 1, 1], [], []>, transpose_lhs_hint = false} : vector<10000x128xf32>, vector<128x128xf32>, vector<10000x128xf32> -> vector<10000x128xf32>
    %get3A_13 = arith.constant 0 : index
    %get3A_14 = arith.constant 0 : index
    %get3A_15 = vector.load %arg3[%get3A_13, %get3A_14] : memref<1x128xf32, #tpu.memory_space<vmem>>, vector<1x128xf32>
    %add3A_16 = vector.broadcast %get3A_15 : vector<1x128xf32> to vector<10000x128xf32>
    %add3A_17 = arith.addf %dot_general3A_12, %add3A_16 : vector<10000x128xf32>
    %max3A = arith.constant 0.000000e+00 : f32
    %max3A_18 = vector.broadcast %max3A : f32 to vector<10000x128xf32>
    %max3A_19 = arith.maximumf %add3A_17, %max3A_18 : vector<10000x128xf32>
    %reduce_sum3A = arith.constant dense<0.000000e+00> : vector<128xf32>
    %reduce_sum3A_20 = vector.multi_reduction <add>, %max3A_19, %reduce_sum3A [0] : vector<10000x128xf32> to vector<128xf32>
    %broadcast_in_dim3A = vector.shape_cast %reduce_sum3A_20 : vector<128xf32> to vector<1x128xf32>
    %div3A = arith.constant 1.000000e+04 : f32
    %div3A_21 = vector.broadcast %div3A : f32 to vector<1x128xf32>
    %div3A_22 = arith.divf %broadcast_in_dim3A, %div3A_21 : vector<1x128xf32>
    %sub3A = vector.broadcast %div3A_22 : vector<1x128xf32> to vector<10000x128xf32>
    %sub3A_23 = arith.subf %max3A_19, %sub3A : vector<10000x128xf32>
    %integer_pow3A = arith.mulf %sub3A_23, %sub3A_23 : vector<10000x128xf32>
    %reduce_sum3A_24 = arith.constant dense<0.000000e+00> : vector<128xf32>
    %reduce_sum3A_25 = vector.multi_reduction <add>, %integer_pow3A, %reduce_sum3A_24 [0] : vector<10000x128xf32> to vector<128xf32>
    %broadcast_in_dim3A_26 = vector.shape_cast %reduce_sum3A_25 : vector<128xf32> to vector<1x128xf32>
    %div3A_27 = arith.constant 1.000000e+04 : f32
    %div3A_28 = vector.broadcast %div3A_27 : f32 to vector<1x128xf32>
    %div3A_29 = arith.divf %broadcast_in_dim3A_26, %div3A_28 : vector<1x128xf32>
    %sub3A_30 = vector.broadcast %div3A_22 : vector<1x128xf32> to vector<10000x128xf32>
    %sub3A_31 = arith.subf %max3A_19, %sub3A_30 : vector<10000x128xf32>
    %add3A_32 = arith.constant 9.99999974E-6 : f32
    %add3A_33 = vector.broadcast %add3A_32 : f32 to vector<1x128xf32>
    %add3A_34 = arith.addf %div3A_29, %add3A_33 : vector<1x128xf32>
    %sqrt3A = math.sqrt %add3A_34 : vector<1x128xf32>
    %div3A_35 = vector.broadcast %sqrt3A : vector<1x128xf32> to vector<10000x128xf32>
    %div3A_36 = arith.divf %sub3A_31, %div3A_35 : vector<10000x128xf32>
    %get3A_37 = arith.constant 0 : index
    %get3A_38 = arith.constant 0 : index
    %get3A_39 = vector.load %arg4[%get3A_37, %get3A_38] : memref<1x128xf32, #tpu.memory_space<vmem>>, vector<1x128xf32>
    %mul3A = vector.broadcast %get3A_39 : vector<1x128xf32> to vector<10000x128xf32>
    %mul3A_40 = arith.mulf %div3A_36, %mul3A : vector<10000x128xf32>
    %get3A_41 = arith.constant 0 : index
    %get3A_42 = arith.constant 0 : index
    %get3A_43 = vector.load %arg5[%get3A_41, %get3A_42] : memref<1x128xf32, #tpu.memory_space<vmem>>, vector<1x128xf32>
    %add3A_44 = vector.broadcast %get3A_43 : vector<1x128xf32> to vector<10000x128xf32>
    %add3A_45 = arith.addf %mul3A_40, %add3A_44 : vector<10000x128xf32>
    %get3A_46 = arith.constant 0 : index
    %get3A_47 = arith.constant 0 : index
    %get3A_48 = vector.load %arg6[%get3A_46, %get3A_47] : memref<128x128xf32, #tpu.memory_space<vmem>>, vector<128x128xf32>
    %dot_general3A_49 = arith.constant dense<0.000000e+00> : vector<10000x128xf32>
    %dot_general3A_50 = tpu.matmul %add3A_45, %get3A_48, %dot_general3A_49 {dimension_numbers = #tpu.dot_dimension_numbers<[1], [0], [0], [1], [0, 0, 1, 1], [], []>, transpose_lhs_hint = false} : vector<10000x128xf32>, vector<128x128xf32>, vector<10000x128xf32> -> vector<10000x128xf32>
    %get3A_51 = arith.constant 0 : index
    %get3A_52 = arith.constant 0 : index
    %get3A_53 = vector.load %arg7[%get3A_51, %get3A_52] : memref<1x128xf32, #tpu.memory_space<vmem>>, vector<1x128xf32>
    %add3A_54 = vector.broadcast %get3A_53 : vector<1x128xf32> to vector<10000x128xf32>
    %add3A_55 = arith.addf %dot_general3A_50, %add3A_54 : vector<10000x128xf32>
    %swap3A = arith.constant 0 : index
    %swap3A_56 = arith.constant 0 : index
    %swap3A_57 = vector.load %arg8[%swap3A, %swap3A_56] : memref<10000x128xf32, #tpu.memory_space<vmem>>, vector<10000x128xf32>
    tpu.vector_store %arg8[%swap3A, %swap3A_56], %add3A_55 {strides = array<i32>} : memref<10000x128xf32, #tpu.memory_space<vmem>>, vector<10000x128xf32>,
    return
  }
}

module attributes {stable_mosaic.version = 14 : i64} {
  func.func @body(%arg0: memref<10000x128xf32, #tpu.memory_space<vmem>>, %arg1: memref<20000x128xf32, #tpu.memory_space<vmem>>, %arg2: memref<128x128xf32, #tpu.memory_space<vmem>>, %arg3: memref<1x128xf32, #tpu.memory_space<vmem>>, %arg4: memref<1x128xf32, #tpu.memory_space<vmem>>, %arg5: memref<1x128xf32, #tpu.memory_space<vmem>>, %arg6: memref<128x128xf32, #tpu.memory_space<vmem>>, %arg7: memref<1x128xf32, #tpu.memory_space<vmem>>, %arg8: memref<10000x128xf32, #tpu.memory_space<vmem>>) attributes {dimension_semantics = [], scalar_prefetch = 0 : i64, scratch_operands = 0 : i64, tpu.core_type = #tpu.core_type<tc>} {
    %get3A = arith.constant 0 : index
    %get3A_0 = arith.constant 0 : index
    %get3A_1 = vector.load %arg0[%get3A, %get3A_0] : memref<10000x128xf32, #tpu.memory_space<vmem>>, vector<10000x128xf32>
    %get3A_2 = arith.constant 0 : index
    %get3A_3 = arith.constant 0 : index
    %get3A_4 = vector.load %arg1[%get3A_2, %get3A_3] : memref<20000x128xf32, #tpu.memory_space<vmem>>, vector<10000x128xf32>
    %add3A = arith.addf %get3A_1, %get3A_4 : vector<10000x128xf32>
    %get3A_5 = arith.constant 10000 : index
    %get3A_6 = arith.constant 0 : index
    %get3A_7 = vector.load %arg1[%get3A_5, %get3A_6] : memref<20000x128xf32, #tpu.memory_space<vmem>>, vector<10000x128xf32>
    %add3A_8 = arith.addf %add3A, %get3A_7 : vector<10000x128xf32>
    %get3A_9 = arith.constant 0 : index
    %get3A_10 = arith.constant 0 : index
    %get3A_11 = vector.load %arg2[%get3A_9, %get3A_10] : memref<128x128xf32, #tpu.memory_space<vmem>>, vector<128x128xf32>
    %dot_general3A = arith.constant dense<0.000000e+00> : vector<10000x128xf32>
    %dot_general3A_12 = tpu.matmul %add3A_8, %get3A_11, %dot_general3A {dimension_numbers = #tpu.dot_dimension_numbers<[1], [0], [0], [1], [0, 0, 1, 1], [], []>, transpose_lhs_hint = false} : vector<10000x128xf32>, vector<128x128xf32>, vector<10000x128xf32> -> vector<10000x128xf32>
    %get3A_13 = arith.constant 0 : index
    %get3A_14 = arith.constant 0 : index
    %get3A_15 = vector.load %arg3[%get3A_13, %get3A_14] : memref<1x128xf32, #tpu.memory_space<vmem>>, vector<1x128xf32>
    %add3A_16 = vector.broadcast %get3A_15 : vector<1x128xf32> to vector<10000x128xf32>
    %add3A_17 = arith.addf %dot_general3A_12, %add3A_16 : vector<10000x128xf32>
    %max3A = arith.constant 0.000000e+00 : f32
    %max3A_18 = vector.broadcast %max3A : f32 to vector<10000x128xf32>
    %max3A_19 = arith.maximumf %add3A_17, %max3A_18 : vector<10000x128xf32>
    %reduce_sum3A = arith.constant dense<0.000000e+00> : vector<128xf32>
    %reduce_sum3A_20 = vector.multi_reduction <add>, %max3A_19, %reduce_sum3A [0] : vector<10000x128xf32> to vector<128xf32>
    %broadcast_in_dim3A = vector.shape_cast %reduce_sum3A_20 : vector<128xf32> to vector<1x128xf32>
    %div3A = arith.constant 1.000000e+04 : f32
    %div3A_21 = vector.broadcast %div3A : f32 to vector<1x128xf32>
    %div3A_22 = arith.divf %broadcast_in_dim3A, %div3A_21 : vector<1x128xf32>
    %sub3A = vector.broadcast %div3A_22 : vector<1x128xf32> to vector<10000x128xf32>
    %sub3A_23 = arith.subf %max3A_19, %sub3A : vector<10000x128xf32>
    %integer_pow3A = arith.mulf %sub3A_23, %sub3A_23 : vector<10000x128xf32>
    %reduce_sum3A_24 = arith.constant dense<0.000000e+00> : vector<128xf32>
    %reduce_sum3A_25 = vector.multi_reduction <add>, %integer_pow3A, %reduce_sum3A_24 [0] : vector<10000x128xf32> to vector<128xf32>
    %broadcast_in_dim3A_26 = vector.shape_cast %reduce_sum3A_25 : vector<128xf32> to vector<1x128xf32>
    %div3A_27 = arith.constant 1.000000e+04 : f32
    %div3A_28 = vector.broadcast %div3A_27 : f32 to vector<1x128xf32>
    %div3A_29 = arith.divf %broadcast_in_dim3A_26, %div3A_28 : vector<1x128xf32>
    %sub3A_30 = vector.broadcast %div3A_22 : vector<1x128xf32> to vector<10000x128xf32>
    %sub3A_31 = arith.subf %max3A_19, %sub3A_30 : vector<10000x128xf32>
    %add3A_32 = arith.constant 9.99999974E-6 : f32
    %add3A_33 = vector.broadcast %add3A_32 : f32 to vector<1x128xf32>
    %add3A_34 = arith.addf %div3A_29, %add3A_33 : vector<1x128xf32>
    %sqrt3A = math.sqrt %add3A_34 : vector<1x128xf32>
    %div3A_35 = vector.broadcast %sqrt3A : vector<1x128xf32> to vector<10000x128xf32>
    %div3A_36 = arith.divf %sub3A_31, %div3A_35 : vector<10000x128xf32>
    %get3A_37 = arith.constant 0 : index
    %get3A_38 = arith.constant 0 : index
    %get3A_39 = vector.load %arg4[%get3A_37, %get3A_38] : memref<1x128xf32, #tpu.memory_space<vmem>>, vector<1x128xf32>
    %mul3A = vector.broadcast %get3A_39 : vector<1x128xf32> to vector<10000x128xf32>
    %mul3A_40 = arith.mulf %div3A_36, %mul3A : vector<10000x128xf32>
    %get3A_41 = arith.constant 0 : index
    %get3A_42 = arith.constant 0 : index
    %get3A_43 = vector.load %arg5[%get3A_41, %get3A_42] : memref<1x128xf32, #tpu.memory_space<vmem>>, vector<1x128xf32>
    %add3A_44 = vector.broadcast %get3A_43 : vector<1x128xf32> to vector<10000x128xf32>
    %add3A_45 = arith.addf %mul3A_40, %add3A_44 : vector<10000x128xf32>
    %get3A_46 = arith.constant 0 : index
    %get3A_47 = arith.constant 0 : index
    %get3A_48 = vector.load %arg6[%get3A_46, %get3A_47] : memref<128x128xf32, #tpu.memory_space<vmem>>, vector<128x128xf32>
    %dot_general3A_49 = arith.constant dense<0.000000e+00> : vector<10000x128xf32>
    %dot_general3A_50 = tpu.matmul %add3A_45, %get3A_48, %dot_general3A_49 {dimension_numbers = #tpu.dot_dimension_numbers<[1], [0], [0], [1], [0, 0, 1, 1], [], []>, transpose_lhs_hint = false} : vector<10000x128xf32>, vector<128x128xf32>, vector<10000x128xf32> -> vector<10000x128xf32>
    %get3A_51 = arith.constant 0 : index
    %get3A_52 = arith.constant 0 : index
    %get3A_53 = vector.load %arg7[%get3A_51, %get3A_52] : memref<1x128xf32, #tpu.memory_space<vmem>>, vector<1x128xf32>
    %add3A_54 = vector.broadcast %get3A_53 : vector<1x128xf32> to vector<10000x128xf32>
    %add3A_55 = arith.addf %dot_general3A_50, %add3A_54 : vector<10000x128xf32>
    %swap3A = arith.constant 0 : index
    %swap3A_56 = arith.constant 0 : index
    %swap3A_57 = vector.load %arg8[%swap3A, %swap3A_56] : memref<10000x128xf32, #tpu.memory_space<vmem>>, vector<10000x128xf32>
    tpu.vector_store %arg8[%swap3A, %swap3A_56], %add3A_55 {strides = array<i32>} : memref<10000x128xf32, #tpu.memory_space<vmem>>, vector<10000x128xf32>,
    return
  }
}

module attributes {stable_mosaic.version = 14 : i64} {
  func.func @_heads_body(%arg0: memref<10000x128xf32, #tpu.memory_space<vmem>>, %arg1: memref<20000x128xf32, #tpu.memory_space<vmem>>, %arg2: memref<128x128xf32, #tpu.memory_space<vmem>>, %arg3: memref<1x128xf32, #tpu.memory_space<vmem>>, %arg4: memref<1x128xf32, #tpu.memory_space<vmem>>, %arg5: memref<1x128xf32, #tpu.memory_space<vmem>>, %arg6: memref<128x128xf32, #tpu.memory_space<vmem>>, %arg7: memref<1x128xf32, #tpu.memory_space<vmem>>, %arg8: memref<128x128xf32, #tpu.memory_space<vmem>>, %arg9: memref<1x128xf32, #tpu.memory_space<vmem>>, %arg10: memref<1x128xf32, #tpu.memory_space<vmem>>, %arg11: memref<1x128xf32, #tpu.memory_space<vmem>>, %arg12: memref<128x128xf32, #tpu.memory_space<vmem>>, %arg13: memref<1x128xf32, #tpu.memory_space<vmem>>, %arg14: memref<1x128xf32, #tpu.memory_space<vmem>>, %arg15: memref<1x128xf32, #tpu.memory_space<vmem>>, %arg16: memref<128x96xf32, #tpu.memory_space<vmem>>, %arg17: memref<1x96xf32, #tpu.memory_space<vmem>>, %arg18: memref<10000x10xf32, #tpu.memory_space<vmem>>, %arg19: memref<10000x10xf32, #tpu.memory_space<vmem>>, %arg20: memref<10000x10xf32, #tpu.memory_space<vmem>>, %arg21: memref<10000x10xf32, #tpu.memory_space<vmem>>, %arg22: memref<10000x10xf32, #tpu.memory_space<vmem>>, %arg23: memref<10000x10xf32, #tpu.memory_space<vmem>>) attributes {dimension_semantics = [], scalar_prefetch = 0 : i64, scratch_operands = 0 : i64, tpu.core_type = #tpu.core_type<tc>} {
    %get3A = arith.constant 0 : index
    %get3A_0 = arith.constant 0 : index
    %get3A_1 = vector.load %arg0[%get3A, %get3A_0] : memref<10000x128xf32, #tpu.memory_space<vmem>>, vector<10000x128xf32>
    %get3A_2 = arith.constant 0 : index
    %get3A_3 = arith.constant 0 : index
    %get3A_4 = vector.load %arg1[%get3A_2, %get3A_3] : memref<20000x128xf32, #tpu.memory_space<vmem>>, vector<10000x128xf32>
    %add3A = arith.addf %get3A_1, %get3A_4 : vector<10000x128xf32>
    %get3A_5 = arith.constant 10000 : index
    %get3A_6 = arith.constant 0 : index
    %get3A_7 = vector.load %arg1[%get3A_5, %get3A_6] : memref<20000x128xf32, #tpu.memory_space<vmem>>, vector<10000x128xf32>
    %add3A_8 = arith.addf %add3A, %get3A_7 : vector<10000x128xf32>
    %get3A_9 = arith.constant 0 : index
    %get3A_10 = arith.constant 0 : index
    %get3A_11 = vector.load %arg2[%get3A_9, %get3A_10] : memref<128x128xf32, #tpu.memory_space<vmem>>, vector<128x128xf32>
    %dot_general3A = arith.constant dense<0.000000e+00> : vector<10000x128xf32>
    %dot_general3A_12 = tpu.matmul %add3A_8, %get3A_11, %dot_general3A {dimension_numbers = #tpu.dot_dimension_numbers<[1], [0], [0], [1], [0, 0, 1, 1], [], []>, transpose_lhs_hint = false} : vector<10000x128xf32>, vector<128x128xf32>, vector<10000x128xf32> -> vector<10000x128xf32>
    %get3A_13 = arith.constant 0 : index
    %get3A_14 = arith.constant 0 : index
    %get3A_15 = vector.load %arg3[%get3A_13, %get3A_14] : memref<1x128xf32, #tpu.memory_space<vmem>>, vector<1x128xf32>
    %add3A_16 = vector.broadcast %get3A_15 : vector<1x128xf32> to vector<10000x128xf32>
    %add3A_17 = arith.addf %dot_general3A_12, %add3A_16 : vector<10000x128xf32>
    %max3A = arith.constant 0.000000e+00 : f32
    %max3A_18 = vector.broadcast %max3A : f32 to vector<10000x128xf32>
    %max3A_19 = arith.maximumf %add3A_17, %max3A_18 : vector<10000x128xf32>
    %reduce_sum3A = arith.constant dense<0.000000e+00> : vector<128xf32>
    %reduce_sum3A_20 = vector.multi_reduction <add>, %max3A_19, %reduce_sum3A [0] : vector<10000x128xf32> to vector<128xf32>
    %broadcast_in_dim3A = vector.shape_cast %reduce_sum3A_20 : vector<128xf32> to vector<1x128xf32>
    %div3A = arith.constant 1.000000e+04 : f32
    %div3A_21 = vector.broadcast %div3A : f32 to vector<1x128xf32>
    %div3A_22 = arith.divf %broadcast_in_dim3A, %div3A_21 : vector<1x128xf32>
    %sub3A = vector.broadcast %div3A_22 : vector<1x128xf32> to vector<10000x128xf32>
    %sub3A_23 = arith.subf %max3A_19, %sub3A : vector<10000x128xf32>
    %integer_pow3A = arith.mulf %sub3A_23, %sub3A_23 : vector<10000x128xf32>
    %reduce_sum3A_24 = arith.constant dense<0.000000e+00> : vector<128xf32>
    %reduce_sum3A_25 = vector.multi_reduction <add>, %integer_pow3A, %reduce_sum3A_24 [0] : vector<10000x128xf32> to vector<128xf32>
    %broadcast_in_dim3A_26 = vector.shape_cast %reduce_sum3A_25 : vector<128xf32> to vector<1x128xf32>
    %div3A_27 = arith.constant 1.000000e+04 : f32
    %div3A_28 = vector.broadcast %div3A_27 : f32 to vector<1x128xf32>
    %div3A_29 = arith.divf %broadcast_in_dim3A_26, %div3A_28 : vector<1x128xf32>
    %sub3A_30 = vector.broadcast %div3A_22 : vector<1x128xf32> to vector<10000x128xf32>
    %sub3A_31 = arith.subf %max3A_19, %sub3A_30 : vector<10000x128xf32>
    %add3A_32 = arith.constant 9.99999974E-6 : f32
    %add3A_33 = vector.broadcast %add3A_32 : f32 to vector<1x128xf32>
    %add3A_34 = arith.addf %div3A_29, %add3A_33 : vector<1x128xf32>
    %sqrt3A = math.sqrt %add3A_34 : vector<1x128xf32>
    %div3A_35 = vector.broadcast %sqrt3A : vector<1x128xf32> to vector<10000x128xf32>
    %div3A_36 = arith.divf %sub3A_31, %div3A_35 : vector<10000x128xf32>
    %get3A_37 = arith.constant 0 : index
    %get3A_38 = arith.constant 0 : index
    %get3A_39 = vector.load %arg4[%get3A_37, %get3A_38] : memref<1x128xf32, #tpu.memory_space<vmem>>, vector<1x128xf32>
    %mul3A = vector.broadcast %get3A_39 : vector<1x128xf32> to vector<10000x128xf32>
    %mul3A_40 = arith.mulf %div3A_36, %mul3A : vector<10000x128xf32>
    %get3A_41 = arith.constant 0 : index
    %get3A_42 = arith.constant 0 : index
    %get3A_43 = vector.load %arg5[%get3A_41, %get3A_42] : memref<1x128xf32, #tpu.memory_space<vmem>>, vector<1x128xf32>
    %add3A_44 = vector.broadcast %get3A_43 : vector<1x128xf32> to vector<10000x128xf32>
    %add3A_45 = arith.addf %mul3A_40, %add3A_44 : vector<10000x128xf32>
    %get3A_46 = arith.constant 0 : index
    %get3A_47 = arith.constant 0 : index
    %get3A_48 = vector.load %arg6[%get3A_46, %get3A_47] : memref<128x128xf32, #tpu.memory_space<vmem>>, vector<128x128xf32>
    %dot_general3A_49 = arith.constant dense<0.000000e+00> : vector<10000x128xf32>
    %dot_general3A_50 = tpu.matmul %add3A_45, %get3A_48, %dot_general3A_49 {dimension_numbers = #tpu.dot_dimension_numbers<[1], [0], [0], [1], [0, 0, 1, 1], [], []>, transpose_lhs_hint = false} : vector<10000x128xf32>, vector<128x128xf32>, vector<10000x128xf32> -> vector<10000x128xf32>
    %get3A_51 = arith.constant 0 : index
    %get3A_52 = arith.constant 0 : index
    %get3A_53 = vector.load %arg7[%get3A_51, %get3A_52] : memref<1x128xf32, #tpu.memory_space<vmem>>, vector<1x128xf32>
    %add3A_54 = vector.broadcast %get3A_53 : vector<1x128xf32> to vector<10000x128xf32>
    %add3A_55 = arith.addf %dot_general3A_50, %add3A_54 : vector<10000x128xf32>
    %get3A_56 = arith.constant 0 : index
    %get3A_57 = arith.constant 0 : index
    %get3A_58 = vector.load %arg8[%get3A_56, %get3A_57] : memref<128x128xf32, #tpu.memory_space<vmem>>, vector<128x128xf32>
    %dot_general3A_59 = arith.constant dense<0.000000e+00> : vector<10000x128xf32>
    %dot_general3A_60 = tpu.matmul %add3A_55, %get3A_58, %dot_general3A_59 {dimension_numbers = #tpu.dot_dimension_numbers<[1], [0], [0], [1], [0, 0, 1, 1], [], []>, transpose_lhs_hint = false} : vector<10000x128xf32>, vector<128x128xf32>, vector<10000x128xf32> -> vector<10000x128xf32>
    %get3A_61 = arith.constant 0 : index
    %get3A_62 = arith.constant 0 : index
    %get3A_63 = vector.load %arg9[%get3A_61, %get3A_62] : memref<1x128xf32, #tpu.memory_space<vmem>>, vector<1x128xf32>
    %add3A_64 = vector.broadcast %get3A_63 : vector<1x128xf32> to vector<10000x128xf32>
    %add3A_65 = arith.addf %dot_general3A_60, %add3A_64 : vector<10000x128xf32>
    %reduce_sum3A_66 = arith.constant dense<0.000000e+00> : vector<128xf32>
    %reduce_sum3A_67 = vector.multi_reduction <add>, %add3A_65, %reduce_sum3A_66 [0] : vector<10000x128xf32> to vector<128xf32>
    %broadcast_in_dim3A_68 = vector.shape_cast %reduce_sum3A_67 : vector<128xf32> to vector<1x128xf32>
    %div3A_69 = arith.constant 1.000000e+04 : f32
    %div3A_70 = vector.broadcast %div3A_69 : f32 to vector<1x128xf32>
    %div3A_71 = arith.divf %broadcast_in_dim3A_68, %div3A_70 : vector<1x128xf32>
    %sub3A_72 = vector.broadcast %div3A_71 : vector<1x128xf32> to vector<10000x128xf32>
    %sub3A_73 = arith.subf %add3A_65, %sub3A_72 : vector<10000x128xf32>
    %integer_pow3A_74 = arith.mulf %sub3A_73, %sub3A_73 : vector<10000x128xf32>
    %reduce_sum3A_75 = arith.constant dense<0.000000e+00> : vector<128xf32>
    %reduce_sum3A_76 = vector.multi_reduction <add>, %integer_pow3A_74, %reduce_sum3A_75 [0] : vector<10000x128xf32> to vector<128xf32>
    %broadcast_in_dim3A_77 = vector.shape_cast %reduce_sum3A_76 : vector<128xf32> to vector<1x128xf32>
    %div3A_78 = arith.constant 1.000000e+04 : f32
    %div3A_79 = vector.broadcast %div3A_78 : f32 to vector<1x128xf32>
    %div3A_80 = arith.divf %broadcast_in_dim3A_77, %div3A_79 : vector<1x128xf32>
    %sub3A_81 = vector.broadcast %div3A_71 : vector<1x128xf32> to vector<10000x128xf32>
    %sub3A_82 = arith.subf %add3A_65, %sub3A_81 : vector<10000x128xf32>
    %add3A_83 = arith.constant 9.99999974E-6 : f32
    %add3A_84 = vector.broadcast %add3A_83 : f32 to vector<1x128xf32>
    %add3A_85 = arith.addf %div3A_80, %add3A_84 : vector<1x128xf32>
    %sqrt3A_86 = math.sqrt %add3A_85 : vector<1x128xf32>
    %div3A_87 = vector.broadcast %sqrt3A_86 : vector<1x128xf32> to vector<10000x128xf32>
    %div3A_88 = arith.divf %sub3A_82, %div3A_87 : vector<10000x128xf32>
    %get3A_89 = arith.constant 0 : index
    %get3A_90 = arith.constant 0 : index
    %get3A_91 = vector.load %arg10[%get3A_89, %get3A_90] : memref<1x128xf32, #tpu.memory_space<vmem>>, vector<1x128xf32>
    %mul3A_92 = vector.broadcast %get3A_91 : vector<1x128xf32> to vector<10000x128xf32>
    %mul3A_93 = arith.mulf %div3A_88, %mul3A_92 : vector<10000x128xf32>
    %get3A_94 = arith.constant 0 : index
    %get3A_95 = arith.constant 0 : index
    %get3A_96 = vector.load %arg11[%get3A_94, %get3A_95] : memref<1x128xf32, #tpu.memory_space<vmem>>, vector<1x128xf32>
    %add3A_97 = vector.broadcast %get3A_96 : vector<1x128xf32> to vector<10000x128xf32>
    %add3A_98 = arith.addf %mul3A_93, %add3A_97 : vector<10000x128xf32>
    %max3A_99 = arith.constant 0.000000e+00 : f32
    %max3A_100 = vector.broadcast %max3A_99 : f32 to vector<10000x128xf32>
    %max3A_101 = arith.maximumf %add3A_98, %max3A_100 : vector<10000x128xf32>
    %get3A_102 = arith.constant 0 : index
    %get3A_103 = arith.constant 0 : index
    %get3A_104 = vector.load %arg12[%get3A_102, %get3A_103] : memref<128x128xf32, #tpu.memory_space<vmem>>, vector<128x128xf32>
    %dot_general3A_105 = arith.constant dense<0.000000e+00> : vector<10000x128xf32>
    %dot_general3A_106 = tpu.matmul %max3A_101, %get3A_104, %dot_general3A_105 {dimension_numbers = #tpu.dot_dimension_numbers<[1], [0], [0], [1], [0, 0, 1, 1], [], []>, transpose_lhs_hint = false} : vector<10000x128xf32>, vector<128x128xf32>, vector<10000x128xf32> -> vector<10000x128xf32>
    %get3A_107 = arith.constant 0 : index
    %get3A_108 = arith.constant 0 : index
    %get3A_109 = vector.load %arg13[%get3A_107, %get3A_108] : memref<1x128xf32, #tpu.memory_space<vmem>>, vector<1x128xf32>
    %add3A_110 = vector.broadcast %get3A_109 : vector<1x128xf32> to vector<10000x128xf32>
    %add3A_111 = arith.addf %dot_general3A_106, %add3A_110 : vector<10000x128xf32>
    %reduce_sum3A_112 = arith.constant dense<0.000000e+00> : vector<128xf32>
    %reduce_sum3A_113 = vector.multi_reduction <add>, %add3A_111, %reduce_sum3A_112 [0] : vector<10000x128xf32> to vector<128xf32>
    %broadcast_in_dim3A_114 = vector.shape_cast %reduce_sum3A_113 : vector<128xf32> to vector<1x128xf32>
    %div3A_115 = arith.constant 1.000000e+04 : f32
    %div3A_116 = vector.broadcast %div3A_115 : f32 to vector<1x128xf32>
    %div3A_117 = arith.divf %broadcast_in_dim3A_114, %div3A_116 : vector<1x128xf32>
    %sub3A_118 = vector.broadcast %div3A_117 : vector<1x128xf32> to vector<10000x128xf32>
    %sub3A_119 = arith.subf %add3A_111, %sub3A_118 : vector<10000x128xf32>
    %integer_pow3A_120 = arith.mulf %sub3A_119, %sub3A_119 : vector<10000x128xf32>
    %reduce_sum3A_121 = arith.constant dense<0.000000e+00> : vector<128xf32>
    %reduce_sum3A_122 = vector.multi_reduction <add>, %integer_pow3A_120, %reduce_sum3A_121 [0] : vector<10000x128xf32> to vector<128xf32>
    %broadcast_in_dim3A_123 = vector.shape_cast %reduce_sum3A_122 : vector<128xf32> to vector<1x128xf32>
    %div3A_124 = arith.constant 1.000000e+04 : f32
    %div3A_125 = vector.broadcast %div3A_124 : f32 to vector<1x128xf32>
    %div3A_126 = arith.divf %broadcast_in_dim3A_123, %div3A_125 : vector<1x128xf32>
    %sub3A_127 = vector.broadcast %div3A_117 : vector<1x128xf32> to vector<10000x128xf32>
    %sub3A_128 = arith.subf %add3A_111, %sub3A_127 : vector<10000x128xf32>
    %add3A_129 = arith.constant 9.99999974E-6 : f32
    %add3A_130 = vector.broadcast %add3A_129 : f32 to vector<1x128xf32>
    %add3A_131 = arith.addf %div3A_126, %add3A_130 : vector<1x128xf32>
    %sqrt3A_132 = math.sqrt %add3A_131 : vector<1x128xf32>
    %div3A_133 = vector.broadcast %sqrt3A_132 : vector<1x128xf32> to vector<10000x128xf32>
    %div3A_134 = arith.divf %sub3A_128, %div3A_133 : vector<10000x128xf32>
    %get3A_135 = arith.constant 0 : index
    %get3A_136 = arith.constant 0 : index
    %get3A_137 = vector.load %arg14[%get3A_135, %get3A_136] : memref<1x128xf32, #tpu.memory_space<vmem>>, vector<1x128xf32>
    %mul3A_138 = vector.broadcast %get3A_137 : vector<1x128xf32> to vector<10000x128xf32>
    %mul3A_139 = arith.mulf %div3A_134, %mul3A_138 : vector<10000x128xf32>
    %get3A_140 = arith.constant 0 : index
    %get3A_141 = arith.constant 0 : index
    %get3A_142 = vector.load %arg15[%get3A_140, %get3A_141] : memref<1x128xf32, #tpu.memory_space<vmem>>, vector<1x128xf32>
    %add3A_143 = vector.broadcast %get3A_142 : vector<1x128xf32> to vector<10000x128xf32>
    %add3A_144 = arith.addf %mul3A_139, %add3A_143 : vector<10000x128xf32>
    %get3A_145 = arith.constant 0 : index
    %get3A_146 = arith.constant 0 : index
    %get3A_147 = vector.load %arg16[%get3A_145, %get3A_146] : memref<128x96xf32, #tpu.memory_space<vmem>>, vector<128x96xf32>
    %dot_general3A_148 = arith.constant dense<0.000000e+00> : vector<10000x96xf32>
    %dot_general3A_149 = tpu.matmul %add3A_144, %get3A_147, %dot_general3A_148 {dimension_numbers = #tpu.dot_dimension_numbers<[1], [0], [0], [1], [0, 0, 1, 1], [], []>, transpose_lhs_hint = false} : vector<10000x128xf32>, vector<128x96xf32>, vector<10000x96xf32> -> vector<10000x96xf32>
    %get3A_150 = arith.constant 0 : index
    %get3A_151 = arith.constant 0 : index
    %get3A_152 = vector.load %arg17[%get3A_150, %get3A_151] : memref<1x96xf32, #tpu.memory_space<vmem>>, vector<1x96xf32>
    %add3A_153 = vector.broadcast %get3A_152 : vector<1x96xf32> to vector<10000x96xf32>
    %add3A_154 = arith.addf %dot_general3A_149, %add3A_153 : vector<10000x96xf32>
    %slice3A = vector.extract_strided_slice %add3A_154 {offsets = [0, 0], sizes = [10000, 10], strides = [1, 1]} : vector<10000x96xf32> to vector<10000x10xf32>
    %swap3A = arith.constant 0 : index
    %swap3A_155 = arith.constant 0 : index
    %swap3A_156 = vector.load %arg18[%swap3A, %swap3A_155] : memref<10000x10xf32, #tpu.memory_space<vmem>>, vector<10000x10xf32>
    tpu.vector_store %arg18[%swap3A, %swap3A_155], %slice3A {strides = array<i32>} : memref<10000x10xf32, #tpu.memory_space<vmem>>, vector<10000x10xf32>,
    %slice3A_157 = vector.extract_strided_slice %add3A_154 {offsets = [0, 16], sizes = [10000, 10], strides = [1, 1]} : vector<10000x96xf32> to vector<10000x10xf32>
    %tanh3A = math.tanh %slice3A_157 : vector<10000x10xf32>
    %mul3A_158 = arith.constant 1.800000e+02 : f32
    %mul3A_159 = vector.broadcast %mul3A_158 : f32 to vector<10000x10xf32>
    %mul3A_160 = arith.mulf %tanh3A, %mul3A_159 : vector<10000x10xf32>
    %swap3A_161 = arith.constant 0 : index
    %swap3A_162 = arith.constant 0 : index
    %swap3A_163 = vector.load %arg19[%swap3A_161, %swap3A_162] : memref<10000x10xf32, #tpu.memory_space<vmem>>, vector<10000x10xf32>
    tpu.vector_store %arg19[%swap3A_161, %swap3A_162], %mul3A_160 {strides = array<i32>} : memref<10000x10xf32, #tpu.memory_space<vmem>>, vector<10000x10xf32>,
    %slice3A_164 = vector.extract_strided_slice %add3A_154 {offsets = [0, 32], sizes = [10000, 10], strides = [1, 1]} : vector<10000x96xf32> to vector<10000x10xf32>
    %max3A_165 = arith.constant 0.000000e+00 : f32
    %max3A_166 = vector.broadcast %max3A_165 : f32 to vector<10000x10xf32>
    %max3A_167 = arith.maximumf %slice3A_164, %max3A_166 : vector<10000x10xf32>
    %abs3A = math.absf %slice3A_164 : vector<10000x10xf32>
    %neg3A = arith.constant 0.000000e+00 : f32
    %neg3A_168 = vector.broadcast %neg3A : f32 to vector<10000x10xf32>
    %neg3A_169 = arith.subf %neg3A_168, %abs3A : vector<10000x10xf32>
    %exp3A = math.exp %neg3A_169 : vector<10000x10xf32>
    %log1p3A = math.log1p %exp3A : vector<10000x10xf32>
    %add3A_170 = arith.addf %max3A_167, %log1p3A : vector<10000x10xf32>
    %swap3A_171 = arith.constant 0 : index
    %swap3A_172 = arith.constant 0 : index
    %swap3A_173 = vector.load %arg20[%swap3A_171, %swap3A_172] : memref<10000x10xf32, #tpu.memory_space<vmem>>, vector<10000x10xf32>
    tpu.vector_store %arg20[%swap3A_171, %swap3A_172], %add3A_170 {strides = array<i32>} : memref<10000x10xf32, #tpu.memory_space<vmem>>, vector<10000x10xf32>,
    %slice3A_174 = vector.extract_strided_slice %add3A_154 {offsets = [0, 48], sizes = [10000, 10], strides = [1, 1]} : vector<10000x96xf32> to vector<10000x10xf32>
    %swap3A_175 = arith.constant 0 : index
    %swap3A_176 = arith.constant 0 : index
    %swap3A_177 = vector.load %arg21[%swap3A_175, %swap3A_176] : memref<10000x10xf32, #tpu.memory_space<vmem>>, vector<10000x10xf32>
    tpu.vector_store %arg21[%swap3A_175, %swap3A_176], %slice3A_174 {strides = array<i32>} : memref<10000x10xf32, #tpu.memory_space<vmem>>, vector<10000x10xf32>,
    %slice3A_178 = vector.extract_strided_slice %add3A_154 {offsets = [0, 64], sizes = [10000, 10], strides = [1, 1]} : vector<10000x96xf32> to vector<10000x10xf32>
    %tanh3A_179 = math.tanh %slice3A_178 : vector<10000x10xf32>
    %mul3A_180 = arith.constant 1.800000e+02 : f32
    %mul3A_181 = vector.broadcast %mul3A_180 : f32 to vector<10000x10xf32>
    %mul3A_182 = arith.mulf %tanh3A_179, %mul3A_181 : vector<10000x10xf32>
    %swap3A_183 = arith.constant 0 : index
    %swap3A_184 = arith.constant 0 : index
    %swap3A_185 = vector.load %arg22[%swap3A_183, %swap3A_184] : memref<10000x10xf32, #tpu.memory_space<vmem>>, vector<10000x10xf32>
    tpu.vector_store %arg22[%swap3A_183, %swap3A_184], %mul3A_182 {strides = array<i32>} : memref<10000x10xf32, #tpu.memory_space<vmem>>, vector<10000x10xf32>,
    %slice3A_186 = vector.extract_strided_slice %add3A_154 {offsets = [0, 80], sizes = [10000, 10], strides = [1, 1]} : vector<10000x96xf32> to vector<10000x10xf32>
    %max3A_187 = arith.constant 0.000000e+00 : f32
    %max3A_188 = vector.broadcast %max3A_187 : f32 to vector<10000x10xf32>
    %max3A_189 = arith.maximumf %slice3A_186, %max3A_188 : vector<10000x10xf32>
    %abs3A_190 = math.absf %slice3A_186 : vector<10000x10xf32>
    %neg3A_191 = arith.constant 0.000000e+00 : f32
    %neg3A_192 = vector.broadcast %neg3A_191 : f32 to vector<10000x10xf32>
    %neg3A_193 = arith.subf %neg3A_192, %abs3A_190 : vector<10000x10xf32>
    %exp3A_194 = math.exp %neg3A_193 : vector<10000x10xf32>
    %log1p3A_195 = math.log1p %exp3A_194 : vector<10000x10xf32>
    %add3A_196 = arith.addf %max3A_189, %log1p3A_195 : vector<10000x10xf32>
    %swap3A_197 = arith.constant 0 : index
    %swap3A_198 = arith.constant 0 : index
    %swap3A_199 = vector.load %arg23[%swap3A_197, %swap3A_198] : memref<10000x10xf32, #tpu.memory_space<vmem>>, vector<10000x10xf32>
    tpu.vector_store %arg23[%swap3A_197, %swap3A_198], %add3A_196 {strides = array<i32>} : memref<10000x10xf32, #tpu.memory_space<vmem>>, vector<10000x10xf32>,
    return
  }
}

</mosaic_0001>

<sc_bundles>
// kernel: kernel.12.cloned.1.call-start
scs
__scs_entry_jumppad:
0x0: {  	(pc) =	sbr.rel $0x88, $3  }
0x1: {  	(tag) =	ssettag $0x0;
	lr =	simm.s32 $0x1  }
0x2: {  	[smem:$0x3F70] =	sst lr;
	_ =	strace $0xD0000000  }
0x3: {  	_ = 	snop  }
0x4: {  	_ = 	snop  }
0x5: {  	_ = 	snop  }
0x6: {  	_ = 	snop  }
0x7: {  	_ = 	snop  }
__scs_overlays_trampoline_lowered:
0x8: {  	[smem:$0x3F7F] =	sst s0  }
0x9: {  	[smem:$0x3F80] =	sst s1  }
0xa: {  	[smem:$0x3F81] =	sst s2  }
0xb: {  	[smem:$0x3F82] =	sst s3  }
0xc: {  	[smem:$0x3F83] =	sst s4  }
0xd: {  	[smem:$0x3F84] =	sst s5  }
0xe: {  	[smem:$0x3F85] =	sst s6  }
0xf: {  	[smem:$0x3F86] =	sst s7  }
0x10: {  	[smem:$0x3F87] =	sst s8  }
0x11: {  	[smem:$0x3F88] =	sst s9;
	s0 =	simm.s32 @!p0 $0x0  }
0x12: {  	s1 =	sld [smem:$0x3F6E];
	s0 =	simm.s32 @p0 $0x1  }
0x13: {  	[smem:$0x3F89] =	sst s0;
	s0 =	simm.s32 @!p1 $0x0  }
0x14: {  	s2 =	sld [smem:$0x3F6D];
	s0 =	simm.s32 @p1 $0x1  }
0x15: {  	[smem:$0x3F8A] =	sst s0;
	s0 =	simm.s32 @!p2 $0x0  }
0x16: {  	s3 =	sld [smem:$0x3FDB];
	s0 =	simm.s32 @p2 $0x1  }
0x17: {  	s4 =	simm.s32 $0x1BF5;
	[smem:$0x3F8C] =	sst s0  }
0x18: {  	s0 =	sld [smem:$0x3F6F];
	_ =	swait.ge [sflag:s4], $0x0  }
0x19: {  	s7 =	sld [smem:$0x3F70]  }
0x1a: {  	s8 =	sadd.s32 $0xFFFFE003, lr  }
0x1b: {  	s9 =	sadd.s32 $0xFFFFFEF7, lr;
	s5 =	simm.s32 $0xFFFFFFFF;
	p2 =	slt.u32 s8, $0xFFFFF086  }
0x1c: {  	p1 =	slt.u32 s9, $0xF7A;
	s5 =	simm.s32 @!p2 $0x0  }
0x1d: {  	s5 =	simm.s32 @p1 $0x1;
	p0 =	seq.s32 s7, s2  }
0x1e: {  	s7 =	smul.u32 @!p0 $0xF7A, s2;
	p2 =	seq.s32 @!p0 s5, $0x0  }
0x1f: {  	s9 =	smul.u32 $0xF7A, s1;
	s8 =	simm.s32 @!p0 $0x1BF5;
	p2 =	por !p2, p0  }
0x20: {  	[sflag:s8] =	ssyncset.s32 @!p0 $0xFFFFF086;
	s6 =	sadd.s32 @!p0 s3, s7;
	s7 =	simm.s32 @!p0 $0x108  }
0x21: {  	s3 =	sadd.s32 s3, s9;
	s6 =	sadd.s32 @!p0 $0x88, s6;
	s7 =	simm.s32 @p2 $0x1082  }
0x22: {  	[simem:s7], [sflag:s8] =	dma.local @!p0 [hbm:s6], $0xF7A  }
0x23: {  	s9 =	sor.u32 $0xD0000000, s2;
	s6 =	simm.s32 $0x108;
	_ =	swait.ge @!p0 [sflag:s8], $0x0  }
0x24: {  	s3 =	sadd.s32 $0x88, s3;
	s6 =	simm.s32 @!p1 $0x1082;
	[sflag:s4] =	ssyncset.s32 $0xFFFFF086  }
0x25: {  	[simem:s6], [sflag:s4] =	dma.local [hbm:s3], $0xF7A  }
0x26: {  	[smem:$0x3F70] =	sst s1;
	(tag) =	ssettag s2;
	_ =	strace s9  }
0x27: {  	s1 =	sld [smem:$0x3F80]  }
0x28: {  	s2 =	sld [smem:$0x3F81]  }
0x29: {  	s4 =	sld [smem:$0x3F83]  }
0x2a: {  	p0 =	seq.s32 s5, $0x0;
	s5 =	sld [smem:$0x3F84]  }
0x2b: {  	s6 =	sld [smem:$0x3F85]  }
0x2c: {  	s7 =	sld [smem:$0x3F86]  }
0x2d: {  	s3 =	simm.s32 $0x108;
	s8 =	sld [smem:$0x3F87]  }
0x2e: {  	s3 =	simm.s32 @!p0 $0x1082;
	s9 =	sld [smem:$0x3F88]  }
0x2f: {  	lr =	sadd.s32 s0, s3;
	s0 =	sld [smem:$0x3F7F]  }
0x30: {  	s3 =	sld [smem:$0x3F82]  }
0x31: {  	[smem:$0x3F8B] =	sst s10  }
0x32: {  	s10 =	sld [smem:$0x3F89];
	_ =	sdelay $0x3  }
0x33: {  	p0 =	seq.s32 s10, $0x1;
	s10 =	sld [smem:$0x3F8B];
	_ =	sdelay $0x3  }
0x34: {  	[smem:$0x3F8B] =	sst s10  }
0x35: {  	s10 =	sld [smem:$0x3F8A];
	_ =	sdelay $0x3  }
0x36: {  	p1 =	seq.s32 s10, $0x1;
	s10 =	sld [smem:$0x3F8B];
	_ =	sdelay $0x3  }
0x37: {  	[smem:$0x3F8B] =	sst s10  }
0x38: {  	s10 =	sld [smem:$0x3F8C]  }
0x39: {  	_ = 	snop;
	(pc) =	sbr.ind lr, $3  }
0x3a: {  	_ = 	snop  }
0x3b: {  	_ = 	snop  }
0x3c: {  	p2 =	seq.s32 s10, $0x1;
	s10 =	sld [smem:$0x3F8B]  }
0x3d: {  	_ =	shalt  }
0x3e: {  	_ =	shalt  }
0x3f: {  	_ =	shalt  }
0x40: {  	_ =	shalt  }
0x41: {  	_ =	shalt  }
0x42: {  	_ =	shalt  }
0x43: {  	_ =	shalt  }
0x44: {  	_ =	shalt  }
0x45: {  	_ =	shalt  }
0x46: {  	_ =	shalt  }
0x47: {  	_ =	shalt  }
0x48: {  	_ =	shalt  }
0x49: {  	_ =	shalt  }
0x4a: {  	_ =	shalt  }
0x4b: {  	_ =	shalt  }
0x4c: {  	_ =	shalt  }
0x4d: {  	_ =	shalt  }
0x4e: {  	_ =	shalt  }
0x4f: {  	_ =	shalt  }
0x50: {  	_ =	shalt  }
0x51: {  	_ =	shalt  }
0x52: {  	_ =	shalt  }
0x53: {  	_ =	shalt  }
0x54: {  	_ =	shalt  }
0x55: {  	_ =	shalt  }
0x56: {  	_ =	shalt  }
0x57: {  	_ =	shalt  }
0x58: {  	_ =	shalt  }
0x59: {  	_ =	shalt  }
0x5a: {  	_ =	shalt  }
0x5b: {  	_ =	shalt  }
0x5c: {  	_ =	shalt  }
0x5d: {  	_ =	shalt  }
0x5e: {  	_ =	shalt  }
0x5f: {  	_ =	shalt  }
0x60: {  	_ =	shalt  }
0x61: {  	_ =	shalt  }
0x62: {  	_ =	shalt  }
0x63: {  	_ =	shalt  }
0x64: {  	_ =	shalt  }
0x65: {  	_ =	shalt  }
0x66: {  	_ =	shalt  }
0x67: {  	_ =	shalt  }
0x68: {  	_ =	shalt  }
0x69: {  	_ =	shalt  }
0x6a: {  	_ =	shalt  }
0x6b: {  	_ =	shalt  }
0x6c: {  	_ =	shalt  }
0x6d: {  	_ =	shalt  }
0x6e: {  	_ =	shalt  }
0x6f: {  	_ =	shalt  }
0x70: {  	_ =	shalt  }
0x71: {  	_ =	shalt  }
0x72: {  	_ =	shalt  }
0x73: {  	_ =	shalt  }
0x74: {  	_ =	shalt  }
0x75: {  	_ =	shalt  }
0x76: {  	_ =	shalt  }
0x77: {  	_ =	shalt  }
0x78: {  	_ =	shalt  }
0x79: {  	_ =	shalt  }
0x7a: {  	_ =	shalt  }
0x7b: {  	_ =	shalt  }
0x7c: {  	_ =	shalt  }
0x7d: {  	_ =	shalt  }
0x7e: {  	_ =	shalt  }
0x7f: {  	_ =	shalt  }
0x80: {  	_ =	shalt  }
0x81: {  	_ =	shalt  }
0x82: {  	_ =	shalt  }
0x83: {  	_ =	shalt  }
0x84: {  	_ =	shalt  }
0x85: {  	_ =	shalt  }
0x86: {  	_ =	shalt  }
0x87: {  	_ =	shalt  }
.Lfunc_end0:
.L_simem_size_0:
called_computation.1_lowered:
.L_overlay_start_0:
0x88: {  	s2 =	sld [smem:$0x3FD9]  }
0x89: {  	s3 =	sld [smem:$0x3FFE];
	_ =	sdelay $0x1  }
0x8a: {  	s1 =	srdreg.scid  }
0x8b: {  	s0 =	sand.u32 $0x1, s1  }
0x8c: {  	s16 =	sshll.u32 s0, $0xA;
	s2 =	sadd.s32 s3, s2  }
0x8d: {  	s2 =	sadd.s32 s2, s16  }
0x8e: {  	[smem:$0x3F97] =	sst s2  }
0x8f: {  	_ = 	snop  }
0x90: {  	(tm) =	ssettm $0x1  }
0x91: {  	s17 =	sld [smem:$0x3FFB];
	_ =	sdelay $0x3  }
0x92: {  	_ =	strace s17  }
0x93: {  	s2 =	sld [smem:$0x3FFC];
	_ =	sdelay $0x3  }
0x94: {  	_ =	strace s2  }
0x95: {  	s2 =	sld [smem:$0x3FFD];
	_ =	sdelay $0x3  }
0x96: {  	_ =	strace s2  }
0x97: {  	_ =	strace $0x8FFFFFFF  }
0x98: {  	s18 =	sld [smem:$0x3FDB];
	_ =	sdelay $0x1  }
0x99: {  	s19 =	simm.s32 $_scs_section_size  }
0x9a: {  	s4 =	simm.s32 $_size__tile_overlayer_lowered;
	s5 =	simm.s32 $_tile_overlayer_lowered  }
0x9b: {  	s22 =	simm.s32 $0x1BFF;
	s21 =	sshll.u32 s5, $0x1;
	s2 =	sadd.s32 s19, s18  }
0x9c: {  	s6 =	simm.s32 $0x0;
	s20 =	sshll.u32 s4, $0x1;
	s4 =	sadd.s32 s21, s2  }
0x9d: {  	[timem:s6], [sflag:s22] =	dma.local [hbm:s4], s20  }
0x9e: {  	_ =	swait.ge [sflag:s22], s20  }
0x9f: {  	s3 =	ssub.s32 $0x0, s20;
	[sflag:s22] =	ssyncset.done $0x0  }
0xa0: {  	[sflag:s22] =	ssyncadd.s32 s3;
	_ =	sdelay $0x1  }
0xa1: {  	s23 =	simm.s32 $0x1B8B  }
0xa2: {  	_ =	swait.ge [sflag:s23], $0x1  }
0xa3: {  	[sflag:s23] =	ssyncset.done $0x0  }
0xa4: {  	s25 =	simm.s32 $0x1B8E;
	s24 =	sld [smem:$0x3FFE];
	[sflag:s23] =	ssyncadd.s32 $0xFFFFFFFF  }
0xa5: {  	s26 =	simm.s32 $execute0_lowered;
	[smem:$0x3FD2] =	sst s25  }
0xa6: {  	s4 =	sshll.u32 s26, $0x1;
	_ =	strace $0x80000049;
	[dreg:$0x1] =	wrdreg $0xFFFFFFFF  }
0xa7: {  	s28 =	simm.s32 $_size_execute0_lowered;
	s2 =	sadd.s32 s2, s4;
	[dreg:$0x0] =	wrdreg $0x0  }
0xa8: {  	s4 =	sshll.u32 s28, $0x1;
	[dreg:$0x2] =	wrdreg s2  }
0xa9: {  	[dreg:$0x3] =	wrdreg s4  }
0xaa: {  	[dreg:$0x4] =	wrdreg $0xC0  }
0xab: {  	_ =	task [dreg:s6], $0x5FFFF  }
0xac: {  	[dreg:$0x1] =	wrdreg $0xFFFFFFFF  }
0xad: {  	[dreg:$0x0] =	wrdreg $0x60  }
0xae: {  	[dreg:$0x2] =	wrdreg s24  }
0xaf: {  	[dreg:$0x3] =	wrdreg $0x90000  }
0xb0: {  	[dreg:$0x4] =	wrdreg $0x9  }
0xb1: {  	_ =	task.clear_ibuf [dreg:s6], $0x5FFFF;
	_ =	strace $0x90000049  }
0xb2: {  	s29 =	simm.s32 $0x9;
	_ =	strace $0x8000004B  }
0xb3: {  	_ =	swait.ge [sflag:s29], $0x1  }
0xb4: {  	[sflag:s29] =	ssyncadd.s32 $0xFFFFFFFF  }
0xb5: {  	_ =	strace $0x9000004B  }
0xb6: {  	_ =	sfence  }
0xb7: {  	s30 =	sld [smem:$0x0];
	_ =	sdelay $0x2  }
0xb8: {  	s31 =	sshll.u32 s1, $0xD;
	s1 =	sshrl.u32 s1, $0x2  }
0xb9: {  	s3 =	sand.u32 $0x4000, s31;
	s1 =	sadd.s32 s1, s30  }
0xba: {  	s0 =	sor.u32 s3, s0;
	s1 =	sshll.u32 s1, $0x11  }
0xbb: {  	s0 =	sor.u32 s1, s0  }
0xbc: {  	s0 =	sadd.s32 $0x8F2B, s0  }
0xbd: {  	[sflag:s0] =	ssyncadd.remote.s32 $0x1  }
0xbe: {  	_ =	sfence.sel $0xFFFF  }
0xbf: {  	[dreg:$0x0] =	wrdreg $0xFFFFFFFF;
	(pc) =	sbr.abs _section_cstart, $3  }
0xc0: {  	[dreg:$0x1] =	wrdreg $0xFFFFFFFF  }
0xc1: {  	_ =	task.clear_ibuf [dreg:s6], $0x2FFFF;
	_ =	strace $0x9FFFFFFF  }
0xc2: {  	(tm) =	ssettm $0x7FFFFFFF  }
0xc3: {  	_ =	shalt  }
tec
execute0_lowered:
.L_overlay_start_1:
0x0: {  	(tag) =	ssettag $0x1  }
0x1: {  	s0 =	rddreg [dreg:$0x0]  }
0x2: {  	s2 =	rddreg [dreg:$0x1]  }
0x3: {  	s18 =	stileid.u32;
	s1 =	srdreg.scid;
	s3 =	simm.s32 $0x0  }
0x4: {  	s22 =	simm.s32 $0x100;
	s23 =	simm.s32 $0x480;
	s25 =	simm.s32 $0x180  }
0x5: {  	s14 =	simm.s32 $0x500;
	s15 =	simm.s32 $0x200;
	s28 =	simm.s32 $0xB80  }
0x6: {  	s29 =	simm.s32 $0xF00;
	s30 =	simm.s32 $0xF80;
	[smem:$0x7FF] =	sst s3  }
0x7: {  	s31 =	simm.s32 $0x0;
	_ =	strace $0x8000004A;
	[dreg:$0x5] =	wrdreg s22  }
0x8: {  	s7 =	smul.u32 $0x2700, s18;
	s1 =	sand.u32 $0x1, s1;
	[dreg:$0x6] =	wrdreg s23  }
0x9: {  	s9 =	smul.u32 $0x50, s18;
	s4 =	sadd.s32 $0x9400, s0;
	[dreg:$0x7] =	wrdreg s25  }
0xa: {  	s5 =	sadd.s32 $0x31400, s0;
	s6 =	sadd.s32 $0x3B400, s0;
	[dreg:$0x8] =	wrdreg s14  }
0xb: {  	s26 =	smul.u32 $0x4E000, s18;
	[dreg:$0x9] =	wrdreg s15;
	s22 =	simm.s32 $0x600  }
0xc: {  	s8 =	smul.u32 $0x500, s1;
	s23 =	simm.s32 $0x300;
	[dreg:$0xc] =	wrdreg s22  }
0xd: {  	s10 =	ssub.s32 $0x2, s1;
	s25 =	simm.s32 $0x380;
	[dreg:$0xd] =	wrdreg s23  }
0xe: {  	s11 =	sshrl.u32 s10, $0x1;
	[dreg:$0xf] =	wrdreg s25;
	s22 =	simm.s32 $0xD80  }
0xf: {  	s23 =	simm.s32 $0xA80;
	s25 =	simm.s32 $0xB00;
	[dreg:$0x18] =	wrdreg s22  }
0x10: {  	s8 =	sadd.s32 s9, s8;
	s17 =	ssub.s32 s10, s11;
	[dreg:$0x19] =	wrdreg s23  }
0x11: {  	s11 =	sshrl.u32 s26, $0x2;
	s26 =	simm.s32 $0x700;
	[dreg:$0x1b] =	wrdreg s25  }
0x12: {  	s10 =	simm.s32 $0x880;
	s13 =	sshrl.u32 s8, $0x3;
	[dreg:$0x10] =	wrdreg s26  }
0x13: {  	s8 =	sshll.u32 s8, $0x4;
	[dreg:$0x12] =	wrdreg s10;
	s26 =	simm.s32 $0xE80  }
0x14: {  	p0 =	seq.s32 s18, $0xF;
	s19 =	sadd.s32 s5, s8;
	[dreg:$0x1c] =	wrdreg s26  }
0x15: {  	s18 =	simm.s32 $0x400;
	s16 =	sadd.s32 $0x2, s13;
	[dreg:$0x1d] =	wrdreg s19  }
0x16: {  	s15 =	smul.u32 $0x27100, s1;
	s21 =	sadd.s32 s6, s8;
	[dreg:$0x3] =	wrdreg s16  }
0x17: {  	s20 =	sadd.s32 $0x3, s13;
	s8 =	sor.u32 $0x80, s8;
	[dreg:$0x1e] =	wrdreg s21  }
0x18: {  	s14 =	sadd.s32 $0x69D00, s0;
	[dreg:$0x4] =	wrdreg s20;
	s24 =	sadd.s32 s5, s8  }
0x19: {  	s1 =	smul.u32 $0x138800, s1;
	s8 =	sadd.s32 s6, s8;
	[dreg:$0x1f] =	wrdreg s24  }
0x1a: {  	s12 =	sadd.s32 s7, s0;
	s19 =	sadd.s32 s11, s2;
	[smem:$0x7FB] =	sst s8  }
0x1b: {  	s9 =	sadd.s32 $0x6C600, s0;
	s16 =	simm.s32 $0x580;
	[smem:$0x7FC] =	sst s19  }
0x1c: {  	s7 =	sadd.s32 s7, s15;
	s21 =	sadd.s32 $0x45400, s12;
	[dreg:$0xa] =	wrdreg s16  }
0x1d: {  	s1 =	sshrl.u32 s1, $0x3;
	s20 =	simm.s32 $0x280;
	[smem:$0x7FD] =	sst s21  }
0x1e: {  	s22 =	simm.s32 $0x80;
	s11 =	simm.s32 $0x900;
	[dreg:$0xb] =	wrdreg s20  }
0x1f: {  	s23 =	simm.s32 $0x1000;
	s12 =	simm.s32 $0xC80;
	[dreg:$0x13] =	wrdreg s11  }
0x20: {  	s25 =	simm.s32 $0x1;
	s24 =	simm.s32 $0x680;
	[dreg:$0x14] =	wrdreg s12  }
0x21: {  	s15 =	sadd.s32 s9, s7;
	s8 =	simm.s32 $0x780;
	[dreg:$0xe] =	wrdreg s24  }
0x22: {  	s1 =	sadd.s32 s9, s1;
	s19 =	simm.s32 $0x980;
	[dreg:$0x11] =	wrdreg s8  }
0x23: {  	s17 =	smax.u32 s17, $0x1;
	s20 =	simm.s32 $0xD00;
	[dreg:$0x15] =	wrdreg s19  }
0x24: {  	s13 =	sadd.s32 $0x124800, s2;
	s21 =	simm.s32 $0xA00;
	[dreg:$0x16] =	wrdreg s20  }
0x25: {  	s26 =	simm.s32 $0x2;
	s16 =	sadd.s32 $0x24900, s1;
	[dreg:$0x17] =	wrdreg s21  }
0x26: {  	s19 =	simm.s32 $0x800;
	s20 =	simm.s32 $0xC00;
	s24 =	simm.s32 $0xE00  }
0x27: {  	s21 =	simm.s32 $0x3;
	[dreg:$0x1a] =	wrdreg s24;
	s24 =	simm.s32 $0x5000  }
.LBB2_1:
0x28: {  	s0 =	rddreg [dreg:$0x1d]  }
0x29: {  	s1 =	rddreg [dreg:$0x1e]  }
0x2a: {  	[tilespmem:s3], [sflag:$0x3] =	stream.linear.gather [hbm4b:s0+s3], $0x400, $0x38;
	[tilespmem:$0x1C900] =	vst v63  }
0x2b: {  	s7 =	rddreg [dreg:$0x1f]  }
0x2c: {  	[tilespmem:s18], [sflag:$0x3] =	stream.linear.gather [hbm4b:s1+s3], $0x400, $0x38;
	[tilespmem:$0x1C900] =	vst v63  }
0x2d: {  	s8 =	sld [smem:$0x7FB]  }
0x2e: {  	[tilespmem:s19], [sflag:$0x3] =	stream.linear.gather [hbm4b:s7+s3], $0x400, $0x38;
	[tilespmem:$0x1C900] =	vst v63  }
0x2f: {  	_ = 	snop  }
0x30: {  	[tilespmem:s20], [sflag:$0x3] =	stream.linear.gather [hbm4b:s8+s3], $0x400, $0x38;
	[tilespmem:$0x1C900] =	vst v63  }
0x31: {  	_ =	swait.ge [sflag:s21], $0x400  }
0x32: {  	[sflag:s21] =	ssyncset.done $0x0  }
0x33: {  	[sflag:s21] =	ssyncadd.s32 $0xFFFFFC00  }
0x34: {  	_ =	swait.ge [sflag:s21], $0x400  }
0x35: {  	[sflag:s21] =	ssyncset.done $0x0  }
0x36: {  	s0 =	sshrl.u32 @p0 s13, $0x3;
	s1 =	simm.s32 @p0 $0x1FC4;
	[sflag:s21] =	ssyncadd.s32 $0xFFFFFC00  }
0x37: {  	[tilespmem:s23], [sflag:$0x1] =	stream.indirect.gather [hbm4b:s4+s22], $0x80, s3, s22, $0xb8;
	[tilespmem:$0x1C900] =	vst v63  }
0x38: {  	[spmem:s0], [sflag:s1] =	dma.local @p0 [hbm:s14], $0x2900  }
0x39: {  	s1 =	simm.s32 @p0 $0x4  }
0x3a: {  	s7 =	stileid.u32;
	_ =	swait.ge @p0 [sflag:s1], $0x2900  }
0x3b: {  	s7 =	sshll.u32 @!p0 s7, $0x6;
	[sflag:s1] =	ssyncset.done @p0 $0x0  }
0x3c: {  	[sflag:s1] =	ssyncadd.s32 @p0 $0xFFFFD700;
	s1 =	sor.u32 @!p0 $0x1C04, s7;
	s7 =	sld [smem:$0x7FC]  }
0x3d: {  	s8 =	sld [smem:$0x7FD];
	_ =	sdelay $0x1  }
0x3e: {  	s7 =	sshrl.u32 @!p0 s7, $0x3  }
0x3f: {  	[spmem:s7], [sflag:s1] =	dma.local @!p0 [hbm:s8], $0x2700  }
0x40: {  	s8 =	simm.s32 @!p0 $0x4  }
0x41: {  	_ =	swait.ge @!p0 [sflag:s8], $0x2700  }
0x42: {  	[sflag:s8] =	ssyncset.done @!p0 $0x0  }
0x43: {  	[sflag:s8] =	ssyncadd.s32 @!p0 $0xFFFFD900  }
0x44: {  	[bflag:$0x0] =	sbarrier.arrive $0xFFFF  }
0x45: {  	[tilespmem:s24], [sflag:$0x1] =	stream.indirect.gather [hbm4b:s4+s22], $0x80, s22, s22, $0xb8;
	[tilespmem:$0x1C900] =	vst v63  }
0x46: {  	_ =	swait.ge [sflag:s25], $0x4000  }
0x47: {  	[sflag:s25] =	ssyncset.done $0x0  }
0x48: {  	[sflag:s25] =	ssyncadd.s32 $0xFFFFC000  }
0x49: {  	[spmem:s2] =	stream.indirect.scatter.add.f32 [tilespmem:s23], [sflag:$0x2], $0x80, s18, s22, $0xb8;
	[tilespmem:$0x1C900] =	vst v63  }
0x4a: {  	_ =	swait.ge [sflag:s26], $0x4000  }
0x4b: {  	[sflag:s26] =	ssyncset.done $0x0  }
0x4c: {  	s9 =	rddreg [dreg:$0x5];
	[sflag:s26] =	ssyncadd.s32 $0xFFFFC000  }
0x4d: {  	[tilespmem:s23], [sflag:$0x1] =	stream.indirect.gather [hbm4b:s4+s22], $0x80, s9, s22, $0xb8;
	[tilespmem:$0x1C900] =	vst v63  }
0x4e: {  	_ =	swait.ge [sflag:s25], $0x4000  }
0x4f: {  	[sflag:s25] =	ssyncset.done $0x0  }
0x50: {  	s10 =	rddreg [dreg:$0x6];
	[sflag:s25] =	ssyncadd.s32 $0xFFFFC000  }
0x51: {  	[spmem:s2] =	stream.indirect.scatter.add.f32 [tilespmem:s24], [sflag:$0x2], $0x80, s10, s22, $0xb8;
	[tilespmem:$0x1C900] =	vst v63  }
0x52: {  	_ =	swait.ge [sflag:s26], $0x4000  }
0x53: {  	[sflag:s26] =	ssyncset.done $0x0  }
0x54: {  	s11 =	rddreg [dreg:$0x7];
	[sflag:s26] =	ssyncadd.s32 $0xFFFFC000  }
0x55: {  	[tilespmem:s24], [sflag:$0x1] =	stream.indirect.gather [hbm4b:s4+s22], $0x80, s11, s22, $0xb8;
	[tilespmem:$0x1C900] =	vst v63  }
0x56: {  	_ =	swait.ge [sflag:s25], $0x4000  }
0x57: {  	[sflag:s25] =	ssyncset.done $0x0  }
0x58: {  	s12 =	rddreg [dreg:$0x8];
	[sflag:s25] =	ssyncadd.s32 $0xFFFFC000  }
0x59: {  	[spmem:s2] =	stream.indirect.scatter.add.f32 [tilespmem:s23], [sflag:$0x2], $0x80, s12, s22, $0xb8;
	[tilespmem:$0x1C900] =	vst v63  }
0x5a: {  	_ =	swait.ge [sflag:s26], $0x4000  }
0x5b: {  	[sflag:s26] =	ssyncset.done $0x0  }
0x5c: {  	s9 =	rddreg [dreg:$0x9];
	[sflag:s26] =	ssyncadd.s32 $0xFFFFC000  }
0x5d: {  	[tilespmem:s23], [sflag:$0x1] =	stream.indirect.gather [hbm4b:s4+s22], $0x80, s9, s22, $0xb8;
	[tilespmem:$0x1C900] =	vst v63  }
0x5e: {  	_ =	swait.ge [sflag:s25], $0x4000  }
0x5f: {  	[sflag:s25] =	ssyncset.done $0x0  }
0x60: {  	s10 =	rddreg [dreg:$0xa];
	[sflag:s25] =	ssyncadd.s32 $0xFFFFC000  }
0x61: {  	[spmem:s2] =	stream.indirect.scatter.add.f32 [tilespmem:s24], [sflag:$0x2], $0x80, s10, s22, $0xb8;
	[tilespmem:$0x1C900] =	vst v63  }
0x62: {  	_ =	swait.ge [sflag:s26], $0x4000  }
0x63: {  	[sflag:s26] =	ssyncset.done $0x0  }
0x64: {  	s11 =	rddreg [dreg:$0xb];
	[sflag:s26] =	ssyncadd.s32 $0xFFFFC000  }
0x65: {  	[tilespmem:s24], [sflag:$0x1] =	stream.indirect.gather [hbm4b:s4+s22], $0x80, s11, s22, $0xb8;
	[tilespmem:$0x1C900] =	vst v63  }
0x66: {  	_ =	swait.ge [sflag:s25], $0x4000  }
0x67: {  	[sflag:s25] =	ssyncset.done $0x0  }
0x68: {  	s12 =	rddreg [dreg:$0xc];
	[sflag:s25] =	ssyncadd.s32 $0xFFFFC000  }
0x69: {  	[spmem:s2] =	stream.indirect.scatter.add.f32 [tilespmem:s23], [sflag:$0x2], $0x80, s12, s22, $0xb8;
	[tilespmem:$0x1C900] =	vst v63  }
0x6a: {  	_ =	swait.ge [sflag:s26], $0x4000  }
0x6b: {  	[sflag:s26] =	ssyncset.done $0x0  }
0x6c: {  	s9 =	rddreg [dreg:$0xd];
	[sflag:s26] =	ssyncadd.s32 $0xFFFFC000  }
0x6d: {  	[tilespmem:s23], [sflag:$0x1] =	stream.indirect.gather [hbm4b:s4+s22], $0x80, s9, s22, $0xb8;
	[tilespmem:$0x1C900] =	vst v63  }
0x6e: {  	_ =	swait.ge [sflag:s25], $0x4000  }
0x6f: {  	[sflag:s25] =	ssyncset.done $0x0  }
0x70: {  	s10 =	rddreg [dreg:$0xe];
	[sflag:s25] =	ssyncadd.s32 $0xFFFFC000  }
0x71: {  	[spmem:s2] =	stream.indirect.scatter.add.f32 [tilespmem:s24], [sflag:$0x2], $0x80, s10, s22, $0xb8;
	[tilespmem:$0x1C900] =	vst v63  }
0x72: {  	_ =	swait.ge [sflag:s26], $0x4000  }
0x73: {  	[sflag:s26] =	ssyncset.done $0x0  }
0x74: {  	s11 =	rddreg [dreg:$0xf];
	[sflag:s26] =	ssyncadd.s32 $0xFFFFC000  }
0x75: {  	[tilespmem:s24], [sflag:$0x1] =	stream.indirect.gather [hbm4b:s4+s22], $0x80, s11, s22, $0xb8;
	[tilespmem:$0x1C900] =	vst v63  }
0x76: {  	_ =	swait.ge [sflag:s25], $0x4000  }
0x77: {  	[sflag:s25] =	ssyncset.done $0x0  }
0x78: {  	s12 =	rddreg [dreg:$0x10];
	[sflag:s25] =	ssyncadd.s32 $0xFFFFC000  }
0x79: {  	[spmem:s2] =	stream.indirect.scatter.add.f32 [tilespmem:s23], [sflag:$0x2], $0x80, s12, s22, $0xb8;
	[tilespmem:$0x1C900] =	vst v63  }
0x7a: {  	_ =	swait.ge [sflag:s25], $0x4000  }
0x7b: {  	[sflag:s25] =	ssyncset.done $0x0  }
0x7c: {  	s9 =	rddreg [dreg:$0x11];
	[sflag:s25] =	ssyncadd.s32 $0xFFFFC000  }
0x7d: {  	[spmem:s2] =	stream.indirect.scatter.add.f32 [tilespmem:s24], [sflag:$0x2], $0x80, s9, s22, $0xb8;
	[tilespmem:$0x1C900] =	vst v63  }
0x7e: {  	_ =	swait.ge [sflag:s26], $0x4000  }
0x7f: {  	[sflag:s26] =	ssyncset.done $0x0  }
0x80: {  	[sflag:s26] =	ssyncadd.s32 $0xFFFFC000  }
0x81: {  	_ =	swait.ge [sflag:s21], $0x400  }
0x82: {  	[sflag:s21] =	ssyncset.done $0x0  }
0x83: {  	[sflag:s21] =	ssyncadd.s32 $0xFFFFFC00  }
0x84: {  	_ =	swait.ge [sflag:s21], $0x400  }
0x85: {  	[sflag:s21] =	ssyncset.done $0x0  }
0x86: {  	[sflag:s21] =	ssyncadd.s32 $0xFFFFFC00  }
0x87: {  	[tilespmem:s23], [sflag:$0x1] =	stream.indirect.gather [hbm4b:s4+s22], $0x80, s19, s22, $0xb8;
	[tilespmem:$0x1C900] =	vst v63  }
0x88: {  	_ =	swait.ge [sflag:s26], $0x4000  }
0x89: {  	s9 =	smin.u32 s3, $0x7;
	s10 =	rddreg [dreg:$0x3]  }
0x8a: {  	s8 =	sadd.s32 s9, s10  }
0x8b: {  	[sflag:s26] =	ssyncset.done $0x0;
	s8 =	sshll.u32 s8, $0x7  }
0x8c: {  	[sflag:s26] =	ssyncadd.s32 $0xFFFFC000;
	s11 =	sadd.s32 s5, s8  }
0x8d: {  	[tilespmem:s3], [sflag:$0x3] =	stream.linear.gather [hbm4b:s11+s3], $0x400, $0x38;
	[tilespmem:$0x1C900] =	vst v63  }
0x8e: {  	s8 =	sadd.s32 s6, s8  }
0x8f: {  	[tilespmem:s18], [sflag:$0x3] =	stream.linear.gather [hbm4b:s8+s3], $0x400, $0x38;
	[tilespmem:$0x1C900] =	vst v63  }
0x90: {  	s12 =	rddreg [dreg:$0x12]  }
0x91: {  	[tilespmem:s24], [sflag:$0x1] =	stream.indirect.gather [hbm4b:s4+s22], $0x80, s12, s22, $0xb8;
	[tilespmem:$0x1C900] =	vst v63  }
0x92: {  	_ =	swait.ge [sflag:s25], $0x4000  }
0x93: {  	[sflag:s25] =	ssyncset.done $0x0  }
0x94: {  	[sflag:s25] =	ssyncadd.s32 $0xFFFFC000  }
0x95: {  	[spmem:s2] =	stream.indirect.scatter.add.f32 [tilespmem:s23], [sflag:$0x2], $0x80, s20, s22, $0xb8;
	[tilespmem:$0x1C900] =	vst v63  }
0x96: {  	_ =	swait.ge [sflag:s26], $0x4000  }
0x97: {  	[sflag:s26] =	ssyncset.done $0x0  }
0x98: {  	s9 =	rddreg [dreg:$0x13];
	[sflag:s26] =	ssyncadd.s32 $0xFFFFC000  }
0x99: {  	[tilespmem:s23], [sflag:$0x1] =	stream.indirect.gather [hbm4b:s4+s22], $0x80, s9, s22, $0xb8;
	[tilespmem:$0x1C900] =	vst v63  }
0x9a: {  	_ =	swait.ge [sflag:s25], $0x4000  }
0x9b: {  	[sflag:s25] =	ssyncset.done $0x0  }
0x9c: {  	s10 =	rddreg [dreg:$0x14];
	[sflag:s25] =	ssyncadd.s32 $0xFFFFC000  }
0x9d: {  	[spmem:s2] =	stream.indirect.scatter.add.f32 [tilespmem:s24], [sflag:$0x2], $0x80, s10, s22, $0xb8;
	[tilespmem:$0x1C900] =	vst v63  }
0x9e: {  	_ =	swait.ge [sflag:s26], $0x4000  }
0x9f: {  	[sflag:s26] =	ssyncset.done $0x0  }
0xa0: {  	s11 =	rddreg [dreg:$0x15];
	[sflag:s26] =	ssyncadd.s32 $0xFFFFC000  }
0xa1: {  	[tilespmem:s24], [sflag:$0x1] =	stream.indirect.gather [hbm4b:s4+s22], $0x80, s11, s22, $0xb8;
	[tilespmem:$0x1C900] =	vst v63  }
0xa2: {  	_ =	swait.ge [sflag:s25], $0x4000  }
0xa3: {  	[sflag:s25] =	ssyncset.done $0x0  }
0xa4: {  	s12 =	rddreg [dreg:$0x16];
	[sflag:s25] =	ssyncadd.s32 $0xFFFFC000  }
0xa5: {  	[spmem:s2] =	stream.indirect.scatter.add.f32 [tilespmem:s23], [sflag:$0x2], $0x80, s12, s22, $0xb8;
	[tilespmem:$0x1C900] =	vst v63  }
0xa6: {  	_ =	swait.ge [sflag:s26], $0x4000  }
0xa7: {  	[sflag:s26] =	ssyncset.done $0x0  }
0xa8: {  	s9 =	rddreg [dreg:$0x17];
	[sflag:s26] =	ssyncadd.s32 $0xFFFFC000  }
0xa9: {  	[tilespmem:s23], [sflag:$0x1] =	stream.indirect.gather [hbm4b:s4+s22], $0x80, s9, s22, $0xb8;
	[tilespmem:$0x1C900] =	vst v63  }
0xaa: {  	_ =	swait.ge [sflag:s25], $0x4000  }
0xab: {  	[sflag:s25] =	ssyncset.done $0x0  }
0xac: {  	s10 =	rddreg [dreg:$0x18];
	[sflag:s25] =	ssyncadd.s32 $0xFFFFC000  }
0xad: {  	[spmem:s2] =	stream.indirect.scatter.add.f32 [tilespmem:s24], [sflag:$0x2], $0x80, s10, s22, $0xb8;
	[tilespmem:$0x1C900] =	vst v63  }
0xae: {  	_ =	swait.ge [sflag:s26], $0x4000  }
0xaf: {  	[sflag:s26] =	ssyncset.done $0x0  }
0xb0: {  	s11 =	rddreg [dreg:$0x19];
	[sflag:s26] =	ssyncadd.s32 $0xFFFFC000  }
0xb1: {  	[tilespmem:s24], [sflag:$0x1] =	stream.indirect.gather [hbm4b:s4+s22], $0x80, s11, s22, $0xb8;
	[tilespmem:$0x1C900] =	vst v63  }
0xb2: {  	_ =	swait.ge [sflag:s25], $0x4000  }
0xb3: {  	[sflag:s25] =	ssyncset.done $0x0  }
0xb4: {  	s12 =	rddreg [dreg:$0x1a];
	[sflag:s25] =	ssyncadd.s32 $0xFFFFC000  }
0xb5: {  	[spmem:s2] =	stream.indirect.scatter.add.f32 [tilespmem:s23], [sflag:$0x2], $0x80, s12, s22, $0xb8;
	[tilespmem:$0x1C900] =	vst v63  }
0xb6: {  	_ =	swait.ge [sflag:s26], $0x4000  }
0xb7: {  	[sflag:s26] =	ssyncset.done $0x0  }
0xb8: {  	s9 =	rddreg [dreg:$0x1b];
	[sflag:s26] =	ssyncadd.s32 $0xFFFFC000  }
0xb9: {  	[tilespmem:s23], [sflag:$0x1] =	stream.indirect.gather [hbm4b:s4+s22], $0x80, s9, s22, $0xb8;
	[tilespmem:$0x1C900] =	vst v63  }
0xba: {  	_ =	swait.ge [sflag:s25], $0x4000  }
0xbb: {  	[sflag:s25] =	ssyncset.done $0x0  }
0xbc: {  	s10 =	rddreg [dreg:$0x1c];
	[sflag:s25] =	ssyncadd.s32 $0xFFFFC000  }
0xbd: {  	[spmem:s2] =	stream.indirect.scatter.add.f32 [tilespmem:s24], [sflag:$0x2], $0x80, s10, s22, $0xb8;
	[tilespmem:$0x1C900] =	vst v63  }
0xbe: {  	_ =	swait.ge [sflag:s26], $0x4000  }
0xbf: {  	[sflag:s26] =	ssyncset.done $0x0  }
0xc0: {  	[sflag:s26] =	ssyncadd.s32 $0xFFFFC000  }
0xc1: {  	[tilespmem:s24], [sflag:$0x1] =	stream.indirect.gather [hbm4b:s4+s22], $0x80, s28, s22, $0xb8;
	[tilespmem:$0x1C900] =	vst v63  }
0xc2: {  	_ =	swait.ge [sflag:s25], $0x4000  }
0xc3: {  	[sflag:s25] =	ssyncset.done $0x0  }
0xc4: {  	[sflag:s25] =	ssyncadd.s32 $0xFFFFC000  }
0xc5: {  	[spmem:s2] =	stream.indirect.scatter.add.f32 [tilespmem:s23], [sflag:$0x2], $0x80, s29, s22, $0xb8;
	[tilespmem:$0x1C900] =	vst v63  }
0xc6: {  	_ =	swait.ge [sflag:s25], $0x4000  }
0xc7: {  	[sflag:s25] =	ssyncset.done $0x0  }
0xc8: {  	[sflag:s25] =	ssyncadd.s32 $0xFFFFC000  }
0xc9: {  	[spmem:s2] =	stream.indirect.scatter.add.f32 [tilespmem:s24], [sflag:$0x2], $0x80, s30, s22, $0xb8;
	[tilespmem:$0x1C900] =	vst v63  }
0xca: {  	_ =	swait.ge [sflag:s26], $0x4000  }
0xcb: {  	p1 =	por $0x0, $0x0;
	[sflag:s26] =	ssyncset.done $0x0  }
0xcc: {  	s8 =	simm.s32 @!p1 $0x3;
	[sflag:s26] =	ssyncadd.s32 $0xFFFFC000  }
0xcd: {  	_ =	swait.ge @!p1 [sflag:s8], $0x400  }
0xce: {  	[sflag:s8] =	ssyncset.done @!p1 $0x0  }
0xcf: {  	[sflag:s8] =	ssyncadd.s32 @!p1 $0xFFFFFC00  }
0xd0: {  	_ =	swait.ge @!p1 [sflag:s8], $0x400  }
0xd1: {  	s9 =	simm.s32 @!p1 $0x1000;
	[sflag:s8] =	ssyncset.done @!p1 $0x0  }
0xd2: {  	s10 =	simm.s32 @!p1 $0x0;
	[sflag:s8] =	ssyncadd.s32 @!p1 $0xFFFFFC00;
	s8 =	simm.s32 @!p1 $0x80  }
0xd3: {  	[tilespmem:s9], [sflag:$0x1] =	stream.indirect.gather @!p1 [hbm4b:s4+s8], $0x80, s10, s8, $0xb8;
	[tilespmem:$0x1C900] =	vst v63  }
0xd4: {  	_ =	swait.ge [sflag:s26], $0x4000  }
0xd5: {  	s12 =	smin.u32 s3, $0x6;
	s11 =	rddreg [dreg:$0x4]  }
0xd6: {  	s8 =	sadd.s32 s12, s11  }
0xd7: {  	[sflag:s26] =	ssyncset.done $0x0;
	s9 =	sshll.u32 s8, $0x7  }
0xd8: {  	[sflag:s26] =	ssyncadd.s32 $0xFFFFC000;
	s8 =	sadd.s32 s5, s9  }
0xd9: {  	[tilespmem:s19], [sflag:$0x3] =	stream.linear.gather [hbm4b:s8+s3], $0x400, $0x38;
	[tilespmem:$0x1C900] =	vst v63  }
0xda: {  	s9 =	sadd.s32 s6, s9;
	s8 =	simm.s32 $0x2  }
.LBB2_2:
0xdb: {  	[tilespmem:s20], [sflag:$0x3] =	stream.linear.gather [hbm4b:s9+s3], $0x400, $0x38;
	[tilespmem:$0x1C900] =	vst v63  }
0xdc: {  	_ = 	snop  }
0xdd: {  	[tilespmem:s24], [sflag:$0x1] =	stream.indirect.gather [hbm4b:s4+s22], $0x80, s22, s22, $0xb8;
	[tilespmem:$0x1C900] =	vst v63  }
0xde: {  	_ =	swait.ge [sflag:s25], $0x4000  }
0xdf: {  	[sflag:s25] =	ssyncset.done $0x0  }
0xe0: {  	[sflag:s25] =	ssyncadd.s32 $0xFFFFC000  }
0xe1: {  	[spmem:s2] =	stream.indirect.scatter.add.f32 [tilespmem:s23], [sflag:$0x2], $0x80, s18, s22, $0xb8;
	[tilespmem:$0x1C900] =	vst v63  }
0xe2: {  	_ =	swait.ge [sflag:s26], $0x4000  }
0xe3: {  	[sflag:s26] =	ssyncset.done $0x0  }
0xe4: {  	s10 =	rddreg [dreg:$0x5];
	[sflag:s26] =	ssyncadd.s32 $0xFFFFC000  }
0xe5: {  	[tilespmem:s23], [sflag:$0x1] =	stream.indirect.gather [hbm4b:s4+s22], $0x80, s10, s22, $0xb8;
	[tilespmem:$0x1C900] =	vst v63  }
0xe6: {  	_ =	swait.ge [sflag:s25], $0x4000  }
0xe7: {  	[sflag:s25] =	ssyncset.done $0x0  }
0xe8: {  	s12 =	rddreg [dreg:$0x6];
	[sflag:s25] =	ssyncadd.s32 $0xFFFFC000  }
0xe9: {  	[spmem:s2] =	stream.indirect.scatter.add.f32 [tilespmem:s24], [sflag:$0x2], $0x80, s12, s22, $0xb8;
	[tilespmem:$0x1C900] =	vst v63  }
0xea: {  	_ =	swait.ge [sflag:s26], $0x4000  }
0xeb: {  	[sflag:s26] =	ssyncset.done $0x0  }
0xec: {  	s11 =	rddreg [dreg:$0x7];
	[sflag:s26] =	ssyncadd.s32 $0xFFFFC000  }
0xed: {  	[tilespmem:s24], [sflag:$0x1] =	stream.indirect.gather [hbm4b:s4+s22], $0x80, s11, s22, $0xb8;
	[tilespmem:$0x1C900] =	vst v63  }
0xee: {  	_ =	swait.ge [sflag:s25], $0x4000  }
0xef: {  	[sflag:s25] =	ssyncset.done $0x0  }
0xf0: {  	s12 =	rddreg [dreg:$0x8];
	[sflag:s25] =	ssyncadd.s32 $0xFFFFC000  }
0xf1: {  	[spmem:s2] =	stream.indirect.scatter.add.f32 [tilespmem:s23], [sflag:$0x2], $0x80, s12, s22, $0xb8;
	[tilespmem:$0x1C900] =	vst v63  }
0xf2: {  	_ =	swait.ge [sflag:s26], $0x4000  }
0xf3: {  	[sflag:s26] =	ssyncset.done $0x0  }
0xf4: {  	s11 =	rddreg [dreg:$0x9];
	[sflag:s26] =	ssyncadd.s32 $0xFFFFC000  }
0xf5: {  	[tilespmem:s23], [sflag:$0x1] =	stream.indirect.gather [hbm4b:s4+s22], $0x80, s11, s22, $0xb8;
	[tilespmem:$0x1C900] =	vst v63  }
0xf6: {  	_ =	swait.ge [sflag:s25], $0x4000  }
0xf7: {  	[sflag:s25] =	ssyncset.done $0x0  }
0xf8: {  	s12 =	rddreg [dreg:$0xa];
	[sflag:s25] =	ssyncadd.s32 $0xFFFFC000  }
0xf9: {  	[spmem:s2] =	stream.indirect.scatter.add.f32 [tilespmem:s24], [sflag:$0x2], $0x80, s12, s22, $0xb8;
	[tilespmem:$0x1C900] =	vst v63  }
0xfa: {  	_ =	swait.ge [sflag:s26], $0x4000  }
0xfb: {  	[sflag:s26] =	ssyncset.done $0x0  }
0xfc: {  	s11 =	rddreg [dreg:$0xb];
	[sflag:s26] =	ssyncadd.s32 $0xFFFFC000  }
0xfd: {  	[tilespmem:s24], [sflag:$0x1] =	stream.indirect.gather [hbm4b:s4+s22], $0x80, s11, s22, $0xb8;
	[tilespmem:$0x1C900] =	vst v63  }
0xfe: {  	_ =	swait.ge [sflag:s25], $0x4000  }
0xff: {  	[sflag:s25] =	ssyncset.done $0x0  }
0x100: {  	s12 =	rddreg [dreg:$0xc];
	[sflag:s25] =	ssyncadd.s32 $0xFFFFC000  }
0x101: {  	[spmem:s2] =	stream.indirect.scatter.add.f32 [tilespmem:s23], [sflag:$0x2], $0x80, s12, s22, $0xb8;
	[tilespmem:$0x1C900] =	vst v63  }
0x102: {  	_ =	swait.ge [sflag:s26], $0x4000  }
0x103: {  	[sflag:s26] =	ssyncset.done $0x0  }
0x104: {  	s11 =	rddreg [dreg:$0xd];
	[sflag:s26] =	ssyncadd.s32 $0xFFFFC000  }
0x105: {  	[tilespmem:s23], [sflag:$0x1] =	stream.indirect.gather [hbm4b:s4+s22], $0x80, s11, s22, $0xb8;
	[tilespmem:$0x1C900] =	vst v63  }
0x106: {  	_ =	swait.ge [sflag:s25], $0x4000  }
0x107: {  	[sflag:s25] =	ssyncset.done $0x0  }
0x108: {  	s12 =	rddreg [dreg:$0xe];
	[sflag:s25] =	ssyncadd.s32 $0xFFFFC000  }
0x109: {  	[spmem:s2] =	stream.indirect.scatter.add.f32 [tilespmem:s24], [sflag:$0x2], $0x80, s12, s22, $0xb8;
	[tilespmem:$0x1C900] =	vst v63  }
0x10a: {  	_ =	swait.ge [sflag:s26], $0x4000  }
0x10b: {  	[sflag:s26] =	ssyncset.done $0x0  }
0x10c: {  	s11 =	rddreg [dreg:$0xf];
	[sflag:s26] =	ssyncadd.s32 $0xFFFFC000  }
0x10d: {  	[tilespmem:s24], [sflag:$0x1] =	stream.indirect.gather [hbm4b:s4+s22], $0x80, s11, s22, $0xb8;
	[tilespmem:$0x1C900] =	vst v63  }
0x10e: {  	_ =	swait.ge [sflag:s25], $0x4000  }
0x10f: {  	[sflag:s25] =	ssyncset.done $0x0  }
0x110: {  	s12 =	rddreg [dreg:$0x10];
	[sflag:s25] =	ssyncadd.s32 $0xFFFFC000  }
0x111: {  	[spmem:s2] =	stream.indirect.scatter.add.f32 [tilespmem:s23], [sflag:$0x2], $0x80, s12, s22, $0xb8;
	[tilespmem:$0x1C900] =	vst v63  }
0x112: {  	_ =	swait.ge [sflag:s25], $0x4000  }
0x113: {  	[sflag:s25] =	ssyncset.done $0x0  }
0x114: {  	s11 =	rddreg [dreg:$0x11];
	[sflag:s25] =	ssyncadd.s32 $0xFFFFC000  }
0x115: {  	[spmem:s2] =	stream.indirect.scatter.add.f32 [tilespmem:s24], [sflag:$0x2], $0x80, s11, s22, $0xb8;
	[tilespmem:$0x1C900] =	vst v63  }
0x116: {  	_ =	swait.ge [sflag:s26], $0x4000  }
0x117: {  	[sflag:s26] =	ssyncset.done $0x0  }
0x118: {  	[sflag:s26] =	ssyncadd.s32 $0xFFFFC000  }
0x119: {  	_ =	swait.ge [sflag:s21], $0x400  }
0x11a: {  	[sflag:s21] =	ssyncset.done $0x0  }
0x11b: {  	[sflag:s21] =	ssyncadd.s32 $0xFFFFFC00  }
0x11c: {  	_ =	swait.ge [sflag:s21], $0x400  }
0x11d: {  	[sflag:s21] =	ssyncset.done $0x0  }
0x11e: {  	[sflag:s21] =	ssyncadd.s32 $0xFFFFFC00  }
0x11f: {  	[tilespmem:s23], [sflag:$0x1] =	stream.indirect.gather [hbm4b:s4+s22], $0x80, s19, s22, $0xb8;
	[tilespmem:$0x1C900] =	vst v63  }
0x120: {  	s9 =	smov.u32 s8;
	_ =	swait.ge [sflag:s26], $0x4000  }
0x121: {  	s11 =	smin.u32 s9, $0x7;
	s12 =	rddreg [dreg:$0x3]  }
0x122: {  	s10 =	sadd.s32 s11, s12  }
0x123: {  	[sflag:s26] =	ssyncset.done $0x0;
	s10 =	sshll.u32 s10, $0x7  }
0x124: {  	[sflag:s26] =	ssyncadd.s32 $0xFFFFC000;
	s12 =	sadd.s32 s5, s10  }
0x125: {  	[tilespmem:s3], [sflag:$0x3] =	stream.linear.gather [hbm4b:s12+s3], $0x400, $0x38;
	[tilespmem:$0x1C900] =	vst v63  }
0x126: {  	s10 =	sadd.s32 s6, s10  }
0x127: {  	[tilespmem:s18], [sflag:$0x3] =	stream.linear.gather [hbm4b:s10+s3], $0x400, $0x38;
	[tilespmem:$0x1C900] =	vst v63  }
0x128: {  	s12 =	rddreg [dreg:$0x12]  }
0x129: {  	[tilespmem:s24], [sflag:$0x1] =	stream.indirect.gather [hbm4b:s4+s22], $0x80, s12, s22, $0xb8;
	[tilespmem:$0x1C900] =	vst v63  }
0x12a: {  	_ =	swait.ge [sflag:s25], $0x4000  }
0x12b: {  	[sflag:s25] =	ssyncset.done $0x0  }
0x12c: {  	[sflag:s25] =	ssyncadd.s32 $0xFFFFC000  }
0x12d: {  	[spmem:s2] =	stream.indirect.scatter.add.f32 [tilespmem:s23], [sflag:$0x2], $0x80, s20, s22, $0xb8;
	[tilespmem:$0x1C900] =	vst v63  }
0x12e: {  	_ =	swait.ge [sflag:s26], $0x4000  }
0x12f: {  	[sflag:s26] =	ssyncset.done $0x0  }
0x130: {  	s11 =	rddreg [dreg:$0x13];
	[sflag:s26] =	ssyncadd.s32 $0xFFFFC000  }
0x131: {  	[tilespmem:s23], [sflag:$0x1] =	stream.indirect.gather [hbm4b:s4+s22], $0x80, s11, s22, $0xb8;
	[tilespmem:$0x1C900] =	vst v63  }
0x132: {  	_ =	swait.ge [sflag:s25], $0x4000  }
0x133: {  	[sflag:s25] =	ssyncset.done $0x0  }
0x134: {  	s12 =	rddreg [dreg:$0x14];
	[sflag:s25] =	ssyncadd.s32 $0xFFFFC000  }
0x135: {  	[spmem:s2] =	stream.indirect.scatter.add.f32 [tilespmem:s24], [sflag:$0x2], $0x80, s12, s22, $0xb8;
	[tilespmem:$0x1C900] =	vst v63  }
0x136: {  	_ =	swait.ge [sflag:s26], $0x4000  }
0x137: {  	[sflag:s26] =	ssyncset.done $0x0  }
0x138: {  	s11 =	rddreg [dreg:$0x15];
	[sflag:s26] =	ssyncadd.s32 $0xFFFFC000  }
0x139: {  	[tilespmem:s24], [sflag:$0x1] =	stream.indirect.gather [hbm4b:s4+s22], $0x80, s11, s22, $0xb8;
	[tilespmem:$0x1C900] =	vst v63  }
0x13a: {  	_ =	swait.ge [sflag:s25], $0x4000  }
0x13b: {  	[sflag:s25] =	ssyncset.done $0x0  }
0x13c: {  	s12 =	rddreg [dreg:$0x16];
	[sflag:s25] =	ssyncadd.s32 $0xFFFFC000  }
0x13d: {  	[spmem:s2] =	stream.indirect.scatter.add.f32 [tilespmem:s23], [sflag:$0x2], $0x80, s12, s22, $0xb8;
	[tilespmem:$0x1C900] =	vst v63  }
0x13e: {  	_ =	swait.ge [sflag:s26], $0x4000  }
0x13f: {  	[sflag:s26] =	ssyncset.done $0x0  }
0x140: {  	s11 =	rddreg [dreg:$0x17];
	[sflag:s26] =	ssyncadd.s32 $0xFFFFC000  }
0x141: {  	[tilespmem:s23], [sflag:$0x1] =	stream.indirect.gather [hbm4b:s4+s22], $0x80, s11, s22, $0xb8;
	[tilespmem:$0x1C900] =	vst v63  }
0x142: {  	_ =	swait.ge [sflag:s25], $0x4000  }
0x143: {  	[sflag:s25] =	ssyncset.done $0x0  }
0x144: {  	s12 =	rddreg [dreg:$0x18];
	[sflag:s25] =	ssyncadd.s32 $0xFFFFC000  }
0x145: {  	[spmem:s2] =	stream.indirect.scatter.add.f32 [tilespmem:s24], [sflag:$0x2], $0x80, s12, s22, $0xb8;
	[tilespmem:$0x1C900] =	vst v63  }
0x146: {  	_ =	swait.ge [sflag:s26], $0x4000  }
0x147: {  	[sflag:s26] =	ssyncset.done $0x0  }
0x148: {  	s11 =	rddreg [dreg:$0x19];
	[sflag:s26] =	ssyncadd.s32 $0xFFFFC000  }
0x149: {  	[tilespmem:s24], [sflag:$0x1] =	stream.indirect.gather [hbm4b:s4+s22], $0x80, s11, s22, $0xb8;
	[tilespmem:$0x1C900] =	vst v63  }
0x14a: {  	_ =	swait.ge [sflag:s25], $0x4000  }
0x14b: {  	[sflag:s25] =	ssyncset.done $0x0  }
0x14c: {  	s12 =	rddreg [dreg:$0x1a];
	[sflag:s25] =	ssyncadd.s32 $0xFFFFC000  }
0x14d: {  	[spmem:s2] =	stream.indirect.scatter.add.f32 [tilespmem:s23], [sflag:$0x2], $0x80, s12, s22, $0xb8;
	[tilespmem:$0x1C900] =	vst v63  }
0x14e: {  	_ =	swait.ge [sflag:s26], $0x4000  }
0x14f: {  	[sflag:s26] =	ssyncset.done $0x0  }
0x150: {  	s11 =	rddreg [dreg:$0x1b];
	[sflag:s26] =	ssyncadd.s32 $0xFFFFC000  }
0x151: {  	[tilespmem:s23], [sflag:$0x1] =	stream.indirect.gather [hbm4b:s4+s22], $0x80, s11, s22, $0xb8;
	[tilespmem:$0x1C900] =	vst v63  }
0x152: {  	_ =	swait.ge [sflag:s25], $0x4000  }
0x153: {  	[sflag:s25] =	ssyncset.done $0x0  }
0x154: {  	s12 =	rddreg [dreg:$0x1c];
	[sflag:s25] =	ssyncadd.s32 $0xFFFFC000  }
0x155: {  	[spmem:s2] =	stream.indirect.scatter.add.f32 [tilespmem:s24], [sflag:$0x2], $0x80, s12, s22, $0xb8;
	[tilespmem:$0x1C900] =	vst v63  }
0x156: {  	_ =	swait.ge [sflag:s26], $0x4000  }
0x157: {  	[sflag:s26] =	ssyncset.done $0x0  }
0x158: {  	[sflag:s26] =	ssyncadd.s32 $0xFFFFC000  }
0x159: {  	[tilespmem:s24], [sflag:$0x1] =	stream.indirect.gather [hbm4b:s4+s22], $0x80, s28, s22, $0xb8;
	[tilespmem:$0x1C900] =	vst v63  }
0x15a: {  	_ =	swait.ge [sflag:s25], $0x4000  }
0x15b: {  	[sflag:s25] =	ssyncset.done $0x0  }
0x15c: {  	[sflag:s25] =	ssyncadd.s32 $0xFFFFC000  }
0x15d: {  	[spmem:s2] =	stream.indirect.scatter.add.f32 [tilespmem:s23], [sflag:$0x2], $0x80, s29, s22, $0xb8;
	[tilespmem:$0x1C900] =	vst v63  }
0x15e: {  	_ =	swait.ge [sflag:s25], $0x4000  }
0x15f: {  	[sflag:s25] =	ssyncset.done $0x0  }
0x160: {  	[sflag:s25] =	ssyncadd.s32 $0xFFFFC000  }
0x161: {  	[spmem:s2] =	stream.indirect.scatter.add.f32 [tilespmem:s24], [sflag:$0x2], $0x80, s30, s22, $0xb8;
	[tilespmem:$0x1C900] =	vst v63  }
0x162: {  	_ =	swait.ge [sflag:s26], $0x4000  }
0x163: {  	p2 =	seq.s32 s9, $0x8;
	[sflag:s26] =	ssyncset.done $0x0  }
0x164: {  	s10 =	simm.s32 @!p2 $0x3;
	[sflag:s26] =	ssyncadd.s32 $0xFFFFC000  }
0x165: {  	_ =	swait.ge @!p2 [sflag:s10], $0x400  }
0x166: {  	[sflag:s10] =	ssyncset.done @!p2 $0x0  }
0x167: {  	[sflag:s10] =	ssyncadd.s32 @!p2 $0xFFFFFC00  }
0x168: {  	_ =	swait.ge @!p2 [sflag:s10], $0x400  }
0x169: {  	s8 =	sadd.s32 $0x2, s8;
	s11 =	simm.s32 @!p2 $0x1000;
	[sflag:s10] =	ssyncset.done @!p2 $0x0  }
0x16a: {  	s12 =	simm.s32 @!p2 $0x0;
	[sflag:s10] =	ssyncadd.s32 @!p2 $0xFFFFFC00;
	s10 =	simm.s32 @!p2 $0x80  }
0x16b: {  	[tilespmem:s11], [sflag:$0x1] =	stream.indirect.gather @!p2 [hbm4b:s4+s10], $0x80, s12, s10, $0xb8;
	[tilespmem:$0x1C900] =	vst v63  }
0x16c: {  	p1 =	sne.s32 s8, $0xA;
	_ =	swait.ge [sflag:s26], $0x4000  }
.Ltmp0:
0x16d: {  	s9 =	smin.u32 s9, $0x6;
	s11 =	rddreg [dreg:$0x4];
	(pc) =	sbr.rel @p1 .LBB2_2-.Ltmp0, $4  }
0x16e: {  	s9 =	sadd.s32 s9, s11  }
0x16f: {  	[sflag:s26] =	ssyncset.done $0x0;
	s9 =	sshll.u32 s9, $0x7  }
0x170: {  	[sflag:s26] =	ssyncadd.s32 $0xFFFFC000;
	s12 =	sadd.s32 s5, s9;
	s9 =	sadd.s32 s6, s9  }
0x171: {  	[tilespmem:s19], [sflag:$0x3] =	stream.linear.gather [hbm4b:s12+s3], $0x400, $0x38;
	[tilespmem:$0x1C900] =	vst v63  }
0x172: {  	[tilespmem:s20], [sflag:$0x3] =	stream.linear.gather [hbm4b:s9+s3], $0x400, $0x38;
	[tilespmem:$0x1C900] =	vst v63  }
0x173: {  	_ =	swait.ge [sflag:s21], $0x400  }
0x174: {  	[sflag:s21] =	ssyncset.done $0x0  }
0x175: {  	[sflag:s21] =	ssyncadd.s32 $0xFFFFFC00  }
0x176: {  	_ =	swait.ge [sflag:s21], $0x400  }
0x177: {  	[sflag:s21] =	ssyncset.done $0x0  }
0x178: {  	[sflag:s21] =	ssyncadd.s32 $0xFFFFFC00  }
0x179: {  	_ =	swait.ge [sflag:s21], $0x400  }
0x17a: {  	[sflag:s21] =	ssyncset.done $0x0  }
0x17b: {  	[sflag:s21] =	ssyncadd.s32 $0xFFFFFC00  }
0x17c: {  	_ =	swait.ge [sflag:s21], $0x400  }
0x17d: {  	[sflag:s21] =	ssyncset.done $0x0  }
0x17e: {  	[sflag:s21] =	ssyncadd.s32 $0xFFFFFC00  }
0x17f: {  	s8 =	simm.s32 @p0 $0x1FC4;
	[bflag:$0x0] =	sbarrier.arrive $0xFFFF  }
0x180: {  	[hbm:s16], [sflag:s8] =	dma.local @p0 [spmem:s0], $0x2800  }
0x181: {  	s0 =	simm.s32 @p0 $0x4  }
0x182: {  	s31 =	sadd.s32 $0x1, s31;
	_ =	swait.ge @p0 [sflag:s0], $0x2800  }
0x183: {  	p1 =	sne.s32 s31, s17;
	[sflag:s0] =	ssyncset.done @p0 $0x0  }
.Ltmp1:
0x184: {  	[sflag:s0] =	ssyncadd.s32 @p0 $0xFFFFD800;
	s0 =	simm.s32 @!p0 $0x4;
	(pc) =	sbr.rel @p1 .LBB2_1-.Ltmp1, $4  }
0x185: {  	[hbm:s15], [sflag:s1] =	dma.local @!p0 [spmem:s7], $0x2700  }
0x186: {  	_ =	swait.ge @!p0 [sflag:s0], $0x2700  }
0x187: {  	[sflag:s0] =	ssyncset.done @!p0 $0x0  }
0x188: {  	[sflag:s0] =	ssyncadd.s32 @!p0 $0xFFFFD900  }
0x189: {  	_ =	sfence.sel $0x180000  }
0x18a: {  	[bflag:$0x0] =	sbarrier.arrive $0xFFFF  }
0x18b: {  	_ =	strace $0x9000004A  }
0x18c: {  	s0 =	stileid.u32;
	[bflag:$0x2] =	sbarrier.arrive $0xFFFF  }
0x18d: {  	p0 =	sne.s32 s0, $0x0;
	s0 =	rddreg [dreg:$0x2]  }
0x18e: {  	s0 =	sadd.s32 @!p0 $0x100000, s0  }
0x18f: {  	[sflag:s0] =	ssyncadd.tile.s32 @!p0 $0x1;
	_ =	shalt  }
.Lfunc_end2:
_tile_overlayer_lowered:
.L_overlay_start_2:
0x190: {  	(tag) =	ssettag $0x2  }
0x191: {  	s0 =	rddreg [dreg:$0x0];
	s2 =	stileid.u32  }
0x192: {  	s1 =	rddreg [dreg:$0x1];
	p0 =	sne.s32 s2, $0x0  }
0x193: {  	s3 =	rddreg [dreg:$0x2];
	[bflag:$0x3] =	sbarrier.arrive $0xFFFF;
	s2 =	simm.s32 @!p0 $0x1C04  }
0x194: {  	[timem:s3], [sflag:s2] =	dma.local @!p0 [hbm:s0], s1  }
0x195: {  	s0 =	simm.s32 @!p0 $0x4  }
0x196: {  	_ =	swait.ge @!p0 [sflag:s0], s1  }
0x197: {  	s1 =	ssub.s32 @!p0 $0x0, s1;
	[sflag:s0] =	ssyncset.done @!p0 $0x0  }
0x198: {  	[sflag:s0] =	ssyncadd.s32 @!p0 s1  }
0x199: {  	[bflag:$0x3] =	sbarrier.arrive $0xFFFF  }
0x19a: {  	_ =	shalt  }

// kernel: kernel.15.cloned.1.call-start
scs
__scs_entry_jumppad:
0x0: {  	(pc) =	sbr.rel $0x88, $3  }
0x1: {  	(tag) =	ssettag $0x0;
	lr =	simm.s32 $0x1  }
0x2: {  	[smem:$0x3F70] =	sst lr;
	_ =	strace $0xD0000000  }
0x3: {  	_ = 	snop  }
0x4: {  	_ = 	snop  }
0x5: {  	_ = 	snop  }
0x6: {  	_ = 	snop  }
0x7: {  	_ = 	snop  }
__scs_overlays_trampoline_lowered:
0x8: {  	[smem:$0x3F7F] =	sst s0  }
0x9: {  	[smem:$0x3F80] =	sst s1  }
0xa: {  	[smem:$0x3F81] =	sst s2  }
0xb: {  	[smem:$0x3F82] =	sst s3  }
0xc: {  	[smem:$0x3F83] =	sst s4  }
0xd: {  	[smem:$0x3F84] =	sst s5  }
0xe: {  	[smem:$0x3F85] =	sst s6  }
0xf: {  	[smem:$0x3F86] =	sst s7  }
0x10: {  	[smem:$0x3F87] =	sst s8  }
0x11: {  	[smem:$0x3F88] =	sst s9;
	s0 =	simm.s32 @!p0 $0x0  }
0x12: {  	s1 =	sld [smem:$0x3F6E];
	s0 =	simm.s32 @p0 $0x1  }
0x13: {  	[smem:$0x3F89] =	sst s0;
	s0 =	simm.s32 @!p1 $0x0  }
0x14: {  	s2 =	sld [smem:$0x3F6D];
	s0 =	simm.s32 @p1 $0x1  }
0x15: {  	[smem:$0x3F8A] =	sst s0;
	s0 =	simm.s32 @!p2 $0x0  }
0x16: {  	s3 =	sld [smem:$0x3FDB];
	s0 =	simm.s32 @p2 $0x1  }
0x17: {  	s4 =	simm.s32 $0x1BF5;
	[smem:$0x3F8C] =	sst s0  }
0x18: {  	s0 =	sld [smem:$0x3F6F];
	_ =	swait.ge [sflag:s4], $0x0  }
0x19: {  	s7 =	sld [smem:$0x3F70]  }
0x1a: {  	s8 =	sadd.s32 $0xFFFFE003, lr  }
0x1b: {  	s9 =	sadd.s32 $0xFFFFFEF7, lr;
	s5 =	simm.s32 $0xFFFFFFFF;
	p2 =	slt.u32 s8, $0xFFFFF086  }
0x1c: {  	p1 =	slt.u32 s9, $0xF7A;
	s5 =	simm.s32 @!p2 $0x0  }
0x1d: {  	s5 =	simm.s32 @p1 $0x1;
	p0 =	seq.s32 s7, s2  }
0x1e: {  	s7 =	smul.u32 @!p0 $0xF7A, s2;
	p2 =	seq.s32 @!p0 s5, $0x0  }
0x1f: {  	s9 =	smul.u32 $0xF7A, s1;
	s8 =	simm.s32 @!p0 $0x1BF5;
	p2 =	por !p2, p0  }
0x20: {  	[sflag:s8] =	ssyncset.s32 @!p0 $0xFFFFF086;
	s6 =	sadd.s32 @!p0 s3, s7;
	s7 =	simm.s32 @!p0 $0x108  }
0x21: {  	s3 =	sadd.s32 s3, s9;
	s6 =	sadd.s32 @!p0 $0x88, s6;
	s7 =	simm.s32 @p2 $0x1082  }
0x22: {  	[simem:s7], [sflag:s8] =	dma.local @!p0 [hbm:s6], $0xF7A  }
0x23: {  	s9 =	sor.u32 $0xD0000000, s2;
	s6 =	simm.s32 $0x108;
	_ =	swait.ge @!p0 [sflag:s8], $0x0  }
0x24: {  	s3 =	sadd.s32 $0x88, s3;
	s6 =	simm.s32 @!p1 $0x1082;
	[sflag:s4] =	ssyncset.s32 $0xFFFFF086  }
0x25: {  	[simem:s6], [sflag:s4] =	dma.local [hbm:s3], $0xF7A  }
0x26: {  	[smem:$0x3F70] =	sst s1;
	(tag) =	ssettag s2;
	_ =	strace s9  }
0x27: {  	s1 =	sld [smem:$0x3F80]  }
0x28: {  	s2 =	sld [smem:$0x3F81]  }
0x29: {  	s4 =	sld [smem:$0x3F83]  }
0x2a: {  	p0 =	seq.s32 s5, $0x0;
	s5 =	sld [smem:$0x3F84]  }
0x2b: {  	s6 =	sld [smem:$0x3F85]  }
0x2c: {  	s7 =	sld [smem:$0x3F86]  }
0x2d: {  	s3 =	simm.s32 $0x108;
	s8 =	sld [smem:$0x3F87]  }
0x2e: {  	s3 =	simm.s32 @!p0 $0x1082;
	s9 =	sld [smem:$0x3F88]  }
0x2f: {  	lr =	sadd.s32 s0, s3;
	s0 =	sld [smem:$0x3F7F]  }
0x30: {  	s3 =	sld [smem:$0x3F82]  }
0x31: {  	[smem:$0x3F8B] =	sst s10  }
0x32: {  	s10 =	sld [smem:$0x3F89];
	_ =	sdelay $0x3  }
0x33: {  	p0 =	seq.s32 s10, $0x1;
	s10 =	sld [smem:$0x3F8B];
	_ =	sdelay $0x3  }
0x34: {  	[smem:$0x3F8B] =	sst s10  }
0x35: {  	s10 =	sld [smem:$0x3F8A];
	_ =	sdelay $0x3  }
0x36: {  	p1 =	seq.s32 s10, $0x1;
	s10 =	sld [smem:$0x3F8B];
	_ =	sdelay $0x3  }
0x37: {  	[smem:$0x3F8B] =	sst s10  }
0x38: {  	s10 =	sld [smem:$0x3F8C]  }
0x39: {  	_ = 	snop;
	(pc) =	sbr.ind lr, $3  }
0x3a: {  	_ = 	snop  }
0x3b: {  	_ = 	snop  }
0x3c: {  	p2 =	seq.s32 s10, $0x1;
	s10 =	sld [smem:$0x3F8B]  }
0x3d: {  	_ =	shalt  }
0x3e: {  	_ =	shalt  }
0x3f: {  	_ =	shalt  }
0x40: {  	_ =	shalt  }
0x41: {  	_ =	shalt  }
0x42: {  	_ =	shalt  }
0x43: {  	_ =	shalt  }
0x44: {  	_ =	shalt  }
0x45: {  	_ =	shalt  }
0x46: {  	_ =	shalt  }
0x47: {  	_ =	shalt  }
0x48: {  	_ =	shalt  }
0x49: {  	_ =	shalt  }
0x4a: {  	_ =	shalt  }
0x4b: {  	_ =	shalt  }
0x4c: {  	_ =	shalt  }
0x4d: {  	_ =	shalt  }
0x4e: {  	_ =	shalt  }
0x4f: {  	_ =	shalt  }
0x50: {  	_ =	shalt  }
0x51: {  	_ =	shalt  }
0x52: {  	_ =	shalt  }
0x53: {  	_ =	shalt  }
0x54: {  	_ =	shalt  }
0x55: {  	_ =	shalt  }
0x56: {  	_ =	shalt  }
0x57: {  	_ =	shalt  }
0x58: {  	_ =	shalt  }
0x59: {  	_ =	shalt  }
0x5a: {  	_ =	shalt  }
0x5b: {  	_ =	shalt  }
0x5c: {  	_ =	shalt  }
0x5d: {  	_ =	shalt  }
0x5e: {  	_ =	shalt  }
0x5f: {  	_ =	shalt  }
0x60: {  	_ =	shalt  }
0x61: {  	_ =	shalt  }
0x62: {  	_ =	shalt  }
0x63: {  	_ =	shalt  }
0x64: {  	_ =	shalt  }
0x65: {  	_ =	shalt  }
0x66: {  	_ =	shalt  }
0x67: {  	_ =	shalt  }
0x68: {  	_ =	shalt  }
0x69: {  	_ =	shalt  }
0x6a: {  	_ =	shalt  }
0x6b: {  	_ =	shalt  }
0x6c: {  	_ =	shalt  }
0x6d: {  	_ =	shalt  }
0x6e: {  	_ =	shalt  }
0x6f: {  	_ =	shalt  }
0x70: {  	_ =	shalt  }
0x71: {  	_ =	shalt  }
0x72: {  	_ =	shalt  }
0x73: {  	_ =	shalt  }
0x74: {  	_ =	shalt  }
0x75: {  	_ =	shalt  }
0x76: {  	_ =	shalt  }
0x77: {  	_ =	shalt  }
0x78: {  	_ =	shalt  }
0x79: {  	_ =	shalt  }
0x7a: {  	_ =	shalt  }
0x7b: {  	_ =	shalt  }
0x7c: {  	_ =	shalt  }
0x7d: {  	_ =	shalt  }
0x7e: {  	_ =	shalt  }
0x7f: {  	_ =	shalt  }
0x80: {  	_ =	shalt  }
0x81: {  	_ =	shalt  }
0x82: {  	_ =	shalt  }
0x83: {  	_ =	shalt  }
0x84: {  	_ =	shalt  }
0x85: {  	_ =	shalt  }
0x86: {  	_ =	shalt  }
0x87: {  	_ =	shalt  }
.Lfunc_end0:
.L_simem_size_0:
called_computation.2_lowered:
.L_overlay_start_0:
0x88: {  	s2 =	sld [smem:$0x3FD9]  }
0x89: {  	s3 =	sld [smem:$0x3FFE];
	_ =	sdelay $0x1  }
0x8a: {  	s1 =	srdreg.scid  }
0x8b: {  	s0 =	sand.u32 $0x1, s1  }
0x8c: {  	s16 =	sshll.u32 s0, $0xA;
	s2 =	sadd.s32 s3, s2  }
0x8d: {  	s2 =	sadd.s32 s2, s16  }
0x8e: {  	[smem:$0x3F97] =	sst s2  }
0x8f: {  	_ = 	snop  }
0x90: {  	(tm) =	ssettm $0x1  }
0x91: {  	s17 =	sld [smem:$0x3FFB];
	_ =	sdelay $0x3  }
0x92: {  	_ =	strace s17  }
0x93: {  	s2 =	sld [smem:$0x3FFC];
	_ =	sdelay $0x3  }
0x94: {  	_ =	strace s2  }
0x95: {  	s2 =	sld [smem:$0x3FFD];
	_ =	sdelay $0x3  }
0x96: {  	_ =	strace s2  }
0x97: {  	_ =	strace $0x8FFFFFFF  }
0x98: {  	s18 =	sld [smem:$0x3FDB];
	_ =	sdelay $0x1  }
0x99: {  	s19 =	simm.s32 $_scs_section_size  }
0x9a: {  	s4 =	simm.s32 $_size__tile_overlayer_lowered;
	s5 =	simm.s32 $_tile_overlayer_lowered  }
0x9b: {  	s22 =	simm.s32 $0x1BFF;
	s21 =	sshll.u32 s5, $0x1;
	s2 =	sadd.s32 s19, s18  }
0x9c: {  	s6 =	simm.s32 $0x0;
	s20 =	sshll.u32 s4, $0x1;
	s4 =	sadd.s32 s21, s2  }
0x9d: {  	[timem:s6], [sflag:s22] =	dma.local [hbm:s4], s20  }
0x9e: {  	_ =	swait.ge [sflag:s22], s20  }
0x9f: {  	s3 =	ssub.s32 $0x0, s20;
	[sflag:s22] =	ssyncset.done $0x0  }
0xa0: {  	[sflag:s22] =	ssyncadd.s32 s3;
	_ =	sdelay $0x1  }
0xa1: {  	s23 =	simm.s32 $0x1B8B  }
0xa2: {  	_ =	swait.ge [sflag:s23], $0x1  }
0xa3: {  	[sflag:s23] =	ssyncset.done $0x0  }
0xa4: {  	s25 =	simm.s32 $0x1B8E;
	s24 =	sld [smem:$0x3FFE];
	[sflag:s23] =	ssyncadd.s32 $0xFFFFFFFF  }
0xa5: {  	s26 =	simm.s32 $execute0_lowered;
	[smem:$0x3FD2] =	sst s25  }
0xa6: {  	s4 =	sshll.u32 s26, $0x1;
	_ =	strace $0x8000004C;
	[dreg:$0x1] =	wrdreg $0xFFFFFFFF  }
0xa7: {  	s28 =	simm.s32 $_size_execute0_lowered;
	s2 =	sadd.s32 s2, s4;
	[dreg:$0x0] =	wrdreg $0x0  }
0xa8: {  	s4 =	sshll.u32 s28, $0x1;
	[dreg:$0x2] =	wrdreg s2  }
0xa9: {  	[dreg:$0x3] =	wrdreg s4  }
0xaa: {  	[dreg:$0x4] =	wrdreg $0xC0  }
0xab: {  	_ =	task [dreg:s6], $0x5FFFF  }
0xac: {  	[dreg:$0x1] =	wrdreg $0xFFFFFFFF  }
0xad: {  	[dreg:$0x0] =	wrdreg $0x60  }
0xae: {  	[dreg:$0x2] =	wrdreg s24  }
0xaf: {  	[dreg:$0x3] =	wrdreg $0x90000  }
0xb0: {  	[dreg:$0x4] =	wrdreg $0x9  }
0xb1: {  	_ =	task.clear_ibuf [dreg:s6], $0x5FFFF;
	_ =	strace $0x9000004C  }
0xb2: {  	s29 =	simm.s32 $0x9;
	_ =	strace $0x8000004E  }
0xb3: {  	_ =	swait.ge [sflag:s29], $0x1  }
0xb4: {  	[sflag:s29] =	ssyncadd.s32 $0xFFFFFFFF  }
0xb5: {  	_ =	strace $0x9000004E  }
0xb6: {  	_ =	sfence  }
0xb7: {  	s30 =	sld [smem:$0x0];
	_ =	sdelay $0x2  }
0xb8: {  	s31 =	sshll.u32 s1, $0xD;
	s1 =	sshrl.u32 s1, $0x2  }
0xb9: {  	s3 =	sand.u32 $0x4000, s31;
	s1 =	sadd.s32 s1, s30  }
0xba: {  	s0 =	sor.u32 s3, s0;
	s1 =	sshll.u32 s1, $0x11  }
0xbb: {  	s0 =	sor.u32 s1, s0  }
0xbc: {  	s0 =	sadd.s32 $0x8F2B, s0  }
0xbd: {  	[sflag:s0] =	ssyncadd.remote.s32 $0x1  }
0xbe: {  	_ =	sfence.sel $0xFFFF  }
0xbf: {  	[dreg:$0x0] =	wrdreg $0xFFFFFFFF;
	(pc) =	sbr.abs _section_cstart, $3  }
0xc0: {  	[dreg:$0x1] =	wrdreg $0xFFFFFFFF  }
0xc1: {  	_ =	task.clear_ibuf [dreg:s6], $0x2FFFF;
	_ =	strace $0x9FFFFFFF  }
0xc2: {  	(tm) =	ssettm $0x7FFFFFFF  }
0xc3: {  	_ =	shalt  }
tec
execute0_lowered:
.L_overlay_start_1:
0x0: {  	(tag) =	ssettag $0x1  }
0x1: {  	s0 =	rddreg [dreg:$0x0]  }
0x2: {  	s2 =	rddreg [dreg:$0x1]  }
0x3: {  	s18 =	stileid.u32;
	s1 =	srdreg.scid;
	s3 =	simm.s32 $0x0  }
0x4: {  	s22 =	simm.s32 $0x100;
	s23 =	simm.s32 $0x480;
	s25 =	simm.s32 $0x180  }
0x5: {  	s14 =	simm.s32 $0x500;
	s15 =	simm.s32 $0x200;
	s28 =	simm.s32 $0xB80  }
0x6: {  	s29 =	simm.s32 $0xF00;
	s30 =	simm.s32 $0xF80;
	[smem:$0x7FF] =	sst s3  }
0x7: {  	s31 =	simm.s32 $0x0;
	_ =	strace $0x8000004D;
	[dreg:$0x5] =	wrdreg s22  }
0x8: {  	s7 =	smul.u32 $0x2700, s18;
	s1 =	sand.u32 $0x1, s1;
	[dreg:$0x6] =	wrdreg s23  }
0x9: {  	s9 =	smul.u32 $0x50, s18;
	s4 =	sadd.s32 $0x9400, s0;
	[dreg:$0x7] =	wrdreg s25  }
0xa: {  	s5 =	sadd.s32 $0x31400, s0;
	s6 =	sadd.s32 $0x3B400, s0;
	[dreg:$0x8] =	wrdreg s14  }
0xb: {  	s26 =	smul.u32 $0x4E000, s18;
	[dreg:$0x9] =	wrdreg s15;
	s22 =	simm.s32 $0x600  }
0xc: {  	s8 =	smul.u32 $0x500, s1;
	s23 =	simm.s32 $0x300;
	[dreg:$0xc] =	wrdreg s22  }
0xd: {  	s10 =	ssub.s32 $0x2, s1;
	s25 =	simm.s32 $0x380;
	[dreg:$0xd] =	wrdreg s23  }
0xe: {  	s11 =	sshrl.u32 s10, $0x1;
	[dreg:$0xf] =	wrdreg s25;
	s22 =	simm.s32 $0xD80  }
0xf: {  	s23 =	simm.s32 $0xA80;
	s25 =	simm.s32 $0xB00;
	[dreg:$0x18] =	wrdreg s22  }
0x10: {  	s8 =	sadd.s32 s9, s8;
	s17 =	ssub.s32 s10, s11;
	[dreg:$0x19] =	wrdreg s23  }
0x11: {  	s11 =	sshrl.u32 s26, $0x2;
	s26 =	simm.s32 $0x700;
	[dreg:$0x1b] =	wrdreg s25  }
0x12: {  	s10 =	simm.s32 $0x880;
	s13 =	sshrl.u32 s8, $0x3;
	[dreg:$0x10] =	wrdreg s26  }
0x13: {  	s8 =	sshll.u32 s8, $0x4;
	[dreg:$0x12] =	wrdreg s10;
	s26 =	simm.s32 $0xE80  }
0x14: {  	p0 =	seq.s32 s18, $0xF;
	s19 =	sadd.s32 s5, s8;
	[dreg:$0x1c] =	wrdreg s26  }
0x15: {  	s18 =	simm.s32 $0x400;
	s16 =	sadd.s32 $0x2, s13;
	[dreg:$0x1d] =	wrdreg s19  }
0x16: {  	s15 =	smul.u32 $0x27100, s1;
	s21 =	sadd.s32 s6, s8;
	[dreg:$0x3] =	wrdreg s16  }
0x17: {  	s20 =	sadd.s32 $0x3, s13;
	s8 =	sor.u32 $0x80, s8;
	[dreg:$0x1e] =	wrdreg s21  }
0x18: {  	s14 =	sadd.s32 $0x69D00, s0;
	[dreg:$0x4] =	wrdreg s20;
	s24 =	sadd.s32 s5, s8  }
0x19: {  	s1 =	smul.u32 $0x138800, s1;
	s8 =	sadd.s32 s6, s8;
	[dreg:$0x1f] =	wrdreg s24  }
0x1a: {  	s12 =	sadd.s32 s7, s0;
	s19 =	sadd.s32 s11, s2;
	[smem:$0x7FB] =	sst s8  }
0x1b: {  	s9 =	sadd.s32 $0x6C600, s0;
	s16 =	simm.s32 $0x580;
	[smem:$0x7FC] =	sst s19  }
0x1c: {  	s7 =	sadd.s32 s7, s15;
	s21 =	sadd.s32 $0x45400, s12;
	[dreg:$0xa] =	wrdreg s16  }
0x1d: {  	s1 =	sshrl.u32 s1, $0x3;
	s20 =	simm.s32 $0x280;
	[smem:$0x7FD] =	sst s21  }
0x1e: {  	s22 =	simm.s32 $0x80;
	s11 =	simm.s32 $0x900;
	[dreg:$0xb] =	wrdreg s20  }
0x1f: {  	s23 =	simm.s32 $0x1000;
	s12 =	simm.s32 $0xC80;
	[dreg:$0x13] =	wrdreg s11  }
0x20: {  	s25 =	simm.s32 $0x1;
	s24 =	simm.s32 $0x680;
	[dreg:$0x14] =	wrdreg s12  }
0x21: {  	s15 =	sadd.s32 s9, s7;
	s8 =	simm.s32 $0x780;
	[dreg:$0xe] =	wrdreg s24  }
0x22: {  	s1 =	sadd.s32 s9, s1;
	s19 =	simm.s32 $0x980;
	[dreg:$0x11] =	wrdreg s8  }
0x23: {  	s17 =	smax.u32 s17, $0x1;
	s20 =	simm.s32 $0xD00;
	[dreg:$0x15] =	wrdreg s19  }
0x24: {  	s13 =	sadd.s32 $0x124800, s2;
	s21 =	simm.s32 $0xA00;
	[dreg:$0x16] =	wrdreg s20  }
0x25: {  	s26 =	simm.s32 $0x2;
	s16 =	sadd.s32 $0x24900, s1;
	[dreg:$0x17] =	wrdreg s21  }
0x26: {  	s19 =	simm.s32 $0x800;
	s20 =	simm.s32 $0xC00;
	s24 =	simm.s32 $0xE00  }
0x27: {  	s21 =	simm.s32 $0x3;
	[dreg:$0x1a] =	wrdreg s24;
	s24 =	simm.s32 $0x5000  }
.LBB2_1:
0x28: {  	s0 =	rddreg [dreg:$0x1d]  }
0x29: {  	s1 =	rddreg [dreg:$0x1e]  }
0x2a: {  	[tilespmem:s3], [sflag:$0x3] =	stream.linear.gather [hbm4b:s0+s3], $0x400, $0x38;
	[tilespmem:$0x1C900] =	vst v63  }
0x2b: {  	s7 =	rddreg [dreg:$0x1f]  }
0x2c: {  	[tilespmem:s18], [sflag:$0x3] =	stream.linear.gather [hbm4b:s1+s3], $0x400, $0x38;
	[tilespmem:$0x1C900] =	vst v63  }
0x2d: {  	s8 =	sld [smem:$0x7FB]  }
0x2e: {  	[tilespmem:s19], [sflag:$0x3] =	stream.linear.gather [hbm4b:s7+s3], $0x400, $0x38;
	[tilespmem:$0x1C900] =	vst v63  }
0x2f: {  	_ = 	snop  }
0x30: {  	[tilespmem:s20], [sflag:$0x3] =	stream.linear.gather [hbm4b:s8+s3], $0x400, $0x38;
	[tilespmem:$0x1C900] =	vst v63  }
0x31: {  	_ =	swait.ge [sflag:s21], $0x400  }
0x32: {  	[sflag:s21] =	ssyncset.done $0x0  }
0x33: {  	[sflag:s21] =	ssyncadd.s32 $0xFFFFFC00  }
0x34: {  	_ =	swait.ge [sflag:s21], $0x400  }
0x35: {  	[sflag:s21] =	ssyncset.done $0x0  }
0x36: {  	s0 =	sshrl.u32 @p0 s13, $0x3;
	s1 =	simm.s32 @p0 $0x1FC4;
	[sflag:s21] =	ssyncadd.s32 $0xFFFFFC00  }
0x37: {  	[tilespmem:s23], [sflag:$0x1] =	stream.indirect.gather [hbm4b:s4+s22], $0x80, s3, s22, $0xb8;
	[tilespmem:$0x1C900] =	vst v63  }
0x38: {  	[spmem:s0], [sflag:s1] =	dma.local @p0 [hbm:s14], $0x2900  }
0x39: {  	s1 =	simm.s32 @p0 $0x4  }
0x3a: {  	s7 =	stileid.u32;
	_ =	swait.ge @p0 [sflag:s1], $0x2900  }
0x3b: {  	s7 =	sshll.u32 @!p0 s7, $0x6;
	[sflag:s1] =	ssyncset.done @p0 $0x0  }
0x3c: {  	[sflag:s1] =	ssyncadd.s32 @p0 $0xFFFFD700;
	s1 =	sor.u32 @!p0 $0x1C04, s7;
	s7 =	sld [smem:$0x7FC]  }
0x3d: {  	s8 =	sld [smem:$0x7FD];
	_ =	sdelay $0x1  }
0x3e: {  	s7 =	sshrl.u32 @!p0 s7, $0x3  }
0x3f: {  	[spmem:s7], [sflag:s1] =	dma.local @!p0 [hbm:s8], $0x2700  }
0x40: {  	s8 =	simm.s32 @!p0 $0x4  }
0x41: {  	_ =	swait.ge @!p0 [sflag:s8], $0x2700  }
0x42: {  	[sflag:s8] =	ssyncset.done @!p0 $0x0  }
0x43: {  	[sflag:s8] =	ssyncadd.s32 @!p0 $0xFFFFD900  }
0x44: {  	[bflag:$0x0] =	sbarrier.arrive $0xFFFF  }
0x45: {  	[tilespmem:s24], [sflag:$0x1] =	stream.indirect.gather [hbm4b:s4+s22], $0x80, s22, s22, $0xb8;
	[tilespmem:$0x1C900] =	vst v63  }
0x46: {  	_ =	swait.ge [sflag:s25], $0x4000  }
0x47: {  	[sflag:s25] =	ssyncset.done $0x0  }
0x48: {  	[sflag:s25] =	ssyncadd.s32 $0xFFFFC000  }
0x49: {  	[spmem:s2] =	stream.indirect.scatter.add.f32 [tilespmem:s23], [sflag:$0x2], $0x80, s18, s22, $0xb8;
	[tilespmem:$0x1C900] =	vst v63  }
0x4a: {  	_ =	swait.ge [sflag:s26], $0x4000  }
0x4b: {  	[sflag:s26] =	ssyncset.done $0x0  }
0x4c: {  	s9 =	rddreg [dreg:$0x5];
	[sflag:s26] =	ssyncadd.s32 $0xFFFFC000  }
0x4d: {  	[tilespmem:s23], [sflag:$0x1] =	stream.indirect.gather [hbm4b:s4+s22], $0x80, s9, s22, $0xb8;
	[tilespmem:$0x1C900] =	vst v63  }
0x4e: {  	_ =	swait.ge [sflag:s25], $0x4000  }
0x4f: {  	[sflag:s25] =	ssyncset.done $0x0  }
0x50: {  	s10 =	rddreg [dreg:$0x6];
	[sflag:s25] =	ssyncadd.s32 $0xFFFFC000  }
0x51: {  	[spmem:s2] =	stream.indirect.scatter.add.f32 [tilespmem:s24], [sflag:$0x2], $0x80, s10, s22, $0xb8;
	[tilespmem:$0x1C900] =	vst v63  }
0x52: {  	_ =	swait.ge [sflag:s26], $0x4000  }
0x53: {  	[sflag:s26] =	ssyncset.done $0x0  }
0x54: {  	s11 =	rddreg [dreg:$0x7];
	[sflag:s26] =	ssyncadd.s32 $0xFFFFC000  }
0x55: {  	[tilespmem:s24], [sflag:$0x1] =	stream.indirect.gather [hbm4b:s4+s22], $0x80, s11, s22, $0xb8;
	[tilespmem:$0x1C900] =	vst v63  }
0x56: {  	_ =	swait.ge [sflag:s25], $0x4000  }
0x57: {  	[sflag:s25] =	ssyncset.done $0x0  }
0x58: {  	s12 =	rddreg [dreg:$0x8];
	[sflag:s25] =	ssyncadd.s32 $0xFFFFC000  }
0x59: {  	[spmem:s2] =	stream.indirect.scatter.add.f32 [tilespmem:s23], [sflag:$0x2], $0x80, s12, s22, $0xb8;
	[tilespmem:$0x1C900] =	vst v63  }
0x5a: {  	_ =	swait.ge [sflag:s26], $0x4000  }
0x5b: {  	[sflag:s26] =	ssyncset.done $0x0  }
0x5c: {  	s9 =	rddreg [dreg:$0x9];
	[sflag:s26] =	ssyncadd.s32 $0xFFFFC000  }
0x5d: {  	[tilespmem:s23], [sflag:$0x1] =	stream.indirect.gather [hbm4b:s4+s22], $0x80, s9, s22, $0xb8;
	[tilespmem:$0x1C900] =	vst v63  }
0x5e: {  	_ =	swait.ge [sflag:s25], $0x4000  }
0x5f: {  	[sflag:s25] =	ssyncset.done $0x0  }
0x60: {  	s10 =	rddreg [dreg:$0xa];
	[sflag:s25] =	ssyncadd.s32 $0xFFFFC000  }
0x61: {  	[spmem:s2] =	stream.indirect.scatter.add.f32 [tilespmem:s24], [sflag:$0x2], $0x80, s10, s22, $0xb8;
	[tilespmem:$0x1C900] =	vst v63  }
0x62: {  	_ =	swait.ge [sflag:s26], $0x4000  }
0x63: {  	[sflag:s26] =	ssyncset.done $0x0  }
0x64: {  	s11 =	rddreg [dreg:$0xb];
	[sflag:s26] =	ssyncadd.s32 $0xFFFFC000  }
0x65: {  	[tilespmem:s24], [sflag:$0x1] =	stream.indirect.gather [hbm4b:s4+s22], $0x80, s11, s22, $0xb8;
	[tilespmem:$0x1C900] =	vst v63  }
0x66: {  	_ =	swait.ge [sflag:s25], $0x4000  }
0x67: {  	[sflag:s25] =	ssyncset.done $0x0  }
0x68: {  	s12 =	rddreg [dreg:$0xc];
	[sflag:s25] =	ssyncadd.s32 $0xFFFFC000  }
0x69: {  	[spmem:s2] =	stream.indirect.scatter.add.f32 [tilespmem:s23], [sflag:$0x2], $0x80, s12, s22, $0xb8;
	[tilespmem:$0x1C900] =	vst v63  }
0x6a: {  	_ =	swait.ge [sflag:s26], $0x4000  }
0x6b: {  	[sflag:s26] =	ssyncset.done $0x0  }
0x6c: {  	s9 =	rddreg [dreg:$0xd];
	[sflag:s26] =	ssyncadd.s32 $0xFFFFC000  }
0x6d: {  	[tilespmem:s23], [sflag:$0x1] =	stream.indirect.gather [hbm4b:s4+s22], $0x80, s9, s22, $0xb8;
	[tilespmem:$0x1C900] =	vst v63  }
0x6e: {  	_ =	swait.ge [sflag:s25], $0x4000  }
0x6f: {  	[sflag:s25] =	ssyncset.done $0x0  }
0x70: {  	s10 =	rddreg [dreg:$0xe];
	[sflag:s25] =	ssyncadd.s32 $0xFFFFC000  }
0x71: {  	[spmem:s2] =	stream.indirect.scatter.add.f32 [tilespmem:s24], [sflag:$0x2], $0x80, s10, s22, $0xb8;
	[tilespmem:$0x1C900] =	vst v63  }
0x72: {  	_ =	swait.ge [sflag:s26], $0x4000  }
0x73: {  	[sflag:s26] =	ssyncset.done $0x0  }
0x74: {  	s11 =	rddreg [dreg:$0xf];
	[sflag:s26] =	ssyncadd.s32 $0xFFFFC000  }
0x75: {  	[tilespmem:s24], [sflag:$0x1] =	stream.indirect.gather [hbm4b:s4+s22], $0x80, s11, s22, $0xb8;
	[tilespmem:$0x1C900] =	vst v63  }
0x76: {  	_ =	swait.ge [sflag:s25], $0x4000  }
0x77: {  	[sflag:s25] =	ssyncset.done $0x0  }
0x78: {  	s12 =	rddreg [dreg:$0x10];
	[sflag:s25] =	ssyncadd.s32 $0xFFFFC000  }
0x79: {  	[spmem:s2] =	stream.indirect.scatter.add.f32 [tilespmem:s23], [sflag:$0x2], $0x80, s12, s22, $0xb8;
	[tilespmem:$0x1C900] =	vst v63  }
0x7a: {  	_ =	swait.ge [sflag:s25], $0x4000  }
0x7b: {  	[sflag:s25] =	ssyncset.done $0x0  }
0x7c: {  	s9 =	rddreg [dreg:$0x11];
	[sflag:s25] =	ssyncadd.s32 $0xFFFFC000  }
0x7d: {  	[spmem:s2] =	stream.indirect.scatter.add.f32 [tilespmem:s24], [sflag:$0x2], $0x80, s9, s22, $0xb8;
	[tilespmem:$0x1C900] =	vst v63  }
0x7e: {  	_ =	swait.ge [sflag:s26], $0x4000  }
0x7f: {  	[sflag:s26] =	ssyncset.done $0x0  }
0x80: {  	[sflag:s26] =	ssyncadd.s32 $0xFFFFC000  }
0x81: {  	_ =	swait.ge [sflag:s21], $0x400  }
0x82: {  	[sflag:s21] =	ssyncset.done $0x0  }
0x83: {  	[sflag:s21] =	ssyncadd.s32 $0xFFFFFC00  }
0x84: {  	_ =	swait.ge [sflag:s21], $0x400  }
0x85: {  	[sflag:s21] =	ssyncset.done $0x0  }
0x86: {  	[sflag:s21] =	ssyncadd.s32 $0xFFFFFC00  }
0x87: {  	[tilespmem:s23], [sflag:$0x1] =	stream.indirect.gather [hbm4b:s4+s22], $0x80, s19, s22, $0xb8;
	[tilespmem:$0x1C900] =	vst v63  }
0x88: {  	_ =	swait.ge [sflag:s26], $0x4000  }
0x89: {  	s9 =	smin.u32 s3, $0x7;
	s10 =	rddreg [dreg:$0x3]  }
0x8a: {  	s8 =	sadd.s32 s9, s10  }
0x8b: {  	[sflag:s26] =	ssyncset.done $0x0;
	s8 =	sshll.u32 s8, $0x7  }
0x8c: {  	[sflag:s26] =	ssyncadd.s32 $0xFFFFC000;
	s11 =	sadd.s32 s5, s8  }
0x8d: {  	[tilespmem:s3], [sflag:$0x3] =	stream.linear.gather [hbm4b:s11+s3], $0x400, $0x38;
	[tilespmem:$0x1C900] =	vst v63  }
0x8e: {  	s8 =	sadd.s32 s6, s8  }
0x8f: {  	[tilespmem:s18], [sflag:$0x3] =	stream.linear.gather [hbm4b:s8+s3], $0x400, $0x38;
	[tilespmem:$0x1C900] =	vst v63  }
0x90: {  	s12 =	rddreg [dreg:$0x12]  }
0x91: {  	[tilespmem:s24], [sflag:$0x1] =	stream.indirect.gather [hbm4b:s4+s22], $0x80, s12, s22, $0xb8;
	[tilespmem:$0x1C900] =	vst v63  }
0x92: {  	_ =	swait.ge [sflag:s25], $0x4000  }
0x93: {  	[sflag:s25] =	ssyncset.done $0x0  }
0x94: {  	[sflag:s25] =	ssyncadd.s32 $0xFFFFC000  }
0x95: {  	[spmem:s2] =	stream.indirect.scatter.add.f32 [tilespmem:s23], [sflag:$0x2], $0x80, s20, s22, $0xb8;
	[tilespmem:$0x1C900] =	vst v63  }
0x96: {  	_ =	swait.ge [sflag:s26], $0x4000  }
0x97: {  	[sflag:s26] =	ssyncset.done $0x0  }
0x98: {  	s9 =	rddreg [dreg:$0x13];
	[sflag:s26] =	ssyncadd.s32 $0xFFFFC000  }
0x99: {  	[tilespmem:s23], [sflag:$0x1] =	stream.indirect.gather [hbm4b:s4+s22], $0x80, s9, s22, $0xb8;
	[tilespmem:$0x1C900] =	vst v63  }
0x9a: {  	_ =	swait.ge [sflag:s25], $0x4000  }
0x9b: {  	[sflag:s25] =	ssyncset.done $0x0  }
0x9c: {  	s10 =	rddreg [dreg:$0x14];
	[sflag:s25] =	ssyncadd.s32 $0xFFFFC000  }
0x9d: {  	[spmem:s2] =	stream.indirect.scatter.add.f32 [tilespmem:s24], [sflag:$0x2], $0x80, s10, s22, $0xb8;
	[tilespmem:$0x1C900] =	vst v63  }
0x9e: {  	_ =	swait.ge [sflag:s26], $0x4000  }
0x9f: {  	[sflag:s26] =	ssyncset.done $0x0  }
0xa0: {  	s11 =	rddreg [dreg:$0x15];
	[sflag:s26] =	ssyncadd.s32 $0xFFFFC000  }
0xa1: {  	[tilespmem:s24], [sflag:$0x1] =	stream.indirect.gather [hbm4b:s4+s22], $0x80, s11, s22, $0xb8;
	[tilespmem:$0x1C900] =	vst v63  }
0xa2: {  	_ =	swait.ge [sflag:s25], $0x4000  }
0xa3: {  	[sflag:s25] =	ssyncset.done $0x0  }
0xa4: {  	s12 =	rddreg [dreg:$0x16];
	[sflag:s25] =	ssyncadd.s32 $0xFFFFC000  }
0xa5: {  	[spmem:s2] =	stream.indirect.scatter.add.f32 [tilespmem:s23], [sflag:$0x2], $0x80, s12, s22, $0xb8;
	[tilespmem:$0x1C900] =	vst v63  }
0xa6: {  	_ =	swait.ge [sflag:s26], $0x4000  }
0xa7: {  	[sflag:s26] =	ssyncset.done $0x0  }
0xa8: {  	s9 =	rddreg [dreg:$0x17];
	[sflag:s26] =	ssyncadd.s32 $0xFFFFC000  }
0xa9: {  	[tilespmem:s23], [sflag:$0x1] =	stream.indirect.gather [hbm4b:s4+s22], $0x80, s9, s22, $0xb8;
	[tilespmem:$0x1C900] =	vst v63  }
0xaa: {  	_ =	swait.ge [sflag:s25], $0x4000  }
0xab: {  	[sflag:s25] =	ssyncset.done $0x0  }
0xac: {  	s10 =	rddreg [dreg:$0x18];
	[sflag:s25] =	ssyncadd.s32 $0xFFFFC000  }
0xad: {  	[spmem:s2] =	stream.indirect.scatter.add.f32 [tilespmem:s24], [sflag:$0x2], $0x80, s10, s22, $0xb8;
	[tilespmem:$0x1C900] =	vst v63  }
0xae: {  	_ =	swait.ge [sflag:s26], $0x4000  }
0xaf: {  	[sflag:s26] =	ssyncset.done $0x0  }
0xb0: {  	s11 =	rddreg [dreg:$0x19];
	[sflag:s26] =	ssyncadd.s32 $0xFFFFC000  }
0xb1: {  	[tilespmem:s24], [sflag:$0x1] =	stream.indirect.gather [hbm4b:s4+s22], $0x80, s11, s22, $0xb8;
	[tilespmem:$0x1C900] =	vst v63  }
0xb2: {  	_ =	swait.ge [sflag:s25], $0x4000  }
0xb3: {  	[sflag:s25] =	ssyncset.done $0x0  }
0xb4: {  	s12 =	rddreg [dreg:$0x1a];
	[sflag:s25] =	ssyncadd.s32 $0xFFFFC000  }
0xb5: {  	[spmem:s2] =	stream.indirect.scatter.add.f32 [tilespmem:s23], [sflag:$0x2], $0x80, s12, s22, $0xb8;
	[tilespmem:$0x1C900] =	vst v63  }
0xb6: {  	_ =	swait.ge [sflag:s26], $0x4000  }
0xb7: {  	[sflag:s26] =	ssyncset.done $0x0  }
0xb8: {  	s9 =	rddreg [dreg:$0x1b];
	[sflag:s26] =	ssyncadd.s32 $0xFFFFC000  }
0xb9: {  	[tilespmem:s23], [sflag:$0x1] =	stream.indirect.gather [hbm4b:s4+s22], $0x80, s9, s22, $0xb8;
	[tilespmem:$0x1C900] =	vst v63  }
0xba: {  	_ =	swait.ge [sflag:s25], $0x4000  }
0xbb: {  	[sflag:s25] =	ssyncset.done $0x0  }
0xbc: {  	s10 =	rddreg [dreg:$0x1c];
	[sflag:s25] =	ssyncadd.s32 $0xFFFFC000  }
0xbd: {  	[spmem:s2] =	stream.indirect.scatter.add.f32 [tilespmem:s24], [sflag:$0x2], $0x80, s10, s22, $0xb8;
	[tilespmem:$0x1C900] =	vst v63  }
0xbe: {  	_ =	swait.ge [sflag:s26], $0x4000  }
0xbf: {  	[sflag:s26] =	ssyncset.done $0x0  }
0xc0: {  	[sflag:s26] =	ssyncadd.s32 $0xFFFFC000  }
0xc1: {  	[tilespmem:s24], [sflag:$0x1] =	stream.indirect.gather [hbm4b:s4+s22], $0x80, s28, s22, $0xb8;
	[tilespmem:$0x1C900] =	vst v63  }
0xc2: {  	_ =	swait.ge [sflag:s25], $0x4000  }
0xc3: {  	[sflag:s25] =	ssyncset.done $0x0  }
0xc4: {  	[sflag:s25] =	ssyncadd.s32 $0xFFFFC000  }
0xc5: {  	[spmem:s2] =	stream.indirect.scatter.add.f32 [tilespmem:s23], [sflag:$0x2], $0x80, s29, s22, $0xb8;
	[tilespmem:$0x1C900] =	vst v63  }
0xc6: {  	_ =	swait.ge [sflag:s25], $0x4000  }
0xc7: {  	[sflag:s25] =	ssyncset.done $0x0  }
0xc8: {  	[sflag:s25] =	ssyncadd.s32 $0xFFFFC000  }
0xc9: {  	[spmem:s2] =	stream.indirect.scatter.add.f32 [tilespmem:s24], [sflag:$0x2], $0x80, s30, s22, $0xb8;
	[tilespmem:$0x1C900] =	vst v63  }
0xca: {  	_ =	swait.ge [sflag:s26], $0x4000  }
0xcb: {  	p1 =	por $0x0, $0x0;
	[sflag:s26] =	ssyncset.done $0x0  }
0xcc: {  	s8 =	simm.s32 @!p1 $0x3;
	[sflag:s26] =	ssyncadd.s32 $0xFFFFC000  }
0xcd: {  	_ =	swait.ge @!p1 [sflag:s8], $0x400  }
0xce: {  	[sflag:s8] =	ssyncset.done @!p1 $0x0  }
0xcf: {  	[sflag:s8] =	ssyncadd.s32 @!p1 $0xFFFFFC00  }
0xd0: {  	_ =	swait.ge @!p1 [sflag:s8], $0x400  }
0xd1: {  	s9 =	simm.s32 @!p1 $0x1000;
	[sflag:s8] =	ssyncset.done @!p1 $0x0  }
0xd2: {  	s10 =	simm.s32 @!p1 $0x0;
	[sflag:s8] =	ssyncadd.s32 @!p1 $0xFFFFFC00;
	s8 =	simm.s32 @!p1 $0x80  }
0xd3: {  	[tilespmem:s9], [sflag:$0x1] =	stream.indirect.gather @!p1 [hbm4b:s4+s8], $0x80, s10, s8, $0xb8;
	[tilespmem:$0x1C900] =	vst v63  }
0xd4: {  	_ =	swait.ge [sflag:s26], $0x4000  }
0xd5: {  	s12 =	smin.u32 s3, $0x6;
	s11 =	rddreg [dreg:$0x4]  }
0xd6: {  	s8 =	sadd.s32 s12, s11  }
0xd7: {  	[sflag:s26] =	ssyncset.done $0x0;
	s9 =	sshll.u32 s8, $0x7  }
0xd8: {  	[sflag:s26] =	ssyncadd.s32 $0xFFFFC000;
	s8 =	sadd.s32 s5, s9  }
0xd9: {  	[tilespmem:s19], [sflag:$0x3] =	stream.linear.gather [hbm4b:s8+s3], $0x400, $0x38;
	[tilespmem:$0x1C900] =	vst v63  }
0xda: {  	s9 =	sadd.s32 s6, s9;
	s8 =	simm.s32 $0x2  }
.LBB2_2:
0xdb: {  	[tilespmem:s20], [sflag:$0x3] =	stream.linear.gather [hbm4b:s9+s3], $0x400, $0x38;
	[tilespmem:$0x1C900] =	vst v63  }
0xdc: {  	_ = 	snop  }
0xdd: {  	[tilespmem:s24], [sflag:$0x1] =	stream.indirect.gather [hbm4b:s4+s22], $0x80, s22, s22, $0xb8;
	[tilespmem:$0x1C900] =	vst v63  }
0xde: {  	_ =	swait.ge [sflag:s25], $0x4000  }
0xdf: {  	[sflag:s25] =	ssyncset.done $0x0  }
0xe0: {  	[sflag:s25] =	ssyncadd.s32 $0xFFFFC000  }
0xe1: {  	[spmem:s2] =	stream.indirect.scatter.add.f32 [tilespmem:s23], [sflag:$0x2], $0x80, s18, s22, $0xb8;
	[tilespmem:$0x1C900] =	vst v63  }
0xe2: {  	_ =	swait.ge [sflag:s26], $0x4000  }
0xe3: {  	[sflag:s26] =	ssyncset.done $0x0  }
0xe4: {  	s10 =	rddreg [dreg:$0x5];
	[sflag:s26] =	ssyncadd.s32 $0xFFFFC000  }
0xe5: {  	[tilespmem:s23], [sflag:$0x1] =	stream.indirect.gather [hbm4b:s4+s22], $0x80, s10, s22, $0xb8;
	[tilespmem:$0x1C900] =	vst v63  }
0xe6: {  	_ =	swait.ge [sflag:s25], $0x4000  }
0xe7: {  	[sflag:s25] =	ssyncset.done $0x0  }
0xe8: {  	s12 =	rddreg [dreg:$0x6];
	[sflag:s25] =	ssyncadd.s32 $0xFFFFC000  }
0xe9: {  	[spmem:s2] =	stream.indirect.scatter.add.f32 [tilespmem:s24], [sflag:$0x2], $0x80, s12, s22, $0xb8;
	[tilespmem:$0x1C900] =	vst v63  }
0xea: {  	_ =	swait.ge [sflag:s26], $0x4000  }
0xeb: {  	[sflag:s26] =	ssyncset.done $0x0  }
0xec: {  	s11 =	rddreg [dreg:$0x7];
	[sflag:s26] =	ssyncadd.s32 $0xFFFFC000  }
0xed: {  	[tilespmem:s24], [sflag:$0x1] =	stream.indirect.gather [hbm4b:s4+s22], $0x80, s11, s22, $0xb8;
	[tilespmem:$0x1C900] =	vst v63  }
0xee: {  	_ =	swait.ge [sflag:s25], $0x4000  }
0xef: {  	[sflag:s25] =	ssyncset.done $0x0  }
0xf0: {  	s12 =	rddreg [dreg:$0x8];
	[sflag:s25] =	ssyncadd.s32 $0xFFFFC000  }
0xf1: {  	[spmem:s2] =	stream.indirect.scatter.add.f32 [tilespmem:s23], [sflag:$0x2], $0x80, s12, s22, $0xb8;
	[tilespmem:$0x1C900] =	vst v63  }
0xf2: {  	_ =	swait.ge [sflag:s26], $0x4000  }
0xf3: {  	[sflag:s26] =	ssyncset.done $0x0  }
0xf4: {  	s11 =	rddreg [dreg:$0x9];
	[sflag:s26] =	ssyncadd.s32 $0xFFFFC000  }
0xf5: {  	[tilespmem:s23], [sflag:$0x1] =	stream.indirect.gather [hbm4b:s4+s22], $0x80, s11, s22, $0xb8;
	[tilespmem:$0x1C900] =	vst v63  }
0xf6: {  	_ =	swait.ge [sflag:s25], $0x4000  }
0xf7: {  	[sflag:s25] =	ssyncset.done $0x0  }
0xf8: {  	s12 =	rddreg [dreg:$0xa];
	[sflag:s25] =	ssyncadd.s32 $0xFFFFC000  }
0xf9: {  	[spmem:s2] =	stream.indirect.scatter.add.f32 [tilespmem:s24], [sflag:$0x2], $0x80, s12, s22, $0xb8;
	[tilespmem:$0x1C900] =	vst v63  }
0xfa: {  	_ =	swait.ge [sflag:s26], $0x4000  }
0xfb: {  	[sflag:s26] =	ssyncset.done $0x0  }
0xfc: {  	s11 =	rddreg [dreg:$0xb];
	[sflag:s26] =	ssyncadd.s32 $0xFFFFC000  }
0xfd: {  	[tilespmem:s24], [sflag:$0x1] =	stream.indirect.gather [hbm4b:s4+s22], $0x80, s11, s22, $0xb8;
	[tilespmem:$0x1C900] =	vst v63  }
0xfe: {  	_ =	swait.ge [sflag:s25], $0x4000  }
0xff: {  	[sflag:s25] =	ssyncset.done $0x0  }
0x100: {  	s12 =	rddreg [dreg:$0xc];
	[sflag:s25] =	ssyncadd.s32 $0xFFFFC000  }
0x101: {  	[spmem:s2] =	stream.indirect.scatter.add.f32 [tilespmem:s23], [sflag:$0x2], $0x80, s12, s22, $0xb8;
	[tilespmem:$0x1C900] =	vst v63  }
0x102: {  	_ =	swait.ge [sflag:s26], $0x4000  }
0x103: {  	[sflag:s26] =	ssyncset.done $0x0  }
0x104: {  	s11 =	rddreg [dreg:$0xd];
	[sflag:s26] =	ssyncadd.s32 $0xFFFFC000  }
0x105: {  	[tilespmem:s23], [sflag:$0x1] =	stream.indirect.gather [hbm4b:s4+s22], $0x80, s11, s22, $0xb8;
	[tilespmem:$0x1C900] =	vst v63  }
0x106: {  	_ =	swait.ge [sflag:s25], $0x4000  }
0x107: {  	[sflag:s25] =	ssyncset.done $0x0  }
0x108: {  	s12 =	rddreg [dreg:$0xe];
	[sflag:s25] =	ssyncadd.s32 $0xFFFFC000  }
0x109: {  	[spmem:s2] =	stream.indirect.scatter.add.f32 [tilespmem:s24], [sflag:$0x2], $0x80, s12, s22, $0xb8;
	[tilespmem:$0x1C900] =	vst v63  }
0x10a: {  	_ =	swait.ge [sflag:s26], $0x4000  }
0x10b: {  	[sflag:s26] =	ssyncset.done $0x0  }
0x10c: {  	s11 =	rddreg [dreg:$0xf];
	[sflag:s26] =	ssyncadd.s32 $0xFFFFC000  }
0x10d: {  	[tilespmem:s24], [sflag:$0x1] =	stream.indirect.gather [hbm4b:s4+s22], $0x80, s11, s22, $0xb8;
	[tilespmem:$0x1C900] =	vst v63  }
0x10e: {  	_ =	swait.ge [sflag:s25], $0x4000  }
0x10f: {  	[sflag:s25] =	ssyncset.done $0x0  }
0x110: {  	s12 =	rddreg [dreg:$0x10];
	[sflag:s25] =	ssyncadd.s32 $0xFFFFC000  }
0x111: {  	[spmem:s2] =	stream.indirect.scatter.add.f32 [tilespmem:s23], [sflag:$0x2], $0x80, s12, s22, $0xb8;
	[tilespmem:$0x1C900] =	vst v63  }
0x112: {  	_ =	swait.ge [sflag:s25], $0x4000  }
0x113: {  	[sflag:s25] =	ssyncset.done $0x0  }
0x114: {  	s11 =	rddreg [dreg:$0x11];
	[sflag:s25] =	ssyncadd.s32 $0xFFFFC000  }
0x115: {  	[spmem:s2] =	stream.indirect.scatter.add.f32 [tilespmem:s24], [sflag:$0x2], $0x80, s11, s22, $0xb8;
	[tilespmem:$0x1C900] =	vst v63  }
0x116: {  	_ =	swait.ge [sflag:s26], $0x4000  }
0x117: {  	[sflag:s26] =	ssyncset.done $0x0  }
0x118: {  	[sflag:s26] =	ssyncadd.s32 $0xFFFFC000  }
0x119: {  	_ =	swait.ge [sflag:s21], $0x400  }
0x11a: {  	[sflag:s21] =	ssyncset.done $0x0  }
0x11b: {  	[sflag:s21] =	ssyncadd.s32 $0xFFFFFC00  }
0x11c: {  	_ =	swait.ge [sflag:s21], $0x400  }
0x11d: {  	[sflag:s21] =	ssyncset.done $0x0  }
0x11e: {  	[sflag:s21] =	ssyncadd.s32 $0xFFFFFC00  }
0x11f: {  	[tilespmem:s23], [sflag:$0x1] =	stream.indirect.gather [hbm4b:s4+s22], $0x80, s19, s22, $0xb8;
	[tilespmem:$0x1C900] =	vst v63  }
0x120: {  	s9 =	smov.u32 s8;
	_ =	swait.ge [sflag:s26], $0x4000  }
0x121: {  	s11 =	smin.u32 s9, $0x7;
	s12 =	rddreg [dreg:$0x3]  }
0x122: {  	s10 =	sadd.s32 s11, s12  }
0x123: {  	[sflag:s26] =	ssyncset.done $0x0;
	s10 =	sshll.u32 s10, $0x7  }
0x124: {  	[sflag:s26] =	ssyncadd.s32 $0xFFFFC000;
	s12 =	sadd.s32 s5, s10  }
0x125: {  	[tilespmem:s3], [sflag:$0x3] =	stream.linear.gather [hbm4b:s12+s3], $0x400, $0x38;
	[tilespmem:$0x1C900] =	vst v63  }
0x126: {  	s10 =	sadd.s32 s6, s10  }
0x127: {  	[tilespmem:s18], [sflag:$0x3] =	stream.linear.gather [hbm4b:s10+s3], $0x400, $0x38;
	[tilespmem:$0x1C900] =	vst v63  }
0x128: {  	s12 =	rddreg [dreg:$0x12]  }
0x129: {  	[tilespmem:s24], [sflag:$0x1] =	stream.indirect.gather [hbm4b:s4+s22], $0x80, s12, s22, $0xb8;
	[tilespmem:$0x1C900] =	vst v63  }
0x12a: {  	_ =	swait.ge [sflag:s25], $0x4000  }
0x12b: {  	[sflag:s25] =	ssyncset.done $0x0  }
0x12c: {  	[sflag:s25] =	ssyncadd.s32 $0xFFFFC000  }
0x12d: {  	[spmem:s2] =	stream.indirect.scatter.add.f32 [tilespmem:s23], [sflag:$0x2], $0x80, s20, s22, $0xb8;
	[tilespmem:$0x1C900] =	vst v63  }
0x12e: {  	_ =	swait.ge [sflag:s26], $0x4000  }
0x12f: {  	[sflag:s26] =	ssyncset.done $0x0  }
0x130: {  	s11 =	rddreg [dreg:$0x13];
	[sflag:s26] =	ssyncadd.s32 $0xFFFFC000  }
0x131: {  	[tilespmem:s23], [sflag:$0x1] =	stream.indirect.gather [hbm4b:s4+s22], $0x80, s11, s22, $0xb8;
	[tilespmem:$0x1C900] =	vst v63  }
0x132: {  	_ =	swait.ge [sflag:s25], $0x4000  }
0x133: {  	[sflag:s25] =	ssyncset.done $0x0  }
0x134: {  	s12 =	rddreg [dreg:$0x14];
	[sflag:s25] =	ssyncadd.s32 $0xFFFFC000  }
0x135: {  	[spmem:s2] =	stream.indirect.scatter.add.f32 [tilespmem:s24], [sflag:$0x2], $0x80, s12, s22, $0xb8;
	[tilespmem:$0x1C900] =	vst v63  }
0x136: {  	_ =	swait.ge [sflag:s26], $0x4000  }
0x137: {  	[sflag:s26] =	ssyncset.done $0x0  }
0x138: {  	s11 =	rddreg [dreg:$0x15];
	[sflag:s26] =	ssyncadd.s32 $0xFFFFC000  }
0x139: {  	[tilespmem:s24], [sflag:$0x1] =	stream.indirect.gather [hbm4b:s4+s22], $0x80, s11, s22, $0xb8;
	[tilespmem:$0x1C900] =	vst v63  }
0x13a: {  	_ =	swait.ge [sflag:s25], $0x4000  }
0x13b: {  	[sflag:s25] =	ssyncset.done $0x0  }
0x13c: {  	s12 =	rddreg [dreg:$0x16];
	[sflag:s25] =	ssyncadd.s32 $0xFFFFC000  }
0x13d: {  	[spmem:s2] =	stream.indirect.scatter.add.f32 [tilespmem:s23], [sflag:$0x2], $0x80, s12, s22, $0xb8;
	[tilespmem:$0x1C900] =	vst v63  }
0x13e: {  	_ =	swait.ge [sflag:s26], $0x4000  }
0x13f: {  	[sflag:s26] =	ssyncset.done $0x0  }
0x140: {  	s11 =	rddreg [dreg:$0x17];
	[sflag:s26] =	ssyncadd.s32 $0xFFFFC000  }
0x141: {  	[tilespmem:s23], [sflag:$0x1] =	stream.indirect.gather [hbm4b:s4+s22], $0x80, s11, s22, $0xb8;
	[tilespmem:$0x1C900] =	vst v63  }
0x142: {  	_ =	swait.ge [sflag:s25], $0x4000  }
0x143: {  	[sflag:s25] =	ssyncset.done $0x0  }
0x144: {  	s12 =	rddreg [dreg:$0x18];
	[sflag:s25] =	ssyncadd.s32 $0xFFFFC000  }
0x145: {  	[spmem:s2] =	stream.indirect.scatter.add.f32 [tilespmem:s24], [sflag:$0x2], $0x80, s12, s22, $0xb8;
	[tilespmem:$0x1C900] =	vst v63  }
0x146: {  	_ =	swait.ge [sflag:s26], $0x4000  }
0x147: {  	[sflag:s26] =	ssyncset.done $0x0  }
0x148: {  	s11 =	rddreg [dreg:$0x19];
	[sflag:s26] =	ssyncadd.s32 $0xFFFFC000  }
0x149: {  	[tilespmem:s24], [sflag:$0x1] =	stream.indirect.gather [hbm4b:s4+s22], $0x80, s11, s22, $0xb8;
	[tilespmem:$0x1C900] =	vst v63  }
0x14a: {  	_ =	swait.ge [sflag:s25], $0x4000  }
0x14b: {  	[sflag:s25] =	ssyncset.done $0x0  }
0x14c: {  	s12 =	rddreg [dreg:$0x1a];
	[sflag:s25] =	ssyncadd.s32 $0xFFFFC000  }
0x14d: {  	[spmem:s2] =	stream.indirect.scatter.add.f32 [tilespmem:s23], [sflag:$0x2], $0x80, s12, s22, $0xb8;
	[tilespmem:$0x1C900] =	vst v63  }
0x14e: {  	_ =	swait.ge [sflag:s26], $0x4000  }
0x14f: {  	[sflag:s26] =	ssyncset.done $0x0  }
0x150: {  	s11 =	rddreg [dreg:$0x1b];
	[sflag:s26] =	ssyncadd.s32 $0xFFFFC000  }
0x151: {  	[tilespmem:s23], [sflag:$0x1] =	stream.indirect.gather [hbm4b:s4+s22], $0x80, s11, s22, $0xb8;
	[tilespmem:$0x1C900] =	vst v63  }
0x152: {  	_ =	swait.ge [sflag:s25], $0x4000  }
0x153: {  	[sflag:s25] =	ssyncset.done $0x0  }
0x154: {  	s12 =	rddreg [dreg:$0x1c];
	[sflag:s25] =	ssyncadd.s32 $0xFFFFC000  }
0x155: {  	[spmem:s2] =	stream.indirect.scatter.add.f32 [tilespmem:s24], [sflag:$0x2], $0x80, s12, s22, $0xb8;
	[tilespmem:$0x1C900] =	vst v63  }
0x156: {  	_ =	swait.ge [sflag:s26], $0x4000  }
0x157: {  	[sflag:s26] =	ssyncset.done $0x0  }
0x158: {  	[sflag:s26] =	ssyncadd.s32 $0xFFFFC000  }
0x159: {  	[tilespmem:s24], [sflag:$0x1] =	stream.indirect.gather [hbm4b:s4+s22], $0x80, s28, s22, $0xb8;
	[tilespmem:$0x1C900] =	vst v63  }
0x15a: {  	_ =	swait.ge [sflag:s25], $0x4000  }
0x15b: {  	[sflag:s25] =	ssyncset.done $0x0  }
0x15c: {  	[sflag:s25] =	ssyncadd.s32 $0xFFFFC000  }
0x15d: {  	[spmem:s2] =	stream.indirect.scatter.add.f32 [tilespmem:s23], [sflag:$0x2], $0x80, s29, s22, $0xb8;
	[tilespmem:$0x1C900] =	vst v63  }
0x15e: {  	_ =	swait.ge [sflag:s25], $0x4000  }
0x15f: {  	[sflag:s25] =	ssyncset.done $0x0  }
0x160: {  	[sflag:s25] =	ssyncadd.s32 $0xFFFFC000  }
0x161: {  	[spmem:s2] =	stream.indirect.scatter.add.f32 [tilespmem:s24], [sflag:$0x2], $0x80, s30, s22, $0xb8;
	[tilespmem:$0x1C900] =	vst v63  }
0x162: {  	_ =	swait.ge [sflag:s26], $0x4000  }
0x163: {  	p2 =	seq.s32 s9, $0x8;
	[sflag:s26] =	ssyncset.done $0x0  }
0x164: {  	s10 =	simm.s32 @!p2 $0x3;
	[sflag:s26] =	ssyncadd.s32 $0xFFFFC000  }
0x165: {  	_ =	swait.ge @!p2 [sflag:s10], $0x400  }
0x166: {  	[sflag:s10] =	ssyncset.done @!p2 $0x0  }
0x167: {  	[sflag:s10] =	ssyncadd.s32 @!p2 $0xFFFFFC00  }
0x168: {  	_ =	swait.ge @!p2 [sflag:s10], $0x400  }
0x169: {  	s8 =	sadd.s32 $0x2, s8;
	s11 =	simm.s32 @!p2 $0x1000;
	[sflag:s10] =	ssyncset.done @!p2 $0x0  }
0x16a: {  	s12 =	simm.s32 @!p2 $0x0;
	[sflag:s10] =	ssyncadd.s32 @!p2 $0xFFFFFC00;
	s10 =	simm.s32 @!p2 $0x80  }
0x16b: {  	[tilespmem:s11], [sflag:$0x1] =	stream.indirect.gather @!p2 [hbm4b:s4+s10], $0x80, s12, s10, $0xb8;
	[tilespmem:$0x1C900] =	vst v63  }
0x16c: {  	p1 =	sne.s32 s8, $0xA;
	_ =	swait.ge [sflag:s26], $0x4000  }
.Ltmp0:
0x16d: {  	s9 =	smin.u32 s9, $0x6;
	s11 =	rddreg [dreg:$0x4];
	(pc) =	sbr.rel @p1 .LBB2_2-.Ltmp0, $4  }
0x16e: {  	s9 =	sadd.s32 s9, s11  }
0x16f: {  	[sflag:s26] =	ssyncset.done $0x0;
	s9 =	sshll.u32 s9, $0x7  }
0x170: {  	[sflag:s26] =	ssyncadd.s32 $0xFFFFC000;
	s12 =	sadd.s32 s5, s9;
	s9 =	sadd.s32 s6, s9  }
0x171: {  	[tilespmem:s19], [sflag:$0x3] =	stream.linear.gather [hbm4b:s12+s3], $0x400, $0x38;
	[tilespmem:$0x1C900] =	vst v63  }
0x172: {  	[tilespmem:s20], [sflag:$0x3] =	stream.linear.gather [hbm4b:s9+s3], $0x400, $0x38;
	[tilespmem:$0x1C900] =	vst v63  }
0x173: {  	_ =	swait.ge [sflag:s21], $0x400  }
0x174: {  	[sflag:s21] =	ssyncset.done $0x0  }
0x175: {  	[sflag:s21] =	ssyncadd.s32 $0xFFFFFC00  }
0x176: {  	_ =	swait.ge [sflag:s21], $0x400  }
0x177: {  	[sflag:s21] =	ssyncset.done $0x0  }
0x178: {  	[sflag:s21] =	ssyncadd.s32 $0xFFFFFC00  }
0x179: {  	_ =	swait.ge [sflag:s21], $0x400  }
0x17a: {  	[sflag:s21] =	ssyncset.done $0x0  }
0x17b: {  	[sflag:s21] =	ssyncadd.s32 $0xFFFFFC00  }
0x17c: {  	_ =	swait.ge [sflag:s21], $0x400  }
0x17d: {  	[sflag:s21] =	ssyncset.done $0x0  }
0x17e: {  	[sflag:s21] =	ssyncadd.s32 $0xFFFFFC00  }
0x17f: {  	s8 =	simm.s32 @p0 $0x1FC4;
	[bflag:$0x0] =	sbarrier.arrive $0xFFFF  }
0x180: {  	[hbm:s16], [sflag:s8] =	dma.local @p0 [spmem:s0], $0x2800  }
0x181: {  	s0 =	simm.s32 @p0 $0x4  }
0x182: {  	s31 =	sadd.s32 $0x1, s31;
	_ =	swait.ge @p0 [sflag:s0], $0x2800  }
0x183: {  	p1 =	sne.s32 s31, s17;
	[sflag:s0] =	ssyncset.done @p0 $0x0  }
.Ltmp1:
0x184: {  	[sflag:s0] =	ssyncadd.s32 @p0 $0xFFFFD800;
	s0 =	simm.s32 @!p0 $0x4;
	(pc) =	sbr.rel @p1 .LBB2_1-.Ltmp1, $4  }
0x185: {  	[hbm:s15], [sflag:s1] =	dma.local @!p0 [spmem:s7], $0x2700  }
0x186: {  	_ =	swait.ge @!p0 [sflag:s0], $0x2700  }
0x187: {  	[sflag:s0] =	ssyncset.done @!p0 $0x0  }
0x188: {  	[sflag:s0] =	ssyncadd.s32 @!p0 $0xFFFFD900  }
0x189: {  	_ =	sfence.sel $0x180000  }
0x18a: {  	[bflag:$0x0] =	sbarrier.arrive $0xFFFF  }
0x18b: {  	_ =	strace $0x9000004D  }
0x18c: {  	s0 =	stileid.u32;
	[bflag:$0x2] =	sbarrier.arrive $0xFFFF  }
0x18d: {  	p0 =	sne.s32 s0, $0x0;
	s0 =	rddreg [dreg:$0x2]  }
0x18e: {  	s0 =	sadd.s32 @!p0 $0x100000, s0  }
0x18f: {  	[sflag:s0] =	ssyncadd.tile.s32 @!p0 $0x1;
	_ =	shalt  }
.Lfunc_end2:
_tile_overlayer_lowered:
.L_overlay_start_2:
0x190: {  	(tag) =	ssettag $0x2  }
0x191: {  	s0 =	rddreg [dreg:$0x0];
	s2 =	stileid.u32  }
0x192: {  	s1 =	rddreg [dreg:$0x1];
	p0 =	sne.s32 s2, $0x0  }
0x193: {  	s3 =	rddreg [dreg:$0x2];
	[bflag:$0x3] =	sbarrier.arrive $0xFFFF;
	s2 =	simm.s32 @!p0 $0x1C04  }
0x194: {  	[timem:s3], [sflag:s2] =	dma.local @!p0 [hbm:s0], s1  }
0x195: {  	s0 =	simm.s32 @!p0 $0x4  }
0x196: {  	_ =	swait.ge @!p0 [sflag:s0], s1  }
0x197: {  	s1 =	ssub.s32 @!p0 $0x0, s1;
	[sflag:s0] =	ssyncset.done @!p0 $0x0  }
0x198: {  	[sflag:s0] =	ssyncadd.s32 @!p0 s1  }
0x199: {  	[bflag:$0x3] =	sbarrier.arrive $0xFFFF  }
0x19a: {  	_ =	shalt  }

// kernel: kernel.18.cloned.1.call-start
scs
__scs_entry_jumppad:
0x0: {  	(pc) =	sbr.rel $0x88, $3  }
0x1: {  	(tag) =	ssettag $0x0;
	lr =	simm.s32 $0x1  }
0x2: {  	[smem:$0x3F70] =	sst lr;
	_ =	strace $0xD0000000  }
0x3: {  	_ = 	snop  }
0x4: {  	_ = 	snop  }
0x5: {  	_ = 	snop  }
0x6: {  	_ = 	snop  }
0x7: {  	_ = 	snop  }
__scs_overlays_trampoline_lowered:
0x8: {  	[smem:$0x3F7F] =	sst s0  }
0x9: {  	[smem:$0x3F80] =	sst s1  }
0xa: {  	[smem:$0x3F81] =	sst s2  }
0xb: {  	[smem:$0x3F82] =	sst s3  }
0xc: {  	[smem:$0x3F83] =	sst s4  }
0xd: {  	[smem:$0x3F84] =	sst s5  }
0xe: {  	[smem:$0x3F85] =	sst s6  }
0xf: {  	[smem:$0x3F86] =	sst s7  }
0x10: {  	[smem:$0x3F87] =	sst s8  }
0x11: {  	[smem:$0x3F88] =	sst s9;
	s0 =	simm.s32 @!p0 $0x0  }
0x12: {  	s1 =	sld [smem:$0x3F6E];
	s0 =	simm.s32 @p0 $0x1  }
0x13: {  	[smem:$0x3F89] =	sst s0;
	s0 =	simm.s32 @!p1 $0x0  }
0x14: {  	s2 =	sld [smem:$0x3F6D];
	s0 =	simm.s32 @p1 $0x1  }
0x15: {  	[smem:$0x3F8A] =	sst s0;
	s0 =	simm.s32 @!p2 $0x0  }
0x16: {  	s3 =	sld [smem:$0x3FDB];
	s0 =	simm.s32 @p2 $0x1  }
0x17: {  	s4 =	simm.s32 $0x1BF5;
	[smem:$0x3F8C] =	sst s0  }
0x18: {  	s0 =	sld [smem:$0x3F6F];
	_ =	swait.ge [sflag:s4], $0x0  }
0x19: {  	s7 =	sld [smem:$0x3F70]  }
0x1a: {  	s8 =	sadd.s32 $0xFFFFE003, lr  }
0x1b: {  	s9 =	sadd.s32 $0xFFFFFEF7, lr;
	s5 =	simm.s32 $0xFFFFFFFF;
	p2 =	slt.u32 s8, $0xFFFFF086  }
0x1c: {  	p1 =	slt.u32 s9, $0xF7A;
	s5 =	simm.s32 @!p2 $0x0  }
0x1d: {  	s5 =	simm.s32 @p1 $0x1;
	p0 =	seq.s32 s7, s2  }
0x1e: {  	s7 =	smul.u32 @!p0 $0xF7A, s2;
	p2 =	seq.s32 @!p0 s5, $0x0  }
0x1f: {  	s9 =	smul.u32 $0xF7A, s1;
	s8 =	simm.s32 @!p0 $0x1BF5;
	p2 =	por !p2, p0  }
0x20: {  	[sflag:s8] =	ssyncset.s32 @!p0 $0xFFFFF086;
	s6 =	sadd.s32 @!p0 s3, s7;
	s7 =	simm.s32 @!p0 $0x108  }
0x21: {  	s3 =	sadd.s32 s3, s9;
	s6 =	sadd.s32 @!p0 $0x88, s6;
	s7 =	simm.s32 @p2 $0x1082  }
0x22: {  	[simem:s7], [sflag:s8] =	dma.local @!p0 [hbm:s6], $0xF7A  }
0x23: {  	s9 =	sor.u32 $0xD0000000, s2;
	s6 =	simm.s32 $0x108;
	_ =	swait.ge @!p0 [sflag:s8], $0x0  }
0x24: {  	s3 =	sadd.s32 $0x88, s3;
	s6 =	simm.s32 @!p1 $0x1082;
	[sflag:s4] =	ssyncset.s32 $0xFFFFF086  }
0x25: {  	[simem:s6], [sflag:s4] =	dma.local [hbm:s3], $0xF7A  }
0x26: {  	[smem:$0x3F70] =	sst s1;
	(tag) =	ssettag s2;
	_ =	strace s9  }
0x27: {  	s1 =	sld [smem:$0x3F80]  }
0x28: {  	s2 =	sld [smem:$0x3F81]  }
0x29: {  	s4 =	sld [smem:$0x3F83]  }
0x2a: {  	p0 =	seq.s32 s5, $0x0;
	s5 =	sld [smem:$0x3F84]  }
0x2b: {  	s6 =	sld [smem:$0x3F85]  }
0x2c: {  	s7 =	sld [smem:$0x3F86]  }
0x2d: {  	s3 =	simm.s32 $0x108;
	s8 =	sld [smem:$0x3F87]  }
0x2e: {  	s3 =	simm.s32 @!p0 $0x1082;
	s9 =	sld [smem:$0x3F88]  }
0x2f: {  	lr =	sadd.s32 s0, s3;
	s0 =	sld [smem:$0x3F7F]  }
0x30: {  	s3 =	sld [smem:$0x3F82]  }
0x31: {  	[smem:$0x3F8B] =	sst s10  }
0x32: {  	s10 =	sld [smem:$0x3F89];
	_ =	sdelay $0x3  }
0x33: {  	p0 =	seq.s32 s10, $0x1;
	s10 =	sld [smem:$0x3F8B];
	_ =	sdelay $0x3  }
0x34: {  	[smem:$0x3F8B] =	sst s10  }
0x35: {  	s10 =	sld [smem:$0x3F8A];
	_ =	sdelay $0x3  }
0x36: {  	p1 =	seq.s32 s10, $0x1;
	s10 =	sld [smem:$0x3F8B];
	_ =	sdelay $0x3  }
0x37: {  	[smem:$0x3F8B] =	sst s10  }
0x38: {  	s10 =	sld [smem:$0x3F8C]  }
0x39: {  	_ = 	snop;
	(pc) =	sbr.ind lr, $3  }
0x3a: {  	_ = 	snop  }
0x3b: {  	_ = 	snop  }
0x3c: {  	p2 =	seq.s32 s10, $0x1;
	s10 =	sld [smem:$0x3F8B]  }
0x3d: {  	_ =	shalt  }
0x3e: {  	_ =	shalt  }
0x3f: {  	_ =	shalt  }
0x40: {  	_ =	shalt  }
0x41: {  	_ =	shalt  }
0x42: {  	_ =	shalt  }
0x43: {  	_ =	shalt  }
0x44: {  	_ =	shalt  }
0x45: {  	_ =	shalt  }
0x46: {  	_ =	shalt  }
0x47: {  	_ =	shalt  }
0x48: {  	_ =	shalt  }
0x49: {  	_ =	shalt  }
0x4a: {  	_ =	shalt  }
0x4b: {  	_ =	shalt  }
0x4c: {  	_ =	shalt  }
0x4d: {  	_ =	shalt  }
0x4e: {  	_ =	shalt  }
0x4f: {  	_ =	shalt  }
0x50: {  	_ =	shalt  }
0x51: {  	_ =	shalt  }
0x52: {  	_ =	shalt  }
0x53: {  	_ =	shalt  }
0x54: {  	_ =	shalt  }
0x55: {  	_ =	shalt  }
0x56: {  	_ =	shalt  }
0x57: {  	_ =	shalt  }
0x58: {  	_ =	shalt  }
0x59: {  	_ =	shalt  }
0x5a: {  	_ =	shalt  }
0x5b: {  	_ =	shalt  }
0x5c: {  	_ =	shalt  }
0x5d: {  	_ =	shalt  }
0x5e: {  	_ =	shalt  }
0x5f: {  	_ =	shalt  }
0x60: {  	_ =	shalt  }
0x61: {  	_ =	shalt  }
0x62: {  	_ =	shalt  }
0x63: {  	_ =	shalt  }
0x64: {  	_ =	shalt  }
0x65: {  	_ =	shalt  }
0x66: {  	_ =	shalt  }
0x67: {  	_ =	shalt  }
0x68: {  	_ =	shalt  }
0x69: {  	_ =	shalt  }
0x6a: {  	_ =	shalt  }
0x6b: {  	_ =	shalt  }
0x6c: {  	_ =	shalt  }
0x6d: {  	_ =	shalt  }
0x6e: {  	_ =	shalt  }
0x6f: {  	_ =	shalt  }
0x70: {  	_ =	shalt  }
0x71: {  	_ =	shalt  }
0x72: {  	_ =	shalt  }
0x73: {  	_ =	shalt  }
0x74: {  	_ =	shalt  }
0x75: {  	_ =	shalt  }
0x76: {  	_ =	shalt  }
0x77: {  	_ =	shalt  }
0x78: {  	_ =	shalt  }
0x79: {  	_ =	shalt  }
0x7a: {  	_ =	shalt  }
0x7b: {  	_ =	shalt  }
0x7c: {  	_ =	shalt  }
0x7d: {  	_ =	shalt  }
0x7e: {  	_ =	shalt  }
0x7f: {  	_ =	shalt  }
0x80: {  	_ =	shalt  }
0x81: {  	_ =	shalt  }
0x82: {  	_ =	shalt  }
0x83: {  	_ =	shalt  }
0x84: {  	_ =	shalt  }
0x85: {  	_ =	shalt  }
0x86: {  	_ =	shalt  }
0x87: {  	_ =	shalt  }
.Lfunc_end0:
.L_simem_size_0:
called_computation.3_lowered:
.L_overlay_start_0:
0x88: {  	s2 =	sld [smem:$0x3FD9]  }
0x89: {  	s3 =	sld [smem:$0x3FFE];
	_ =	sdelay $0x1  }
0x8a: {  	s1 =	srdreg.scid  }
0x8b: {  	s0 =	sand.u32 $0x1, s1  }
0x8c: {  	s16 =	sshll.u32 s0, $0xA;
	s2 =	sadd.s32 s3, s2  }
0x8d: {  	s2 =	sadd.s32 s2, s16  }
0x8e: {  	[smem:$0x3F97] =	sst s2  }
0x8f: {  	_ = 	snop  }
0x90: {  	(tm) =	ssettm $0x1  }
0x91: {  	s17 =	sld [smem:$0x3FFB];
	_ =	sdelay $0x3  }
0x92: {  	_ =	strace s17  }
0x93: {  	s2 =	sld [smem:$0x3FFC];
	_ =	sdelay $0x3  }
0x94: {  	_ =	strace s2  }
0x95: {  	s2 =	sld [smem:$0x3FFD];
	_ =	sdelay $0x3  }
0x96: {  	_ =	strace s2  }
0x97: {  	_ =	strace $0x8FFFFFFF  }
0x98: {  	s18 =	sld [smem:$0x3FDB];
	_ =	sdelay $0x1  }
0x99: {  	s19 =	simm.s32 $_scs_section_size  }
0x9a: {  	s4 =	simm.s32 $_size__tile_overlayer_lowered;
	s5 =	simm.s32 $_tile_overlayer_lowered  }
0x9b: {  	s22 =	simm.s32 $0x1BFF;
	s21 =	sshll.u32 s5, $0x1;
	s2 =	sadd.s32 s19, s18  }
0x9c: {  	s6 =	simm.s32 $0x0;
	s20 =	sshll.u32 s4, $0x1;
	s4 =	sadd.s32 s21, s2  }
0x9d: {  	[timem:s6], [sflag:s22] =	dma.local [hbm:s4], s20  }
0x9e: {  	_ =	swait.ge [sflag:s22], s20  }
0x9f: {  	s3 =	ssub.s32 $0x0, s20;
	[sflag:s22] =	ssyncset.done $0x0  }
0xa0: {  	[sflag:s22] =	ssyncadd.s32 s3;
	_ =	sdelay $0x1  }
0xa1: {  	s23 =	simm.s32 $0x1B8B  }
0xa2: {  	_ =	swait.ge [sflag:s23], $0x1  }
0xa3: {  	[sflag:s23] =	ssyncset.done $0x0  }
0xa4: {  	s25 =	simm.s32 $0x1B8E;
	s24 =	sld [smem:$0x3FFE];
	[sflag:s23] =	ssyncadd.s32 $0xFFFFFFFF  }
0xa5: {  	s26 =	simm.s32 $execute0_lowered;
	[smem:$0x3FD2] =	sst s25  }
0xa6: {  	s4 =	sshll.u32 s26, $0x1;
	_ =	strace $0x8000004F;
	[dreg:$0x1] =	wrdreg $0xFFFFFFFF  }
0xa7: {  	s28 =	simm.s32 $_size_execute0_lowered;
	s2 =	sadd.s32 s2, s4;
	[dreg:$0x0] =	wrdreg $0x0  }
0xa8: {  	s4 =	sshll.u32 s28, $0x1;
	[dreg:$0x2] =	wrdreg s2  }
0xa9: {  	[dreg:$0x3] =	wrdreg s4  }
0xaa: {  	[dreg:$0x4] =	wrdreg $0xC0  }
0xab: {  	_ =	task [dreg:s6], $0x5FFFF  }
0xac: {  	[dreg:$0x1] =	wrdreg $0xFFFFFFFF  }
0xad: {  	[dreg:$0x0] =	wrdreg $0x60  }
0xae: {  	[dreg:$0x2] =	wrdreg s24  }
0xaf: {  	[dreg:$0x3] =	wrdreg $0x90000  }
0xb0: {  	[dreg:$0x4] =	wrdreg $0x9  }
0xb1: {  	_ =	task.clear_ibuf [dreg:s6], $0x5FFFF;
	_ =	strace $0x9000004F  }
0xb2: {  	s29 =	simm.s32 $0x9;
	_ =	strace $0x80000051  }
0xb3: {  	_ =	swait.ge [sflag:s29], $0x1  }
0xb4: {  	[sflag:s29] =	ssyncadd.s32 $0xFFFFFFFF  }
0xb5: {  	_ =	strace $0x90000051  }
0xb6: {  	_ =	sfence  }
0xb7: {  	s30 =	sld [smem:$0x0];
	_ =	sdelay $0x2  }
0xb8: {  	s31 =	sshll.u32 s1, $0xD;
	s1 =	sshrl.u32 s1, $0x2  }
0xb9: {  	s3 =	sand.u32 $0x4000, s31;
	s1 =	sadd.s32 s1, s30  }
0xba: {  	s0 =	sor.u32 s3, s0;
	s1 =	sshll.u32 s1, $0x11  }
0xbb: {  	s0 =	sor.u32 s1, s0  }
0xbc: {  	s0 =	sadd.s32 $0x8F2B, s0  }
0xbd: {  	[sflag:s0] =	ssyncadd.remote.s32 $0x1  }
0xbe: {  	_ =	sfence.sel $0xFFFF  }
0xbf: {  	[dreg:$0x0] =	wrdreg $0xFFFFFFFF;
	(pc) =	sbr.abs _section_cstart, $3  }
0xc0: {  	[dreg:$0x1] =	wrdreg $0xFFFFFFFF  }
0xc1: {  	_ =	task.clear_ibuf [dreg:s6], $0x2FFFF;
	_ =	strace $0x9FFFFFFF  }
0xc2: {  	(tm) =	ssettm $0x7FFFFFFF  }
0xc3: {  	_ =	shalt  }
tec
execute0_lowered:
.L_overlay_start_1:
0x0: {  	(tag) =	ssettag $0x1  }
0x1: {  	s0 =	rddreg [dreg:$0x0]  }
0x2: {  	s2 =	rddreg [dreg:$0x1]  }
0x3: {  	s18 =	stileid.u32;
	s1 =	srdreg.scid;
	s3 =	simm.s32 $0x0  }
0x4: {  	s22 =	simm.s32 $0x100;
	s23 =	simm.s32 $0x480;
	s25 =	simm.s32 $0x180  }
0x5: {  	s14 =	simm.s32 $0x500;
	s15 =	simm.s32 $0x200;
	s28 =	simm.s32 $0xB80  }
0x6: {  	s29 =	simm.s32 $0xF00;
	s30 =	simm.s32 $0xF80;
	[smem:$0x7FF] =	sst s3  }
0x7: {  	s31 =	simm.s32 $0x0;
	_ =	strace $0x80000050;
	[dreg:$0x5] =	wrdreg s22  }
0x8: {  	s7 =	smul.u32 $0x2700, s18;
	s1 =	sand.u32 $0x1, s1;
	[dreg:$0x6] =	wrdreg s23  }
0x9: {  	s9 =	smul.u32 $0x50, s18;
	s4 =	sadd.s32 $0x9400, s0;
	[dreg:$0x7] =	wrdreg s25  }
0xa: {  	s5 =	sadd.s32 $0x31400, s0;
	s6 =	sadd.s32 $0x3B400, s0;
	[dreg:$0x8] =	wrdreg s14  }
0xb: {  	s26 =	smul.u32 $0x4E000, s18;
	[dreg:$0x9] =	wrdreg s15;
	s22 =	simm.s32 $0x600  }
0xc: {  	s8 =	smul.u32 $0x500, s1;
	s23 =	simm.s32 $0x300;
	[dreg:$0xc] =	wrdreg s22  }
0xd: {  	s10 =	ssub.s32 $0x2, s1;
	s25 =	simm.s32 $0x380;
	[dreg:$0xd] =	wrdreg s23  }
0xe: {  	s11 =	sshrl.u32 s10, $0x1;
	[dreg:$0xf] =	wrdreg s25;
	s22 =	simm.s32 $0xD80  }
0xf: {  	s23 =	simm.s32 $0xA80;
	s25 =	simm.s32 $0xB00;
	[dreg:$0x18] =	wrdreg s22  }
0x10: {  	s8 =	sadd.s32 s9, s8;
	s17 =	ssub.s32 s10, s11;
	[dreg:$0x19] =	wrdreg s23  }
0x11: {  	s11 =	sshrl.u32 s26, $0x2;
	s26 =	simm.s32 $0x700;
	[dreg:$0x1b] =	wrdreg s25  }
0x12: {  	s10 =	simm.s32 $0x880;
	s13 =	sshrl.u32 s8, $0x3;
	[dreg:$0x10] =	wrdreg s26  }
0x13: {  	s8 =	sshll.u32 s8, $0x4;
	[dreg:$0x12] =	wrdreg s10;
	s26 =	simm.s32 $0xE80  }
0x14: {  	p0 =	seq.s32 s18, $0xF;
	s19 =	sadd.s32 s5, s8;
	[dreg:$0x1c] =	wrdreg s26  }
0x15: {  	s18 =	simm.s32 $0x400;
	s16 =	sadd.s32 $0x2, s13;
	[dreg:$0x1d] =	wrdreg s19  }
0x16: {  	s15 =	smul.u32 $0x27100, s1;
	s21 =	sadd.s32 s6, s8;
	[dreg:$0x3] =	wrdreg s16  }
0x17: {  	s20 =	sadd.s32 $0x3, s13;
	s8 =	sor.u32 $0x80, s8;
	[dreg:$0x1e] =	wrdreg s21  }
0x18: {  	s14 =	sadd.s32 $0x69D00, s0;
	[dreg:$0x4] =	wrdreg s20;
	s24 =	sadd.s32 s5, s8  }
0x19: {  	s1 =	smul.u32 $0x138800, s1;
	s8 =	sadd.s32 s6, s8;
	[dreg:$0x1f] =	wrdreg s24  }
0x1a: {  	s12 =	sadd.s32 s7, s0;
	s19 =	sadd.s32 s11, s2;
	[smem:$0x7FB] =	sst s8  }
0x1b: {  	s9 =	sadd.s32 $0x6C600, s0;
	s16 =	simm.s32 $0x580;
	[smem:$0x7FC] =	sst s19  }
0x1c: {  	s7 =	sadd.s32 s7, s15;
	s21 =	sadd.s32 $0x45400, s12;
	[dreg:$0xa] =	wrdreg s16  }
0x1d: {  	s1 =	sshrl.u32 s1, $0x3;
	s20 =	simm.s32 $0x280;
	[smem:$0x7FD] =	sst s21  }
0x1e: {  	s22 =	simm.s32 $0x80;
	s11 =	simm.s32 $0x900;
	[dreg:$0xb] =	wrdreg s20  }
0x1f: {  	s23 =	simm.s32 $0x1000;
	s12 =	simm.s32 $0xC80;
	[dreg:$0x13] =	wrdreg s11  }
0x20: {  	s25 =	simm.s32 $0x1;
	s24 =	simm.s32 $0x680;
	[dreg:$0x14] =	wrdreg s12  }
0x21: {  	s15 =	sadd.s32 s9, s7;
	s8 =	simm.s32 $0x780;
	[dreg:$0xe] =	wrdreg s24  }
0x22: {  	s1 =	sadd.s32 s9, s1;
	s19 =	simm.s32 $0x980;
	[dreg:$0x11] =	wrdreg s8  }
0x23: {  	s17 =	smax.u32 s17, $0x1;
	s20 =	simm.s32 $0xD00;
	[dreg:$0x15] =	wrdreg s19  }
0x24: {  	s13 =	sadd.s32 $0x124800, s2;
	s21 =	simm.s32 $0xA00;
	[dreg:$0x16] =	wrdreg s20  }
0x25: {  	s26 =	simm.s32 $0x2;
	s16 =	sadd.s32 $0x24900, s1;
	[dreg:$0x17] =	wrdreg s21  }
0x26: {  	s19 =	simm.s32 $0x800;
	s20 =	simm.s32 $0xC00;
	s24 =	simm.s32 $0xE00  }
0x27: {  	s21 =	simm.s32 $0x3;
	[dreg:$0x1a] =	wrdreg s24;
	s24 =	simm.s32 $0x5000  }
.LBB2_1:
0x28: {  	s0 =	rddreg [dreg:$0x1d]  }
0x29: {  	s1 =	rddreg [dreg:$0x1e]  }
0x2a: {  	[tilespmem:s3], [sflag:$0x3] =	stream.linear.gather [hbm4b:s0+s3], $0x400, $0x38;
	[tilespmem:$0x1C900] =	vst v63  }
0x2b: {  	s7 =	rddreg [dreg:$0x1f]  }
0x2c: {  	[tilespmem:s18], [sflag:$0x3] =	stream.linear.gather [hbm4b:s1+s3], $0x400, $0x38;
	[tilespmem:$0x1C900] =	vst v63  }
0x2d: {  	s8 =	sld [smem:$0x7FB]  }
0x2e: {  	[tilespmem:s19], [sflag:$0x3] =	stream.linear.gather [hbm4b:s7+s3], $0x400, $0x38;
	[tilespmem:$0x1C900] =	vst v63  }
0x2f: {  	_ = 	snop  }
0x30: {  	[tilespmem:s20], [sflag:$0x3] =	stream.linear.gather [hbm4b:s8+s3], $0x400, $0x38;
	[tilespmem:$0x1C900] =	vst v63  }
0x31: {  	_ =	swait.ge [sflag:s21], $0x400  }
0x32: {  	[sflag:s21] =	ssyncset.done $0x0  }
0x33: {  	[sflag:s21] =	ssyncadd.s32 $0xFFFFFC00  }
0x34: {  	_ =	swait.ge [sflag:s21], $0x400  }
0x35: {  	[sflag:s21] =	ssyncset.done $0x0  }
0x36: {  	s0 =	sshrl.u32 @p0 s13, $0x3;
	s1 =	simm.s32 @p0 $0x1FC4;
	[sflag:s21] =	ssyncadd.s32 $0xFFFFFC00  }
0x37: {  	[tilespmem:s23], [sflag:$0x1] =	stream.indirect.gather [hbm4b:s4+s22], $0x80, s3, s22, $0xb8;
	[tilespmem:$0x1C900] =	vst v63  }
0x38: {  	[spmem:s0], [sflag:s1] =	dma.local @p0 [hbm:s14], $0x2900  }
0x39: {  	s1 =	simm.s32 @p0 $0x4  }
0x3a: {  	s7 =	stileid.u32;
	_ =	swait.ge @p0 [sflag:s1], $0x2900  }
0x3b: {  	s7 =	sshll.u32 @!p0 s7, $0x6;
	[sflag:s1] =	ssyncset.done @p0 $0x0  }
0x3c: {  	[sflag:s1] =	ssyncadd.s32 @p0 $0xFFFFD700;
	s1 =	sor.u32 @!p0 $0x1C04, s7;
	s7 =	sld [smem:$0x7FC]  }
0x3d: {  	s8 =	sld [smem:$0x7FD];
	_ =	sdelay $0x1  }
0x3e: {  	s7 =	sshrl.u32 @!p0 s7, $0x3  }
0x3f: {  	[spmem:s7], [sflag:s1] =	dma.local @!p0 [hbm:s8], $0x2700  }
0x40: {  	s8 =	simm.s32 @!p0 $0x4  }
0x41: {  	_ =	swait.ge @!p0 [sflag:s8], $0x2700  }
0x42: {  	[sflag:s8] =	ssyncset.done @!p0 $0x0  }
0x43: {  	[sflag:s8] =	ssyncadd.s32 @!p0 $0xFFFFD900  }
0x44: {  	[bflag:$0x0] =	sbarrier.arrive $0xFFFF  }
0x45: {  	[tilespmem:s24], [sflag:$0x1] =	stream.indirect.gather [hbm4b:s4+s22], $0x80, s22, s22, $0xb8;
	[tilespmem:$0x1C900] =	vst v63  }
0x46: {  	_ =	swait.ge [sflag:s25], $0x4000  }
0x47: {  	[sflag:s25] =	ssyncset.done $0x0  }
0x48: {  	[sflag:s25] =	ssyncadd.s32 $0xFFFFC000  }
0x49: {  	[spmem:s2] =	stream.indirect.scatter.add.f32 [tilespmem:s23], [sflag:$0x2], $0x80, s18, s22, $0xb8;
	[tilespmem:$0x1C900] =	vst v63  }
0x4a: {  	_ =	swait.ge [sflag:s26], $0x4000  }
0x4b: {  	[sflag:s26] =	ssyncset.done $0x0  }
0x4c: {  	s9 =	rddreg [dreg:$0x5];
	[sflag:s26] =	ssyncadd.s32 $0xFFFFC000  }
0x4d: {  	[tilespmem:s23], [sflag:$0x1] =	stream.indirect.gather [hbm4b:s4+s22], $0x80, s9, s22, $0xb8;
	[tilespmem:$0x1C900] =	vst v63  }
0x4e: {  	_ =	swait.ge [sflag:s25], $0x4000  }
0x4f: {  	[sflag:s25] =	ssyncset.done $0x0  }
0x50: {  	s10 =	rddreg [dreg:$0x6];
	[sflag:s25] =	ssyncadd.s32 $0xFFFFC000  }
0x51: {  	[spmem:s2] =	stream.indirect.scatter.add.f32 [tilespmem:s24], [sflag:$0x2], $0x80, s10, s22, $0xb8;
	[tilespmem:$0x1C900] =	vst v63  }
0x52: {  	_ =	swait.ge [sflag:s26], $0x4000  }
0x53: {  	[sflag:s26] =	ssyncset.done $0x0  }
0x54: {  	s11 =	rddreg [dreg:$0x7];
	[sflag:s26] =	ssyncadd.s32 $0xFFFFC000  }
0x55: {  	[tilespmem:s24], [sflag:$0x1] =	stream.indirect.gather [hbm4b:s4+s22], $0x80, s11, s22, $0xb8;
	[tilespmem:$0x1C900] =	vst v63  }
0x56: {  	_ =	swait.ge [sflag:s25], $0x4000  }
0x57: {  	[sflag:s25] =	ssyncset.done $0x0  }
0x58: {  	s12 =	rddreg [dreg:$0x8];
	[sflag:s25] =	ssyncadd.s32 $0xFFFFC000  }
0x59: {  	[spmem:s2] =	stream.indirect.scatter.add.f32 [tilespmem:s23], [sflag:$0x2], $0x80, s12, s22, $0xb8;
	[tilespmem:$0x1C900] =	vst v63  }
0x5a: {  	_ =	swait.ge [sflag:s26], $0x4000  }
0x5b: {  	[sflag:s26] =	ssyncset.done $0x0  }
0x5c: {  	s9 =	rddreg [dreg:$0x9];
	[sflag:s26] =	ssyncadd.s32 $0xFFFFC000  }
0x5d: {  	[tilespmem:s23], [sflag:$0x1] =	stream.indirect.gather [hbm4b:s4+s22], $0x80, s9, s22, $0xb8;
	[tilespmem:$0x1C900] =	vst v63  }
0x5e: {  	_ =	swait.ge [sflag:s25], $0x4000  }
0x5f: {  	[sflag:s25] =	ssyncset.done $0x0  }
0x60: {  	s10 =	rddreg [dreg:$0xa];
	[sflag:s25] =	ssyncadd.s32 $0xFFFFC000  }
0x61: {  	[spmem:s2] =	stream.indirect.scatter.add.f32 [tilespmem:s24], [sflag:$0x2], $0x80, s10, s22, $0xb8;
	[tilespmem:$0x1C900] =	vst v63  }
0x62: {  	_ =	swait.ge [sflag:s26], $0x4000  }
0x63: {  	[sflag:s26] =	ssyncset.done $0x0  }
0x64: {  	s11 =	rddreg [dreg:$0xb];
	[sflag:s26] =	ssyncadd.s32 $0xFFFFC000  }
0x65: {  	[tilespmem:s24], [sflag:$0x1] =	stream.indirect.gather [hbm4b:s4+s22], $0x80, s11, s22, $0xb8;
	[tilespmem:$0x1C900] =	vst v63  }
0x66: {  	_ =	swait.ge [sflag:s25], $0x4000  }
0x67: {  	[sflag:s25] =	ssyncset.done $0x0  }
0x68: {  	s12 =	rddreg [dreg:$0xc];
	[sflag:s25] =	ssyncadd.s32 $0xFFFFC000  }
0x69: {  	[spmem:s2] =	stream.indirect.scatter.add.f32 [tilespmem:s23], [sflag:$0x2], $0x80, s12, s22, $0xb8;
	[tilespmem:$0x1C900] =	vst v63  }
0x6a: {  	_ =	swait.ge [sflag:s26], $0x4000  }
0x6b: {  	[sflag:s26] =	ssyncset.done $0x0  }
0x6c: {  	s9 =	rddreg [dreg:$0xd];
	[sflag:s26] =	ssyncadd.s32 $0xFFFFC000  }
0x6d: {  	[tilespmem:s23], [sflag:$0x1] =	stream.indirect.gather [hbm4b:s4+s22], $0x80, s9, s22, $0xb8;
	[tilespmem:$0x1C900] =	vst v63  }
0x6e: {  	_ =	swait.ge [sflag:s25], $0x4000  }
0x6f: {  	[sflag:s25] =	ssyncset.done $0x0  }
0x70: {  	s10 =	rddreg [dreg:$0xe];
	[sflag:s25] =	ssyncadd.s32 $0xFFFFC000  }
0x71: {  	[spmem:s2] =	stream.indirect.scatter.add.f32 [tilespmem:s24], [sflag:$0x2], $0x80, s10, s22, $0xb8;
	[tilespmem:$0x1C900] =	vst v63  }
0x72: {  	_ =	swait.ge [sflag:s26], $0x4000  }
0x73: {  	[sflag:s26] =	ssyncset.done $0x0  }
0x74: {  	s11 =	rddreg [dreg:$0xf];
	[sflag:s26] =	ssyncadd.s32 $0xFFFFC000  }
0x75: {  	[tilespmem:s24], [sflag:$0x1] =	stream.indirect.gather [hbm4b:s4+s22], $0x80, s11, s22, $0xb8;
	[tilespmem:$0x1C900] =	vst v63  }
0x76: {  	_ =	swait.ge [sflag:s25], $0x4000  }
0x77: {  	[sflag:s25] =	ssyncset.done $0x0  }
0x78: {  	s12 =	rddreg [dreg:$0x10];
	[sflag:s25] =	ssyncadd.s32 $0xFFFFC000  }
0x79: {  	[spmem:s2] =	stream.indirect.scatter.add.f32 [tilespmem:s23], [sflag:$0x2], $0x80, s12, s22, $0xb8;
	[tilespmem:$0x1C900] =	vst v63  }
0x7a: {  	_ =	swait.ge [sflag:s25], $0x4000  }
0x7b: {  	[sflag:s25] =	ssyncset.done $0x0  }
0x7c: {  	s9 =	rddreg [dreg:$0x11];
	[sflag:s25] =	ssyncadd.s32 $0xFFFFC000  }
0x7d: {  	[spmem:s2] =	stream.indirect.scatter.add.f32 [tilespmem:s24], [sflag:$0x2], $0x80, s9, s22, $0xb8;
	[tilespmem:$0x1C900] =	vst v63  }
0x7e: {  	_ =	swait.ge [sflag:s26], $0x4000  }
0x7f: {  	[sflag:s26] =	ssyncset.done $0x0  }
0x80: {  	[sflag:s26] =	ssyncadd.s32 $0xFFFFC000  }
0x81: {  	_ =	swait.ge [sflag:s21], $0x400  }
0x82: {  	[sflag:s21] =	ssyncset.done $0x0  }
0x83: {  	[sflag:s21] =	ssyncadd.s32 $0xFFFFFC00  }
0x84: {  	_ =	swait.ge [sflag:s21], $0x400  }
0x85: {  	[sflag:s21] =	ssyncset.done $0x0  }
0x86: {  	[sflag:s21] =	ssyncadd.s32 $0xFFFFFC00  }
0x87: {  	[tilespmem:s23], [sflag:$0x1] =	stream.indirect.gather [hbm4b:s4+s22], $0x80, s19, s22, $0xb8;
	[tilespmem:$0x1C900] =	vst v63  }
0x88: {  	_ =	swait.ge [sflag:s26], $0x4000  }
0x89: {  	s9 =	smin.u32 s3, $0x7;
	s10 =	rddreg [dreg:$0x3]  }
0x8a: {  	s8 =	sadd.s32 s9, s10  }
0x8b: {  	[sflag:s26] =	ssyncset.done $0x0;
	s8 =	sshll.u32 s8, $0x7  }
0x8c: {  	[sflag:s26] =	ssyncadd.s32 $0xFFFFC000;
	s11 =	sadd.s32 s5, s8  }
0x8d: {  	[tilespmem:s3], [sflag:$0x3] =	stream.linear.gather [hbm4b:s11+s3], $0x400, $0x38;
	[tilespmem:$0x1C900] =	vst v63  }
0x8e: {  	s8 =	sadd.s32 s6, s8  }
0x8f: {  	[tilespmem:s18], [sflag:$0x3] =	stream.linear.gather [hbm4b:s8+s3], $0x400, $0x38;
	[tilespmem:$0x1C900] =	vst v63  }
0x90: {  	s12 =	rddreg [dreg:$0x12]  }
0x91: {  	[tilespmem:s24], [sflag:$0x1] =	stream.indirect.gather [hbm4b:s4+s22], $0x80, s12, s22, $0xb8;
	[tilespmem:$0x1C900] =	vst v63  }
0x92: {  	_ =	swait.ge [sflag:s25], $0x4000  }
0x93: {  	[sflag:s25] =	ssyncset.done $0x0  }
0x94: {  	[sflag:s25] =	ssyncadd.s32 $0xFFFFC000  }
0x95: {  	[spmem:s2] =	stream.indirect.scatter.add.f32 [tilespmem:s23], [sflag:$0x2], $0x80, s20, s22, $0xb8;
	[tilespmem:$0x1C900] =	vst v63  }
0x96: {  	_ =	swait.ge [sflag:s26], $0x4000  }
0x97: {  	[sflag:s26] =	ssyncset.done $0x0  }
0x98: {  	s9 =	rddreg [dreg:$0x13];
	[sflag:s26] =	ssyncadd.s32 $0xFFFFC000  }
0x99: {  	[tilespmem:s23], [sflag:$0x1] =	stream.indirect.gather [hbm4b:s4+s22], $0x80, s9, s22, $0xb8;
	[tilespmem:$0x1C900] =	vst v63  }
0x9a: {  	_ =	swait.ge [sflag:s25], $0x4000  }
0x9b: {  	[sflag:s25] =	ssyncset.done $0x0  }
0x9c: {  	s10 =	rddreg [dreg:$0x14];
	[sflag:s25] =	ssyncadd.s32 $0xFFFFC000  }
0x9d: {  	[spmem:s2] =	stream.indirect.scatter.add.f32 [tilespmem:s24], [sflag:$0x2], $0x80, s10, s22, $0xb8;
	[tilespmem:$0x1C900] =	vst v63  }
0x9e: {  	_ =	swait.ge [sflag:s26], $0x4000  }
0x9f: {  	[sflag:s26] =	ssyncset.done $0x0  }
0xa0: {  	s11 =	rddreg [dreg:$0x15];
	[sflag:s26] =	ssyncadd.s32 $0xFFFFC000  }
0xa1: {  	[tilespmem:s24], [sflag:$0x1] =	stream.indirect.gather [hbm4b:s4+s22], $0x80, s11, s22, $0xb8;
	[tilespmem:$0x1C900] =	vst v63  }
0xa2: {  	_ =	swait.ge [sflag:s25], $0x4000  }
0xa3: {  	[sflag:s25] =	ssyncset.done $0x0  }
0xa4: {  	s12 =	rddreg [dreg:$0x16];
	[sflag:s25] =	ssyncadd.s32 $0xFFFFC000  }
0xa5: {  	[spmem:s2] =	stream.indirect.scatter.add.f32 [tilespmem:s23], [sflag:$0x2], $0x80, s12, s22, $0xb8;
	[tilespmem:$0x1C900] =	vst v63  }
0xa6: {  	_ =	swait.ge [sflag:s26], $0x4000  }
0xa7: {  	[sflag:s26] =	ssyncset.done $0x0  }
0xa8: {  	s9 =	rddreg [dreg:$0x17];
	[sflag:s26] =	ssyncadd.s32 $0xFFFFC000  }
0xa9: {  	[tilespmem:s23], [sflag:$0x1] =	stream.indirect.gather [hbm4b:s4+s22], $0x80, s9, s22, $0xb8;
	[tilespmem:$0x1C900] =	vst v63  }
0xaa: {  	_ =	swait.ge [sflag:s25], $0x4000  }
0xab: {  	[sflag:s25] =	ssyncset.done $0x0  }
0xac: {  	s10 =	rddreg [dreg:$0x18];
	[sflag:s25] =	ssyncadd.s32 $0xFFFFC000  }
0xad: {  	[spmem:s2] =	stream.indirect.scatter.add.f32 [tilespmem:s24], [sflag:$0x2], $0x80, s10, s22, $0xb8;
	[tilespmem:$0x1C900] =	vst v63  }
0xae: {  	_ =	swait.ge [sflag:s26], $0x4000  }
0xaf: {  	[sflag:s26] =	ssyncset.done $0x0  }
0xb0: {  	s11 =	rddreg [dreg:$0x19];
	[sflag:s26] =	ssyncadd.s32 $0xFFFFC000  }
0xb1: {  	[tilespmem:s24], [sflag:$0x1] =	stream.indirect.gather [hbm4b:s4+s22], $0x80, s11, s22, $0xb8;
	[tilespmem:$0x1C900] =	vst v63  }
0xb2: {  	_ =	swait.ge [sflag:s25], $0x4000  }
0xb3: {  	[sflag:s25] =	ssyncset.done $0x0  }
0xb4: {  	s12 =	rddreg [dreg:$0x1a];
	[sflag:s25] =	ssyncadd.s32 $0xFFFFC000  }
0xb5: {  	[spmem:s2] =	stream.indirect.scatter.add.f32 [tilespmem:s23], [sflag:$0x2], $0x80, s12, s22, $0xb8;
	[tilespmem:$0x1C900] =	vst v63  }
0xb6: {  	_ =	swait.ge [sflag:s26], $0x4000  }
0xb7: {  	[sflag:s26] =	ssyncset.done $0x0  }
0xb8: {  	s9 =	rddreg [dreg:$0x1b];
	[sflag:s26] =	ssyncadd.s32 $0xFFFFC000  }
0xb9: {  	[tilespmem:s23], [sflag:$0x1] =	stream.indirect.gather [hbm4b:s4+s22], $0x80, s9, s22, $0xb8;
	[tilespmem:$0x1C900] =	vst v63  }
0xba: {  	_ =	swait.ge [sflag:s25], $0x4000  }
0xbb: {  	[sflag:s25] =	ssyncset.done $0x0  }
0xbc: {  	s10 =	rddreg [dreg:$0x1c];
	[sflag:s25] =	ssyncadd.s32 $0xFFFFC000  }
0xbd: {  	[spmem:s2] =	stream.indirect.scatter.add.f32 [tilespmem:s24], [sflag:$0x2], $0x80, s10, s22, $0xb8;
	[tilespmem:$0x1C900] =	vst v63  }
0xbe: {  	_ =	swait.ge [sflag:s26], $0x4000  }
0xbf: {  	[sflag:s26] =	ssyncset.done $0x0  }
0xc0: {  	[sflag:s26] =	ssyncadd.s32 $0xFFFFC000  }
0xc1: {  	[tilespmem:s24], [sflag:$0x1] =	stream.indirect.gather [hbm4b:s4+s22], $0x80, s28, s22, $0xb8;
	[tilespmem:$0x1C900] =	vst v63  }
0xc2: {  	_ =	swait.ge [sflag:s25], $0x4000  }
0xc3: {  	[sflag:s25] =	ssyncset.done $0x0  }
0xc4: {  	[sflag:s25] =	ssyncadd.s32 $0xFFFFC000  }
0xc5: {  	[spmem:s2] =	stream.indirect.scatter.add.f32 [tilespmem:s23], [sflag:$0x2], $0x80, s29, s22, $0xb8;
	[tilespmem:$0x1C900] =	vst v63  }
0xc6: {  	_ =	swait.ge [sflag:s25], $0x4000  }
0xc7: {  	[sflag:s25] =	ssyncset.done $0x0  }
0xc8: {  	[sflag:s25] =	ssyncadd.s32 $0xFFFFC000  }
0xc9: {  	[spmem:s2] =	stream.indirect.scatter.add.f32 [tilespmem:s24], [sflag:$0x2], $0x80, s30, s22, $0xb8;
	[tilespmem:$0x1C900] =	vst v63  }
0xca: {  	_ =	swait.ge [sflag:s26], $0x4000  }
0xcb: {  	p1 =	por $0x0, $0x0;
	[sflag:s26] =	ssyncset.done $0x0  }
0xcc: {  	s8 =	simm.s32 @!p1 $0x3;
	[sflag:s26] =	ssyncadd.s32 $0xFFFFC000  }
0xcd: {  	_ =	swait.ge @!p1 [sflag:s8], $0x400  }
0xce: {  	[sflag:s8] =	ssyncset.done @!p1 $0x0  }
0xcf: {  	[sflag:s8] =	ssyncadd.s32 @!p1 $0xFFFFFC00  }
0xd0: {  	_ =	swait.ge @!p1 [sflag:s8], $0x400  }
0xd1: {  	s9 =	simm.s32 @!p1 $0x1000;
	[sflag:s8] =	ssyncset.done @!p1 $0x0  }
0xd2: {  	s10 =	simm.s32 @!p1 $0x0;
	[sflag:s8] =	ssyncadd.s32 @!p1 $0xFFFFFC00;
	s8 =	simm.s32 @!p1 $0x80  }
0xd3: {  	[tilespmem:s9], [sflag:$0x1] =	stream.indirect.gather @!p1 [hbm4b:s4+s8], $0x80, s10, s8, $0xb8;
	[tilespmem:$0x1C900] =	vst v63  }
0xd4: {  	_ =	swait.ge [sflag:s26], $0x4000  }
0xd5: {  	s12 =	smin.u32 s3, $0x6;
	s11 =	rddreg [dreg:$0x4]  }
0xd6: {  	s8 =	sadd.s32 s12, s11  }
0xd7: {  	[sflag:s26] =	ssyncset.done $0x0;
	s9 =	sshll.u32 s8, $0x7  }
0xd8: {  	[sflag:s26] =	ssyncadd.s32 $0xFFFFC000;
	s8 =	sadd.s32 s5, s9  }
0xd9: {  	[tilespmem:s19], [sflag:$0x3] =	stream.linear.gather [hbm4b:s8+s3], $0x400, $0x38;
	[tilespmem:$0x1C900] =	vst v63  }
0xda: {  	s9 =	sadd.s32 s6, s9;
	s8 =	simm.s32 $0x2  }
.LBB2_2:
0xdb: {  	[tilespmem:s20], [sflag:$0x3] =	stream.linear.gather [hbm4b:s9+s3], $0x400, $0x38;
	[tilespmem:$0x1C900] =	vst v63  }
0xdc: {  	_ = 	snop  }
0xdd: {  	[tilespmem:s24], [sflag:$0x1] =	stream.indirect.gather [hbm4b:s4+s22], $0x80, s22, s22, $0xb8;
	[tilespmem:$0x1C900] =	vst v63  }
0xde: {  	_ =	swait.ge [sflag:s25], $0x4000  }
0xdf: {  	[sflag:s25] =	ssyncset.done $0x0  }
0xe0: {  	[sflag:s25] =	ssyncadd.s32 $0xFFFFC000  }
0xe1: {  	[spmem:s2] =	stream.indirect.scatter.add.f32 [tilespmem:s23], [sflag:$0x2], $0x80, s18, s22, $0xb8;
	[tilespmem:$0x1C900] =	vst v63  }
0xe2: {  	_ =	swait.ge [sflag:s26], $0x4000  }
0xe3: {  	[sflag:s26] =	ssyncset.done $0x0  }
0xe4: {  	s10 =	rddreg [dreg:$0x5];
	[sflag:s26] =	ssyncadd.s32 $0xFFFFC000  }
0xe5: {  	[tilespmem:s23], [sflag:$0x1] =	stream.indirect.gather [hbm4b:s4+s22], $0x80, s10, s22, $0xb8;
	[tilespmem:$0x1C900] =	vst v63  }
0xe6: {  	_ =	swait.ge [sflag:s25], $0x4000  }
0xe7: {  	[sflag:s25] =	ssyncset.done $0x0  }
0xe8: {  	s12 =	rddreg [dreg:$0x6];
	[sflag:s25] =	ssyncadd.s32 $0xFFFFC000  }
0xe9: {  	[spmem:s2] =	stream.indirect.scatter.add.f32 [tilespmem:s24], [sflag:$0x2], $0x80, s12, s22, $0xb8;
	[tilespmem:$0x1C900] =	vst v63  }
0xea: {  	_ =	swait.ge [sflag:s26], $0x4000  }
0xeb: {  	[sflag:s26] =	ssyncset.done $0x0  }
0xec: {  	s11 =	rddreg [dreg:$0x7];
	[sflag:s26] =	ssyncadd.s32 $0xFFFFC000  }
0xed: {  	[tilespmem:s24], [sflag:$0x1] =	stream.indirect.gather [hbm4b:s4+s22], $0x80, s11, s22, $0xb8;
	[tilespmem:$0x1C900] =	vst v63  }
0xee: {  	_ =	swait.ge [sflag:s25], $0x4000  }
0xef: {  	[sflag:s25] =	ssyncset.done $0x0  }
0xf0: {  	s12 =	rddreg [dreg:$0x8];
	[sflag:s25] =	ssyncadd.s32 $0xFFFFC000  }
0xf1: {  	[spmem:s2] =	stream.indirect.scatter.add.f32 [tilespmem:s23], [sflag:$0x2], $0x80, s12, s22, $0xb8;
	[tilespmem:$0x1C900] =	vst v63  }
0xf2: {  	_ =	swait.ge [sflag:s26], $0x4000  }
0xf3: {  	[sflag:s26] =	ssyncset.done $0x0  }
0xf4: {  	s11 =	rddreg [dreg:$0x9];
	[sflag:s26] =	ssyncadd.s32 $0xFFFFC000  }
0xf5: {  	[tilespmem:s23], [sflag:$0x1] =	stream.indirect.gather [hbm4b:s4+s22], $0x80, s11, s22, $0xb8;
	[tilespmem:$0x1C900] =	vst v63  }
0xf6: {  	_ =	swait.ge [sflag:s25], $0x4000  }
0xf7: {  	[sflag:s25] =	ssyncset.done $0x0  }
0xf8: {  	s12 =	rddreg [dreg:$0xa];
	[sflag:s25] =	ssyncadd.s32 $0xFFFFC000  }
0xf9: {  	[spmem:s2] =	stream.indirect.scatter.add.f32 [tilespmem:s24], [sflag:$0x2], $0x80, s12, s22, $0xb8;
	[tilespmem:$0x1C900] =	vst v63  }
0xfa: {  	_ =	swait.ge [sflag:s26], $0x4000  }
0xfb: {  	[sflag:s26] =	ssyncset.done $0x0  }
0xfc: {  	s11 =	rddreg [dreg:$0xb];
	[sflag:s26] =	ssyncadd.s32 $0xFFFFC000  }
0xfd: {  	[tilespmem:s24], [sflag:$0x1] =	stream.indirect.gather [hbm4b:s4+s22], $0x80, s11, s22, $0xb8;
	[tilespmem:$0x1C900] =	vst v63  }
0xfe: {  	_ =	swait.ge [sflag:s25], $0x4000  }
0xff: {  	[sflag:s25] =	ssyncset.done $0x0  }
0x100: {  	s12 =	rddreg [dreg:$0xc];
	[sflag:s25] =	ssyncadd.s32 $0xFFFFC000  }
0x101: {  	[spmem:s2] =	stream.indirect.scatter.add.f32 [tilespmem:s23], [sflag:$0x2], $0x80, s12, s22, $0xb8;
	[tilespmem:$0x1C900] =	vst v63  }
0x102: {  	_ =	swait.ge [sflag:s26], $0x4000  }
0x103: {  	[sflag:s26] =	ssyncset.done $0x0  }
0x104: {  	s11 =	rddreg [dreg:$0xd];
	[sflag:s26] =	ssyncadd.s32 $0xFFFFC000  }
0x105: {  	[tilespmem:s23], [sflag:$0x1] =	stream.indirect.gather [hbm4b:s4+s22], $0x80, s11, s22, $0xb8;
	[tilespmem:$0x1C900] =	vst v63  }
0x106: {  	_ =	swait.ge [sflag:s25], $0x4000  }
0x107: {  	[sflag:s25] =	ssyncset.done $0x0  }
0x108: {  	s12 =	rddreg [dreg:$0xe];
	[sflag:s25] =	ssyncadd.s32 $0xFFFFC000  }
0x109: {  	[spmem:s2] =	stream.indirect.scatter.add.f32 [tilespmem:s24], [sflag:$0x2], $0x80, s12, s22, $0xb8;
	[tilespmem:$0x1C900] =	vst v63  }
0x10a: {  	_ =	swait.ge [sflag:s26], $0x4000  }
0x10b: {  	[sflag:s26] =	ssyncset.done $0x0  }
0x10c: {  	s11 =	rddreg [dreg:$0xf];
	[sflag:s26] =	ssyncadd.s32 $0xFFFFC000  }
0x10d: {  	[tilespmem:s24], [sflag:$0x1] =	stream.indirect.gather [hbm4b:s4+s22], $0x80, s11, s22, $0xb8;
	[tilespmem:$0x1C900] =	vst v63  }
0x10e: {  	_ =	swait.ge [sflag:s25], $0x4000  }
0x10f: {  	[sflag:s25] =	ssyncset.done $0x0  }
0x110: {  	s12 =	rddreg [dreg:$0x10];
	[sflag:s25] =	ssyncadd.s32 $0xFFFFC000  }
0x111: {  	[spmem:s2] =	stream.indirect.scatter.add.f32 [tilespmem:s23], [sflag:$0x2], $0x80, s12, s22, $0xb8;
	[tilespmem:$0x1C900] =	vst v63  }
0x112: {  	_ =	swait.ge [sflag:s25], $0x4000  }
0x113: {  	[sflag:s25] =	ssyncset.done $0x0  }
0x114: {  	s11 =	rddreg [dreg:$0x11];
	[sflag:s25] =	ssyncadd.s32 $0xFFFFC000  }
0x115: {  	[spmem:s2] =	stream.indirect.scatter.add.f32 [tilespmem:s24], [sflag:$0x2], $0x80, s11, s22, $0xb8;
	[tilespmem:$0x1C900] =	vst v63  }
0x116: {  	_ =	swait.ge [sflag:s26], $0x4000  }
0x117: {  	[sflag:s26] =	ssyncset.done $0x0  }
0x118: {  	[sflag:s26] =	ssyncadd.s32 $0xFFFFC000  }
0x119: {  	_ =	swait.ge [sflag:s21], $0x400  }
0x11a: {  	[sflag:s21] =	ssyncset.done $0x0  }
0x11b: {  	[sflag:s21] =	ssyncadd.s32 $0xFFFFFC00  }
0x11c: {  	_ =	swait.ge [sflag:s21], $0x400  }
0x11d: {  	[sflag:s21] =	ssyncset.done $0x0  }
0x11e: {  	[sflag:s21] =	ssyncadd.s32 $0xFFFFFC00  }
0x11f: {  	[tilespmem:s23], [sflag:$0x1] =	stream.indirect.gather [hbm4b:s4+s22], $0x80, s19, s22, $0xb8;
	[tilespmem:$0x1C900] =	vst v63  }
0x120: {  	s9 =	smov.u32 s8;
	_ =	swait.ge [sflag:s26], $0x4000  }
0x121: {  	s11 =	smin.u32 s9, $0x7;
	s12 =	rddreg [dreg:$0x3]  }
0x122: {  	s10 =	sadd.s32 s11, s12  }
0x123: {  	[sflag:s26] =	ssyncset.done $0x0;
	s10 =	sshll.u32 s10, $0x7  }
0x124: {  	[sflag:s26] =	ssyncadd.s32 $0xFFFFC000;
	s12 =	sadd.s32 s5, s10  }
0x125: {  	[tilespmem:s3], [sflag:$0x3] =	stream.linear.gather [hbm4b:s12+s3], $0x400, $0x38;
	[tilespmem:$0x1C900] =	vst v63  }
0x126: {  	s10 =	sadd.s32 s6, s10  }
0x127: {  	[tilespmem:s18], [sflag:$0x3] =	stream.linear.gather [hbm4b:s10+s3], $0x400, $0x38;
	[tilespmem:$0x1C900] =	vst v63  }
0x128: {  	s12 =	rddreg [dreg:$0x12]  }
0x129: {  	[tilespmem:s24], [sflag:$0x1] =	stream.indirect.gather [hbm4b:s4+s22], $0x80, s12, s22, $0xb8;
	[tilespmem:$0x1C900] =	vst v63  }
0x12a: {  	_ =	swait.ge [sflag:s25], $0x4000  }
0x12b: {  	[sflag:s25] =	ssyncset.done $0x0  }
0x12c: {  	[sflag:s25] =	ssyncadd.s32 $0xFFFFC000  }
0x12d: {  	[spmem:s2] =	stream.indirect.scatter.add.f32 [tilespmem:s23], [sflag:$0x2], $0x80, s20, s22, $0xb8;
	[tilespmem:$0x1C900] =	vst v63  }
0x12e: {  	_ =	swait.ge [sflag:s26], $0x4000  }
0x12f: {  	[sflag:s26] =	ssyncset.done $0x0  }
0x130: {  	s11 =	rddreg [dreg:$0x13];
	[sflag:s26] =	ssyncadd.s32 $0xFFFFC000  }
0x131: {  	[tilespmem:s23], [sflag:$0x1] =	stream.indirect.gather [hbm4b:s4+s22], $0x80, s11, s22, $0xb8;
	[tilespmem:$0x1C900] =	vst v63  }
0x132: {  	_ =	swait.ge [sflag:s25], $0x4000  }
0x133: {  	[sflag:s25] =	ssyncset.done $0x0  }
0x134: {  	s12 =	rddreg [dreg:$0x14];
	[sflag:s25] =	ssyncadd.s32 $0xFFFFC000  }
0x135: {  	[spmem:s2] =	stream.indirect.scatter.add.f32 [tilespmem:s24], [sflag:$0x2], $0x80, s12, s22, $0xb8;
	[tilespmem:$0x1C900] =	vst v63  }
0x136: {  	_ =	swait.ge [sflag:s26], $0x4000  }
0x137: {  	[sflag:s26] =	ssyncset.done $0x0  }
0x138: {  	s11 =	rddreg [dreg:$0x15];
	[sflag:s26] =	ssyncadd.s32 $0xFFFFC000  }
0x139: {  	[tilespmem:s24], [sflag:$0x1] =	stream.indirect.gather [hbm4b:s4+s22], $0x80, s11, s22, $0xb8;
	[tilespmem:$0x1C900] =	vst v63  }
0x13a: {  	_ =	swait.ge [sflag:s25], $0x4000  }
0x13b: {  	[sflag:s25] =	ssyncset.done $0x0  }
0x13c: {  	s12 =	rddreg [dreg:$0x16];
	[sflag:s25] =	ssyncadd.s32 $0xFFFFC000  }
0x13d: {  	[spmem:s2] =	stream.indirect.scatter.add.f32 [tilespmem:s23], [sflag:$0x2], $0x80, s12, s22, $0xb8;
	[tilespmem:$0x1C900] =	vst v63  }
0x13e: {  	_ =	swait.ge [sflag:s26], $0x4000  }
0x13f: {  	[sflag:s26] =	ssyncset.done $0x0  }
0x140: {  	s11 =	rddreg [dreg:$0x17];
	[sflag:s26] =	ssyncadd.s32 $0xFFFFC000  }
0x141: {  	[tilespmem:s23], [sflag:$0x1] =	stream.indirect.gather [hbm4b:s4+s22], $0x80, s11, s22, $0xb8;
	[tilespmem:$0x1C900] =	vst v63  }
0x142: {  	_ =	swait.ge [sflag:s25], $0x4000  }
0x143: {  	[sflag:s25] =	ssyncset.done $0x0  }
0x144: {  	s12 =	rddreg [dreg:$0x18];
	[sflag:s25] =	ssyncadd.s32 $0xFFFFC000  }
0x145: {  	[spmem:s2] =	stream.indirect.scatter.add.f32 [tilespmem:s24], [sflag:$0x2], $0x80, s12, s22, $0xb8;
	[tilespmem:$0x1C900] =	vst v63  }
0x146: {  	_ =	swait.ge [sflag:s26], $0x4000  }
0x147: {  	[sflag:s26] =	ssyncset.done $0x0  }
0x148: {  	s11 =	rddreg [dreg:$0x19];
	[sflag:s26] =	ssyncadd.s32 $0xFFFFC000  }
0x149: {  	[tilespmem:s24], [sflag:$0x1] =	stream.indirect.gather [hbm4b:s4+s22], $0x80, s11, s22, $0xb8;
	[tilespmem:$0x1C900] =	vst v63  }
0x14a: {  	_ =	swait.ge [sflag:s25], $0x4000  }
0x14b: {  	[sflag:s25] =	ssyncset.done $0x0  }
0x14c: {  	s12 =	rddreg [dreg:$0x1a];
	[sflag:s25] =	ssyncadd.s32 $0xFFFFC000  }
0x14d: {  	[spmem:s2] =	stream.indirect.scatter.add.f32 [tilespmem:s23], [sflag:$0x2], $0x80, s12, s22, $0xb8;
	[tilespmem:$0x1C900] =	vst v63  }
0x14e: {  	_ =	swait.ge [sflag:s26], $0x4000  }
0x14f: {  	[sflag:s26] =	ssyncset.done $0x0  }
0x150: {  	s11 =	rddreg [dreg:$0x1b];
	[sflag:s26] =	ssyncadd.s32 $0xFFFFC000  }
0x151: {  	[tilespmem:s23], [sflag:$0x1] =	stream.indirect.gather [hbm4b:s4+s22], $0x80, s11, s22, $0xb8;
	[tilespmem:$0x1C900] =	vst v63  }
0x152: {  	_ =	swait.ge [sflag:s25], $0x4000  }
0x153: {  	[sflag:s25] =	ssyncset.done $0x0  }
0x154: {  	s12 =	rddreg [dreg:$0x1c];
	[sflag:s25] =	ssyncadd.s32 $0xFFFFC000  }
0x155: {  	[spmem:s2] =	stream.indirect.scatter.add.f32 [tilespmem:s24], [sflag:$0x2], $0x80, s12, s22, $0xb8;
	[tilespmem:$0x1C900] =	vst v63  }
0x156: {  	_ =	swait.ge [sflag:s26], $0x4000  }
0x157: {  	[sflag:s26] =	ssyncset.done $0x0  }
0x158: {  	[sflag:s26] =	ssyncadd.s32 $0xFFFFC000  }
0x159: {  	[tilespmem:s24], [sflag:$0x1] =	stream.indirect.gather [hbm4b:s4+s22], $0x80, s28, s22, $0xb8;
	[tilespmem:$0x1C900] =	vst v63  }
0x15a: {  	_ =	swait.ge [sflag:s25], $0x4000  }
0x15b: {  	[sflag:s25] =	ssyncset.done $0x0  }
0x15c: {  	[sflag:s25] =	ssyncadd.s32 $0xFFFFC000  }
0x15d: {  	[spmem:s2] =	stream.indirect.scatter.add.f32 [tilespmem:s23], [sflag:$0x2], $0x80, s29, s22, $0xb8;
	[tilespmem:$0x1C900] =	vst v63  }
0x15e: {  	_ =	swait.ge [sflag:s25], $0x4000  }
0x15f: {  	[sflag:s25] =	ssyncset.done $0x0  }
0x160: {  	[sflag:s25] =	ssyncadd.s32 $0xFFFFC000  }
0x161: {  	[spmem:s2] =	stream.indirect.scatter.add.f32 [tilespmem:s24], [sflag:$0x2], $0x80, s30, s22, $0xb8;
	[tilespmem:$0x1C900] =	vst v63  }
0x162: {  	_ =	swait.ge [sflag:s26], $0x4000  }
0x163: {  	p2 =	seq.s32 s9, $0x8;
	[sflag:s26] =	ssyncset.done $0x0  }
0x164: {  	s10 =	simm.s32 @!p2 $0x3;
	[sflag:s26] =	ssyncadd.s32 $0xFFFFC000  }
0x165: {  	_ =	swait.ge @!p2 [sflag:s10], $0x400  }
0x166: {  	[sflag:s10] =	ssyncset.done @!p2 $0x0  }
0x167: {  	[sflag:s10] =	ssyncadd.s32 @!p2 $0xFFFFFC00  }
0x168: {  	_ =	swait.ge @!p2 [sflag:s10], $0x400  }
0x169: {  	s8 =	sadd.s32 $0x2, s8;
	s11 =	simm.s32 @!p2 $0x1000;
	[sflag:s10] =	ssyncset.done @!p2 $0x0  }
0x16a: {  	s12 =	simm.s32 @!p2 $0x0;
	[sflag:s10] =	ssyncadd.s32 @!p2 $0xFFFFFC00;
	s10 =	simm.s32 @!p2 $0x80  }
0x16b: {  	[tilespmem:s11], [sflag:$0x1] =	stream.indirect.gather @!p2 [hbm4b:s4+s10], $0x80, s12, s10, $0xb8;
	[tilespmem:$0x1C900] =	vst v63  }
0x16c: {  	p1 =	sne.s32 s8, $0xA;
	_ =	swait.ge [sflag:s26], $0x4000  }
.Ltmp0:
0x16d: {  	s9 =	smin.u32 s9, $0x6;
	s11 =	rddreg [dreg:$0x4];
	(pc) =	sbr.rel @p1 .LBB2_2-.Ltmp0, $4  }
0x16e: {  	s9 =	sadd.s32 s9, s11  }
0x16f: {  	[sflag:s26] =	ssyncset.done $0x0;
	s9 =	sshll.u32 s9, $0x7  }
0x170: {  	[sflag:s26] =	ssyncadd.s32 $0xFFFFC000;
	s12 =	sadd.s32 s5, s9;
	s9 =	sadd.s32 s6, s9  }
0x171: {  	[tilespmem:s19], [sflag:$0x3] =	stream.linear.gather [hbm4b:s12+s3], $0x400, $0x38;
	[tilespmem:$0x1C900] =	vst v63  }
0x172: {  	[tilespmem:s20], [sflag:$0x3] =	stream.linear.gather [hbm4b:s9+s3], $0x400, $0x38;
	[tilespmem:$0x1C900] =	vst v63  }
0x173: {  	_ =	swait.ge [sflag:s21], $0x400  }
0x174: {  	[sflag:s21] =	ssyncset.done $0x0  }
0x175: {  	[sflag:s21] =	ssyncadd.s32 $0xFFFFFC00  }
0x176: {  	_ =	swait.ge [sflag:s21], $0x400  }
0x177: {  	[sflag:s21] =	ssyncset.done $0x0  }
0x178: {  	[sflag:s21] =	ssyncadd.s32 $0xFFFFFC00  }
0x179: {  	_ =	swait.ge [sflag:s21], $0x400  }
0x17a: {  	[sflag:s21] =	ssyncset.done $0x0  }
0x17b: {  	[sflag:s21] =	ssyncadd.s32 $0xFFFFFC00  }
0x17c: {  	_ =	swait.ge [sflag:s21], $0x400  }
0x17d: {  	[sflag:s21] =	ssyncset.done $0x0  }
0x17e: {  	[sflag:s21] =	ssyncadd.s32 $0xFFFFFC00  }
0x17f: {  	s8 =	simm.s32 @p0 $0x1FC4;
	[bflag:$0x0] =	sbarrier.arrive $0xFFFF  }
0x180: {  	[hbm:s16], [sflag:s8] =	dma.local @p0 [spmem:s0], $0x2800  }
0x181: {  	s0 =	simm.s32 @p0 $0x4  }
0x182: {  	s31 =	sadd.s32 $0x1, s31;
	_ =	swait.ge @p0 [sflag:s0], $0x2800  }
0x183: {  	p1 =	sne.s32 s31, s17;
	[sflag:s0] =	ssyncset.done @p0 $0x0  }
.Ltmp1:
0x184: {  	[sflag:s0] =	ssyncadd.s32 @p0 $0xFFFFD800;
	s0 =	simm.s32 @!p0 $0x4;
	(pc) =	sbr.rel @p1 .LBB2_1-.Ltmp1, $4  }
0x185: {  	[hbm:s15], [sflag:s1] =	dma.local @!p0 [spmem:s7], $0x2700  }
0x186: {  	_ =	swait.ge @!p0 [sflag:s0], $0x2700  }
0x187: {  	[sflag:s0] =	ssyncset.done @!p0 $0x0  }
0x188: {  	[sflag:s0] =	ssyncadd.s32 @!p0 $0xFFFFD900  }
0x189: {  	_ =	sfence.sel $0x180000  }
0x18a: {  	[bflag:$0x0] =	sbarrier.arrive $0xFFFF  }
0x18b: {  	_ =	strace $0x90000050  }
0x18c: {  	s0 =	stileid.u32;
	[bflag:$0x2] =	sbarrier.arrive $0xFFFF  }
0x18d: {  	p0 =	sne.s32 s0, $0x0;
	s0 =	rddreg [dreg:$0x2]  }
0x18e: {  	s0 =	sadd.s32 @!p0 $0x100000, s0  }
0x18f: {  	[sflag:s0] =	ssyncadd.tile.s32 @!p0 $0x1;
	_ =	shalt  }
.Lfunc_end2:
_tile_overlayer_lowered:
.L_overlay_start_2:
0x190: {  	(tag) =	ssettag $0x2  }
0x191: {  	s0 =	rddreg [dreg:$0x0];
	s2 =	stileid.u32  }
0x192: {  	s1 =	rddreg [dreg:$0x1];
	p0 =	sne.s32 s2, $0x0  }
0x193: {  	s3 =	rddreg [dreg:$0x2];
	[bflag:$0x3] =	sbarrier.arrive $0xFFFF;
	s2 =	simm.s32 @!p0 $0x1C04  }
0x194: {  	[timem:s3], [sflag:s2] =	dma.local @!p0 [hbm:s0], s1  }
0x195: {  	s0 =	simm.s32 @!p0 $0x4  }
0x196: {  	_ =	swait.ge @!p0 [sflag:s0], s1  }
0x197: {  	s1 =	ssub.s32 @!p0 $0x0, s1;
	[sflag:s0] =	ssyncset.done @!p0 $0x0  }
0x198: {  	[sflag:s0] =	ssyncadd.s32 @!p0 s1  }
0x199: {  	[bflag:$0x3] =	sbarrier.arrive $0xFFFF  }
0x19a: {  	_ =	shalt  }

// kernel: kernel.9.cloned.1.call-start
scs
__scs_entry_jumppad:
0x0: {  	(pc) =	sbr.rel $0x88, $3  }
0x1: {  	(tag) =	ssettag $0x0;
	lr =	simm.s32 $0x1  }
0x2: {  	[smem:$0x3F70] =	sst lr;
	_ =	strace $0xD0000000  }
0x3: {  	_ = 	snop  }
0x4: {  	_ = 	snop  }
0x5: {  	_ = 	snop  }
0x6: {  	_ = 	snop  }
0x7: {  	_ = 	snop  }
__scs_overlays_trampoline_lowered:
0x8: {  	[smem:$0x3F7F] =	sst s0  }
0x9: {  	[smem:$0x3F80] =	sst s1  }
0xa: {  	[smem:$0x3F81] =	sst s2  }
0xb: {  	[smem:$0x3F82] =	sst s3  }
0xc: {  	[smem:$0x3F83] =	sst s4  }
0xd: {  	[smem:$0x3F84] =	sst s5  }
0xe: {  	[smem:$0x3F85] =	sst s6  }
0xf: {  	[smem:$0x3F86] =	sst s7  }
0x10: {  	[smem:$0x3F87] =	sst s8  }
0x11: {  	[smem:$0x3F88] =	sst s9;
	s0 =	simm.s32 @!p0 $0x0  }
0x12: {  	s1 =	sld [smem:$0x3F6E];
	s0 =	simm.s32 @p0 $0x1  }
0x13: {  	[smem:$0x3F89] =	sst s0;
	s0 =	simm.s32 @!p1 $0x0  }
0x14: {  	s2 =	sld [smem:$0x3F6D];
	s0 =	simm.s32 @p1 $0x1  }
0x15: {  	[smem:$0x3F8A] =	sst s0;
	s0 =	simm.s32 @!p2 $0x0  }
0x16: {  	s3 =	sld [smem:$0x3FDB];
	s0 =	simm.s32 @p2 $0x1  }
0x17: {  	s4 =	simm.s32 $0x1BF5;
	[smem:$0x3F8C] =	sst s0  }
0x18: {  	s0 =	sld [smem:$0x3F6F];
	_ =	swait.ge [sflag:s4], $0x0  }
0x19: {  	s7 =	sld [smem:$0x3F70]  }
0x1a: {  	s8 =	sadd.s32 $0xFFFFE003, lr  }
0x1b: {  	s9 =	sadd.s32 $0xFFFFFEF7, lr;
	s5 =	simm.s32 $0xFFFFFFFF;
	p2 =	slt.u32 s8, $0xFFFFF086  }
0x1c: {  	p1 =	slt.u32 s9, $0xF7A;
	s5 =	simm.s32 @!p2 $0x0  }
0x1d: {  	s5 =	simm.s32 @p1 $0x1;
	p0 =	seq.s32 s7, s2  }
0x1e: {  	s7 =	smul.u32 @!p0 $0xF7A, s2;
	p2 =	seq.s32 @!p0 s5, $0x0  }
0x1f: {  	s9 =	smul.u32 $0xF7A, s1;
	s8 =	simm.s32 @!p0 $0x1BF5;
	p2 =	por !p2, p0  }
0x20: {  	[sflag:s8] =	ssyncset.s32 @!p0 $0xFFFFF086;
	s6 =	sadd.s32 @!p0 s3, s7;
	s7 =	simm.s32 @!p0 $0x108  }
0x21: {  	s3 =	sadd.s32 s3, s9;
	s6 =	sadd.s32 @!p0 $0x88, s6;
	s7 =	simm.s32 @p2 $0x1082  }
0x22: {  	[simem:s7], [sflag:s8] =	dma.local @!p0 [hbm:s6], $0xF7A  }
0x23: {  	s9 =	sor.u32 $0xD0000000, s2;
	s6 =	simm.s32 $0x108;
	_ =	swait.ge @!p0 [sflag:s8], $0x0  }
0x24: {  	s3 =	sadd.s32 $0x88, s3;
	s6 =	simm.s32 @!p1 $0x1082;
	[sflag:s4] =	ssyncset.s32 $0xFFFFF086  }
0x25: {  	[simem:s6], [sflag:s4] =	dma.local [hbm:s3], $0xF7A  }
0x26: {  	[smem:$0x3F70] =	sst s1;
	(tag) =	ssettag s2;
	_ =	strace s9  }
0x27: {  	s1 =	sld [smem:$0x3F80]  }
0x28: {  	s2 =	sld [smem:$0x3F81]  }
0x29: {  	s4 =	sld [smem:$0x3F83]  }
0x2a: {  	p0 =	seq.s32 s5, $0x0;
	s5 =	sld [smem:$0x3F84]  }
0x2b: {  	s6 =	sld [smem:$0x3F85]  }
0x2c: {  	s7 =	sld [smem:$0x3F86]  }
0x2d: {  	s3 =	simm.s32 $0x108;
	s8 =	sld [smem:$0x3F87]  }
0x2e: {  	s3 =	simm.s32 @!p0 $0x1082;
	s9 =	sld [smem:$0x3F88]  }
0x2f: {  	lr =	sadd.s32 s0, s3;
	s0 =	sld [smem:$0x3F7F]  }
0x30: {  	s3 =	sld [smem:$0x3F82]  }
0x31: {  	[smem:$0x3F8B] =	sst s10  }
0x32: {  	s10 =	sld [smem:$0x3F89];
	_ =	sdelay $0x3  }
0x33: {  	p0 =	seq.s32 s10, $0x1;
	s10 =	sld [smem:$0x3F8B];
	_ =	sdelay $0x3  }
0x34: {  	[smem:$0x3F8B] =	sst s10  }
0x35: {  	s10 =	sld [smem:$0x3F8A];
	_ =	sdelay $0x3  }
0x36: {  	p1 =	seq.s32 s10, $0x1;
	s10 =	sld [smem:$0x3F8B];
	_ =	sdelay $0x3  }
0x37: {  	[smem:$0x3F8B] =	sst s10  }
0x38: {  	s10 =	sld [smem:$0x3F8C]  }
0x39: {  	_ = 	snop;
	(pc) =	sbr.ind lr, $3  }
0x3a: {  	_ = 	snop  }
0x3b: {  	_ = 	snop  }
0x3c: {  	p2 =	seq.s32 s10, $0x1;
	s10 =	sld [smem:$0x3F8B]  }
0x3d: {  	_ =	shalt  }
0x3e: {  	_ =	shalt  }
0x3f: {  	_ =	shalt  }
0x40: {  	_ =	shalt  }
0x41: {  	_ =	shalt  }
0x42: {  	_ =	shalt  }
0x43: {  	_ =	shalt  }
0x44: {  	_ =	shalt  }
0x45: {  	_ =	shalt  }
0x46: {  	_ =	shalt  }
0x47: {  	_ =	shalt  }
0x48: {  	_ =	shalt  }
0x49: {  	_ =	shalt  }
0x4a: {  	_ =	shalt  }
0x4b: {  	_ =	shalt  }
0x4c: {  	_ =	shalt  }
0x4d: {  	_ =	shalt  }
0x4e: {  	_ =	shalt  }
0x4f: {  	_ =	shalt  }
0x50: {  	_ =	shalt  }
0x51: {  	_ =	shalt  }
0x52: {  	_ =	shalt  }
0x53: {  	_ =	shalt  }
0x54: {  	_ =	shalt  }
0x55: {  	_ =	shalt  }
0x56: {  	_ =	shalt  }
0x57: {  	_ =	shalt  }
0x58: {  	_ =	shalt  }
0x59: {  	_ =	shalt  }
0x5a: {  	_ =	shalt  }
0x5b: {  	_ =	shalt  }
0x5c: {  	_ =	shalt  }
0x5d: {  	_ =	shalt  }
0x5e: {  	_ =	shalt  }
0x5f: {  	_ =	shalt  }
0x60: {  	_ =	shalt  }
0x61: {  	_ =	shalt  }
0x62: {  	_ =	shalt  }
0x63: {  	_ =	shalt  }
0x64: {  	_ =	shalt  }
0x65: {  	_ =	shalt  }
0x66: {  	_ =	shalt  }
0x67: {  	_ =	shalt  }
0x68: {  	_ =	shalt  }
0x69: {  	_ =	shalt  }
0x6a: {  	_ =	shalt  }
0x6b: {  	_ =	shalt  }
0x6c: {  	_ =	shalt  }
0x6d: {  	_ =	shalt  }
0x6e: {  	_ =	shalt  }
0x6f: {  	_ =	shalt  }
0x70: {  	_ =	shalt  }
0x71: {  	_ =	shalt  }
0x72: {  	_ =	shalt  }
0x73: {  	_ =	shalt  }
0x74: {  	_ =	shalt  }
0x75: {  	_ =	shalt  }
0x76: {  	_ =	shalt  }
0x77: {  	_ =	shalt  }
0x78: {  	_ =	shalt  }
0x79: {  	_ =	shalt  }
0x7a: {  	_ =	shalt  }
0x7b: {  	_ =	shalt  }
0x7c: {  	_ =	shalt  }
0x7d: {  	_ =	shalt  }
0x7e: {  	_ =	shalt  }
0x7f: {  	_ =	shalt  }
0x80: {  	_ =	shalt  }
0x81: {  	_ =	shalt  }
0x82: {  	_ =	shalt  }
0x83: {  	_ =	shalt  }
0x84: {  	_ =	shalt  }
0x85: {  	_ =	shalt  }
0x86: {  	_ =	shalt  }
0x87: {  	_ =	shalt  }
.Lfunc_end0:
.L_simem_size_0:
called_computation_lowered:
.L_overlay_start_0:
0x88: {  	s2 =	sld [smem:$0x3FD9]  }
0x89: {  	s3 =	sld [smem:$0x3FFE];
	_ =	sdelay $0x1  }
0x8a: {  	s1 =	srdreg.scid  }
0x8b: {  	s0 =	sand.u32 $0x1, s1  }
0x8c: {  	s14 =	sshll.u32 s0, $0xA;
	s2 =	sadd.s32 s3, s2  }
0x8d: {  	s2 =	sadd.s32 s2, s14  }
0x8e: {  	[smem:$0x3F97] =	sst s2  }
0x8f: {  	_ = 	snop  }
0x90: {  	s2 =	sld [smem:$0x3FD0];
	_ =	sdelay $0x2  }
0x91: {  	s4 =	simm.s32 $0xA;
	s5 =	simm.s32 $0x10;
	s15 =	sld [smem:$0x3FC7]  }
0x92: {  	[smem:s5], [sflag:s4] =	dma.local [hbm:s2], $0x1  }
0x93: {  	_ =	swait.eq [sflag:s4], $0x1  }
0x94: {  	[sflag:s4] =	ssyncset.done $0x0  }
0x95: {  	[sflag:s4] =	ssyncadd.s32 $0xFFFFFFFF  }
0x96: {  	s16 =	sld [smem:$0x15];
	(tm) =	ssettm $0x1  }
0x97: {  	s17 =	sld [smem:$0x3FFB];
	_ =	sdelay $0x3  }
0x98: {  	_ =	strace s17  }
0x99: {  	s4 =	sld [smem:$0x3FFC];
	_ =	sdelay $0x3  }
0x9a: {  	_ =	strace s4  }
0x9b: {  	s4 =	sld [smem:$0x3FFD];
	_ =	sdelay $0x3  }
0x9c: {  	_ =	strace s4  }
0x9d: {  	_ =	strace $0x8FFFFFFF  }
0x9e: {  	s18 =	sld [smem:$0x3FDB];
	_ =	sdelay $0x1  }
0x9f: {  	s19 =	simm.s32 $_scs_section_size  }
0xa0: {  	s6 =	simm.s32 $_size__tile_overlayer_lowered;
	s7 =	simm.s32 $_tile_overlayer_lowered  }
0xa1: {  	s22 =	simm.s32 $0x1BFF;
	s21 =	sshll.u32 s7, $0x1;
	s4 =	sadd.s32 s19, s18  }
0xa2: {  	s8 =	simm.s32 $0x0;
	s20 =	sshll.u32 s6, $0x1;
	s6 =	sadd.s32 s21, s4  }
0xa3: {  	[timem:s8], [sflag:s22] =	dma.local [hbm:s6], s20  }
0xa4: {  	_ =	swait.ge [sflag:s22], s20  }
0xa5: {  	s5 =	ssub.s32 $0x0, s20;
	[sflag:s22] =	ssyncset.done $0x0  }
0xa6: {  	[sflag:s22] =	ssyncadd.s32 s5;
	_ =	sdelay $0x1  }
0xa7: {  	s23 =	simm.s32 $0x1B8B  }
0xa8: {  	_ =	swait.ge [sflag:s23], $0x1  }
0xa9: {  	[sflag:s23] =	ssyncset.done $0x0  }
0xaa: {  	s25 =	simm.s32 $0x1B8E;
	s24 =	sld [smem:$0x3FFE];
	[sflag:s23] =	ssyncadd.s32 $0xFFFFFFFF  }
0xab: {  	s26 =	simm.s32 $execute0_lowered;
	[smem:$0x3FD2] =	sst s25  }
0xac: {  	s6 =	sshll.u32 s26, $0x1;
	_ =	strace $0x80000046;
	[dreg:$0x1] =	wrdreg $0xFFFFFFFF  }
0xad: {  	s28 =	simm.s32 $_size_execute0_lowered;
	s4 =	sadd.s32 s4, s6;
	[dreg:$0x0] =	wrdreg $0x0  }
0xae: {  	s6 =	sshll.u32 s28, $0x1;
	[dreg:$0x2] =	wrdreg s4  }
0xaf: {  	[dreg:$0x3] =	wrdreg s6  }
0xb0: {  	[dreg:$0x4] =	wrdreg $0xC0  }
0xb1: {  	_ =	task [dreg:s8], $0x5FFFF  }
0xb2: {  	[dreg:$0x1] =	wrdreg $0xFFFFFFFF  }
0xb3: {  	[dreg:$0x0] =	wrdreg $0x60  }
0xb4: {  	[dreg:$0x2] =	wrdreg s15  }
0xb5: {  	[dreg:$0x3] =	wrdreg s16  }
0xb6: {  	[dreg:$0x4] =	wrdreg s24  }
0xb7: {  	[dreg:$0x5] =	wrdreg $0x9  }
0xb8: {  	_ =	task.clear_ibuf [dreg:s8], $0x6FFFF;
	_ =	strace $0x90000046  }
0xb9: {  	s29 =	simm.s32 $0x9;
	_ =	strace $0x80000048  }
0xba: {  	_ =	swait.ge [sflag:s29], $0x1  }
0xbb: {  	[sflag:s29] =	ssyncadd.s32 $0xFFFFFFFF  }
0xbc: {  	_ =	strace $0x90000048  }
0xbd: {  	_ =	sfence  }
0xbe: {  	s30 =	sld [smem:$0x0];
	_ =	sdelay $0x2  }
0xbf: {  	s31 =	sshll.u32 s1, $0xD;
	s1 =	sshrl.u32 s1, $0x2  }
0xc0: {  	s3 =	sand.u32 $0x4000, s31;
	s1 =	sadd.s32 s1, s30  }
0xc1: {  	s0 =	sor.u32 s3, s0;
	s1 =	sshll.u32 s1, $0x11  }
0xc2: {  	s0 =	sor.u32 s1, s0  }
0xc3: {  	s0 =	sadd.s32 $0x8F2B, s0  }
0xc4: {  	[sflag:s0] =	ssyncadd.remote.s32 $0x1  }
0xc5: {  	_ =	sfence.sel $0xFFFF  }
0xc6: {  	[dreg:$0x0] =	wrdreg $0xFFFFFFFF;
	(pc) =	sbr.abs _section_cstart, $3  }
0xc7: {  	[dreg:$0x1] =	wrdreg $0xFFFFFFFF  }
0xc8: {  	_ =	task.clear_ibuf [dreg:s8], $0x2FFFF;
	_ =	strace $0x9FFFFFFF  }
0xc9: {  	(tm) =	ssettm $0x7FFFFFFF  }
tec
execute0_lowered:
.L_overlay_start_1:
0x0: {  	(tag) =	ssettag $0x1  }
0x1: {  	s1 =	stileid.u32  }
0x2: {  	p0 =	sgt.u32 s1, $0x9  }
.Ltmp0:
0x3: {  	s2 =	rddreg [dreg:$0x0];
	(pc) =	sbr.rel @p0 .LBB2_4-.Ltmp0, $4  }
0x4: {  	s4 =	rddreg [dreg:$0x1]  }
0x5: {  	s16 =	rddreg [dreg:$0x2];
	s3 =	simm.s32 $0x0  }
0x6: {  	[smem:$0x7FF] =	sst s3  }
0x7: {  	s0 =	rddreg [dreg:$0x3];
	_ =	strace $0x80000047  }
0x8: {  	s5 =	srdreg.scid  }
0x9: {  	s17 =	sand.u32 $0x1, s5  }
0xa: {  	s5 =	sor.u32 s17, s1  }
0xb: {  	p1 =	seq.s32 s17, $0x1;
	p0 =	seq.s32 s5, $0x0  }
0xc: {  	p0 =	por !p0, !p1  }
0xd: {  	s5 =	simm.s32 $0x1;
	p0 =	por !p0, !p0  }
0xe: {  	s5 =	simm.s32 @!p0 $0x0  }
0xf: {  	s18 =	ssub.s32 s1, s5  }
0x10: {  	s5 =	sshll.u32 s18, $0x7  }
0x11: {  	s5 =	sand.u32 $0x1FFFFF80, s5  }
0x12: {  	s5 =	sadd.s32 s4, s5;
	s4 =	simm.s32 $0x2  }
0x13: {  	[tilespmem:s3], [sflag:$0x2] =	stream.linear.gather [hbm4b:s5+s3], $0x400, $0x38;
	[tilespmem:$0x10400] =	vst v63  }
0x14: {  	_ =	swait.ge [sflag:s4], $0x400  }
0x15: {  	s7 =	simm.s32 $0x80;
	[sflag:s4] =	ssyncset.done $0x0  }
0x16: {  	s8 =	simm.s32 $0x400;
	s6 =	sshll.u32 s17, $0x9;
	[sflag:s4] =	ssyncadd.s32 $0xFFFFFC00  }
0x17: {  	[tilespmem:s8], [sflag:$0x1] =	stream.indirect.gather [hbm4b:s2+s7], $0x80, s6, s7, $0xb8;
	[tilespmem:$0x10400] =	vst v63  }
0x18: {  	s10 =	simm.s32 $0x4400;
	s9 =	sor.u32 $0x80, s6  }
0x19: {  	[tilespmem:s10], [sflag:$0x1] =	stream.indirect.gather [hbm4b:s2+s7], $0x80, s9, s7, $0xb8;
	[tilespmem:$0x10400] =	vst v63  }
0x1a: {  	s12 =	simm.s32 $0x8400;
	s11 =	sor.u32 $0x100, s6  }
0x1b: {  	[tilespmem:s12], [sflag:$0x1] =	stream.indirect.gather [hbm4b:s2+s7], $0x80, s11, s7, $0xb8;
	[tilespmem:$0x10400] =	vst v63  }
0x1c: {  	s13 =	simm.s32 $0x1;
	s15 =	simm.s32 $0xC400;
	s14 =	sor.u32 $0x180, s6  }
0x1d: {  	[tilespmem:s15], [sflag:$0x1] =	stream.indirect.gather [hbm4b:s2+s7], $0x80, s14, s7, $0xb8;
	[tilespmem:$0x10400] =	vst v63  }
0x1e: {  	_ =	swait.ge [sflag:s13], $0x4000  }
0x1f: {  	[sflag:s13] =	ssyncset.done $0x0  }
0x20: {  	[sflag:s13] =	ssyncadd.s32 $0xFFFFC000  }
0x21: {  	_ =	swait.ge [sflag:s13], $0x4000  }
0x22: {  	[sflag:s13] =	ssyncset.done $0x0  }
0x23: {  	s19 =	sshll.u32 s17, $0x10;
	s17 =	ssub.s32 $0x2, s17;
	[sflag:s13] =	ssyncadd.s32 $0xFFFFC000  }
0x24: {  	s31 =	sshrl.u32 s17, $0x1;
	_ =	swait.ge [sflag:s13], $0x4000  }
0x25: {  	s17 =	ssub.s32 s17, s31;
	s18 =	sshll.u32 s18, $0x11;
	[sflag:s13] =	ssyncset.done $0x0  }
0x26: {  	s17 =	smax.u32 s17, $0x1;
	s18 =	sor.u32 s19, s18;
	[sflag:s13] =	ssyncadd.s32 $0xFFFFC000  }
0x27: {  	p0 =	sne.s32 s17, $0x1;
	s18 =	sshrl.u32 s18, $0x3;
	_ =	swait.ge [sflag:s13], $0x4000  }
.Ltmp1:
0x28: {  	s16 =	sadd.s32 s18, s16;
	[sflag:s13] =	ssyncset.done $0x0;
	(pc) =	sbr.rel @!p0 .LBB2_3-.Ltmp1, $4  }
0x29: {  	s16 =	sadd.s32 $0x9400, s16;
	[sflag:s13] =	ssyncadd.s32 $0xFFFFC000  }
0x2a: {  	[hbm4b:s16+s3] =	stream.linear.scatter [tilespmem:s8], [sflag:$0x2], $0x10000, $0x38;
	[tilespmem:$0x10400] =	vst v63  }
0x2b: {  	_ =	swait.ge [sflag:s4], $0x10000  }
0x2c: {  	s17 =	sadd.s32 $0xFFFFFFFF, s17;
	[sflag:s4] =	ssyncset.done $0x0  }
.LBB2_2:
0x2d: {  	p0 =	sne.s32 s17, $0x1;
	s17 =	sadd.s32 $0xFFFFFFFF, s17;
	[sflag:s4] =	ssyncadd.s32 $0xFFFF0000  }
0x2e: {  	[tilespmem:s3], [sflag:$0x2] =	stream.linear.gather [hbm4b:s5+s3], $0x400, $0x38;
	[tilespmem:$0x10400] =	vst v63  }
0x2f: {  	_ =	swait.ge [sflag:s4], $0x400  }
0x30: {  	[sflag:s4] =	ssyncset.done $0x0  }
0x31: {  	[sflag:s4] =	ssyncadd.s32 $0xFFFFFC00  }
0x32: {  	[tilespmem:s8], [sflag:$0x1] =	stream.indirect.gather [hbm4b:s2+s7], $0x80, s6, s7, $0xb8;
	[tilespmem:$0x10400] =	vst v63  }
0x33: {  	_ = 	snop  }
0x34: {  	[tilespmem:s10], [sflag:$0x1] =	stream.indirect.gather [hbm4b:s2+s7], $0x80, s9, s7, $0xb8;
	[tilespmem:$0x10400] =	vst v63  }
0x35: {  	_ = 	snop  }
0x36: {  	[tilespmem:s12], [sflag:$0x1] =	stream.indirect.gather [hbm4b:s2+s7], $0x80, s11, s7, $0xb8;
	[tilespmem:$0x10400] =	vst v63  }
0x37: {  	_ = 	snop  }
0x38: {  	[tilespmem:s15], [sflag:$0x1] =	stream.indirect.gather [hbm4b:s2+s7], $0x80, s14, s7, $0xb8;
	[tilespmem:$0x10400] =	vst v63  }
0x39: {  	_ =	swait.ge [sflag:s13], $0x4000  }
0x3a: {  	[sflag:s13] =	ssyncset.done $0x0  }
0x3b: {  	[sflag:s13] =	ssyncadd.s32 $0xFFFFC000  }
0x3c: {  	_ =	swait.ge [sflag:s13], $0x4000  }
0x3d: {  	[sflag:s13] =	ssyncset.done $0x0  }
0x3e: {  	[sflag:s13] =	ssyncadd.s32 $0xFFFFC000  }
0x3f: {  	_ =	swait.ge [sflag:s13], $0x4000  }
0x40: {  	[sflag:s13] =	ssyncset.done $0x0  }
0x41: {  	[sflag:s13] =	ssyncadd.s32 $0xFFFFC000  }
0x42: {  	_ =	swait.ge [sflag:s13], $0x4000  }
.Ltmp2:
0x43: {  	[sflag:s13] =	ssyncset.done $0x0;
	(pc) =	sbr.rel @p0 .LBB2_2-.Ltmp2, $4  }
0x44: {  	[sflag:s13] =	ssyncadd.s32 $0xFFFFC000  }
0x45: {  	[hbm4b:s16+s3] =	stream.linear.scatter [tilespmem:s8], [sflag:$0x2], $0x10000, $0x38;
	[tilespmem:$0x10400] =	vst v63  }
0x46: {  	_ =	swait.ge [sflag:s4], $0x10000  }
0x47: {  	[sflag:s4] =	ssyncset.done $0x0  }
.LBB2_3:
0x48: {  	[sflag:s4] =	ssyncadd.s32 $0xFFFF0000  }
.LBB2_4:
0x49: {  	_ =	sfence.sel $0x180000  }
0x4a: {  	[bflag:$0x0] =	sbarrier.arrive $0xFFFF  }
0x4b: {  	p0 =	sne.s32 s1, $0x0;
	_ =	strace $0x90000047  }
0x4c: {  	s0 =	sadd.s32 @!p0 $0x100000, s0;
	[bflag:$0x2] =	sbarrier.arrive $0xFFFF  }
0x4d: {  	[sflag:s0] =	ssyncadd.tile.s32 @!p0 $0x1;
	_ =	shalt  }
.Lfunc_end2:
_tile_overlayer_lowered:
.L_overlay_start_2:
0x4e: {  	(tag) =	ssettag $0x2  }
0x4f: {  	s0 =	rddreg [dreg:$0x0];
	s2 =	stileid.u32  }
0x50: {  	s1 =	rddreg [dreg:$0x1];
	p0 =	sne.s32 s2, $0x0  }
0x51: {  	s3 =	rddreg [dreg:$0x2];
	[bflag:$0x3] =	sbarrier.arrive $0xFFFF;
	s2 =	simm.s32 @!p0 $0x1C02  }
0x52: {  	[timem:s3], [sflag:s2] =	dma.local @!p0 [hbm:s0], s1  }
0x53: {  	s0 =	simm.s32 @!p0 $0x2  }
0x54: {  	_ =	swait.ge @!p0 [sflag:s0], s1  }
0x55: {  	s1 =	ssub.s32 @!p0 $0x0, s1;
	[sflag:s0] =	ssyncset.done @!p0 $0x0  }
0x56: {  	[sflag:s0] =	ssyncadd.s32 @!p0 s1  }
0x57: {  	[bflag:$0x3] =	sbarrier.arrive $0xFFFF  }
0x58: {  	_ =	shalt  }

</sc_bundles>
